<compile_context>
chip_gen: v7x
topology: tpu7x:2x2x1
jax: 0.10.2.dev20260603
libtpu: 0.0.44.dev20260713+nightly
codegen_flags: <defaults>
</compile_context>

<pallas_src>
import functools

import jax
import jax.numpy as jnp
from jax import lax
from jax.experimental import pallas as pl
from jax.experimental.pallas import tpu as pltpu
from jax.experimental.pallas import tpu_sc as plsc

N = 10000
D = 128
NC = 2
NS = 16
NW = NC * NS
K = 32
CH = 320
EPW = CH * K
CHP = 640
EPT = CHP * K
EPAD = NW * EPW
NPAD = 10240
NH = NPAD // NC
YR = 10016
SRT = 640
ART = NH // NS
F32 = jnp.float32

_mesh = plsc.VectorSubcoreMesh(core_axis_name="c", subcore_axis_name="s")
_sc_params = pltpu.CompilerParams(needs_layout_passes=False)


def _copy_rows(src_at, dst_at, total, buf):
    nfull = total // K
    tail = total - nfull * K

    def body(i, _):
        pltpu.sync_copy(src_at(i * K, K), buf.at[pl.ds(0, K)])
        pltpu.sync_copy(buf.at[pl.ds(0, K)], dst_at(i * K, K))
        return 0
    lax.fori_loop(0, nfull, body, 0)
    if tail:
        pltpu.sync_copy(src_at(nfull * K, tail), buf.at[pl.ds(0, tail)])
        pltpu.sync_copy(buf.at[pl.ds(0, tail)], dst_at(nfull * K, tail))



@functools.partial(
    pl.kernel,
    out_type=[jax.ShapeDtypeStruct((NW, NPAD), F32),
              jax.ShapeDtypeStruct((NW, NPAD), F32)],
    mesh=_mesh,
    compiler_params=_sc_params,
    scratch_types=[pltpu.VMEM((EPW,), jnp.int32),
                   pltpu.VMEM((NPAD,), F32),
                   pltpu.VMEM((NPAD,), F32)],
)
def _sc_degrees(src_hbm, dst_hbm, dout_hbm, din_hbm, idxv, dov, div):
    cid = lax.axis_index("c")
    sid = lax.axis_index("s")
    wid = sid * NC + cid
    zeros = jnp.zeros((16,), F32)
    ones = jnp.ones((16,), F32)

    def zbody(i, _):
        dov[pl.ds(i * 16, 16)] = zeros
        div[pl.ds(i * 16, 16)] = zeros
        return 0
    lax.fori_loop(0, NPAD // 16, zbody, 0)

    pltpu.sync_copy(src_hbm.at[wid], idxv)

    def sbody(i, _):
        v = idxv[pl.ds(i * 16, 16)]
        plsc.addupdate_scatter(dov, [v], ones)
        return 0
    lax.fori_loop(0, EPW // 16, sbody, 0)

    pltpu.sync_copy(dst_hbm.at[wid], idxv)

    def dbody(i, _):
        v = idxv[pl.ds(i * 16, 16)]
        plsc.addupdate_scatter(div, [v], ones)
        return 0
    lax.fori_loop(0, EPW // 16, dbody, 0)

    pltpu.sync_copy(dov, dout_hbm.at[wid])
    pltpu.sync_copy(div, din_hbm.at[wid])


@functools.partial(
    pl.kernel,
    out_type=jax.ShapeDtypeStruct((NW, NPAD), F32),
    mesh=_mesh,
    compiler_params=_sc_params,
    scratch_types=[pltpu.VMEM((EPW,), jnp.int32),
                   pltpu.VMEM((EPW,), jnp.int32),
                   pltpu.VMEM((NPAD,), F32),
                   pltpu.VMEM((NPAD,), F32)],
)
def _sc_edge_weights(src_hbm, dst_hbm, nd_hbm, cpart_hbm, sidx, didx, ndv, cv):
    cid = lax.axis_index("c")
    sid = lax.axis_index("s")
    wid = sid * NC + cid
    zeros = jnp.zeros((16,), F32)

    def zbody(i, _):
        cv[pl.ds(i * 16, 16)] = zeros
        return 0
    lax.fori_loop(0, NPAD // 16, zbody, 0)

    pltpu.sync_copy(src_hbm.at[wid], sidx)
    pltpu.sync_copy(dst_hbm.at[wid], didx)
    pltpu.sync_copy(nd_hbm, ndv)

    def cbody(i, _):
        s16 = sidx[pl.ds(i * 16, 16)]
        d16 = didx[pl.ds(i * 16, 16)]
        nv = plsc.load_gather(ndv, [d16])
        plsc.addupdate_scatter(cv, [s16], nv)
        return 0
    lax.fori_loop(0, EPW // 16, cbody, 0)

    pltpu.sync_copy(cv, cpart_hbm.at[wid])


@functools.partial(
    pl.kernel,
    out_type=jax.ShapeDtypeStruct((NC, NH, D), F32),
    mesh=_mesh,
    compiler_params=_sc_params,
    scratch_types=[pltpu.VMEM((4, 2, K), jnp.int32),
                   pltpu.VMEM((4, K), jnp.int32),
                   pltpu.VMEM((K, D), F32),
                   pltpu.VMEM((K, D), F32),
                   pltpu.VMEM_SHARED((YR, D), F32),
                   pltpu.VMEM_SHARED((NH + 8, D), F32),
                   pltpu.SemaphoreType.DMA,
                   pltpu.SemaphoreType.DMA,
                   pltpu.SemaphoreType.DMA,
                   pltpu.SemaphoreType.DMA,
                   pltpu.SemaphoreType.DMA,
                   pltpu.SemaphoreType.DMA,
                   pltpu.SemaphoreType.DMA,
                   pltpu.SemaphoreType.DMA],
)
def _sc_propagate(yn_hbm, e3_hbm, tok_hbm, acc_hbm,
                  ibuf, dstloc, rows0, rows1, ynsp, acch,
                  isem0, isem1, isem2, isem3, gsem0, gsem1, ssem0, ssem1):
    del tok_hbm
    cid = lax.axis_index("c")
    sid = lax.axis_index("s")
    base = cid * NH

    @pl.when(sid < NS - 1)
    def _():
        _copy_rows(lambda r, n: yn_hbm.at[pl.ds(sid * SRT + r, n)],
                   lambda r, n: ynsp.at[pl.ds(sid * SRT + r, n)], SRT, rows0)

    @pl.when(sid == NS - 1)
    def _():
        _copy_rows(lambda r, n: yn_hbm.at[pl.ds((NS - 1) * SRT + r, n)],
                   lambda r, n: ynsp.at[pl.ds((NS - 1) * SRT + r, n)],
                   YR - (NS - 1) * SRT, rows0)

    _copy_rows(lambda r, n: yn_hbm.at[pl.ds(base + sid * ART + r, n)],
               lambda r, n: acch.at[pl.ds(sid * ART + r, n)], ART, rows0)

    plsc.subcore_barrier()

    isems = (isem0, isem1, isem2, isem3)
    gsems = (gsem0, gsem1)
    ssems = (ssem0, ssem1)
    rowbufs = (rows0, rows1)

    def fetch(j, slot):
        pltpu.async_copy(e3_hbm.at[sid, j], ibuf.at[slot], isems[slot])

    def wait_fetch(slot):
        pltpu.make_async_copy(e3_hbm.at[sid, 0], ibuf.at[slot],
                              isems[slot]).wait()

    def remap(slot):
        for v in range(K // 16):
            d16 = ibuf[slot, 1, pl.ds(v * 16, 16)]
            loc = d16 - base
            inb = (loc >= 0) & (loc < NH)
            dstloc[slot, pl.ds(v * 16, 16)] = jnp.where(inb, loc, NH)

    def gather(slot):
        return pltpu.async_copy(ynsp.at[ibuf.at[slot, 0]],
                                rowbufs[slot % 2], gsems[slot % 2])

    def scatter(slot):
        return pltpu.async_copy(rowbufs[slot % 2], acch.at[dstloc.at[slot]],
                                ssems[slot % 2], add=True)

    for s in range(4):
        fetch(s, s)

    def ebody(q, _):
        j = q * 4
        wait_fetch(0)
        remap(0)
        g0 = gather(0)
        wait_fetch(1)
        remap(1)
        g1 = gather(1)
        g0.wait()
        s0 = scatter(0)
        g1.wait()
        s1 = scatter(1)

        s0.wait()

        @pl.when(q < CHP // 4 - 1)
        def _():
            fetch(j + 4, 0)
        wait_fetch(2)
        remap(2)
        g2 = gather(2)
        s1.wait()

        @pl.when(q < CHP // 4 - 1)
        def _():
            fetch(j + 5, 1)
        wait_fetch(3)
        remap(3)
        g3 = gather(3)
        g2.wait()
        s2 = scatter(2)
        g3.wait()
        s3 = scatter(3)
        s2.wait()

        @pl.when(q < CHP // 4 - 1)
        def _():
            fetch(j + 6, 2)
        s3.wait()

        @pl.when(q < CHP // 4 - 1)
        def _():
            fetch(j + 7, 3)
        return 0
    lax.fori_loop(0, CHP // 4, ebody, 0)

    plsc.subcore_barrier()

    _copy_rows(lambda r, n: acch.at[pl.ds(sid * ART + r, n)],
               lambda r, n: acc_hbm.at[cid, pl.ds(sid * ART + r, n)],
               ART, rows0)



def _tc_norms_l1(dout_ref, din_ref, x_ref, w1_ref, ns_ref, nd_ref, yn_ref):
    deg_out = jnp.sum(dout_ref[...], axis=0) + 1.0
    deg_in = jnp.sum(din_ref[...], axis=0) + 1.0
    ns = lax.rsqrt(deg_out)
    nd = lax.rsqrt(deg_in)
    ns_ref[...] = ns
    nd_ref[...] = nd
    y = jnp.dot(x_ref[...], w1_ref[...], preferred_element_type=F32)
    yn_ref[...] = y * ns[:, None]


def _tc_mid(acc_ref, nd_ref, b1_ref, w2_ref, ns_ref, cp_ref,
            mask_ref, y2n_ref, w_ref):
    agg = jnp.concatenate([acc_ref[0], acc_ref[1]], axis=0)
    agg = agg * nd_ref[...][:, None]
    h1 = jnp.maximum(agg + b1_ref[...][None, :], 0.0)
    y2 = jnp.dot(h1, w2_ref[...], preferred_element_type=F32)
    y2n_ref[...] = y2 * ns_ref[...][:, None]
    cfull = jnp.sum(cp_ref[...], axis=0) + nd_ref[...]
    w_ref[...] = mask_ref[...] * ns_ref[...] * cfull * (1.0 / N)


def _tc_final(acc_ref, nd_ref, b2_ref, wvec_ref, w4_ref, b4_ref, out_ref):
    agg = jnp.concatenate([acc_ref[0], acc_ref[1]], axis=0)
    agg = agg * nd_ref[...][:, None]
    h2 = jnp.maximum(agg + b2_ref[...][None, :], 0.0)
    s = jnp.dot(wvec_ref[...][None, :], h2, preferred_element_type=F32)
    out_ref[...] = (jnp.dot(s, w4_ref[...], preferred_element_type=F32)
                    + b4_ref[...][None, :])



def kernel(x, edge_index, W1, b1, W2, b2, W4, b4):
    src = edge_index[0].astype(jnp.int32)
    dst = edge_index[1].astype(jnp.int32)
    pad = jnp.full((EPAD - src.shape[0],), N, jnp.int32)
    srcp = jnp.concatenate([src, pad])
    dstp = jnp.concatenate([dst, pad])
    e3 = jnp.stack([srcp.reshape(NS, CHP, K),
                    dstp.reshape(NS, CHP, K)], axis=2)
    src2 = srcp.reshape(NW, EPW)
    dst2 = dstp.reshape(NW, EPW)
    xpad = jnp.pad(x, ((0, NPAD - N), (0, 0)))
    mask = (jnp.arange(NPAD) < N).astype(F32)

    dout, din = _sc_degrees(src2, dst2)

    ns, nd, y1n = pl.pallas_call(
        _tc_norms_l1,
        out_shape=[jax.ShapeDtypeStruct((NPAD,), F32),
                   jax.ShapeDtypeStruct((NPAD,), F32),
                   jax.ShapeDtypeStruct((NPAD, D), F32)],
    )(dout, din, xpad, W1)

    cpart = _sc_edge_weights(src2, dst2, nd)
    acc1 = _sc_propagate(y1n, e3, cpart[:1, :8])

    y2n, wvec = pl.pallas_call(
        _tc_mid,
        out_shape=[jax.ShapeDtypeStruct((NPAD, D), F32),
                   jax.ShapeDtypeStruct((NPAD,), F32)],
    )(acc1, nd, b1, W2, ns, cpart, mask)

    acc2 = _sc_propagate(y2n, e3, y2n[:1, :8])

    out = pl.pallas_call(
        _tc_final,
        out_shape=jax.ShapeDtypeStruct((1, D), F32),
    )(acc2, nd, b2, wvec, W4, b4)

    return out.reshape(D)

# --- scband reference (transcript-rebuilt; emitter-appended) ---
"""Pipeline reference for scband-gcn-23330262352096 (READ-ONLY COPY).

The authoritative reference and input builder live on the scoring server;
editing this copy changes nothing except your own understanding.
"""

import jax, jax.numpy as jnp
import numpy as np

N = 10000
E = 320000
D_IN = 128
D_HID = 128
D_OUT = 128


def setup_inputs(seed: int = 0) -> dict:
    key = jax.random.key(seed)
    k_x, k_e, k1, k2, k4 = jax.random.split(key, 5)
    x = jax.random.normal(k_x, (N, D_IN), dtype=jnp.float32)
    edge_index = jax.random.randint(k_e, (2, E), 0, N, dtype=jnp.int64)
    s = 1.0 / np.sqrt(D_IN)
    W1 = jax.random.normal(k1, (D_IN, D_HID), dtype=jnp.float32) * s
    b1 = jnp.zeros((D_HID,), dtype=jnp.float32)
    W2 = jax.random.normal(k2, (D_HID, D_HID), dtype=jnp.float32) * s
    b2 = jnp.zeros((D_HID,), dtype=jnp.float32)
    W4 = jax.random.normal(k4, (D_HID, D_OUT), dtype=jnp.float32) * s
    b4 = jnp.zeros((D_OUT,), dtype=jnp.float32)
    return {"x": x, "edge_index": edge_index, "W1": W1, "b1": b1,
            "W2": W2, "b2": b2, "W4": W4, "b4": b4}


def _graph_conv(h, src, dst, norm_src, norm_dst, W, b):
    # DGL GraphConv with norm='both': D_dst^{-1/2} A D_src^{-1/2} H W + b
    h = h * norm_src[:, None]
    msg = jnp.take(h, src, axis=0)
    agg = jnp.zeros((N, h.shape[1]), dtype=h.dtype).at[dst].add(msg)
    agg = agg * norm_dst[:, None]
    return agg @ W + b


def reference(x, edge_index, W1, b1, W2, b2, W4, b4):
    # dgl.add_self_loop
    loop = jnp.arange(N, dtype=edge_index.dtype)
    src = jnp.concatenate([edge_index[0], loop])
    dst = jnp.concatenate([edge_index[1], loop])
    ones = jnp.ones(src.shape[0], dtype=jnp.float32)
    deg_out = jnp.zeros((N,), dtype=jnp.float32).at[src].add(ones)
    deg_in = jnp.zeros((N,), dtype=jnp.float32).at[dst].add(ones)
    norm_src = jnp.where(deg_out > 0, deg_out ** -0.5, 0.0)
    norm_dst = jnp.where(deg_in > 0, deg_in ** -0.5, 0.0)
    h = _graph_conv(x, src, dst, norm_src, norm_dst, W1, b1)
    h = jax.nn.relu(h)
    h = _graph_conv(h, src, dst, norm_src, norm_dst, W2, b2)
    h = jax.nn.relu(h)
    h = _graph_conv(h, src, dst, norm_src, norm_dst, W4, b4)
    # dgl.mean_nodes over the single graph, then squeeze
    hg = jnp.mean(h, axis=0)
    return jnp.squeeze(hg)

if __name__ == "__main__":
    import jax
    _d = setup_inputs()
    print(jax.jit(kernel)(*tuple(_d.values())))

</pallas_src>

<mosaic_0001>
#map = affine_map<(d0, d1) -> (0, 0)>
#map1 = affine_map<(d0, d1) -> (0, 0, 0, 0)>
#map2 = affine_map<(d0, d1) -> (0, 0, 0)>
module attributes {stable_mosaic.version = 14 : i64} {
  func.func @_sc_propagate(%arg0: i32, %arg1: i32, %arg2: memref<10240x128xf32, #tpu.memory_space<hbm>>, %arg3: memref<16x640x2x32xi32, #tpu.memory_space<hbm>>, %arg4: memref<1x8xf32, #tpu.memory_space<hbm>>, %arg5: memref<2x5120x128xf32, #tpu.memory_space<hbm>>, %arg6: memref<4x2x32xi32, #tpu.memory_space<vmem>>, %arg7: memref<4x32xi32, #tpu.memory_space<vmem>>, %arg8: memref<32x128xf32, #tpu.memory_space<vmem>>, %arg9: memref<32x128xf32, #tpu.memory_space<vmem>>, %arg10: memref<10016x128xf32, #tpu.memory_space<vmem_shared>>, %arg11: memref<5128x128xf32, #tpu.memory_space<vmem_shared>>, %arg12: memref<!tpu.dma_semaphore, #tpu.memory_space<semaphore_mem>>, %arg13: memref<!tpu.dma_semaphore, #tpu.memory_space<semaphore_mem>>, %arg14: memref<!tpu.dma_semaphore, #tpu.memory_space<semaphore_mem>>, %arg15: memref<!tpu.dma_semaphore, #tpu.memory_space<semaphore_mem>>, %arg16: memref<!tpu.dma_semaphore, #tpu.memory_space<semaphore_mem>>, %arg17: memref<!tpu.dma_semaphore, #tpu.memory_space<semaphore_mem>>, %arg18: memref<!tpu.dma_semaphore, #tpu.memory_space<semaphore_mem>>, %arg19: memref<!tpu.dma_semaphore, #tpu.memory_space<semaphore_mem>>) attributes {dimension_semantics = [#tpu.dimension_semantics<core_parallel>, #tpu.dimension_semantics<subcore_parallel>], iteration_bounds = array<i64: 2, 16>, scalar_prefetch = 0 : i64, scratch_operands = 14 : i64, tpu.core_type = #tpu.core_type<sc_vector_subcore>, window_params = [{transform_indices = #map}, {transform_indices = #map1}, {transform_indices = #map}, {transform_indices = #map2}]} {
    %mul3A = arith.constant 5120 : i32
    %mul3A_0 = arith.muli %arg0, %mul3A : i32
    %lt3A = arith.constant 15 : i32
    %lt3A_1 = arith.cmpi slt, %arg1, %lt3A : i32
    %convert_element_type3A = arith.extui %lt3A_1 : i1 to i32
    %cond3A = arith.constant 0 : i32
    %cond3A_2 = arith.cmpi ne, %convert_element_type3A, %cond3A : i32
    scf.if %cond3A_2 {
      %scan3A_99 = arith.constant 0 : i32
      %scan3A_100 = arith.constant 0 : i32
      %scan3A_101 = arith.constant 20 : i32
      %scan3A_102 = arith.addi %scan3A_100, %scan3A_101 : i32
      %scan3A_103 = arith.constant 1 : i32
      %scan3A_104 = scf.for %scan3A_106 = %scan3A_100 to %scan3A_102 step %scan3A_103 iter_args(%scan3A_107 = %scan3A_99) -> (i32)  : i32 {
        %mul3A_108 = arith.constant 32 : i32
        %mul3A_109 = arith.muli %scan3A_106, %mul3A_108 : i32
        %mul3A_110 = arith.constant 640 : i32
        %mul3A_111 = arith.muli %arg1, %mul3A_110 : i32
        %add3A = arith.addi %mul3A_111, %mul3A_109 : i32
        "tpu.region"() ({
          %run_scoped3A = tpu.sem_alloc : memref<!tpu.dma_semaphore, #tpu.memory_space<semaphore_mem>>
          %dma_start3A_118 = arith.constant 0 : i32
          %dma_start3A_119 = arith.constant 0 : i32
          %dma_start3A_120 = tpu.memref_slice %arg8[%dma_start3A_118, %dma_start3A_119] : memref<32x128xf32, #tpu.memory_space<vmem>> -> memref<32x128xf32, #tpu.memory_space<vmem>>
          %dma_start3A_121 = arith.constant 0 : i32
          %dma_start3A_122 = tpu.memref_slice %arg2[%add3A, %dma_start3A_121] : memref<10240x128xf32, #tpu.memory_space<hbm>> -> memref<32x128xf32, #tpu.memory_space<hbm>>
          %dma_start3A_123 = arith.constant 0 : i32
          %dma_start3A_124 = arith.constant 0 : i32
          %dma_start3A_125 = tpu.memref_slice %arg8[%dma_start3A_123, %dma_start3A_124] : memref<32x128xf32, #tpu.memory_space<vmem>> -> memref<32x128xf32, #tpu.memory_space<vmem>>
          %dma_start3A_126 = arith.constant 0 : i32
          %dma_start3A_127 = tpu.memref_slice %arg2[%add3A, %dma_start3A_126] : memref<10240x128xf32, #tpu.memory_space<hbm>> -> memref<32x128xf32, #tpu.memory_space<hbm>>
          tpu.enqueue_dma source(%dma_start3A_127 : memref<32x128xf32, #tpu.memory_space<hbm>>) target(%dma_start3A_125 : memref<32x128xf32, #tpu.memory_space<vmem>>) target_semaphore(%run_scoped3A : memref<!tpu.dma_semaphore, #tpu.memory_space<semaphore_mem>>)
          %dma_wait3A = arith.constant 0 : i32
          %dma_wait3A_128 = arith.constant 0 : i32
          %dma_wait3A_129 = tpu.memref_slice %arg8[%dma_wait3A, %dma_wait3A_128] : memref<32x128xf32, #tpu.memory_space<vmem>> -> memref<32x128xf32, #tpu.memory_space<vmem>>
          %dma_wait3A_130 = arith.constant 0 : i32
          %dma_wait3A_131 = tpu.memref_slice %arg2[%add3A, %dma_wait3A_130] : memref<10240x128xf32, #tpu.memory_space<hbm>> -> memref<32x128xf32, #tpu.memory_space<hbm>>
          %dma_wait3A_132 = arith.constant 0 : i32
          %dma_wait3A_133 = arith.constant 0 : i32
          %dma_wait3A_134 = tpu.memref_slice %arg8[%dma_wait3A_132, %dma_wait3A_133] : memref<32x128xf32, #tpu.memory_space<vmem>> -> memref<32x128xf32, #tpu.memory_space<vmem>>
          %dma_wait3A_135 = arith.constant 0 : i32
          %dma_wait3A_136 = tpu.memref_slice %arg2[%add3A, %dma_wait3A_135] : memref<10240x128xf32, #tpu.memory_space<hbm>> -> memref<32x128xf32, #tpu.memory_space<hbm>>
          tpu.wait_dma2 semaphore(%run_scoped3A : memref<!tpu.dma_semaphore, #tpu.memory_space<semaphore_mem>>) src(%dma_wait3A_136 : memref<32x128xf32, #tpu.memory_space<hbm>>) dst(%dma_wait3A_134 : memref<32x128xf32, #tpu.memory_space<vmem>>)
          tpu.yield
        }) : () -> ()
        %mul3A_112 = arith.constant 32 : i32
        %mul3A_113 = arith.muli %scan3A_106, %mul3A_112 : i32
        %mul3A_114 = arith.constant 640 : i32
        %mul3A_115 = arith.muli %arg1, %mul3A_114 : i32
        %add3A_116 = arith.addi %mul3A_115, %mul3A_113 : i32
        "tpu.region"() ({
          %run_scoped3A = tpu.sem_alloc : memref<!tpu.dma_semaphore, #tpu.memory_space<semaphore_mem>>
          %dma_start3A_118 = arith.constant 0 : i32
          %dma_start3A_119 = arith.constant 0 : i32
          %dma_start3A_120 = tpu.memref_slice %arg8[%dma_start3A_118, %dma_start3A_119] : memref<32x128xf32, #tpu.memory_space<vmem>> -> memref<32x128xf32, #tpu.memory_space<vmem>>
          %dma_start3A_121 = arith.constant 0 : i32
          %dma_start3A_122 = tpu.memref_slice %arg10[%add3A_116, %dma_start3A_121] : memref<10016x128xf32, #tpu.memory_space<vmem_shared>> -> memref<32x128xf32, #tpu.memory_space<vmem_shared>>
          %dma_start3A_123 = arith.constant 0 : i32
          %dma_start3A_124 = tpu.memref_slice %arg10[%add3A_116, %dma_start3A_123] : memref<10016x128xf32, #tpu.memory_space<vmem_shared>> -> memref<32x128xf32, #tpu.memory_space<vmem_shared>>
          %dma_start3A_125 = arith.constant 0 : i32
          %dma_start3A_126 = arith.constant 0 : i32
          %dma_start3A_127 = tpu.memref_slice %arg8[%dma_start3A_125, %dma_start3A_126] : memref<32x128xf32, #tpu.memory_space<vmem>> -> memref<32x128xf32, #tpu.memory_space<vmem>>
          tpu.enqueue_dma source(%dma_start3A_127 : memref<32x128xf32, #tpu.memory_space<vmem>>) target(%dma_start3A_124 : memref<32x128xf32, #tpu.memory_space<vmem_shared>>) target_semaphore(%run_scoped3A : memref<!tpu.dma_semaphore, #tpu.memory_space<semaphore_mem>>)
          %dma_wait3A = arith.constant 0 : i32
          %dma_wait3A_128 = arith.constant 0 : i32
          %dma_wait3A_129 = tpu.memref_slice %arg8[%dma_wait3A, %dma_wait3A_128] : memref<32x128xf32, #tpu.memory_space<vmem>> -> memref<32x128xf32, #tpu.memory_space<vmem>>
          %dma_wait3A_130 = arith.constant 0 : i32
          %dma_wait3A_131 = tpu.memref_slice %arg10[%add3A_116, %dma_wait3A_130] : memref<10016x128xf32, #tpu.memory_space<vmem_shared>> -> memref<32x128xf32, #tpu.memory_space<vmem_shared>>
          %dma_wait3A_132 = arith.constant 0 : i32
          %dma_wait3A_133 = tpu.memref_slice %arg10[%add3A_116, %dma_wait3A_132] : memref<10016x128xf32, #tpu.memory_space<vmem_shared>> -> memref<32x128xf32, #tpu.memory_space<vmem_shared>>
          %dma_wait3A_134 = arith.constant 0 : i32
          %dma_wait3A_135 = arith.constant 0 : i32
          %dma_wait3A_136 = tpu.memref_slice %arg8[%dma_wait3A_134, %dma_wait3A_135] : memref<32x128xf32, #tpu.memory_space<vmem>> -> memref<32x128xf32, #tpu.memory_space<vmem>>
          tpu.wait_dma2 semaphore(%run_scoped3A : memref<!tpu.dma_semaphore, #tpu.memory_space<semaphore_mem>>) src(%dma_wait3A_136 : memref<32x128xf32, #tpu.memory_space<vmem>>) dst(%dma_wait3A_133 : memref<32x128xf32, #tpu.memory_space<vmem_shared>>)
          tpu.yield
        }) : () -> ()
        %scan3A_117 = arith.constant 0 : i32
        scf.yield %scan3A_117 : i32
      }
      %scan3A_105 = arith.constant 20 : i32
    } else {
    }
    %eq3A = arith.constant 15 : i32
    %eq3A_3 = arith.cmpi eq, %arg1, %eq3A : i32
    %convert_element_type3A_4 = arith.extui %eq3A_3 : i1 to i32
    %cond3A_5 = arith.constant 0 : i32
    %cond3A_6 = arith.cmpi ne, %convert_element_type3A_4, %cond3A_5 : i32
    scf.if %cond3A_6 {
      %scan3A_99 = arith.constant 0 : i32
      %scan3A_100 = arith.constant 0 : i32
      %scan3A_101 = arith.constant 13 : i32
      %scan3A_102 = arith.addi %scan3A_100, %scan3A_101 : i32
      %scan3A_103 = arith.constant 1 : i32
      %scan3A_104 = scf.for %scan3A_106 = %scan3A_100 to %scan3A_102 step %scan3A_103 iter_args(%scan3A_107 = %scan3A_99) -> (i32)  : i32 {
        %mul3A_108 = arith.constant 32 : i32
        %mul3A_109 = arith.muli %scan3A_106, %mul3A_108 : i32
        %add3A = arith.constant 9600 : i32
        %add3A_110 = arith.addi %add3A, %mul3A_109 : i32
        "tpu.region"() ({
          %run_scoped3A = tpu.sem_alloc : memref<!tpu.dma_semaphore, #tpu.memory_space<semaphore_mem>>
          %dma_start3A_116 = arith.constant 0 : i32
          %dma_start3A_117 = arith.constant 0 : i32
          %dma_start3A_118 = tpu.memref_slice %arg8[%dma_start3A_116, %dma_start3A_117] : memref<32x128xf32, #tpu.memory_space<vmem>> -> memref<32x128xf32, #tpu.memory_space<vmem>>
          %dma_start3A_119 = arith.constant 0 : i32
          %dma_start3A_120 = tpu.memref_slice %arg2[%add3A_110, %dma_start3A_119] : memref<10240x128xf32, #tpu.memory_space<hbm>> -> memref<32x128xf32, #tpu.memory_space<hbm>>
          %dma_start3A_121 = arith.constant 0 : i32
          %dma_start3A_122 = arith.constant 0 : i32
          %dma_start3A_123 = tpu.memref_slice %arg8[%dma_start3A_121, %dma_start3A_122] : memref<32x128xf32, #tpu.memory_space<vmem>> -> memref<32x128xf32, #tpu.memory_space<vmem>>
          %dma_start3A_124 = arith.constant 0 : i32
          %dma_start3A_125 = tpu.memref_slice %arg2[%add3A_110, %dma_start3A_124] : memref<10240x128xf32, #tpu.memory_space<hbm>> -> memref<32x128xf32, #tpu.memory_space<hbm>>
          tpu.enqueue_dma source(%dma_start3A_125 : memref<32x128xf32, #tpu.memory_space<hbm>>) target(%dma_start3A_123 : memref<32x128xf32, #tpu.memory_space<vmem>>) target_semaphore(%run_scoped3A : memref<!tpu.dma_semaphore, #tpu.memory_space<semaphore_mem>>)
          %dma_wait3A = arith.constant 0 : i32
          %dma_wait3A_126 = arith.constant 0 : i32
          %dma_wait3A_127 = tpu.memref_slice %arg8[%dma_wait3A, %dma_wait3A_126] : memref<32x128xf32, #tpu.memory_space<vmem>> -> memref<32x128xf32, #tpu.memory_space<vmem>>
          %dma_wait3A_128 = arith.constant 0 : i32
          %dma_wait3A_129 = tpu.memref_slice %arg2[%add3A_110, %dma_wait3A_128] : memref<10240x128xf32, #tpu.memory_space<hbm>> -> memref<32x128xf32, #tpu.memory_space<hbm>>
          %dma_wait3A_130 = arith.constant 0 : i32
          %dma_wait3A_131 = arith.constant 0 : i32
          %dma_wait3A_132 = tpu.memref_slice %arg8[%dma_wait3A_130, %dma_wait3A_131] : memref<32x128xf32, #tpu.memory_space<vmem>> -> memref<32x128xf32, #tpu.memory_space<vmem>>
          %dma_wait3A_133 = arith.constant 0 : i32
          %dma_wait3A_134 = tpu.memref_slice %arg2[%add3A_110, %dma_wait3A_133] : memref<10240x128xf32, #tpu.memory_space<hbm>> -> memref<32x128xf32, #tpu.memory_space<hbm>>
          tpu.wait_dma2 semaphore(%run_scoped3A : memref<!tpu.dma_semaphore, #tpu.memory_space<semaphore_mem>>) src(%dma_wait3A_134 : memref<32x128xf32, #tpu.memory_space<hbm>>) dst(%dma_wait3A_132 : memref<32x128xf32, #tpu.memory_space<vmem>>)
          tpu.yield
        }) : () -> ()
        %mul3A_111 = arith.constant 32 : i32
        %mul3A_112 = arith.muli %scan3A_106, %mul3A_111 : i32
        %add3A_113 = arith.constant 9600 : i32
        %add3A_114 = arith.addi %add3A_113, %mul3A_112 : i32
        "tpu.region"() ({
          %run_scoped3A = tpu.sem_alloc : memref<!tpu.dma_semaphore, #tpu.memory_space<semaphore_mem>>
          %dma_start3A_116 = arith.constant 0 : i32
          %dma_start3A_117 = arith.constant 0 : i32
          %dma_start3A_118 = tpu.memref_slice %arg8[%dma_start3A_116, %dma_start3A_117] : memref<32x128xf32, #tpu.memory_space<vmem>> -> memref<32x128xf32, #tpu.memory_space<vmem>>
          %dma_start3A_119 = arith.constant 0 : i32
          %dma_start3A_120 = tpu.memref_slice %arg10[%add3A_114, %dma_start3A_119] : memref<10016x128xf32, #tpu.memory_space<vmem_shared>> -> memref<32x128xf32, #tpu.memory_space<vmem_shared>>
          %dma_start3A_121 = arith.constant 0 : i32
          %dma_start3A_122 = tpu.memref_slice %arg10[%add3A_114, %dma_start3A_121] : memref<10016x128xf32, #tpu.memory_space<vmem_shared>> -> memref<32x128xf32, #tpu.memory_space<vmem_shared>>
          %dma_start3A_123 = arith.constant 0 : i32
          %dma_start3A_124 = arith.constant 0 : i32
          %dma_start3A_125 = tpu.memref_slice %arg8[%dma_start3A_123, %dma_start3A_124] : memref<32x128xf32, #tpu.memory_space<vmem>> -> memref<32x128xf32, #tpu.memory_space<vmem>>
          tpu.enqueue_dma source(%dma_start3A_125 : memref<32x128xf32, #tpu.memory_space<vmem>>) target(%dma_start3A_122 : memref<32x128xf32, #tpu.memory_space<vmem_shared>>) target_semaphore(%run_scoped3A : memref<!tpu.dma_semaphore, #tpu.memory_space<semaphore_mem>>)
          %dma_wait3A = arith.constant 0 : i32
          %dma_wait3A_126 = arith.constant 0 : i32
          %dma_wait3A_127 = tpu.memref_slice %arg8[%dma_wait3A, %dma_wait3A_126] : memref<32x128xf32, #tpu.memory_space<vmem>> -> memref<32x128xf32, #tpu.memory_space<vmem>>
          %dma_wait3A_128 = arith.constant 0 : i32
          %dma_wait3A_129 = tpu.memref_slice %arg10[%add3A_114, %dma_wait3A_128] : memref<10016x128xf32, #tpu.memory_space<vmem_shared>> -> memref<32x128xf32, #tpu.memory_space<vmem_shared>>
          %dma_wait3A_130 = arith.constant 0 : i32
          %dma_wait3A_131 = tpu.memref_slice %arg10[%add3A_114, %dma_wait3A_130] : memref<10016x128xf32, #tpu.memory_space<vmem_shared>> -> memref<32x128xf32, #tpu.memory_space<vmem_shared>>
          %dma_wait3A_132 = arith.constant 0 : i32
          %dma_wait3A_133 = arith.constant 0 : i32
          %dma_wait3A_134 = tpu.memref_slice %arg8[%dma_wait3A_132, %dma_wait3A_133] : memref<32x128xf32, #tpu.memory_space<vmem>> -> memref<32x128xf32, #tpu.memory_space<vmem>>
          tpu.wait_dma2 semaphore(%run_scoped3A : memref<!tpu.dma_semaphore, #tpu.memory_space<semaphore_mem>>) src(%dma_wait3A_134 : memref<32x128xf32, #tpu.memory_space<vmem>>) dst(%dma_wait3A_131 : memref<32x128xf32, #tpu.memory_space<vmem_shared>>)
          tpu.yield
        }) : () -> ()
        %scan3A_115 = arith.constant 0 : i32
        scf.yield %scan3A_115 : i32
      }
      %scan3A_105 = arith.constant 13 : i32
    } else {
    }
    %scan3A = arith.constant 0 : i32
    %scan3A_7 = arith.constant 0 : i32
    %scan3A_8 = arith.constant 10 : i32
    %scan3A_9 = arith.addi %scan3A_7, %scan3A_8 : i32
    %scan3A_10 = arith.constant 1 : i32
    %scan3A_11 = scf.for %scan3A_99 = %scan3A_7 to %scan3A_9 step %scan3A_10 iter_args(%scan3A_100 = %scan3A) -> (i32)  : i32 {
      %mul3A_101 = arith.constant 32 : i32
      %mul3A_102 = arith.muli %scan3A_99, %mul3A_101 : i32
      %mul3A_103 = arith.constant 320 : i32
      %mul3A_104 = arith.muli %arg1, %mul3A_103 : i32
      %add3A = arith.addi %mul3A_0, %mul3A_104 : i32
      %add3A_105 = arith.addi %add3A, %mul3A_102 : i32
      "tpu.region"() ({
        %run_scoped3A = tpu.sem_alloc : memref<!tpu.dma_semaphore, #tpu.memory_space<semaphore_mem>>
        %dma_start3A_112 = arith.constant 0 : i32
        %dma_start3A_113 = arith.constant 0 : i32
        %dma_start3A_114 = tpu.memref_slice %arg8[%dma_start3A_112, %dma_start3A_113] : memref<32x128xf32, #tpu.memory_space<vmem>> -> memref<32x128xf32, #tpu.memory_space<vmem>>
        %dma_start3A_115 = arith.constant 0 : i32
        %dma_start3A_116 = tpu.memref_slice %arg2[%add3A_105, %dma_start3A_115] : memref<10240x128xf32, #tpu.memory_space<hbm>> -> memref<32x128xf32, #tpu.memory_space<hbm>>
        %dma_start3A_117 = arith.constant 0 : i32
        %dma_start3A_118 = arith.constant 0 : i32
        %dma_start3A_119 = tpu.memref_slice %arg8[%dma_start3A_117, %dma_start3A_118] : memref<32x128xf32, #tpu.memory_space<vmem>> -> memref<32x128xf32, #tpu.memory_space<vmem>>
        %dma_start3A_120 = arith.constant 0 : i32
        %dma_start3A_121 = tpu.memref_slice %arg2[%add3A_105, %dma_start3A_120] : memref<10240x128xf32, #tpu.memory_space<hbm>> -> memref<32x128xf32, #tpu.memory_space<hbm>>
        tpu.enqueue_dma source(%dma_start3A_121 : memref<32x128xf32, #tpu.memory_space<hbm>>) target(%dma_start3A_119 : memref<32x128xf32, #tpu.memory_space<vmem>>) target_semaphore(%run_scoped3A : memref<!tpu.dma_semaphore, #tpu.memory_space<semaphore_mem>>)
        %dma_wait3A = arith.constant 0 : i32
        %dma_wait3A_122 = arith.constant 0 : i32
        %dma_wait3A_123 = tpu.memref_slice %arg8[%dma_wait3A, %dma_wait3A_122] : memref<32x128xf32, #tpu.memory_space<vmem>> -> memref<32x128xf32, #tpu.memory_space<vmem>>
        %dma_wait3A_124 = arith.constant 0 : i32
        %dma_wait3A_125 = tpu.memref_slice %arg2[%add3A_105, %dma_wait3A_124] : memref<10240x128xf32, #tpu.memory_space<hbm>> -> memref<32x128xf32, #tpu.memory_space<hbm>>
        %dma_wait3A_126 = arith.constant 0 : i32
        %dma_wait3A_127 = arith.constant 0 : i32
        %dma_wait3A_128 = tpu.memref_slice %arg8[%dma_wait3A_126, %dma_wait3A_127] : memref<32x128xf32, #tpu.memory_space<vmem>> -> memref<32x128xf32, #tpu.memory_space<vmem>>
        %dma_wait3A_129 = arith.constant 0 : i32
        %dma_wait3A_130 = tpu.memref_slice %arg2[%add3A_105, %dma_wait3A_129] : memref<10240x128xf32, #tpu.memory_space<hbm>> -> memref<32x128xf32, #tpu.memory_space<hbm>>
        tpu.wait_dma2 semaphore(%run_scoped3A : memref<!tpu.dma_semaphore, #tpu.memory_space<semaphore_mem>>) src(%dma_wait3A_130 : memref<32x128xf32, #tpu.memory_space<hbm>>) dst(%dma_wait3A_128 : memref<32x128xf32, #tpu.memory_space<vmem>>)
        tpu.yield
      }) : () -> ()
      %mul3A_106 = arith.constant 32 : i32
      %mul3A_107 = arith.muli %scan3A_99, %mul3A_106 : i32
      %mul3A_108 = arith.constant 320 : i32
      %mul3A_109 = arith.muli %arg1, %mul3A_108 : i32
      %add3A_110 = arith.addi %mul3A_109, %mul3A_107 : i32
      "tpu.region"() ({
        %run_scoped3A = tpu.sem_alloc : memref<!tpu.dma_semaphore, #tpu.memory_space<semaphore_mem>>
        %dma_start3A_112 = arith.constant 0 : i32
        %dma_start3A_113 = arith.constant 0 : i32
        %dma_start3A_114 = tpu.memref_slice %arg8[%dma_start3A_112, %dma_start3A_113] : memref<32x128xf32, #tpu.memory_space<vmem>> -> memref<32x128xf32, #tpu.memory_space<vmem>>
        %dma_start3A_115 = arith.constant 0 : i32
        %dma_start3A_116 = tpu.memref_slice %arg11[%add3A_110, %dma_start3A_115] : memref<5128x128xf32, #tpu.memory_space<vmem_shared>> -> memref<32x128xf32, #tpu.memory_space<vmem_shared>>
        %dma_start3A_117 = arith.constant 0 : i32
        %dma_start3A_118 = tpu.memref_slice %arg11[%add3A_110, %dma_start3A_117] : memref<5128x128xf32, #tpu.memory_space<vmem_shared>> -> memref<32x128xf32, #tpu.memory_space<vmem_shared>>
        %dma_start3A_119 = arith.constant 0 : i32
        %dma_start3A_120 = arith.constant 0 : i32
        %dma_start3A_121 = tpu.memref_slice %arg8[%dma_start3A_119, %dma_start3A_120] : memref<32x128xf32, #tpu.memory_space<vmem>> -> memref<32x128xf32, #tpu.memory_space<vmem>>
        tpu.enqueue_dma source(%dma_start3A_121 : memref<32x128xf32, #tpu.memory_space<vmem>>) target(%dma_start3A_118 : memref<32x128xf32, #tpu.memory_space<vmem_shared>>) target_semaphore(%run_scoped3A : memref<!tpu.dma_semaphore, #tpu.memory_space<semaphore_mem>>)
        %dma_wait3A = arith.constant 0 : i32
        %dma_wait3A_122 = arith.constant 0 : i32
        %dma_wait3A_123 = tpu.memref_slice %arg8[%dma_wait3A, %dma_wait3A_122] : memref<32x128xf32, #tpu.memory_space<vmem>> -> memref<32x128xf32, #tpu.memory_space<vmem>>
        %dma_wait3A_124 = arith.constant 0 : i32
        %dma_wait3A_125 = tpu.memref_slice %arg11[%add3A_110, %dma_wait3A_124] : memref<5128x128xf32, #tpu.memory_space<vmem_shared>> -> memref<32x128xf32, #tpu.memory_space<vmem_shared>>
        %dma_wait3A_126 = arith.constant 0 : i32
        %dma_wait3A_127 = tpu.memref_slice %arg11[%add3A_110, %dma_wait3A_126] : memref<5128x128xf32, #tpu.memory_space<vmem_shared>> -> memref<32x128xf32, #tpu.memory_space<vmem_shared>>
        %dma_wait3A_128 = arith.constant 0 : i32
        %dma_wait3A_129 = arith.constant 0 : i32
        %dma_wait3A_130 = tpu.memref_slice %arg8[%dma_wait3A_128, %dma_wait3A_129] : memref<32x128xf32, #tpu.memory_space<vmem>> -> memref<32x128xf32, #tpu.memory_space<vmem>>
        tpu.wait_dma2 semaphore(%run_scoped3A : memref<!tpu.dma_semaphore, #tpu.memory_space<semaphore_mem>>) src(%dma_wait3A_130 : memref<32x128xf32, #tpu.memory_space<vmem>>) dst(%dma_wait3A_127 : memref<32x128xf32, #tpu.memory_space<vmem_shared>>)
        tpu.yield
      }) : () -> ()
      %scan3A_111 = arith.constant 0 : i32
      scf.yield %scan3A_111 : i32
    }
    %scan3A_12 = arith.constant 10 : i32
    %barrier3A = arith.constant 0 : index
    tpu.barrier barrier_id(%barrier3A)
    %dma_start3A = arith.constant 0 : i32
    %dma_start3A_13 = arith.constant 0 : i32
    %dma_start3A_14 = arith.constant 0 : i32
    %dma_start3A_15 = arith.constant 0 : i32
    %dma_start3A_16 = tpu.memref_slice %arg6[%dma_start3A_13, %dma_start3A_14, %dma_start3A_15] : memref<4x2x32xi32, #tpu.memory_space<vmem>> -> memref<1x2x32xi32, #tpu.memory_space<vmem>>
    %dma_start3A_17 = tpu.memref_squeeze %dma_start3A_16 : memref<1x2x32xi32, #tpu.memory_space<vmem>> -> memref<2x32xi32, #tpu.memory_space<vmem>>
    %dma_start3A_18 = arith.constant 0 : i32
    %dma_start3A_19 = arith.constant 0 : i32
    %dma_start3A_20 = tpu.memref_slice %arg3[%arg1, %dma_start3A, %dma_start3A_18, %dma_start3A_19] : memref<16x640x2x32xi32, #tpu.memory_space<hbm>> -> memref<1x1x2x32xi32, #tpu.memory_space<hbm>>
    %dma_start3A_21 = tpu.memref_squeeze %dma_start3A_20 : memref<1x1x2x32xi32, #tpu.memory_space<hbm>> -> memref<2x32xi32, #tpu.memory_space<hbm>>
    %dma_start3A_22 = arith.constant 0 : i32
    %dma_start3A_23 = arith.constant 0 : i32
    %dma_start3A_24 = tpu.memref_slice %arg6[%dma_start3A_13, %dma_start3A_22, %dma_start3A_23] : memref<4x2x32xi32, #tpu.memory_space<vmem>> -> memref<1x2x32xi32, #tpu.memory_space<vmem>>
    %dma_start3A_25 = tpu.memref_squeeze %dma_start3A_24 : memref<1x2x32xi32, #tpu.memory_space<vmem>> -> memref<2x32xi32, #tpu.memory_space<vmem>>
    %dma_start3A_26 = arith.constant 0 : i32
    %dma_start3A_27 = arith.constant 0 : i32
    %dma_start3A_28 = tpu.memref_slice %arg3[%arg1, %dma_start3A, %dma_start3A_26, %dma_start3A_27] : memref<16x640x2x32xi32, #tpu.memory_space<hbm>> -> memref<1x1x2x32xi32, #tpu.memory_space<hbm>>
    %dma_start3A_29 = tpu.memref_squeeze %dma_start3A_28 : memref<1x1x2x32xi32, #tpu.memory_space<hbm>> -> memref<2x32xi32, #tpu.memory_space<hbm>>
    tpu.enqueue_dma source(%dma_start3A_29 : memref<2x32xi32, #tpu.memory_space<hbm>>) target(%dma_start3A_25 : memref<2x32xi32, #tpu.memory_space<vmem>>) target_semaphore(%arg12 : memref<!tpu.dma_semaphore, #tpu.memory_space<semaphore_mem>>)
    %dma_start3A_30 = arith.constant 1 : i32
    %dma_start3A_31 = arith.constant 1 : i32
    %dma_start3A_32 = arith.constant 0 : i32
    %dma_start3A_33 = arith.constant 0 : i32
    %dma_start3A_34 = tpu.memref_slice %arg6[%dma_start3A_31, %dma_start3A_32, %dma_start3A_33] : memref<4x2x32xi32, #tpu.memory_space<vmem>> -> memref<1x2x32xi32, #tpu.memory_space<vmem>>
    %dma_start3A_35 = tpu.memref_squeeze %dma_start3A_34 : memref<1x2x32xi32, #tpu.memory_space<vmem>> -> memref<2x32xi32, #tpu.memory_space<vmem>>
    %dma_start3A_36 = arith.constant 0 : i32
    %dma_start3A_37 = arith.constant 0 : i32
    %dma_start3A_38 = tpu.memref_slice %arg3[%arg1, %dma_start3A_30, %dma_start3A_36, %dma_start3A_37] : memref<16x640x2x32xi32, #tpu.memory_space<hbm>> -> memref<1x1x2x32xi32, #tpu.memory_space<hbm>>
    %dma_start3A_39 = tpu.memref_squeeze %dma_start3A_38 : memref<1x1x2x32xi32, #tpu.memory_space<hbm>> -> memref<2x32xi32, #tpu.memory_space<hbm>>
    %dma_start3A_40 = arith.constant 0 : i32
    %dma_start3A_41 = arith.constant 0 : i32
    %dma_start3A_42 = tpu.memref_slice %arg6[%dma_start3A_31, %dma_start3A_40, %dma_start3A_41] : memref<4x2x32xi32, #tpu.memory_space<vmem>> -> memref<1x2x32xi32, #tpu.memory_space<vmem>>
    %dma_start3A_43 = tpu.memref_squeeze %dma_start3A_42 : memref<1x2x32xi32, #tpu.memory_space<vmem>> -> memref<2x32xi32, #tpu.memory_space<vmem>>
    %dma_start3A_44 = arith.constant 0 : i32
    %dma_start3A_45 = arith.constant 0 : i32
    %dma_start3A_46 = tpu.memref_slice %arg3[%arg1, %dma_start3A_30, %dma_start3A_44, %dma_start3A_45] : memref<16x640x2x32xi32, #tpu.memory_space<hbm>> -> memref<1x1x2x32xi32, #tpu.memory_space<hbm>>
    %dma_start3A_47 = tpu.memref_squeeze %dma_start3A_46 : memref<1x1x2x32xi32, #tpu.memory_space<hbm>> -> memref<2x32xi32, #tpu.memory_space<hbm>>
    tpu.enqueue_dma source(%dma_start3A_47 : memref<2x32xi32, #tpu.memory_space<hbm>>) target(%dma_start3A_43 : memref<2x32xi32, #tpu.memory_space<vmem>>) target_semaphore(%arg13 : memref<!tpu.dma_semaphore, #tpu.memory_space<semaphore_mem>>)
    %dma_start3A_48 = arith.constant 2 : i32
    %dma_start3A_49 = arith.constant 2 : i32
    %dma_start3A_50 = arith.constant 0 : i32
    %dma_start3A_51 = arith.constant 0 : i32
    %dma_start3A_52 = tpu.memref_slice %arg6[%dma_start3A_49, %dma_start3A_50, %dma_start3A_51] : memref<4x2x32xi32, #tpu.memory_space<vmem>> -> memref<1x2x32xi32, #tpu.memory_space<vmem>>
    %dma_start3A_53 = tpu.memref_squeeze %dma_start3A_52 : memref<1x2x32xi32, #tpu.memory_space<vmem>> -> memref<2x32xi32, #tpu.memory_space<vmem>>
    %dma_start3A_54 = arith.constant 0 : i32
    %dma_start3A_55 = arith.constant 0 : i32
    %dma_start3A_56 = tpu.memref_slice %arg3[%arg1, %dma_start3A_48, %dma_start3A_54, %dma_start3A_55] : memref<16x640x2x32xi32, #tpu.memory_space<hbm>> -> memref<1x1x2x32xi32, #tpu.memory_space<hbm>>
    %dma_start3A_57 = tpu.memref_squeeze %dma_start3A_56 : memref<1x1x2x32xi32, #tpu.memory_space<hbm>> -> memref<2x32xi32, #tpu.memory_space<hbm>>
    %dma_start3A_58 = arith.constant 0 : i32
    %dma_start3A_59 = arith.constant 0 : i32
    %dma_start3A_60 = tpu.memref_slice %arg6[%dma_start3A_49, %dma_start3A_58, %dma_start3A_59] : memref<4x2x32xi32, #tpu.memory_space<vmem>> -> memref<1x2x32xi32, #tpu.memory_space<vmem>>
    %dma_start3A_61 = tpu.memref_squeeze %dma_start3A_60 : memref<1x2x32xi32, #tpu.memory_space<vmem>> -> memref<2x32xi32, #tpu.memory_space<vmem>>
    %dma_start3A_62 = arith.constant 0 : i32
    %dma_start3A_63 = arith.constant 0 : i32
    %dma_start3A_64 = tpu.memref_slice %arg3[%arg1, %dma_start3A_48, %dma_start3A_62, %dma_start3A_63] : memref<16x640x2x32xi32, #tpu.memory_space<hbm>> -> memref<1x1x2x32xi32, #tpu.memory_space<hbm>>
    %dma_start3A_65 = tpu.memref_squeeze %dma_start3A_64 : memref<1x1x2x32xi32, #tpu.memory_space<hbm>> -> memref<2x32xi32, #tpu.memory_space<hbm>>
    tpu.enqueue_dma source(%dma_start3A_65 : memref<2x32xi32, #tpu.memory_space<hbm>>) target(%dma_start3A_61 : memref<2x32xi32, #tpu.memory_space<vmem>>) target_semaphore(%arg14 : memref<!tpu.dma_semaphore, #tpu.memory_space<semaphore_mem>>)
    %dma_start3A_66 = arith.constant 3 : i32
    %dma_start3A_67 = arith.constant 3 : i32
    %dma_start3A_68 = arith.constant 0 : i32
    %dma_start3A_69 = arith.constant 0 : i32
    %dma_start3A_70 = tpu.memref_slice %arg6[%dma_start3A_67, %dma_start3A_68, %dma_start3A_69] : memref<4x2x32xi32, #tpu.memory_space<vmem>> -> memref<1x2x32xi32, #tpu.memory_space<vmem>>
    %dma_start3A_71 = tpu.memref_squeeze %dma_start3A_70 : memref<1x2x32xi32, #tpu.memory_space<vmem>> -> memref<2x32xi32, #tpu.memory_space<vmem>>
    %dma_start3A_72 = arith.constant 0 : i32
    %dma_start3A_73 = arith.constant 0 : i32
    %dma_start3A_74 = tpu.memref_slice %arg3[%arg1, %dma_start3A_66, %dma_start3A_72, %dma_start3A_73] : memref<16x640x2x32xi32, #tpu.memory_space<hbm>> -> memref<1x1x2x32xi32, #tpu.memory_space<hbm>>
    %dma_start3A_75 = tpu.memref_squeeze %dma_start3A_74 : memref<1x1x2x32xi32, #tpu.memory_space<hbm>> -> memref<2x32xi32, #tpu.memory_space<hbm>>
    %dma_start3A_76 = arith.constant 0 : i32
    %dma_start3A_77 = arith.constant 0 : i32
    %dma_start3A_78 = tpu.memref_slice %arg6[%dma_start3A_67, %dma_start3A_76, %dma_start3A_77] : memref<4x2x32xi32, #tpu.memory_space<vmem>> -> memref<1x2x32xi32, #tpu.memory_space<vmem>>
    %dma_start3A_79 = tpu.memref_squeeze %dma_start3A_78 : memref<1x2x32xi32, #tpu.memory_space<vmem>> -> memref<2x32xi32, #tpu.memory_space<vmem>>
    %dma_start3A_80 = arith.constant 0 : i32
    %dma_start3A_81 = arith.constant 0 : i32
    %dma_start3A_82 = tpu.memref_slice %arg3[%arg1, %dma_start3A_66, %dma_start3A_80, %dma_start3A_81] : memref<16x640x2x32xi32, #tpu.memory_space<hbm>> -> memref<1x1x2x32xi32, #tpu.memory_space<hbm>>
    %dma_start3A_83 = tpu.memref_squeeze %dma_start3A_82 : memref<1x1x2x32xi32, #tpu.memory_space<hbm>> -> memref<2x32xi32, #tpu.memory_space<hbm>>
    tpu.enqueue_dma source(%dma_start3A_83 : memref<2x32xi32, #tpu.memory_space<hbm>>) target(%dma_start3A_79 : memref<2x32xi32, #tpu.memory_space<vmem>>) target_semaphore(%arg15 : memref<!tpu.dma_semaphore, #tpu.memory_space<semaphore_mem>>)
    %scan3A_84 = arith.constant 0 : i32
    %scan3A_85 = arith.constant 0 : i32
    %scan3A_86 = arith.constant 160 : i32
    %scan3A_87 = arith.addi %scan3A_85, %scan3A_86 : i32
    %scan3A_88 = arith.constant 1 : i32
    %scan3A_89 = scf.for %scan3A_99 = %scan3A_85 to %scan3A_87 step %scan3A_88 iter_args(%scan3A_100 = %scan3A_84) -> (i32)  : i32 {
      %mul3A_101 = arith.constant 4 : i32
      %mul3A_102 = arith.muli %scan3A_99, %mul3A_101 : i32
      %dma_wait3A = arith.constant 0 : i32
      %dma_wait3A_103 = arith.constant 0 : i32
      %dma_wait3A_104 = arith.constant 0 : i32
      %dma_wait3A_105 = arith.constant 0 : i32
      %dma_wait3A_106 = tpu.memref_slice %arg6[%dma_wait3A_103, %dma_wait3A_104, %dma_wait3A_105] : memref<4x2x32xi32, #tpu.memory_space<vmem>> -> memref<1x2x32xi32, #tpu.memory_space<vmem>>
      %dma_wait3A_107 = tpu.memref_squeeze %dma_wait3A_106 : memref<1x2x32xi32, #tpu.memory_space<vmem>> -> memref<2x32xi32, #tpu.memory_space<vmem>>
      %dma_wait3A_108 = arith.constant 0 : i32
      %dma_wait3A_109 = arith.constant 0 : i32
      %dma_wait3A_110 = tpu.memref_slice %arg3[%arg1, %dma_wait3A, %dma_wait3A_108, %dma_wait3A_109] : memref<16x640x2x32xi32, #tpu.memory_space<hbm>> -> memref<1x1x2x32xi32, #tpu.memory_space<hbm>>
      %dma_wait3A_111 = tpu.memref_squeeze %dma_wait3A_110 : memref<1x1x2x32xi32, #tpu.memory_space<hbm>> -> memref<2x32xi32, #tpu.memory_space<hbm>>
      %dma_wait3A_112 = arith.constant 0 : i32
      %dma_wait3A_113 = arith.constant 0 : i32
      %dma_wait3A_114 = tpu.memref_slice %arg6[%dma_wait3A_103, %dma_wait3A_112, %dma_wait3A_113] : memref<4x2x32xi32, #tpu.memory_space<vmem>> -> memref<1x2x32xi32, #tpu.memory_space<vmem>>
      %dma_wait3A_115 = tpu.memref_squeeze %dma_wait3A_114 : memref<1x2x32xi32, #tpu.memory_space<vmem>> -> memref<2x32xi32, #tpu.memory_space<vmem>>
      %dma_wait3A_116 = arith.constant 0 : i32
      %dma_wait3A_117 = arith.constant 0 : i32
      %dma_wait3A_118 = tpu.memref_slice %arg3[%arg1, %dma_wait3A, %dma_wait3A_116, %dma_wait3A_117] : memref<16x640x2x32xi32, #tpu.memory_space<hbm>> -> memref<1x1x2x32xi32, #tpu.memory_space<hbm>>
      %dma_wait3A_119 = tpu.memref_squeeze %dma_wait3A_118 : memref<1x1x2x32xi32, #tpu.memory_space<hbm>> -> memref<2x32xi32, #tpu.memory_space<hbm>>
      tpu.wait_dma2 semaphore(%arg12 : memref<!tpu.dma_semaphore, #tpu.memory_space<semaphore_mem>>) src(%dma_wait3A_119 : memref<2x32xi32, #tpu.memory_space<hbm>>) dst(%dma_wait3A_115 : memref<2x32xi32, #tpu.memory_space<vmem>>)
      %get3A = arith.constant 0 : i32
      %get3A_120 = arith.constant 1 : i32
      %get3A_121 = arith.index_cast %get3A : i32 to index
      %get3A_122 = arith.index_cast %get3A_120 : i32 to index
      %get3A_123 = arith.constant 0 : index
      %get3A_124 = tpu.vector_load %arg6[%get3A_121, %get3A_122, %get3A_123] {strides = array<i32>} : memref<4x2x32xi32, #tpu.memory_space<vmem>>, vector<16xi32>,
      %sub3A = vector.broadcast %mul3A_0 : i32 to vector<16xi32>
      %sub3A_125 = arith.subi %get3A_124, %sub3A : vector<16xi32>
      %ge3A = arith.constant 0 : i32
      %ge3A_126 = vector.broadcast %ge3A : i32 to vector<16xi32>
      %ge3A_127 = arith.cmpi sge, %sub3A_125, %ge3A_126 : vector<16xi32>
      %lt3A_128 = arith.constant 5120 : i32
      %lt3A_129 = vector.broadcast %lt3A_128 : i32 to vector<16xi32>
      %lt3A_130 = arith.cmpi slt, %sub3A_125, %lt3A_129 : vector<16xi32>
      %and3A = arith.andi %ge3A_127, %lt3A_130 : vector<16xi1>
      %jit3A = arith.constant 5120 : i32
      %broadcast_in_dim3A = vector.broadcast %jit3A : i32 to vector<16xi32>
      %select_n3A = arith.select %and3A, %sub3A_125, %broadcast_in_dim3A : vector<16xi1>, vector<16xi32>
      %swap3A = arith.constant 0 : i32
      %swap3A_131 = arith.index_cast %swap3A : i32 to index
      %swap3A_132 = arith.constant 0 : index
      %swap3A_133 = tpu.vector_load %arg7[%swap3A_131, %swap3A_132] {strides = array<i32>} : memref<4x32xi32, #tpu.memory_space<vmem>>, vector<16xi32>,
      tpu.vector_store %arg7[%swap3A_131, %swap3A_132], %select_n3A {strides = array<i32>} : memref<4x32xi32, #tpu.memory_space<vmem>>, vector<16xi32>,
      %get3A_134 = arith.constant 0 : i32
      %get3A_135 = arith.constant 1 : i32
      %get3A_136 = arith.index_cast %get3A_134 : i32 to index
      %get3A_137 = arith.index_cast %get3A_135 : i32 to index
      %get3A_138 = arith.constant 16 : index
      %get3A_139 = tpu.vector_load %arg6[%get3A_136, %get3A_137, %get3A_138] {strides = array<i32>} : memref<4x2x32xi32, #tpu.memory_space<vmem>>, vector<16xi32>,
      %sub3A_140 = vector.broadcast %mul3A_0 : i32 to vector<16xi32>
      %sub3A_141 = arith.subi %get3A_139, %sub3A_140 : vector<16xi32>
      %ge3A_142 = arith.constant 0 : i32
      %ge3A_143 = vector.broadcast %ge3A_142 : i32 to vector<16xi32>
      %ge3A_144 = arith.cmpi sge, %sub3A_141, %ge3A_143 : vector<16xi32>
      %lt3A_145 = arith.constant 5120 : i32
      %lt3A_146 = vector.broadcast %lt3A_145 : i32 to vector<16xi32>
      %lt3A_147 = arith.cmpi slt, %sub3A_141, %lt3A_146 : vector<16xi32>
      %and3A_148 = arith.andi %ge3A_144, %lt3A_147 : vector<16xi1>
      %jit3A_149 = arith.constant 5120 : i32
      %broadcast_in_dim3A_150 = vector.broadcast %jit3A_149 : i32 to vector<16xi32>
      %select_n3A_151 = arith.select %and3A_148, %sub3A_141, %broadcast_in_dim3A_150 : vector<16xi1>, vector<16xi32>
      %swap3A_152 = arith.constant 0 : i32
      %swap3A_153 = arith.index_cast %swap3A_152 : i32 to index
      %swap3A_154 = arith.constant 16 : index
      %swap3A_155 = tpu.vector_load %arg7[%swap3A_153, %swap3A_154] {strides = array<i32>} : memref<4x32xi32, #tpu.memory_space<vmem>>, vector<16xi32>,
      tpu.vector_store %arg7[%swap3A_153, %swap3A_154], %select_n3A_151 {strides = array<i32>} : memref<4x32xi32, #tpu.memory_space<vmem>>, vector<16xi32>,
      %dma_start3A_156 = arith.constant 0 : i32
      %dma_start3A_157 = arith.constant 0 : i32
      %dma_start3A_158 = arith.constant 0 : i32
      %dma_start3A_159 = tpu.memref_slice %arg6[%dma_start3A_156, %dma_start3A_157, %dma_start3A_158] : memref<4x2x32xi32, #tpu.memory_space<vmem>> -> memref<1x1x32xi32, #tpu.memory_space<vmem>>
      %dma_start3A_160 = tpu.memref_squeeze %dma_start3A_159 : memref<1x1x32xi32, #tpu.memory_space<vmem>> -> memref<32xi32, #tpu.memory_space<vmem>>
      %dma_start3A_161 = arith.constant 0 : i32
      %dma_start3A_162 = arith.constant 0 : i32
      %dma_start3A_163 = tpu.memref_slice %arg10[%dma_start3A_161, %dma_start3A_162] : memref<10016x128xf32, #tpu.memory_space<vmem_shared>> -> memref<10016x128xf32, #tpu.memory_space<vmem_shared>>
      tpu.enqueue_indirect_dma source(%dma_start3A_163 : memref<10016x128xf32, #tpu.memory_space<vmem_shared>>) target(%arg8 : memref<32x128xf32, #tpu.memory_space<vmem>>) offsets(%dma_start3A_160 : memref<32xi32, #tpu.memory_space<vmem>>) semaphore(%arg16 : memref<!tpu.dma_semaphore, #tpu.memory_space<semaphore_mem>>)
      %dma_wait3A_164 = arith.constant 0 : i32
      %dma_wait3A_165 = arith.constant 1 : i32
      %dma_wait3A_166 = arith.constant 0 : i32
      %dma_wait3A_167 = arith.constant 0 : i32
      %dma_wait3A_168 = tpu.memref_slice %arg6[%dma_wait3A_165, %dma_wait3A_166, %dma_wait3A_167] : memref<4x2x32xi32, #tpu.memory_space<vmem>> -> memref<1x2x32xi32, #tpu.memory_space<vmem>>
      %dma_wait3A_169 = tpu.memref_squeeze %dma_wait3A_168 : memref<1x2x32xi32, #tpu.memory_space<vmem>> -> memref<2x32xi32, #tpu.memory_space<vmem>>
      %dma_wait3A_170 = arith.constant 0 : i32
      %dma_wait3A_171 = arith.constant 0 : i32
      %dma_wait3A_172 = tpu.memref_slice %arg3[%arg1, %dma_wait3A_164, %dma_wait3A_170, %dma_wait3A_171] : memref<16x640x2x32xi32, #tpu.memory_space<hbm>> -> memref<1x1x2x32xi32, #tpu.memory_space<hbm>>
      %dma_wait3A_173 = tpu.memref_squeeze %dma_wait3A_172 : memref<1x1x2x32xi32, #tpu.memory_space<hbm>> -> memref<2x32xi32, #tpu.memory_space<hbm>>
      %dma_wait3A_174 = arith.constant 0 : i32
      %dma_wait3A_175 = arith.constant 0 : i32
      %dma_wait3A_176 = tpu.memref_slice %arg6[%dma_wait3A_165, %dma_wait3A_174, %dma_wait3A_175] : memref<4x2x32xi32, #tpu.memory_space<vmem>> -> memref<1x2x32xi32, #tpu.memory_space<vmem>>
      %dma_wait3A_177 = tpu.memref_squeeze %dma_wait3A_176 : memref<1x2x32xi32, #tpu.memory_space<vmem>> -> memref<2x32xi32, #tpu.memory_space<vmem>>
      %dma_wait3A_178 = arith.constant 0 : i32
      %dma_wait3A_179 = arith.constant 0 : i32
      %dma_wait3A_180 = tpu.memref_slice %arg3[%arg1, %dma_wait3A_164, %dma_wait3A_178, %dma_wait3A_179] : memref<16x640x2x32xi32, #tpu.memory_space<hbm>> -> memref<1x1x2x32xi32, #tpu.memory_space<hbm>>
      %dma_wait3A_181 = tpu.memref_squeeze %dma_wait3A_180 : memref<1x1x2x32xi32, #tpu.memory_space<hbm>> -> memref<2x32xi32, #tpu.memory_space<hbm>>
      tpu.wait_dma2 semaphore(%arg13 : memref<!tpu.dma_semaphore, #tpu.memory_space<semaphore_mem>>) src(%dma_wait3A_181 : memref<2x32xi32, #tpu.memory_space<hbm>>) dst(%dma_wait3A_177 : memref<2x32xi32, #tpu.memory_space<vmem>>)
      %get3A_182 = arith.constant 1 : i32
      %get3A_183 = arith.constant 1 : i32
      %get3A_184 = arith.index_cast %get3A_182 : i32 to index
      %get3A_185 = arith.index_cast %get3A_183 : i32 to index
      %get3A_186 = arith.constant 0 : index
      %get3A_187 = tpu.vector_load %arg6[%get3A_184, %get3A_185, %get3A_186] {strides = array<i32>} : memref<4x2x32xi32, #tpu.memory_space<vmem>>, vector<16xi32>,
      %sub3A_188 = vector.broadcast %mul3A_0 : i32 to vector<16xi32>
      %sub3A_189 = arith.subi %get3A_187, %sub3A_188 : vector<16xi32>
      %ge3A_190 = arith.constant 0 : i32
      %ge3A_191 = vector.broadcast %ge3A_190 : i32 to vector<16xi32>
      %ge3A_192 = arith.cmpi sge, %sub3A_189, %ge3A_191 : vector<16xi32>
      %lt3A_193 = arith.constant 5120 : i32
      %lt3A_194 = vector.broadcast %lt3A_193 : i32 to vector<16xi32>
      %lt3A_195 = arith.cmpi slt, %sub3A_189, %lt3A_194 : vector<16xi32>
      %and3A_196 = arith.andi %ge3A_192, %lt3A_195 : vector<16xi1>
      %jit3A_197 = arith.constant 5120 : i32
      %broadcast_in_dim3A_198 = vector.broadcast %jit3A_197 : i32 to vector<16xi32>
      %select_n3A_199 = arith.select %and3A_196, %sub3A_189, %broadcast_in_dim3A_198 : vector<16xi1>, vector<16xi32>
      %swap3A_200 = arith.constant 1 : i32
      %swap3A_201 = arith.index_cast %swap3A_200 : i32 to index
      %swap3A_202 = arith.constant 0 : index
      %swap3A_203 = tpu.vector_load %arg7[%swap3A_201, %swap3A_202] {strides = array<i32>} : memref<4x32xi32, #tpu.memory_space<vmem>>, vector<16xi32>,
      tpu.vector_store %arg7[%swap3A_201, %swap3A_202], %select_n3A_199 {strides = array<i32>} : memref<4x32xi32, #tpu.memory_space<vmem>>, vector<16xi32>,
      %get3A_204 = arith.constant 1 : i32
      %get3A_205 = arith.constant 1 : i32
      %get3A_206 = arith.index_cast %get3A_204 : i32 to index
      %get3A_207 = arith.index_cast %get3A_205 : i32 to index
      %get3A_208 = arith.constant 16 : index
      %get3A_209 = tpu.vector_load %arg6[%get3A_206, %get3A_207, %get3A_208] {strides = array<i32>} : memref<4x2x32xi32, #tpu.memory_space<vmem>>, vector<16xi32>,
      %sub3A_210 = vector.broadcast %mul3A_0 : i32 to vector<16xi32>
      %sub3A_211 = arith.subi %get3A_209, %sub3A_210 : vector<16xi32>
      %ge3A_212 = arith.constant 0 : i32
      %ge3A_213 = vector.broadcast %ge3A_212 : i32 to vector<16xi32>
      %ge3A_214 = arith.cmpi sge, %sub3A_211, %ge3A_213 : vector<16xi32>
      %lt3A_215 = arith.constant 5120 : i32
      %lt3A_216 = vector.broadcast %lt3A_215 : i32 to vector<16xi32>
      %lt3A_217 = arith.cmpi slt, %sub3A_211, %lt3A_216 : vector<16xi32>
      %and3A_218 = arith.andi %ge3A_214, %lt3A_217 : vector<16xi1>
      %jit3A_219 = arith.constant 5120 : i32
      %broadcast_in_dim3A_220 = vector.broadcast %jit3A_219 : i32 to vector<16xi32>
      %select_n3A_221 = arith.select %and3A_218, %sub3A_211, %broadcast_in_dim3A_220 : vector<16xi1>, vector<16xi32>
      %swap3A_222 = arith.constant 1 : i32
      %swap3A_223 = arith.index_cast %swap3A_222 : i32 to index
      %swap3A_224 = arith.constant 16 : index
      %swap3A_225 = tpu.vector_load %arg7[%swap3A_223, %swap3A_224] {strides = array<i32>} : memref<4x32xi32, #tpu.memory_space<vmem>>, vector<16xi32>,
      tpu.vector_store %arg7[%swap3A_223, %swap3A_224], %select_n3A_221 {strides = array<i32>} : memref<4x32xi32, #tpu.memory_space<vmem>>, vector<16xi32>,
      %dma_start3A_226 = arith.constant 1 : i32
      %dma_start3A_227 = arith.constant 0 : i32
      %dma_start3A_228 = arith.constant 0 : i32
      %dma_start3A_229 = tpu.memref_slice %arg6[%dma_start3A_226, %dma_start3A_227, %dma_start3A_228] : memref<4x2x32xi32, #tpu.memory_space<vmem>> -> memref<1x1x32xi32, #tpu.memory_space<vmem>>
      %dma_start3A_230 = tpu.memref_squeeze %dma_start3A_229 : memref<1x1x32xi32, #tpu.memory_space<vmem>> -> memref<32xi32, #tpu.memory_space<vmem>>
      %dma_start3A_231 = arith.constant 0 : i32
      %dma_start3A_232 = arith.constant 0 : i32
      %dma_start3A_233 = tpu.memref_slice %arg10[%dma_start3A_231, %dma_start3A_232] : memref<10016x128xf32, #tpu.memory_space<vmem_shared>> -> memref<10016x128xf32, #tpu.memory_space<vmem_shared>>
      tpu.enqueue_indirect_dma source(%dma_start3A_233 : memref<10016x128xf32, #tpu.memory_space<vmem_shared>>) target(%arg9 : memref<32x128xf32, #tpu.memory_space<vmem>>) offsets(%dma_start3A_230 : memref<32xi32, #tpu.memory_space<vmem>>) semaphore(%arg17 : memref<!tpu.dma_semaphore, #tpu.memory_space<semaphore_mem>>)
      %dma_wait3A_234 = arith.constant 0 : i32
      %dma_wait3A_235 = arith.constant 0 : i32
      %dma_wait3A_236 = arith.constant 0 : i32
      %dma_wait3A_237 = tpu.memref_slice %arg6[%dma_wait3A_234, %dma_wait3A_235, %dma_wait3A_236] : memref<4x2x32xi32, #tpu.memory_space<vmem>> -> memref<1x1x32xi32, #tpu.memory_space<vmem>>
      %dma_wait3A_238 = tpu.memref_squeeze %dma_wait3A_237 : memref<1x1x32xi32, #tpu.memory_space<vmem>> -> memref<32xi32, #tpu.memory_space<vmem>>
      %dma_wait3A_239 = arith.constant 0 : i32
      %dma_wait3A_240 = arith.constant 0 : i32
      %dma_wait3A_241 = tpu.memref_slice %arg10[%dma_wait3A_239, %dma_wait3A_240] : memref<10016x128xf32, #tpu.memory_space<vmem_shared>> -> memref<10016x128xf32, #tpu.memory_space<vmem_shared>>
      tpu.wait_indirect_dma semaphore(%arg16 : memref<!tpu.dma_semaphore, #tpu.memory_space<semaphore_mem>>) src(%dma_wait3A_241 : memref<10016x128xf32, #tpu.memory_space<vmem_shared>>) dst(%arg8 : memref<32x128xf32, #tpu.memory_space<vmem>>)
      %dma_start3A_242 = arith.constant 0 : i32
      %dma_start3A_243 = arith.constant 0 : i32
      %dma_start3A_244 = tpu.memref_slice %arg7[%dma_start3A_242, %dma_start3A_243] : memref<4x32xi32, #tpu.memory_space<vmem>> -> memref<1x32xi32, #tpu.memory_space<vmem>>
      %dma_start3A_245 = tpu.memref_squeeze %dma_start3A_244 : memref<1x32xi32, #tpu.memory_space<vmem>> -> memref<32xi32, #tpu.memory_space<vmem>>
      %dma_start3A_246 = arith.constant 0 : i32
      %dma_start3A_247 = arith.constant 0 : i32
      %dma_start3A_248 = tpu.memref_slice %arg11[%dma_start3A_246, %dma_start3A_247] : memref<5128x128xf32, #tpu.memory_space<vmem_shared>> -> memref<5128x128xf32, #tpu.memory_space<vmem_shared>>
      tpu.enqueue_indirect_dma source(%arg8 : memref<32x128xf32, #tpu.memory_space<vmem>>) target(%dma_start3A_248 : memref<5128x128xf32, #tpu.memory_space<vmem_shared>>) offsets(%dma_start3A_245 : memref<32xi32, #tpu.memory_space<vmem>>) semaphore(%arg18 : memref<!tpu.dma_semaphore, #tpu.memory_space<semaphore_mem>>) {add = true}
      %dma_wait3A_249 = arith.constant 1 : i32
      %dma_wait3A_250 = arith.constant 0 : i32
      %dma_wait3A_251 = arith.constant 0 : i32
      %dma_wait3A_252 = tpu.memref_slice %arg6[%dma_wait3A_249, %dma_wait3A_250, %dma_wait3A_251] : memref<4x2x32xi32, #tpu.memory_space<vmem>> -> memref<1x1x32xi32, #tpu.memory_space<vmem>>
      %dma_wait3A_253 = tpu.memref_squeeze %dma_wait3A_252 : memref<1x1x32xi32, #tpu.memory_space<vmem>> -> memref<32xi32, #tpu.memory_space<vmem>>
      %dma_wait3A_254 = arith.constant 0 : i32
      %dma_wait3A_255 = arith.constant 0 : i32
      %dma_wait3A_256 = tpu.memref_slice %arg10[%dma_wait3A_254, %dma_wait3A_255] : memref<10016x128xf32, #tpu.memory_space<vmem_shared>> -> memref<10016x128xf32, #tpu.memory_space<vmem_shared>>
      tpu.wait_indirect_dma semaphore(%arg17 : memref<!tpu.dma_semaphore, #tpu.memory_space<semaphore_mem>>) src(%dma_wait3A_256 : memref<10016x128xf32, #tpu.memory_space<vmem_shared>>) dst(%arg9 : memref<32x128xf32, #tpu.memory_space<vmem>>)
      %dma_start3A_257 = arith.constant 1 : i32
      %dma_start3A_258 = arith.constant 0 : i32
      %dma_start3A_259 = tpu.memref_slice %arg7[%dma_start3A_257, %dma_start3A_258] : memref<4x32xi32, #tpu.memory_space<vmem>> -> memref<1x32xi32, #tpu.memory_space<vmem>>
      %dma_start3A_260 = tpu.memref_squeeze %dma_start3A_259 : memref<1x32xi32, #tpu.memory_space<vmem>> -> memref<32xi32, #tpu.memory_space<vmem>>
      %dma_start3A_261 = arith.constant 0 : i32
      %dma_start3A_262 = arith.constant 0 : i32
      %dma_start3A_263 = tpu.memref_slice %arg11[%dma_start3A_261, %dma_start3A_262] : memref<5128x128xf32, #tpu.memory_space<vmem_shared>> -> memref<5128x128xf32, #tpu.memory_space<vmem_shared>>
      tpu.enqueue_indirect_dma source(%arg9 : memref<32x128xf32, #tpu.memory_space<vmem>>) target(%dma_start3A_263 : memref<5128x128xf32, #tpu.memory_space<vmem_shared>>) offsets(%dma_start3A_260 : memref<32xi32, #tpu.memory_space<vmem>>) semaphore(%arg19 : memref<!tpu.dma_semaphore, #tpu.memory_space<semaphore_mem>>) {add = true}
      %dma_wait3A_264 = arith.constant 0 : i32
      %dma_wait3A_265 = arith.constant 0 : i32
      %dma_wait3A_266 = tpu.memref_slice %arg7[%dma_wait3A_264, %dma_wait3A_265] : memref<4x32xi32, #tpu.memory_space<vmem>> -> memref<1x32xi32, #tpu.memory_space<vmem>>
      %dma_wait3A_267 = tpu.memref_squeeze %dma_wait3A_266 : memref<1x32xi32, #tpu.memory_space<vmem>> -> memref<32xi32, #tpu.memory_space<vmem>>
      %dma_wait3A_268 = arith.constant 0 : i32
      %dma_wait3A_269 = arith.constant 0 : i32
      %dma_wait3A_270 = tpu.memref_slice %arg11[%dma_wait3A_268, %dma_wait3A_269] : memref<5128x128xf32, #tpu.memory_space<vmem_shared>> -> memref<5128x128xf32, #tpu.memory_space<vmem_shared>>
      tpu.wait_indirect_dma semaphore(%arg18 : memref<!tpu.dma_semaphore, #tpu.memory_space<semaphore_mem>>) src(%arg8 : memref<32x128xf32, #tpu.memory_space<vmem>>) dst(%dma_wait3A_270 : memref<5128x128xf32, #tpu.memory_space<vmem_shared>>)
      %lt3A_271 = arith.constant 159 : i32
      %lt3A_272 = arith.cmpi slt, %scan3A_99, %lt3A_271 : i32
      %convert_element_type3A_273 = arith.extui %lt3A_272 : i1 to i32
      %cond3A_274 = arith.constant 0 : i32
      %cond3A_275 = arith.cmpi ne, %convert_element_type3A_273, %cond3A_274 : i32
      scf.if %cond3A_275 {
        %add3A = arith.constant 4 : i32
        %add3A_483 = arith.addi %mul3A_102, %add3A : i32
        %dma_start3A_484 = arith.constant 0 : i32
        %dma_start3A_485 = arith.constant 0 : i32
        %dma_start3A_486 = arith.constant 0 : i32
        %dma_start3A_487 = tpu.memref_slice %arg6[%dma_start3A_484, %dma_start3A_485, %dma_start3A_486] : memref<4x2x32xi32, #tpu.memory_space<vmem>> -> memref<1x2x32xi32, #tpu.memory_space<vmem>>
        %dma_start3A_488 = tpu.memref_squeeze %dma_start3A_487 : memref<1x2x32xi32, #tpu.memory_space<vmem>> -> memref<2x32xi32, #tpu.memory_space<vmem>>
        %dma_start3A_489 = arith.constant 0 : i32
        %dma_start3A_490 = arith.constant 0 : i32
        %dma_start3A_491 = tpu.memref_slice %arg3[%arg1, %add3A_483, %dma_start3A_489, %dma_start3A_490] : memref<16x640x2x32xi32, #tpu.memory_space<hbm>> -> memref<1x1x2x32xi32, #tpu.memory_space<hbm>>
        %dma_start3A_492 = tpu.memref_squeeze %dma_start3A_491 : memref<1x1x2x32xi32, #tpu.memory_space<hbm>> -> memref<2x32xi32, #tpu.memory_space<hbm>>
        %dma_start3A_493 = arith.constant 0 : i32
        %dma_start3A_494 = arith.constant 0 : i32
        %dma_start3A_495 = tpu.memref_slice %arg6[%dma_start3A_484, %dma_start3A_493, %dma_start3A_494] : memref<4x2x32xi32, #tpu.memory_space<vmem>> -> memref<1x2x32xi32, #tpu.memory_space<vmem>>
        %dma_start3A_496 = tpu.memref_squeeze %dma_start3A_495 : memref<1x2x32xi32, #tpu.memory_space<vmem>> -> memref<2x32xi32, #tpu.memory_space<vmem>>
        %dma_start3A_497 = arith.constant 0 : i32
        %dma_start3A_498 = arith.constant 0 : i32
        %dma_start3A_499 = tpu.memref_slice %arg3[%arg1, %add3A_483, %dma_start3A_497, %dma_start3A_498] : memref<16x640x2x32xi32, #tpu.memory_space<hbm>> -> memref<1x1x2x32xi32, #tpu.memory_space<hbm>>
        %dma_start3A_500 = tpu.memref_squeeze %dma_start3A_499 : memref<1x1x2x32xi32, #tpu.memory_space<hbm>> -> memref<2x32xi32, #tpu.memory_space<hbm>>
        tpu.enqueue_dma source(%dma_start3A_500 : memref<2x32xi32, #tpu.memory_space<hbm>>) target(%dma_start3A_496 : memref<2x32xi32, #tpu.memory_space<vmem>>) target_semaphore(%arg12 : memref<!tpu.dma_semaphore, #tpu.memory_space<semaphore_mem>>)
      } else {
      }
      %dma_wait3A_276 = arith.constant 0 : i32
      %dma_wait3A_277 = arith.constant 2 : i32
      %dma_wait3A_278 = arith.constant 0 : i32
      %dma_wait3A_279 = arith.constant 0 : i32
      %dma_wait3A_280 = tpu.memref_slice %arg6[%dma_wait3A_277, %dma_wait3A_278, %dma_wait3A_279] : memref<4x2x32xi32, #tpu.memory_space<vmem>> -> memref<1x2x32xi32, #tpu.memory_space<vmem>>
      %dma_wait3A_281 = tpu.memref_squeeze %dma_wait3A_280 : memref<1x2x32xi32, #tpu.memory_space<vmem>> -> memref<2x32xi32, #tpu.memory_space<vmem>>
      %dma_wait3A_282 = arith.constant 0 : i32
      %dma_wait3A_283 = arith.constant 0 : i32
      %dma_wait3A_284 = tpu.memref_slice %arg3[%arg1, %dma_wait3A_276, %dma_wait3A_282, %dma_wait3A_283] : memref<16x640x2x32xi32, #tpu.memory_space<hbm>> -> memref<1x1x2x32xi32, #tpu.memory_space<hbm>>
      %dma_wait3A_285 = tpu.memref_squeeze %dma_wait3A_284 : memref<1x1x2x32xi32, #tpu.memory_space<hbm>> -> memref<2x32xi32, #tpu.memory_space<hbm>>
      %dma_wait3A_286 = arith.constant 0 : i32
      %dma_wait3A_287 = arith.constant 0 : i32
      %dma_wait3A_288 = tpu.memref_slice %arg6[%dma_wait3A_277, %dma_wait3A_286, %dma_wait3A_287] : memref<4x2x32xi32, #tpu.memory_space<vmem>> -> memref<1x2x32xi32, #tpu.memory_space<vmem>>
      %dma_wait3A_289 = tpu.memref_squeeze %dma_wait3A_288 : memref<1x2x32xi32, #tpu.memory_space<vmem>> -> memref<2x32xi32, #tpu.memory_space<vmem>>
      %dma_wait3A_290 = arith.constant 0 : i32
      %dma_wait3A_291 = arith.constant 0 : i32
      %dma_wait3A_292 = tpu.memref_slice %arg3[%arg1, %dma_wait3A_276, %dma_wait3A_290, %dma_wait3A_291] : memref<16x640x2x32xi32, #tpu.memory_space<hbm>> -> memref<1x1x2x32xi32, #tpu.memory_space<hbm>>
      %dma_wait3A_293 = tpu.memref_squeeze %dma_wait3A_292 : memref<1x1x2x32xi32, #tpu.memory_space<hbm>> -> memref<2x32xi32, #tpu.memory_space<hbm>>
      tpu.wait_dma2 semaphore(%arg14 : memref<!tpu.dma_semaphore, #tpu.memory_space<semaphore_mem>>) src(%dma_wait3A_293 : memref<2x32xi32, #tpu.memory_space<hbm>>) dst(%dma_wait3A_289 : memref<2x32xi32, #tpu.memory_space<vmem>>)
      %get3A_294 = arith.constant 2 : i32
      %get3A_295 = arith.constant 1 : i32
      %get3A_296 = arith.index_cast %get3A_294 : i32 to index
      %get3A_297 = arith.index_cast %get3A_295 : i32 to index
      %get3A_298 = arith.constant 0 : index
      %get3A_299 = tpu.vector_load %arg6[%get3A_296, %get3A_297, %get3A_298] {strides = array<i32>} : memref<4x2x32xi32, #tpu.memory_space<vmem>>, vector<16xi32>,
      %sub3A_300 = vector.broadcast %mul3A_0 : i32 to vector<16xi32>
      %sub3A_301 = arith.subi %get3A_299, %sub3A_300 : vector<16xi32>
      %ge3A_302 = arith.constant 0 : i32
      %ge3A_303 = vector.broadcast %ge3A_302 : i32 to vector<16xi32>
      %ge3A_304 = arith.cmpi sge, %sub3A_301, %ge3A_303 : vector<16xi32>
      %lt3A_305 = arith.constant 5120 : i32
      %lt3A_306 = vector.broadcast %lt3A_305 : i32 to vector<16xi32>
      %lt3A_307 = arith.cmpi slt, %sub3A_301, %lt3A_306 : vector<16xi32>
      %and3A_308 = arith.andi %ge3A_304, %lt3A_307 : vector<16xi1>
      %jit3A_309 = arith.constant 5120 : i32
      %broadcast_in_dim3A_310 = vector.broadcast %jit3A_309 : i32 to vector<16xi32>
      %select_n3A_311 = arith.select %and3A_308, %sub3A_301, %broadcast_in_dim3A_310 : vector<16xi1>, vector<16xi32>
      %swap3A_312 = arith.constant 2 : i32
      %swap3A_313 = arith.index_cast %swap3A_312 : i32 to index
      %swap3A_314 = arith.constant 0 : index
      %swap3A_315 = tpu.vector_load %arg7[%swap3A_313, %swap3A_314] {strides = array<i32>} : memref<4x32xi32, #tpu.memory_space<vmem>>, vector<16xi32>,
      tpu.vector_store %arg7[%swap3A_313, %swap3A_314], %select_n3A_311 {strides = array<i32>} : memref<4x32xi32, #tpu.memory_space<vmem>>, vector<16xi32>,
      %get3A_316 = arith.constant 2 : i32
      %get3A_317 = arith.constant 1 : i32
      %get3A_318 = arith.index_cast %get3A_316 : i32 to index
      %get3A_319 = arith.index_cast %get3A_317 : i32 to index
      %get3A_320 = arith.constant 16 : index
      %get3A_321 = tpu.vector_load %arg6[%get3A_318, %get3A_319, %get3A_320] {strides = array<i32>} : memref<4x2x32xi32, #tpu.memory_space<vmem>>, vector<16xi32>,
      %sub3A_322 = vector.broadcast %mul3A_0 : i32 to vector<16xi32>
      %sub3A_323 = arith.subi %get3A_321, %sub3A_322 : vector<16xi32>
      %ge3A_324 = arith.constant 0 : i32
      %ge3A_325 = vector.broadcast %ge3A_324 : i32 to vector<16xi32>
      %ge3A_326 = arith.cmpi sge, %sub3A_323, %ge3A_325 : vector<16xi32>
      %lt3A_327 = arith.constant 5120 : i32
      %lt3A_328 = vector.broadcast %lt3A_327 : i32 to vector<16xi32>
      %lt3A_329 = arith.cmpi slt, %sub3A_323, %lt3A_328 : vector<16xi32>
      %and3A_330 = arith.andi %ge3A_326, %lt3A_329 : vector<16xi1>
      %jit3A_331 = arith.constant 5120 : i32
      %broadcast_in_dim3A_332 = vector.broadcast %jit3A_331 : i32 to vector<16xi32>
      %select_n3A_333 = arith.select %and3A_330, %sub3A_323, %broadcast_in_dim3A_332 : vector<16xi1>, vector<16xi32>
      %swap3A_334 = arith.constant 2 : i32
      %swap3A_335 = arith.index_cast %swap3A_334 : i32 to index
      %swap3A_336 = arith.constant 16 : index
      %swap3A_337 = tpu.vector_load %arg7[%swap3A_335, %swap3A_336] {strides = array<i32>} : memref<4x32xi32, #tpu.memory_space<vmem>>, vector<16xi32>,
      tpu.vector_store %arg7[%swap3A_335, %swap3A_336], %select_n3A_333 {strides = array<i32>} : memref<4x32xi32, #tpu.memory_space<vmem>>, vector<16xi32>,
      %dma_start3A_338 = arith.constant 2 : i32
      %dma_start3A_339 = arith.constant 0 : i32
      %dma_start3A_340 = arith.constant 0 : i32
      %dma_start3A_341 = tpu.memref_slice %arg6[%dma_start3A_338, %dma_start3A_339, %dma_start3A_340] : memref<4x2x32xi32, #tpu.memory_space<vmem>> -> memref<1x1x32xi32, #tpu.memory_space<vmem>>
      %dma_start3A_342 = tpu.memref_squeeze %dma_start3A_341 : memref<1x1x32xi32, #tpu.memory_space<vmem>> -> memref<32xi32, #tpu.memory_space<vmem>>
      %dma_start3A_343 = arith.constant 0 : i32
      %dma_start3A_344 = arith.constant 0 : i32
      %dma_start3A_345 = tpu.memref_slice %arg10[%dma_start3A_343, %dma_start3A_344] : memref<10016x128xf32, #tpu.memory_space<vmem_shared>> -> memref<10016x128xf32, #tpu.memory_space<vmem_shared>>
      tpu.enqueue_indirect_dma source(%dma_start3A_345 : memref<10016x128xf32, #tpu.memory_space<vmem_shared>>) target(%arg8 : memref<32x128xf32, #tpu.memory_space<vmem>>) offsets(%dma_start3A_342 : memref<32xi32, #tpu.memory_space<vmem>>) semaphore(%arg16 : memref<!tpu.dma_semaphore, #tpu.memory_space<semaphore_mem>>)
      %dma_wait3A_346 = arith.constant 1 : i32
      %dma_wait3A_347 = arith.constant 0 : i32
      %dma_wait3A_348 = tpu.memref_slice %arg7[%dma_wait3A_346, %dma_wait3A_347] : memref<4x32xi32, #tpu.memory_space<vmem>> -> memref<1x32xi32, #tpu.memory_space<vmem>>
      %dma_wait3A_349 = tpu.memref_squeeze %dma_wait3A_348 : memref<1x32xi32, #tpu.memory_space<vmem>> -> memref<32xi32, #tpu.memory_space<vmem>>
      %dma_wait3A_350 = arith.constant 0 : i32
      %dma_wait3A_351 = arith.constant 0 : i32
      %dma_wait3A_352 = tpu.memref_slice %arg11[%dma_wait3A_350, %dma_wait3A_351] : memref<5128x128xf32, #tpu.memory_space<vmem_shared>> -> memref<5128x128xf32, #tpu.memory_space<vmem_shared>>
      tpu.wait_indirect_dma semaphore(%arg19 : memref<!tpu.dma_semaphore, #tpu.memory_space<semaphore_mem>>) src(%arg9 : memref<32x128xf32, #tpu.memory_space<vmem>>) dst(%dma_wait3A_352 : memref<5128x128xf32, #tpu.memory_space<vmem_shared>>)
      %lt3A_353 = arith.constant 159 : i32
      %lt3A_354 = arith.cmpi slt, %scan3A_99, %lt3A_353 : i32
      %convert_element_type3A_355 = arith.extui %lt3A_354 : i1 to i32
      %cond3A_356 = arith.constant 0 : i32
      %cond3A_357 = arith.cmpi ne, %convert_element_type3A_355, %cond3A_356 : i32
      scf.if %cond3A_357 {
        %add3A = arith.constant 5 : i32
        %add3A_483 = arith.addi %mul3A_102, %add3A : i32
        %dma_start3A_484 = arith.constant 1 : i32
        %dma_start3A_485 = arith.constant 0 : i32
        %dma_start3A_486 = arith.constant 0 : i32
        %dma_start3A_487 = tpu.memref_slice %arg6[%dma_start3A_484, %dma_start3A_485, %dma_start3A_486] : memref<4x2x32xi32, #tpu.memory_space<vmem>> -> memref<1x2x32xi32, #tpu.memory_space<vmem>>
        %dma_start3A_488 = tpu.memref_squeeze %dma_start3A_487 : memref<1x2x32xi32, #tpu.memory_space<vmem>> -> memref<2x32xi32, #tpu.memory_space<vmem>>
        %dma_start3A_489 = arith.constant 0 : i32
        %dma_start3A_490 = arith.constant 0 : i32
        %dma_start3A_491 = tpu.memref_slice %arg3[%arg1, %add3A_483, %dma_start3A_489, %dma_start3A_490] : memref<16x640x2x32xi32, #tpu.memory_space<hbm>> -> memref<1x1x2x32xi32, #tpu.memory_space<hbm>>
        %dma_start3A_492 = tpu.memref_squeeze %dma_start3A_491 : memref<1x1x2x32xi32, #tpu.memory_space<hbm>> -> memref<2x32xi32, #tpu.memory_space<hbm>>
        %dma_start3A_493 = arith.constant 0 : i32
        %dma_start3A_494 = arith.constant 0 : i32
        %dma_start3A_495 = tpu.memref_slice %arg6[%dma_start3A_484, %dma_start3A_493, %dma_start3A_494] : memref<4x2x32xi32, #tpu.memory_space<vmem>> -> memref<1x2x32xi32, #tpu.memory_space<vmem>>
        %dma_start3A_496 = tpu.memref_squeeze %dma_start3A_495 : memref<1x2x32xi32, #tpu.memory_space<vmem>> -> memref<2x32xi32, #tpu.memory_space<vmem>>
        %dma_start3A_497 = arith.constant 0 : i32
        %dma_start3A_498 = arith.constant 0 : i32
        %dma_start3A_499 = tpu.memref_slice %arg3[%arg1, %add3A_483, %dma_start3A_497, %dma_start3A_498] : memref<16x640x2x32xi32, #tpu.memory_space<hbm>> -> memref<1x1x2x32xi32, #tpu.memory_space<hbm>>
        %dma_start3A_500 = tpu.memref_squeeze %dma_start3A_499 : memref<1x1x2x32xi32, #tpu.memory_space<hbm>> -> memref<2x32xi32, #tpu.memory_space<hbm>>
        tpu.enqueue_dma source(%dma_start3A_500 : memref<2x32xi32, #tpu.memory_space<hbm>>) target(%dma_start3A_496 : memref<2x32xi32, #tpu.memory_space<vmem>>) target_semaphore(%arg13 : memref<!tpu.dma_semaphore, #tpu.memory_space<semaphore_mem>>)
      } else {
      }
      %dma_wait3A_358 = arith.constant 0 : i32
      %dma_wait3A_359 = arith.constant 3 : i32
      %dma_wait3A_360 = arith.constant 0 : i32
      %dma_wait3A_361 = arith.constant 0 : i32
      %dma_wait3A_362 = tpu.memref_slice %arg6[%dma_wait3A_359, %dma_wait3A_360, %dma_wait3A_361] : memref<4x2x32xi32, #tpu.memory_space<vmem>> -> memref<1x2x32xi32, #tpu.memory_space<vmem>>
      %dma_wait3A_363 = tpu.memref_squeeze %dma_wait3A_362 : memref<1x2x32xi32, #tpu.memory_space<vmem>> -> memref<2x32xi32, #tpu.memory_space<vmem>>
      %dma_wait3A_364 = arith.constant 0 : i32
      %dma_wait3A_365 = arith.constant 0 : i32
      %dma_wait3A_366 = tpu.memref_slice %arg3[%arg1, %dma_wait3A_358, %dma_wait3A_364, %dma_wait3A_365] : memref<16x640x2x32xi32, #tpu.memory_space<hbm>> -> memref<1x1x2x32xi32, #tpu.memory_space<hbm>>
      %dma_wait3A_367 = tpu.memref_squeeze %dma_wait3A_366 : memref<1x1x2x32xi32, #tpu.memory_space<hbm>> -> memref<2x32xi32, #tpu.memory_space<hbm>>
      %dma_wait3A_368 = arith.constant 0 : i32
      %dma_wait3A_369 = arith.constant 0 : i32
      %dma_wait3A_370 = tpu.memref_slice %arg6[%dma_wait3A_359, %dma_wait3A_368, %dma_wait3A_369] : memref<4x2x32xi32, #tpu.memory_space<vmem>> -> memref<1x2x32xi32, #tpu.memory_space<vmem>>
      %dma_wait3A_371 = tpu.memref_squeeze %dma_wait3A_370 : memref<1x2x32xi32, #tpu.memory_space<vmem>> -> memref<2x32xi32, #tpu.memory_space<vmem>>
      %dma_wait3A_372 = arith.constant 0 : i32
      %dma_wait3A_373 = arith.constant 0 : i32
      %dma_wait3A_374 = tpu.memref_slice %arg3[%arg1, %dma_wait3A_358, %dma_wait3A_372, %dma_wait3A_373] : memref<16x640x2x32xi32, #tpu.memory_space<hbm>> -> memref<1x1x2x32xi32, #tpu.memory_space<hbm>>
      %dma_wait3A_375 = tpu.memref_squeeze %dma_wait3A_374 : memref<1x1x2x32xi32, #tpu.memory_space<hbm>> -> memref<2x32xi32, #tpu.memory_space<hbm>>
      tpu.wait_dma2 semaphore(%arg15 : memref<!tpu.dma_semaphore, #tpu.memory_space<semaphore_mem>>) src(%dma_wait3A_375 : memref<2x32xi32, #tpu.memory_space<hbm>>) dst(%dma_wait3A_371 : memref<2x32xi32, #tpu.memory_space<vmem>>)
      %get3A_376 = arith.constant 3 : i32
      %get3A_377 = arith.constant 1 : i32
      %get3A_378 = arith.index_cast %get3A_376 : i32 to index
      %get3A_379 = arith.index_cast %get3A_377 : i32 to index
      %get3A_380 = arith.constant 0 : index
      %get3A_381 = tpu.vector_load %arg6[%get3A_378, %get3A_379, %get3A_380] {strides = array<i32>} : memref<4x2x32xi32, #tpu.memory_space<vmem>>, vector<16xi32>,
      %sub3A_382 = vector.broadcast %mul3A_0 : i32 to vector<16xi32>
      %sub3A_383 = arith.subi %get3A_381, %sub3A_382 : vector<16xi32>
      %ge3A_384 = arith.constant 0 : i32
      %ge3A_385 = vector.broadcast %ge3A_384 : i32 to vector<16xi32>
      %ge3A_386 = arith.cmpi sge, %sub3A_383, %ge3A_385 : vector<16xi32>
      %lt3A_387 = arith.constant 5120 : i32
      %lt3A_388 = vector.broadcast %lt3A_387 : i32 to vector<16xi32>
      %lt3A_389 = arith.cmpi slt, %sub3A_383, %lt3A_388 : vector<16xi32>
      %and3A_390 = arith.andi %ge3A_386, %lt3A_389 : vector<16xi1>
      %jit3A_391 = arith.constant 5120 : i32
      %broadcast_in_dim3A_392 = vector.broadcast %jit3A_391 : i32 to vector<16xi32>
      %select_n3A_393 = arith.select %and3A_390, %sub3A_383, %broadcast_in_dim3A_392 : vector<16xi1>, vector<16xi32>
      %swap3A_394 = arith.constant 3 : i32
      %swap3A_395 = arith.index_cast %swap3A_394 : i32 to index
      %swap3A_396 = arith.constant 0 : index
      %swap3A_397 = tpu.vector_load %arg7[%swap3A_395, %swap3A_396] {strides = array<i32>} : memref<4x32xi32, #tpu.memory_space<vmem>>, vector<16xi32>,
      tpu.vector_store %arg7[%swap3A_395, %swap3A_396], %select_n3A_393 {strides = array<i32>} : memref<4x32xi32, #tpu.memory_space<vmem>>, vector<16xi32>,
      %get3A_398 = arith.constant 3 : i32
      %get3A_399 = arith.constant 1 : i32
      %get3A_400 = arith.index_cast %get3A_398 : i32 to index
      %get3A_401 = arith.index_cast %get3A_399 : i32 to index
      %get3A_402 = arith.constant 16 : index
      %get3A_403 = tpu.vector_load %arg6[%get3A_400, %get3A_401, %get3A_402] {strides = array<i32>} : memref<4x2x32xi32, #tpu.memory_space<vmem>>, vector<16xi32>,
      %sub3A_404 = vector.broadcast %mul3A_0 : i32 to vector<16xi32>
      %sub3A_405 = arith.subi %get3A_403, %sub3A_404 : vector<16xi32>
      %ge3A_406 = arith.constant 0 : i32
      %ge3A_407 = vector.broadcast %ge3A_406 : i32 to vector<16xi32>
      %ge3A_408 = arith.cmpi sge, %sub3A_405, %ge3A_407 : vector<16xi32>
      %lt3A_409 = arith.constant 5120 : i32
      %lt3A_410 = vector.broadcast %lt3A_409 : i32 to vector<16xi32>
      %lt3A_411 = arith.cmpi slt, %sub3A_405, %lt3A_410 : vector<16xi32>
      %and3A_412 = arith.andi %ge3A_408, %lt3A_411 : vector<16xi1>
      %jit3A_413 = arith.constant 5120 : i32
      %broadcast_in_dim3A_414 = vector.broadcast %jit3A_413 : i32 to vector<16xi32>
      %select_n3A_415 = arith.select %and3A_412, %sub3A_405, %broadcast_in_dim3A_414 : vector<16xi1>, vector<16xi32>
      %swap3A_416 = arith.constant 3 : i32
      %swap3A_417 = arith.index_cast %swap3A_416 : i32 to index
      %swap3A_418 = arith.constant 16 : index
      %swap3A_419 = tpu.vector_load %arg7[%swap3A_417, %swap3A_418] {strides = array<i32>} : memref<4x32xi32, #tpu.memory_space<vmem>>, vector<16xi32>,
      tpu.vector_store %arg7[%swap3A_417, %swap3A_418], %select_n3A_415 {strides = array<i32>} : memref<4x32xi32, #tpu.memory_space<vmem>>, vector<16xi32>,
      %dma_start3A_420 = arith.constant 3 : i32
      %dma_start3A_421 = arith.constant 0 : i32
      %dma_start3A_422 = arith.constant 0 : i32
      %dma_start3A_423 = tpu.memref_slice %arg6[%dma_start3A_420, %dma_start3A_421, %dma_start3A_422] : memref<4x2x32xi32, #tpu.memory_space<vmem>> -> memref<1x1x32xi32, #tpu.memory_space<vmem>>
      %dma_start3A_424 = tpu.memref_squeeze %dma_start3A_423 : memref<1x1x32xi32, #tpu.memory_space<vmem>> -> memref<32xi32, #tpu.memory_space<vmem>>
      %dma_start3A_425 = arith.constant 0 : i32
      %dma_start3A_426 = arith.constant 0 : i32
      %dma_start3A_427 = tpu.memref_slice %arg10[%dma_start3A_425, %dma_start3A_426] : memref<10016x128xf32, #tpu.memory_space<vmem_shared>> -> memref<10016x128xf32, #tpu.memory_space<vmem_shared>>
      tpu.enqueue_indirect_dma source(%dma_start3A_427 : memref<10016x128xf32, #tpu.memory_space<vmem_shared>>) target(%arg9 : memref<32x128xf32, #tpu.memory_space<vmem>>) offsets(%dma_start3A_424 : memref<32xi32, #tpu.memory_space<vmem>>) semaphore(%arg17 : memref<!tpu.dma_semaphore, #tpu.memory_space<semaphore_mem>>)
      %dma_wait3A_428 = arith.constant 2 : i32
      %dma_wait3A_429 = arith.constant 0 : i32
      %dma_wait3A_430 = arith.constant 0 : i32
      %dma_wait3A_431 = tpu.memref_slice %arg6[%dma_wait3A_428, %dma_wait3A_429, %dma_wait3A_430] : memref<4x2x32xi32, #tpu.memory_space<vmem>> -> memref<1x1x32xi32, #tpu.memory_space<vmem>>
      %dma_wait3A_432 = tpu.memref_squeeze %dma_wait3A_431 : memref<1x1x32xi32, #tpu.memory_space<vmem>> -> memref<32xi32, #tpu.memory_space<vmem>>
      %dma_wait3A_433 = arith.constant 0 : i32
      %dma_wait3A_434 = arith.constant 0 : i32
      %dma_wait3A_435 = tpu.memref_slice %arg10[%dma_wait3A_433, %dma_wait3A_434] : memref<10016x128xf32, #tpu.memory_space<vmem_shared>> -> memref<10016x128xf32, #tpu.memory_space<vmem_shared>>
      tpu.wait_indirect_dma semaphore(%arg16 : memref<!tpu.dma_semaphore, #tpu.memory_space<semaphore_mem>>) src(%dma_wait3A_435 : memref<10016x128xf32, #tpu.memory_space<vmem_shared>>) dst(%arg8 : memref<32x128xf32, #tpu.memory_space<vmem>>)
      %dma_start3A_436 = arith.constant 2 : i32
      %dma_start3A_437 = arith.constant 0 : i32
      %dma_start3A_438 = tpu.memref_slice %arg7[%dma_start3A_436, %dma_start3A_437] : memref<4x32xi32, #tpu.memory_space<vmem>> -> memref<1x32xi32, #tpu.memory_space<vmem>>
      %dma_start3A_439 = tpu.memref_squeeze %dma_start3A_438 : memref<1x32xi32, #tpu.memory_space<vmem>> -> memref<32xi32, #tpu.memory_space<vmem>>
      %dma_start3A_440 = arith.constant 0 : i32
      %dma_start3A_441 = arith.constant 0 : i32
      %dma_start3A_442 = tpu.memref_slice %arg11[%dma_start3A_440, %dma_start3A_441] : memref<5128x128xf32, #tpu.memory_space<vmem_shared>> -> memref<5128x128xf32, #tpu.memory_space<vmem_shared>>
      tpu.enqueue_indirect_dma source(%arg8 : memref<32x128xf32, #tpu.memory_space<vmem>>) target(%dma_start3A_442 : memref<5128x128xf32, #tpu.memory_space<vmem_shared>>) offsets(%dma_start3A_439 : memref<32xi32, #tpu.memory_space<vmem>>) semaphore(%arg18 : memref<!tpu.dma_semaphore, #tpu.memory_space<semaphore_mem>>) {add = true}
      %dma_wait3A_443 = arith.constant 3 : i32
      %dma_wait3A_444 = arith.constant 0 : i32
      %dma_wait3A_445 = arith.constant 0 : i32
      %dma_wait3A_446 = tpu.memref_slice %arg6[%dma_wait3A_443, %dma_wait3A_444, %dma_wait3A_445] : memref<4x2x32xi32, #tpu.memory_space<vmem>> -> memref<1x1x32xi32, #tpu.memory_space<vmem>>
      %dma_wait3A_447 = tpu.memref_squeeze %dma_wait3A_446 : memref<1x1x32xi32, #tpu.memory_space<vmem>> -> memref<32xi32, #tpu.memory_space<vmem>>
      %dma_wait3A_448 = arith.constant 0 : i32
      %dma_wait3A_449 = arith.constant 0 : i32
      %dma_wait3A_450 = tpu.memref_slice %arg10[%dma_wait3A_448, %dma_wait3A_449] : memref<10016x128xf32, #tpu.memory_space<vmem_shared>> -> memref<10016x128xf32, #tpu.memory_space<vmem_shared>>
      tpu.wait_indirect_dma semaphore(%arg17 : memref<!tpu.dma_semaphore, #tpu.memory_space<semaphore_mem>>) src(%dma_wait3A_450 : memref<10016x128xf32, #tpu.memory_space<vmem_shared>>) dst(%arg9 : memref<32x128xf32, #tpu.memory_space<vmem>>)
      %dma_start3A_451 = arith.constant 3 : i32
      %dma_start3A_452 = arith.constant 0 : i32
      %dma_start3A_453 = tpu.memref_slice %arg7[%dma_start3A_451, %dma_start3A_452] : memref<4x32xi32, #tpu.memory_space<vmem>> -> memref<1x32xi32, #tpu.memory_space<vmem>>
      %dma_start3A_454 = tpu.memref_squeeze %dma_start3A_453 : memref<1x32xi32, #tpu.memory_space<vmem>> -> memref<32xi32, #tpu.memory_space<vmem>>
      %dma_start3A_455 = arith.constant 0 : i32
      %dma_start3A_456 = arith.constant 0 : i32
      %dma_start3A_457 = tpu.memref_slice %arg11[%dma_start3A_455, %dma_start3A_456] : memref<5128x128xf32, #tpu.memory_space<vmem_shared>> -> memref<5128x128xf32, #tpu.memory_space<vmem_shared>>
      tpu.enqueue_indirect_dma source(%arg9 : memref<32x128xf32, #tpu.memory_space<vmem>>) target(%dma_start3A_457 : memref<5128x128xf32, #tpu.memory_space<vmem_shared>>) offsets(%dma_start3A_454 : memref<32xi32, #tpu.memory_space<vmem>>) semaphore(%arg19 : memref<!tpu.dma_semaphore, #tpu.memory_space<semaphore_mem>>) {add = true}
      %dma_wait3A_458 = arith.constant 2 : i32
      %dma_wait3A_459 = arith.constant 0 : i32
      %dma_wait3A_460 = tpu.memref_slice %arg7[%dma_wait3A_458, %dma_wait3A_459] : memref<4x32xi32, #tpu.memory_space<vmem>> -> memref<1x32xi32, #tpu.memory_space<vmem>>
      %dma_wait3A_461 = tpu.memref_squeeze %dma_wait3A_460 : memref<1x32xi32, #tpu.memory_space<vmem>> -> memref<32xi32, #tpu.memory_space<vmem>>
      %dma_wait3A_462 = arith.constant 0 : i32
      %dma_wait3A_463 = arith.constant 0 : i32
      %dma_wait3A_464 = tpu.memref_slice %arg11[%dma_wait3A_462, %dma_wait3A_463] : memref<5128x128xf32, #tpu.memory_space<vmem_shared>> -> memref<5128x128xf32, #tpu.memory_space<vmem_shared>>
      tpu.wait_indirect_dma semaphore(%arg18 : memref<!tpu.dma_semaphore, #tpu.memory_space<semaphore_mem>>) src(%arg8 : memref<32x128xf32, #tpu.memory_space<vmem>>) dst(%dma_wait3A_464 : memref<5128x128xf32, #tpu.memory_space<vmem_shared>>)
      %lt3A_465 = arith.constant 159 : i32
      %lt3A_466 = arith.cmpi slt, %scan3A_99, %lt3A_465 : i32
      %convert_element_type3A_467 = arith.extui %lt3A_466 : i1 to i32
      %cond3A_468 = arith.constant 0 : i32
      %cond3A_469 = arith.cmpi ne, %convert_element_type3A_467, %cond3A_468 : i32
      scf.if %cond3A_469 {
        %add3A = arith.constant 6 : i32
        %add3A_483 = arith.addi %mul3A_102, %add3A : i32
        %dma_start3A_484 = arith.constant 2 : i32
        %dma_start3A_485 = arith.constant 0 : i32
        %dma_start3A_486 = arith.constant 0 : i32
        %dma_start3A_487 = tpu.memref_slice %arg6[%dma_start3A_484, %dma_start3A_485, %dma_start3A_486] : memref<4x2x32xi32, #tpu.memory_space<vmem>> -> memref<1x2x32xi32, #tpu.memory_space<vmem>>
        %dma_start3A_488 = tpu.memref_squeeze %dma_start3A_487 : memref<1x2x32xi32, #tpu.memory_space<vmem>> -> memref<2x32xi32, #tpu.memory_space<vmem>>
        %dma_start3A_489 = arith.constant 0 : i32
        %dma_start3A_490 = arith.constant 0 : i32
        %dma_start3A_491 = tpu.memref_slice %arg3[%arg1, %add3A_483, %dma_start3A_489, %dma_start3A_490] : memref<16x640x2x32xi32, #tpu.memory_space<hbm>> -> memref<1x1x2x32xi32, #tpu.memory_space<hbm>>
        %dma_start3A_492 = tpu.memref_squeeze %dma_start3A_491 : memref<1x1x2x32xi32, #tpu.memory_space<hbm>> -> memref<2x32xi32, #tpu.memory_space<hbm>>
        %dma_start3A_493 = arith.constant 0 : i32
        %dma_start3A_494 = arith.constant 0 : i32
        %dma_start3A_495 = tpu.memref_slice %arg6[%dma_start3A_484, %dma_start3A_493, %dma_start3A_494] : memref<4x2x32xi32, #tpu.memory_space<vmem>> -> memref<1x2x32xi32, #tpu.memory_space<vmem>>
        %dma_start3A_496 = tpu.memref_squeeze %dma_start3A_495 : memref<1x2x32xi32, #tpu.memory_space<vmem>> -> memref<2x32xi32, #tpu.memory_space<vmem>>
        %dma_start3A_497 = arith.constant 0 : i32
        %dma_start3A_498 = arith.constant 0 : i32
        %dma_start3A_499 = tpu.memref_slice %arg3[%arg1, %add3A_483, %dma_start3A_497, %dma_start3A_498] : memref<16x640x2x32xi32, #tpu.memory_space<hbm>> -> memref<1x1x2x32xi32, #tpu.memory_space<hbm>>
        %dma_start3A_500 = tpu.memref_squeeze %dma_start3A_499 : memref<1x1x2x32xi32, #tpu.memory_space<hbm>> -> memref<2x32xi32, #tpu.memory_space<hbm>>
        tpu.enqueue_dma source(%dma_start3A_500 : memref<2x32xi32, #tpu.memory_space<hbm>>) target(%dma_start3A_496 : memref<2x32xi32, #tpu.memory_space<vmem>>) target_semaphore(%arg14 : memref<!tpu.dma_semaphore, #tpu.memory_space<semaphore_mem>>)
      } else {
      }
      %dma_wait3A_470 = arith.constant 3 : i32
      %dma_wait3A_471 = arith.constant 0 : i32
      %dma_wait3A_472 = tpu.memref_slice %arg7[%dma_wait3A_470, %dma_wait3A_471] : memref<4x32xi32, #tpu.memory_space<vmem>> -> memref<1x32xi32, #tpu.memory_space<vmem>>
      %dma_wait3A_473 = tpu.memref_squeeze %dma_wait3A_472 : memref<1x32xi32, #tpu.memory_space<vmem>> -> memref<32xi32, #tpu.memory_space<vmem>>
      %dma_wait3A_474 = arith.constant 0 : i32
      %dma_wait3A_475 = arith.constant 0 : i32
      %dma_wait3A_476 = tpu.memref_slice %arg11[%dma_wait3A_474, %dma_wait3A_475] : memref<5128x128xf32, #tpu.memory_space<vmem_shared>> -> memref<5128x128xf32, #tpu.memory_space<vmem_shared>>
      tpu.wait_indirect_dma semaphore(%arg19 : memref<!tpu.dma_semaphore, #tpu.memory_space<semaphore_mem>>) src(%arg9 : memref<32x128xf32, #tpu.memory_space<vmem>>) dst(%dma_wait3A_476 : memref<5128x128xf32, #tpu.memory_space<vmem_shared>>)
      %lt3A_477 = arith.constant 159 : i32
      %lt3A_478 = arith.cmpi slt, %scan3A_99, %lt3A_477 : i32
      %convert_element_type3A_479 = arith.extui %lt3A_478 : i1 to i32
      %cond3A_480 = arith.constant 0 : i32
      %cond3A_481 = arith.cmpi ne, %convert_element_type3A_479, %cond3A_480 : i32
      scf.if %cond3A_481 {
        %add3A = arith.constant 7 : i32
        %add3A_483 = arith.addi %mul3A_102, %add3A : i32
        %dma_start3A_484 = arith.constant 3 : i32
        %dma_start3A_485 = arith.constant 0 : i32
        %dma_start3A_486 = arith.constant 0 : i32
        %dma_start3A_487 = tpu.memref_slice %arg6[%dma_start3A_484, %dma_start3A_485, %dma_start3A_486] : memref<4x2x32xi32, #tpu.memory_space<vmem>> -> memref<1x2x32xi32, #tpu.memory_space<vmem>>
        %dma_start3A_488 = tpu.memref_squeeze %dma_start3A_487 : memref<1x2x32xi32, #tpu.memory_space<vmem>> -> memref<2x32xi32, #tpu.memory_space<vmem>>
        %dma_start3A_489 = arith.constant 0 : i32
        %dma_start3A_490 = arith.constant 0 : i32
        %dma_start3A_491 = tpu.memref_slice %arg3[%arg1, %add3A_483, %dma_start3A_489, %dma_start3A_490] : memref<16x640x2x32xi32, #tpu.memory_space<hbm>> -> memref<1x1x2x32xi32, #tpu.memory_space<hbm>>
        %dma_start3A_492 = tpu.memref_squeeze %dma_start3A_491 : memref<1x1x2x32xi32, #tpu.memory_space<hbm>> -> memref<2x32xi32, #tpu.memory_space<hbm>>
        %dma_start3A_493 = arith.constant 0 : i32
        %dma_start3A_494 = arith.constant 0 : i32
        %dma_start3A_495 = tpu.memref_slice %arg6[%dma_start3A_484, %dma_start3A_493, %dma_start3A_494] : memref<4x2x32xi32, #tpu.memory_space<vmem>> -> memref<1x2x32xi32, #tpu.memory_space<vmem>>
        %dma_start3A_496 = tpu.memref_squeeze %dma_start3A_495 : memref<1x2x32xi32, #tpu.memory_space<vmem>> -> memref<2x32xi32, #tpu.memory_space<vmem>>
        %dma_start3A_497 = arith.constant 0 : i32
        %dma_start3A_498 = arith.constant 0 : i32
        %dma_start3A_499 = tpu.memref_slice %arg3[%arg1, %add3A_483, %dma_start3A_497, %dma_start3A_498] : memref<16x640x2x32xi32, #tpu.memory_space<hbm>> -> memref<1x1x2x32xi32, #tpu.memory_space<hbm>>
        %dma_start3A_500 = tpu.memref_squeeze %dma_start3A_499 : memref<1x1x2x32xi32, #tpu.memory_space<hbm>> -> memref<2x32xi32, #tpu.memory_space<hbm>>
        tpu.enqueue_dma source(%dma_start3A_500 : memref<2x32xi32, #tpu.memory_space<hbm>>) target(%dma_start3A_496 : memref<2x32xi32, #tpu.memory_space<vmem>>) target_semaphore(%arg15 : memref<!tpu.dma_semaphore, #tpu.memory_space<semaphore_mem>>)
      } else {
      }
      %scan3A_482 = arith.constant 0 : i32
      scf.yield %scan3A_482 : i32
    }
    %scan3A_90 = arith.constant 160 : i32
    %barrier3A_91 = arith.constant 0 : index
    tpu.barrier barrier_id(%barrier3A_91)
    %scan3A_92 = arith.constant 0 : i32
    %scan3A_93 = arith.constant 0 : i32
    %scan3A_94 = arith.constant 10 : i32
    %scan3A_95 = arith.addi %scan3A_93, %scan3A_94 : i32
    %scan3A_96 = arith.constant 1 : i32
    %scan3A_97 = scf.for %scan3A_99 = %scan3A_93 to %scan3A_95 step %scan3A_96 iter_args(%scan3A_100 = %scan3A_92) -> (i32)  : i32 {
      %mul3A_101 = arith.constant 32 : i32
      %mul3A_102 = arith.muli %scan3A_99, %mul3A_101 : i32
      %mul3A_103 = arith.constant 320 : i32
      %mul3A_104 = arith.muli %arg1, %mul3A_103 : i32
      %add3A = arith.addi %mul3A_104, %mul3A_102 : i32
      "tpu.region"() ({
        %run_scoped3A = tpu.sem_alloc : memref<!tpu.dma_semaphore, #tpu.memory_space<semaphore_mem>>
        %dma_start3A_111 = arith.constant 0 : i32
        %dma_start3A_112 = arith.constant 0 : i32
        %dma_start3A_113 = tpu.memref_slice %arg8[%dma_start3A_111, %dma_start3A_112] : memref<32x128xf32, #tpu.memory_space<vmem>> -> memref<32x128xf32, #tpu.memory_space<vmem>>
        %dma_start3A_114 = arith.constant 0 : i32
        %dma_start3A_115 = tpu.memref_slice %arg11[%add3A, %dma_start3A_114] : memref<5128x128xf32, #tpu.memory_space<vmem_shared>> -> memref<32x128xf32, #tpu.memory_space<vmem_shared>>
        %dma_start3A_116 = arith.constant 0 : i32
        %dma_start3A_117 = arith.constant 0 : i32
        %dma_start3A_118 = tpu.memref_slice %arg8[%dma_start3A_116, %dma_start3A_117] : memref<32x128xf32, #tpu.memory_space<vmem>> -> memref<32x128xf32, #tpu.memory_space<vmem>>
        %dma_start3A_119 = arith.constant 0 : i32
        %dma_start3A_120 = tpu.memref_slice %arg11[%add3A, %dma_start3A_119] : memref<5128x128xf32, #tpu.memory_space<vmem_shared>> -> memref<32x128xf32, #tpu.memory_space<vmem_shared>>
        tpu.enqueue_dma source(%dma_start3A_120 : memref<32x128xf32, #tpu.memory_space<vmem_shared>>) target(%dma_start3A_118 : memref<32x128xf32, #tpu.memory_space<vmem>>) target_semaphore(%run_scoped3A : memref<!tpu.dma_semaphore, #tpu.memory_space<semaphore_mem>>)
        %dma_wait3A = arith.constant 0 : i32
        %dma_wait3A_121 = arith.constant 0 : i32
        %dma_wait3A_122 = tpu.memref_slice %arg8[%dma_wait3A, %dma_wait3A_121] : memref<32x128xf32, #tpu.memory_space<vmem>> -> memref<32x128xf32, #tpu.memory_space<vmem>>
        %dma_wait3A_123 = arith.constant 0 : i32
        %dma_wait3A_124 = tpu.memref_slice %arg11[%add3A, %dma_wait3A_123] : memref<5128x128xf32, #tpu.memory_space<vmem_shared>> -> memref<32x128xf32, #tpu.memory_space<vmem_shared>>
        %dma_wait3A_125 = arith.constant 0 : i32
        %dma_wait3A_126 = arith.constant 0 : i32
        %dma_wait3A_127 = tpu.memref_slice %arg8[%dma_wait3A_125, %dma_wait3A_126] : memref<32x128xf32, #tpu.memory_space<vmem>> -> memref<32x128xf32, #tpu.memory_space<vmem>>
        %dma_wait3A_128 = arith.constant 0 : i32
        %dma_wait3A_129 = tpu.memref_slice %arg11[%add3A, %dma_wait3A_128] : memref<5128x128xf32, #tpu.memory_space<vmem_shared>> -> memref<32x128xf32, #tpu.memory_space<vmem_shared>>
        tpu.wait_dma2 semaphore(%run_scoped3A : memref<!tpu.dma_semaphore, #tpu.memory_space<semaphore_mem>>) src(%dma_wait3A_129 : memref<32x128xf32, #tpu.memory_space<vmem_shared>>) dst(%dma_wait3A_127 : memref<32x128xf32, #tpu.memory_space<vmem>>)
        tpu.yield
      }) : () -> ()
      %mul3A_105 = arith.constant 32 : i32
      %mul3A_106 = arith.muli %scan3A_99, %mul3A_105 : i32
      %mul3A_107 = arith.constant 320 : i32
      %mul3A_108 = arith.muli %arg1, %mul3A_107 : i32
      %add3A_109 = arith.addi %mul3A_108, %mul3A_106 : i32
      "tpu.region"() ({
        %run_scoped3A = tpu.sem_alloc : memref<!tpu.dma_semaphore, #tpu.memory_space<semaphore_mem>>
        %dma_start3A_111 = arith.constant 0 : i32
        %dma_start3A_112 = arith.constant 0 : i32
        %dma_start3A_113 = tpu.memref_slice %arg8[%dma_start3A_111, %dma_start3A_112] : memref<32x128xf32, #tpu.memory_space<vmem>> -> memref<32x128xf32, #tpu.memory_space<vmem>>
        %dma_start3A_114 = arith.constant 0 : i32
        %dma_start3A_115 = tpu.memref_slice %arg5[%arg0, %add3A_109, %dma_start3A_114] : memref<2x5120x128xf32, #tpu.memory_space<hbm>> -> memref<1x32x128xf32, #tpu.memory_space<hbm>>
        %dma_start3A_116 = tpu.memref_squeeze %dma_start3A_115 : memref<1x32x128xf32, #tpu.memory_space<hbm>> -> memref<32x128xf32, #tpu.memory_space<hbm>>
        %dma_start3A_117 = arith.constant 0 : i32
        %dma_start3A_118 = tpu.memref_slice %arg5[%arg0, %add3A_109, %dma_start3A_117] : memref<2x5120x128xf32, #tpu.memory_space<hbm>> -> memref<1x32x128xf32, #tpu.memory_space<hbm>>
        %dma_start3A_119 = tpu.memref_squeeze %dma_start3A_118 : memref<1x32x128xf32, #tpu.memory_space<hbm>> -> memref<32x128xf32, #tpu.memory_space<hbm>>
        %dma_start3A_120 = arith.constant 0 : i32
        %dma_start3A_121 = arith.constant 0 : i32
        %dma_start3A_122 = tpu.memref_slice %arg8[%dma_start3A_120, %dma_start3A_121] : memref<32x128xf32, #tpu.memory_space<vmem>> -> memref<32x128xf32, #tpu.memory_space<vmem>>
        tpu.enqueue_dma source(%dma_start3A_122 : memref<32x128xf32, #tpu.memory_space<vmem>>) target(%dma_start3A_119 : memref<32x128xf32, #tpu.memory_space<hbm>>) target_semaphore(%run_scoped3A : memref<!tpu.dma_semaphore, #tpu.memory_space<semaphore_mem>>)
        %dma_wait3A = arith.constant 0 : i32
        %dma_wait3A_123 = arith.constant 0 : i32
        %dma_wait3A_124 = tpu.memref_slice %arg8[%dma_wait3A, %dma_wait3A_123] : memref<32x128xf32, #tpu.memory_space<vmem>> -> memref<32x128xf32, #tpu.memory_space<vmem>>
        %dma_wait3A_125 = arith.constant 0 : i32
        %dma_wait3A_126 = tpu.memref_slice %arg5[%arg0, %add3A_109, %dma_wait3A_125] : memref<2x5120x128xf32, #tpu.memory_space<hbm>> -> memref<1x32x128xf32, #tpu.memory_space<hbm>>
        %dma_wait3A_127 = tpu.memref_squeeze %dma_wait3A_126 : memref<1x32x128xf32, #tpu.memory_space<hbm>> -> memref<32x128xf32, #tpu.memory_space<hbm>>
        %dma_wait3A_128 = arith.constant 0 : i32
        %dma_wait3A_129 = tpu.memref_slice %arg5[%arg0, %add3A_109, %dma_wait3A_128] : memref<2x5120x128xf32, #tpu.memory_space<hbm>> -> memref<1x32x128xf32, #tpu.memory_space<hbm>>
        %dma_wait3A_130 = tpu.memref_squeeze %dma_wait3A_129 : memref<1x32x128xf32, #tpu.memory_space<hbm>> -> memref<32x128xf32, #tpu.memory_space<hbm>>
        %dma_wait3A_131 = arith.constant 0 : i32
        %dma_wait3A_132 = arith.constant 0 : i32
        %dma_wait3A_133 = tpu.memref_slice %arg8[%dma_wait3A_131, %dma_wait3A_132] : memref<32x128xf32, #tpu.memory_space<vmem>> -> memref<32x128xf32, #tpu.memory_space<vmem>>
        tpu.wait_dma2 semaphore(%run_scoped3A : memref<!tpu.dma_semaphore, #tpu.memory_space<semaphore_mem>>) src(%dma_wait3A_133 : memref<32x128xf32, #tpu.memory_space<vmem>>) dst(%dma_wait3A_130 : memref<32x128xf32, #tpu.memory_space<hbm>>)
        tpu.yield
      }) : () -> ()
      %scan3A_110 = arith.constant 0 : i32
      scf.yield %scan3A_110 : i32
    }
    %scan3A_98 = arith.constant 10 : i32
    return
  }
}

#map = affine_map<(d0, d1) -> (0, 0)>
module attributes {stable_mosaic.version = 14 : i64} {
  func.func @_sc_degrees(%arg0: i32, %arg1: i32, %arg2: memref<32x10240xi32, #tpu.memory_space<hbm>>, %arg3: memref<32x10240xi32, #tpu.memory_space<hbm>>, %arg4: memref<32x10240xf32, #tpu.memory_space<hbm>>, %arg5: memref<32x10240xf32, #tpu.memory_space<hbm>>, %arg6: memref<10240xi32, #tpu.memory_space<vmem>>, %arg7: memref<10240xf32, #tpu.memory_space<vmem>>, %arg8: memref<10240xf32, #tpu.memory_space<vmem>>) attributes {dimension_semantics = [#tpu.dimension_semantics<core_parallel>, #tpu.dimension_semantics<subcore_parallel>], iteration_bounds = array<i64: 2, 16>, scalar_prefetch = 0 : i64, scratch_operands = 3 : i64, tpu.core_type = #tpu.core_type<sc_vector_subcore>, window_params = [{transform_indices = #map}, {transform_indices = #map}, {transform_indices = #map}, {transform_indices = #map}]} {
    %mul3A = arith.constant 2 : i32
    %mul3A_0 = arith.muli %arg1, %mul3A : i32
    %add3A = arith.addi %mul3A_0, %arg0 : i32
    %broadcast_in_dim3A = arith.constant 0.000000e+00 : f32
    %broadcast_in_dim3A_1 = vector.broadcast %broadcast_in_dim3A : f32 to vector<16xf32>
    %broadcast_in_dim3A_2 = arith.constant 1.000000e+00 : f32
    %broadcast_in_dim3A_3 = vector.broadcast %broadcast_in_dim3A_2 : f32 to vector<16xf32>
    %scan3A = arith.constant 0 : i32
    %scan3A_4 = arith.constant 0 : i32
    %scan3A_5 = arith.constant 640 : i32
    %scan3A_6 = arith.addi %scan3A_4, %scan3A_5 : i32
    %scan3A_7 = arith.constant 1 : i32
    %scan3A_8 = scf.for %scan3A_24 = %scan3A_4 to %scan3A_6 step %scan3A_7 iter_args(%scan3A_25 = %scan3A) -> (i32)  : i32 {
      %mul3A_26 = arith.constant 16 : i32
      %mul3A_27 = arith.muli %scan3A_24, %mul3A_26 : i32
      %swap3A = arith.index_cast %mul3A_27 : i32 to index
      %swap3A_28 = tpu.vector_load %arg7[%swap3A] {strides = array<i32>} : memref<10240xf32, #tpu.memory_space<vmem>>, vector<16xf32>,
      tpu.vector_store %arg7[%swap3A], %broadcast_in_dim3A_1 {strides = array<i32>} : memref<10240xf32, #tpu.memory_space<vmem>>, vector<16xf32>,
      %mul3A_29 = arith.constant 16 : i32
      %mul3A_30 = arith.muli %scan3A_24, %mul3A_29 : i32
      %swap3A_31 = arith.index_cast %mul3A_30 : i32 to index
      %swap3A_32 = tpu.vector_load %arg8[%swap3A_31] {strides = array<i32>} : memref<10240xf32, #tpu.memory_space<vmem>>, vector<16xf32>,
      tpu.vector_store %arg8[%swap3A_31], %broadcast_in_dim3A_1 {strides = array<i32>} : memref<10240xf32, #tpu.memory_space<vmem>>, vector<16xf32>,
      %scan3A_33 = arith.constant 0 : i32
      scf.yield %scan3A_33 : i32
    }
    %scan3A_9 = arith.constant 640 : i32
    "tpu.region"() ({
      %run_scoped3A = tpu.sem_alloc : memref<!tpu.dma_semaphore, #tpu.memory_space<semaphore_mem>>
      %dma_start3A = arith.constant 0 : i32
      %dma_start3A_24 = tpu.memref_slice %arg2[%add3A, %dma_start3A] : memref<32x10240xi32, #tpu.memory_space<hbm>> -> memref<1x10240xi32, #tpu.memory_space<hbm>>
      %dma_start3A_25 = tpu.memref_squeeze %dma_start3A_24 : memref<1x10240xi32, #tpu.memory_space<hbm>> -> memref<10240xi32, #tpu.memory_space<hbm>>
      %dma_start3A_26 = arith.constant 0 : i32
      %dma_start3A_27 = tpu.memref_slice %arg2[%add3A, %dma_start3A_26] : memref<32x10240xi32, #tpu.memory_space<hbm>> -> memref<1x10240xi32, #tpu.memory_space<hbm>>
      %dma_start3A_28 = tpu.memref_squeeze %dma_start3A_27 : memref<1x10240xi32, #tpu.memory_space<hbm>> -> memref<10240xi32, #tpu.memory_space<hbm>>
      tpu.enqueue_dma source(%dma_start3A_28 : memref<10240xi32, #tpu.memory_space<hbm>>) target(%arg6 : memref<10240xi32, #tpu.memory_space<vmem>>) target_semaphore(%run_scoped3A : memref<!tpu.dma_semaphore, #tpu.memory_space<semaphore_mem>>)
      %dma_wait3A = arith.constant 0 : i32
      %dma_wait3A_29 = tpu.memref_slice %arg2[%add3A, %dma_wait3A] : memref<32x10240xi32, #tpu.memory_space<hbm>> -> memref<1x10240xi32, #tpu.memory_space<hbm>>
      %dma_wait3A_30 = tpu.memref_squeeze %dma_wait3A_29 : memref<1x10240xi32, #tpu.memory_space<hbm>> -> memref<10240xi32, #tpu.memory_space<hbm>>
      %dma_wait3A_31 = arith.constant 0 : i32
      %dma_wait3A_32 = tpu.memref_slice %arg2[%add3A, %dma_wait3A_31] : memref<32x10240xi32, #tpu.memory_space<hbm>> -> memref<1x10240xi32, #tpu.memory_space<hbm>>
      %dma_wait3A_33 = tpu.memref_squeeze %dma_wait3A_32 : memref<1x10240xi32, #tpu.memory_space<hbm>> -> memref<10240xi32, #tpu.memory_space<hbm>>
      tpu.wait_dma2 semaphore(%run_scoped3A : memref<!tpu.dma_semaphore, #tpu.memory_space<semaphore_mem>>) src(%dma_wait3A_33 : memref<10240xi32, #tpu.memory_space<hbm>>) dst(%arg6 : memref<10240xi32, #tpu.memory_space<vmem>>)
      tpu.yield
    }) : () -> ()
    %scan3A_10 = arith.constant 0 : i32
    %scan3A_11 = arith.constant 0 : i32
    %scan3A_12 = arith.constant 640 : i32
    %scan3A_13 = arith.addi %scan3A_11, %scan3A_12 : i32
    %scan3A_14 = arith.constant 1 : i32
    %scan3A_15 = scf.for %scan3A_24 = %scan3A_11 to %scan3A_13 step %scan3A_14 iter_args(%scan3A_25 = %scan3A_10) -> (i32)  : i32 {
      %mul3A_26 = arith.constant 16 : i32
      %mul3A_27 = arith.muli %scan3A_24, %mul3A_26 : i32
      %get3A = arith.index_cast %mul3A_27 : i32 to index
      %get3A_28 = tpu.vector_load %arg6[%get3A] {strides = array<i32>} : memref<10240xi32, #tpu.memory_space<vmem>>, vector<16xi32>,
      tpu.vector_store_idx %arg7[%get3A_28], %broadcast_in_dim3A_3 {add = true} : memref<10240xf32, #tpu.memory_space<vmem>>[vector<16xi32>], vector<16xf32>,
      %scan3A_29 = arith.constant 0 : i32
      scf.yield %scan3A_29 : i32
    }
    %scan3A_16 = arith.constant 640 : i32
    "tpu.region"() ({
      %run_scoped3A = tpu.sem_alloc : memref<!tpu.dma_semaphore, #tpu.memory_space<semaphore_mem>>
      %dma_start3A = arith.constant 0 : i32
      %dma_start3A_24 = tpu.memref_slice %arg3[%add3A, %dma_start3A] : memref<32x10240xi32, #tpu.memory_space<hbm>> -> memref<1x10240xi32, #tpu.memory_space<hbm>>
      %dma_start3A_25 = tpu.memref_squeeze %dma_start3A_24 : memref<1x10240xi32, #tpu.memory_space<hbm>> -> memref<10240xi32, #tpu.memory_space<hbm>>
      %dma_start3A_26 = arith.constant 0 : i32
      %dma_start3A_27 = tpu.memref_slice %arg3[%add3A, %dma_start3A_26] : memref<32x10240xi32, #tpu.memory_space<hbm>> -> memref<1x10240xi32, #tpu.memory_space<hbm>>
      %dma_start3A_28 = tpu.memref_squeeze %dma_start3A_27 : memref<1x10240xi32, #tpu.memory_space<hbm>> -> memref<10240xi32, #tpu.memory_space<hbm>>
      tpu.enqueue_dma source(%dma_start3A_28 : memref<10240xi32, #tpu.memory_space<hbm>>) target(%arg6 : memref<10240xi32, #tpu.memory_space<vmem>>) target_semaphore(%run_scoped3A : memref<!tpu.dma_semaphore, #tpu.memory_space<semaphore_mem>>)
      %dma_wait3A = arith.constant 0 : i32
      %dma_wait3A_29 = tpu.memref_slice %arg3[%add3A, %dma_wait3A] : memref<32x10240xi32, #tpu.memory_space<hbm>> -> memref<1x10240xi32, #tpu.memory_space<hbm>>
      %dma_wait3A_30 = tpu.memref_squeeze %dma_wait3A_29 : memref<1x10240xi32, #tpu.memory_space<hbm>> -> memref<10240xi32, #tpu.memory_space<hbm>>
      %dma_wait3A_31 = arith.constant 0 : i32
      %dma_wait3A_32 = tpu.memref_slice %arg3[%add3A, %dma_wait3A_31] : memref<32x10240xi32, #tpu.memory_space<hbm>> -> memref<1x10240xi32, #tpu.memory_space<hbm>>
      %dma_wait3A_33 = tpu.memref_squeeze %dma_wait3A_32 : memref<1x10240xi32, #tpu.memory_space<hbm>> -> memref<10240xi32, #tpu.memory_space<hbm>>
      tpu.wait_dma2 semaphore(%run_scoped3A : memref<!tpu.dma_semaphore, #tpu.memory_space<semaphore_mem>>) src(%dma_wait3A_33 : memref<10240xi32, #tpu.memory_space<hbm>>) dst(%arg6 : memref<10240xi32, #tpu.memory_space<vmem>>)
      tpu.yield
    }) : () -> ()
    %scan3A_17 = arith.constant 0 : i32
    %scan3A_18 = arith.constant 0 : i32
    %scan3A_19 = arith.constant 640 : i32
    %scan3A_20 = arith.addi %scan3A_18, %scan3A_19 : i32
    %scan3A_21 = arith.constant 1 : i32
    %scan3A_22 = scf.for %scan3A_24 = %scan3A_18 to %scan3A_20 step %scan3A_21 iter_args(%scan3A_25 = %scan3A_17) -> (i32)  : i32 {
      %mul3A_26 = arith.constant 16 : i32
      %mul3A_27 = arith.muli %scan3A_24, %mul3A_26 : i32
      %get3A = arith.index_cast %mul3A_27 : i32 to index
      %get3A_28 = tpu.vector_load %arg6[%get3A] {strides = array<i32>} : memref<10240xi32, #tpu.memory_space<vmem>>, vector<16xi32>,
      tpu.vector_store_idx %arg8[%get3A_28], %broadcast_in_dim3A_3 {add = true} : memref<10240xf32, #tpu.memory_space<vmem>>[vector<16xi32>], vector<16xf32>,
      %scan3A_29 = arith.constant 0 : i32
      scf.yield %scan3A_29 : i32
    }
    %scan3A_23 = arith.constant 640 : i32
    "tpu.region"() ({
      %run_scoped3A = tpu.sem_alloc : memref<!tpu.dma_semaphore, #tpu.memory_space<semaphore_mem>>
      %dma_start3A = arith.constant 0 : i32
      %dma_start3A_24 = tpu.memref_slice %arg4[%add3A, %dma_start3A] : memref<32x10240xf32, #tpu.memory_space<hbm>> -> memref<1x10240xf32, #tpu.memory_space<hbm>>
      %dma_start3A_25 = tpu.memref_squeeze %dma_start3A_24 : memref<1x10240xf32, #tpu.memory_space<hbm>> -> memref<10240xf32, #tpu.memory_space<hbm>>
      %dma_start3A_26 = arith.constant 0 : i32
      %dma_start3A_27 = tpu.memref_slice %arg4[%add3A, %dma_start3A_26] : memref<32x10240xf32, #tpu.memory_space<hbm>> -> memref<1x10240xf32, #tpu.memory_space<hbm>>
      %dma_start3A_28 = tpu.memref_squeeze %dma_start3A_27 : memref<1x10240xf32, #tpu.memory_space<hbm>> -> memref<10240xf32, #tpu.memory_space<hbm>>
      tpu.enqueue_dma source(%arg7 : memref<10240xf32, #tpu.memory_space<vmem>>) target(%dma_start3A_28 : memref<10240xf32, #tpu.memory_space<hbm>>) target_semaphore(%run_scoped3A : memref<!tpu.dma_semaphore, #tpu.memory_space<semaphore_mem>>)
      %dma_wait3A = arith.constant 0 : i32
      %dma_wait3A_29 = tpu.memref_slice %arg4[%add3A, %dma_wait3A] : memref<32x10240xf32, #tpu.memory_space<hbm>> -> memref<1x10240xf32, #tpu.memory_space<hbm>>
      %dma_wait3A_30 = tpu.memref_squeeze %dma_wait3A_29 : memref<1x10240xf32, #tpu.memory_space<hbm>> -> memref<10240xf32, #tpu.memory_space<hbm>>
      %dma_wait3A_31 = arith.constant 0 : i32
      %dma_wait3A_32 = tpu.memref_slice %arg4[%add3A, %dma_wait3A_31] : memref<32x10240xf32, #tpu.memory_space<hbm>> -> memref<1x10240xf32, #tpu.memory_space<hbm>>
      %dma_wait3A_33 = tpu.memref_squeeze %dma_wait3A_32 : memref<1x10240xf32, #tpu.memory_space<hbm>> -> memref<10240xf32, #tpu.memory_space<hbm>>
      tpu.wait_dma2 semaphore(%run_scoped3A : memref<!tpu.dma_semaphore, #tpu.memory_space<semaphore_mem>>) src(%arg7 : memref<10240xf32, #tpu.memory_space<vmem>>) dst(%dma_wait3A_33 : memref<10240xf32, #tpu.memory_space<hbm>>)
      tpu.yield
    }) : () -> ()
    "tpu.region"() ({
      %run_scoped3A = tpu.sem_alloc : memref<!tpu.dma_semaphore, #tpu.memory_space<semaphore_mem>>
      %dma_start3A = arith.constant 0 : i32
      %dma_start3A_24 = tpu.memref_slice %arg5[%add3A, %dma_start3A] : memref<32x10240xf32, #tpu.memory_space<hbm>> -> memref<1x10240xf32, #tpu.memory_space<hbm>>
      %dma_start3A_25 = tpu.memref_squeeze %dma_start3A_24 : memref<1x10240xf32, #tpu.memory_space<hbm>> -> memref<10240xf32, #tpu.memory_space<hbm>>
      %dma_start3A_26 = arith.constant 0 : i32
      %dma_start3A_27 = tpu.memref_slice %arg5[%add3A, %dma_start3A_26] : memref<32x10240xf32, #tpu.memory_space<hbm>> -> memref<1x10240xf32, #tpu.memory_space<hbm>>
      %dma_start3A_28 = tpu.memref_squeeze %dma_start3A_27 : memref<1x10240xf32, #tpu.memory_space<hbm>> -> memref<10240xf32, #tpu.memory_space<hbm>>
      tpu.enqueue_dma source(%arg8 : memref<10240xf32, #tpu.memory_space<vmem>>) target(%dma_start3A_28 : memref<10240xf32, #tpu.memory_space<hbm>>) target_semaphore(%run_scoped3A : memref<!tpu.dma_semaphore, #tpu.memory_space<semaphore_mem>>)
      %dma_wait3A = arith.constant 0 : i32
      %dma_wait3A_29 = tpu.memref_slice %arg5[%add3A, %dma_wait3A] : memref<32x10240xf32, #tpu.memory_space<hbm>> -> memref<1x10240xf32, #tpu.memory_space<hbm>>
      %dma_wait3A_30 = tpu.memref_squeeze %dma_wait3A_29 : memref<1x10240xf32, #tpu.memory_space<hbm>> -> memref<10240xf32, #tpu.memory_space<hbm>>
      %dma_wait3A_31 = arith.constant 0 : i32
      %dma_wait3A_32 = tpu.memref_slice %arg5[%add3A, %dma_wait3A_31] : memref<32x10240xf32, #tpu.memory_space<hbm>> -> memref<1x10240xf32, #tpu.memory_space<hbm>>
      %dma_wait3A_33 = tpu.memref_squeeze %dma_wait3A_32 : memref<1x10240xf32, #tpu.memory_space<hbm>> -> memref<10240xf32, #tpu.memory_space<hbm>>
      tpu.wait_dma2 semaphore(%run_scoped3A : memref<!tpu.dma_semaphore, #tpu.memory_space<semaphore_mem>>) src(%arg8 : memref<10240xf32, #tpu.memory_space<vmem>>) dst(%dma_wait3A_33 : memref<10240xf32, #tpu.memory_space<hbm>>)
      tpu.yield
    }) : () -> ()
    return
  }
}

#map = affine_map<(d0, d1) -> (0, 0)>
#map1 = affine_map<(d0, d1) -> (0)>
module attributes {stable_mosaic.version = 14 : i64} {
  func.func @_sc_edge_weights(%arg0: i32, %arg1: i32, %arg2: memref<32x10240xi32, #tpu.memory_space<hbm>>, %arg3: memref<32x10240xi32, #tpu.memory_space<hbm>>, %arg4: memref<10240xf32, #tpu.memory_space<hbm>>, %arg5: memref<32x10240xf32, #tpu.memory_space<hbm>>, %arg6: memref<10240xi32, #tpu.memory_space<vmem>>, %arg7: memref<10240xi32, #tpu.memory_space<vmem>>, %arg8: memref<10240xf32, #tpu.memory_space<vmem>>, %arg9: memref<10240xf32, #tpu.memory_space<vmem>>) attributes {dimension_semantics = [#tpu.dimension_semantics<core_parallel>, #tpu.dimension_semantics<subcore_parallel>], iteration_bounds = array<i64: 2, 16>, scalar_prefetch = 0 : i64, scratch_operands = 4 : i64, tpu.core_type = #tpu.core_type<sc_vector_subcore>, window_params = [{transform_indices = #map}, {transform_indices = #map}, {transform_indices = #map1}, {transform_indices = #map}]} {
    %mul3A = arith.constant 2 : i32
    %mul3A_0 = arith.muli %arg1, %mul3A : i32
    %add3A = arith.addi %mul3A_0, %arg0 : i32
    %broadcast_in_dim3A = arith.constant 0.000000e+00 : f32
    %broadcast_in_dim3A_1 = vector.broadcast %broadcast_in_dim3A : f32 to vector<16xf32>
    %scan3A = arith.constant 0 : i32
    %scan3A_2 = arith.constant 0 : i32
    %scan3A_3 = arith.constant 640 : i32
    %scan3A_4 = arith.addi %scan3A_2, %scan3A_3 : i32
    %scan3A_5 = arith.constant 1 : i32
    %scan3A_6 = scf.for %scan3A_15 = %scan3A_2 to %scan3A_4 step %scan3A_5 iter_args(%scan3A_16 = %scan3A) -> (i32)  : i32 {
      %mul3A_17 = arith.constant 16 : i32
      %mul3A_18 = arith.muli %scan3A_15, %mul3A_17 : i32
      %swap3A = arith.index_cast %mul3A_18 : i32 to index
      %swap3A_19 = tpu.vector_load %arg9[%swap3A] {strides = array<i32>} : memref<10240xf32, #tpu.memory_space<vmem>>, vector<16xf32>,
      tpu.vector_store %arg9[%swap3A], %broadcast_in_dim3A_1 {strides = array<i32>} : memref<10240xf32, #tpu.memory_space<vmem>>, vector<16xf32>,
      %scan3A_20 = arith.constant 0 : i32
      scf.yield %scan3A_20 : i32
    }
    %scan3A_7 = arith.constant 640 : i32
    "tpu.region"() ({
      %run_scoped3A = tpu.sem_alloc : memref<!tpu.dma_semaphore, #tpu.memory_space<semaphore_mem>>
      %dma_start3A = arith.constant 0 : i32
      %dma_start3A_15 = tpu.memref_slice %arg2[%add3A, %dma_start3A] : memref<32x10240xi32, #tpu.memory_space<hbm>> -> memref<1x10240xi32, #tpu.memory_space<hbm>>
      %dma_start3A_16 = tpu.memref_squeeze %dma_start3A_15 : memref<1x10240xi32, #tpu.memory_space<hbm>> -> memref<10240xi32, #tpu.memory_space<hbm>>
      %dma_start3A_17 = arith.constant 0 : i32
      %dma_start3A_18 = tpu.memref_slice %arg2[%add3A, %dma_start3A_17] : memref<32x10240xi32, #tpu.memory_space<hbm>> -> memref<1x10240xi32, #tpu.memory_space<hbm>>
      %dma_start3A_19 = tpu.memref_squeeze %dma_start3A_18 : memref<1x10240xi32, #tpu.memory_space<hbm>> -> memref<10240xi32, #tpu.memory_space<hbm>>
      tpu.enqueue_dma source(%dma_start3A_19 : memref<10240xi32, #tpu.memory_space<hbm>>) target(%arg6 : memref<10240xi32, #tpu.memory_space<vmem>>) target_semaphore(%run_scoped3A : memref<!tpu.dma_semaphore, #tpu.memory_space<semaphore_mem>>)
      %dma_wait3A = arith.constant 0 : i32
      %dma_wait3A_20 = tpu.memref_slice %arg2[%add3A, %dma_wait3A] : memref<32x10240xi32, #tpu.memory_space<hbm>> -> memref<1x10240xi32, #tpu.memory_space<hbm>>
      %dma_wait3A_21 = tpu.memref_squeeze %dma_wait3A_20 : memref<1x10240xi32, #tpu.memory_space<hbm>> -> memref<10240xi32, #tpu.memory_space<hbm>>
      %dma_wait3A_22 = arith.constant 0 : i32
      %dma_wait3A_23 = tpu.memref_slice %arg2[%add3A, %dma_wait3A_22] : memref<32x10240xi32, #tpu.memory_space<hbm>> -> memref<1x10240xi32, #tpu.memory_space<hbm>>
      %dma_wait3A_24 = tpu.memref_squeeze %dma_wait3A_23 : memref<1x10240xi32, #tpu.memory_space<hbm>> -> memref<10240xi32, #tpu.memory_space<hbm>>
      tpu.wait_dma2 semaphore(%run_scoped3A : memref<!tpu.dma_semaphore, #tpu.memory_space<semaphore_mem>>) src(%dma_wait3A_24 : memref<10240xi32, #tpu.memory_space<hbm>>) dst(%arg6 : memref<10240xi32, #tpu.memory_space<vmem>>)
      tpu.yield
    }) : () -> ()
    "tpu.region"() ({
      %run_scoped3A = tpu.sem_alloc : memref<!tpu.dma_semaphore, #tpu.memory_space<semaphore_mem>>
      %dma_start3A = arith.constant 0 : i32
      %dma_start3A_15 = tpu.memref_slice %arg3[%add3A, %dma_start3A] : memref<32x10240xi32, #tpu.memory_space<hbm>> -> memref<1x10240xi32, #tpu.memory_space<hbm>>
      %dma_start3A_16 = tpu.memref_squeeze %dma_start3A_15 : memref<1x10240xi32, #tpu.memory_space<hbm>> -> memref<10240xi32, #tpu.memory_space<hbm>>
      %dma_start3A_17 = arith.constant 0 : i32
      %dma_start3A_18 = tpu.memref_slice %arg3[%add3A, %dma_start3A_17] : memref<32x10240xi32, #tpu.memory_space<hbm>> -> memref<1x10240xi32, #tpu.memory_space<hbm>>
      %dma_start3A_19 = tpu.memref_squeeze %dma_start3A_18 : memref<1x10240xi32, #tpu.memory_space<hbm>> -> memref<10240xi32, #tpu.memory_space<hbm>>
      tpu.enqueue_dma source(%dma_start3A_19 : memref<10240xi32, #tpu.memory_space<hbm>>) target(%arg7 : memref<10240xi32, #tpu.memory_space<vmem>>) target_semaphore(%run_scoped3A : memref<!tpu.dma_semaphore, #tpu.memory_space<semaphore_mem>>)
      %dma_wait3A = arith.constant 0 : i32
      %dma_wait3A_20 = tpu.memref_slice %arg3[%add3A, %dma_wait3A] : memref<32x10240xi32, #tpu.memory_space<hbm>> -> memref<1x10240xi32, #tpu.memory_space<hbm>>
      %dma_wait3A_21 = tpu.memref_squeeze %dma_wait3A_20 : memref<1x10240xi32, #tpu.memory_space<hbm>> -> memref<10240xi32, #tpu.memory_space<hbm>>
      %dma_wait3A_22 = arith.constant 0 : i32
      %dma_wait3A_23 = tpu.memref_slice %arg3[%add3A, %dma_wait3A_22] : memref<32x10240xi32, #tpu.memory_space<hbm>> -> memref<1x10240xi32, #tpu.memory_space<hbm>>
      %dma_wait3A_24 = tpu.memref_squeeze %dma_wait3A_23 : memref<1x10240xi32, #tpu.memory_space<hbm>> -> memref<10240xi32, #tpu.memory_space<hbm>>
      tpu.wait_dma2 semaphore(%run_scoped3A : memref<!tpu.dma_semaphore, #tpu.memory_space<semaphore_mem>>) src(%dma_wait3A_24 : memref<10240xi32, #tpu.memory_space<hbm>>) dst(%arg7 : memref<10240xi32, #tpu.memory_space<vmem>>)
      tpu.yield
    }) : () -> ()
    "tpu.region"() ({
      %run_scoped3A = tpu.sem_alloc : memref<!tpu.dma_semaphore, #tpu.memory_space<semaphore_mem>>
      tpu.enqueue_dma source(%arg4 : memref<10240xf32, #tpu.memory_space<hbm>>) target(%arg8 : memref<10240xf32, #tpu.memory_space<vmem>>) target_semaphore(%run_scoped3A : memref<!tpu.dma_semaphore, #tpu.memory_space<semaphore_mem>>)
      tpu.wait_dma2 semaphore(%run_scoped3A : memref<!tpu.dma_semaphore, #tpu.memory_space<semaphore_mem>>) src(%arg4 : memref<10240xf32, #tpu.memory_space<hbm>>) dst(%arg8 : memref<10240xf32, #tpu.memory_space<vmem>>)
      tpu.yield
    }) : () -> ()
    %scan3A_8 = arith.constant 0 : i32
    %scan3A_9 = arith.constant 0 : i32
    %scan3A_10 = arith.constant 640 : i32
    %scan3A_11 = arith.addi %scan3A_9, %scan3A_10 : i32
    %scan3A_12 = arith.constant 1 : i32
    %scan3A_13 = scf.for %scan3A_15 = %scan3A_9 to %scan3A_11 step %scan3A_12 iter_args(%scan3A_16 = %scan3A_8) -> (i32)  : i32 {
      %mul3A_17 = arith.constant 16 : i32
      %mul3A_18 = arith.muli %scan3A_15, %mul3A_17 : i32
      %get3A = arith.index_cast %mul3A_18 : i32 to index
      %get3A_19 = tpu.vector_load %arg6[%get3A] {strides = array<i32>} : memref<10240xi32, #tpu.memory_space<vmem>>, vector<16xi32>,
      %mul3A_20 = arith.constant 16 : i32
      %mul3A_21 = arith.muli %scan3A_15, %mul3A_20 : i32
      %get3A_22 = arith.index_cast %mul3A_21 : i32 to index
      %get3A_23 = tpu.vector_load %arg7[%get3A_22] {strides = array<i32>} : memref<10240xi32, #tpu.memory_space<vmem>>, vector<16xi32>,
      %gather3A = tpu.vector_load_idx %arg8[%get3A_23] : memref<10240xf32, #tpu.memory_space<vmem>>[vector<16xi32>], vector<16xf32>,
      tpu.vector_store_idx %arg9[%get3A_19], %gather3A {add = true} : memref<10240xf32, #tpu.memory_space<vmem>>[vector<16xi32>], vector<16xf32>,
      %scan3A_24 = arith.constant 0 : i32
      scf.yield %scan3A_24 : i32
    }
    %scan3A_14 = arith.constant 640 : i32
    "tpu.region"() ({
      %run_scoped3A = tpu.sem_alloc : memref<!tpu.dma_semaphore, #tpu.memory_space<semaphore_mem>>
      %dma_start3A = arith.constant 0 : i32
      %dma_start3A_15 = tpu.memref_slice %arg5[%add3A, %dma_start3A] : memref<32x10240xf32, #tpu.memory_space<hbm>> -> memref<1x10240xf32, #tpu.memory_space<hbm>>
      %dma_start3A_16 = tpu.memref_squeeze %dma_start3A_15 : memref<1x10240xf32, #tpu.memory_space<hbm>> -> memref<10240xf32, #tpu.memory_space<hbm>>
      %dma_start3A_17 = arith.constant 0 : i32
      %dma_start3A_18 = tpu.memref_slice %arg5[%add3A, %dma_start3A_17] : memref<32x10240xf32, #tpu.memory_space<hbm>> -> memref<1x10240xf32, #tpu.memory_space<hbm>>
      %dma_start3A_19 = tpu.memref_squeeze %dma_start3A_18 : memref<1x10240xf32, #tpu.memory_space<hbm>> -> memref<10240xf32, #tpu.memory_space<hbm>>
      tpu.enqueue_dma source(%arg9 : memref<10240xf32, #tpu.memory_space<vmem>>) target(%dma_start3A_19 : memref<10240xf32, #tpu.memory_space<hbm>>) target_semaphore(%run_scoped3A : memref<!tpu.dma_semaphore, #tpu.memory_space<semaphore_mem>>)
      %dma_wait3A = arith.constant 0 : i32
      %dma_wait3A_20 = tpu.memref_slice %arg5[%add3A, %dma_wait3A] : memref<32x10240xf32, #tpu.memory_space<hbm>> -> memref<1x10240xf32, #tpu.memory_space<hbm>>
      %dma_wait3A_21 = tpu.memref_squeeze %dma_wait3A_20 : memref<1x10240xf32, #tpu.memory_space<hbm>> -> memref<10240xf32, #tpu.memory_space<hbm>>
      %dma_wait3A_22 = arith.constant 0 : i32
      %dma_wait3A_23 = tpu.memref_slice %arg5[%add3A, %dma_wait3A_22] : memref<32x10240xf32, #tpu.memory_space<hbm>> -> memref<1x10240xf32, #tpu.memory_space<hbm>>
      %dma_wait3A_24 = tpu.memref_squeeze %dma_wait3A_23 : memref<1x10240xf32, #tpu.memory_space<hbm>> -> memref<10240xf32, #tpu.memory_space<hbm>>
      tpu.wait_dma2 semaphore(%run_scoped3A : memref<!tpu.dma_semaphore, #tpu.memory_space<semaphore_mem>>) src(%arg9 : memref<10240xf32, #tpu.memory_space<vmem>>) dst(%dma_wait3A_24 : memref<10240xf32, #tpu.memory_space<hbm>>)
      tpu.yield
    }) : () -> ()
    return
  }
}

#map = affine_map<(d0, d1) -> (0, 0)>
#map1 = affine_map<(d0, d1) -> (0, 0, 0, 0)>
#map2 = affine_map<(d0, d1) -> (0, 0, 0)>
module attributes {stable_mosaic.version = 14 : i64} {
  func.func @_sc_propagate(%arg0: i32, %arg1: i32, %arg2: memref<10240x128xf32, #tpu.memory_space<hbm>>, %arg3: memref<16x640x2x32xi32, #tpu.memory_space<hbm>>, %arg4: memref<1x8xf32, #tpu.memory_space<hbm>>, %arg5: memref<2x5120x128xf32, #tpu.memory_space<hbm>>, %arg6: memref<4x2x32xi32, #tpu.memory_space<vmem>>, %arg7: memref<4x32xi32, #tpu.memory_space<vmem>>, %arg8: memref<32x128xf32, #tpu.memory_space<vmem>>, %arg9: memref<32x128xf32, #tpu.memory_space<vmem>>, %arg10: memref<10016x128xf32, #tpu.memory_space<vmem_shared>>, %arg11: memref<5128x128xf32, #tpu.memory_space<vmem_shared>>, %arg12: memref<!tpu.dma_semaphore, #tpu.memory_space<semaphore_mem>>, %arg13: memref<!tpu.dma_semaphore, #tpu.memory_space<semaphore_mem>>, %arg14: memref<!tpu.dma_semaphore, #tpu.memory_space<semaphore_mem>>, %arg15: memref<!tpu.dma_semaphore, #tpu.memory_space<semaphore_mem>>, %arg16: memref<!tpu.dma_semaphore, #tpu.memory_space<semaphore_mem>>, %arg17: memref<!tpu.dma_semaphore, #tpu.memory_space<semaphore_mem>>, %arg18: memref<!tpu.dma_semaphore, #tpu.memory_space<semaphore_mem>>, %arg19: memref<!tpu.dma_semaphore, #tpu.memory_space<semaphore_mem>>) attributes {dimension_semantics = [#tpu.dimension_semantics<core_parallel>, #tpu.dimension_semantics<subcore_parallel>], iteration_bounds = array<i64: 2, 16>, scalar_prefetch = 0 : i64, scratch_operands = 14 : i64, tpu.core_type = #tpu.core_type<sc_vector_subcore>, window_params = [{transform_indices = #map}, {transform_indices = #map1}, {transform_indices = #map}, {transform_indices = #map2}]} {
    %mul3A = arith.constant 5120 : i32
    %mul3A_0 = arith.muli %arg0, %mul3A : i32
    %lt3A = arith.constant 15 : i32
    %lt3A_1 = arith.cmpi slt, %arg1, %lt3A : i32
    %convert_element_type3A = arith.extui %lt3A_1 : i1 to i32
    %cond3A = arith.constant 0 : i32
    %cond3A_2 = arith.cmpi ne, %convert_element_type3A, %cond3A : i32
    scf.if %cond3A_2 {
      %scan3A_99 = arith.constant 0 : i32
      %scan3A_100 = arith.constant 0 : i32
      %scan3A_101 = arith.constant 20 : i32
      %scan3A_102 = arith.addi %scan3A_100, %scan3A_101 : i32
      %scan3A_103 = arith.constant 1 : i32
      %scan3A_104 = scf.for %scan3A_106 = %scan3A_100 to %scan3A_102 step %scan3A_103 iter_args(%scan3A_107 = %scan3A_99) -> (i32)  : i32 {
        %mul3A_108 = arith.constant 32 : i32
        %mul3A_109 = arith.muli %scan3A_106, %mul3A_108 : i32
        %mul3A_110 = arith.constant 640 : i32
        %mul3A_111 = arith.muli %arg1, %mul3A_110 : i32
        %add3A = arith.addi %mul3A_111, %mul3A_109 : i32
        "tpu.region"() ({
          %run_scoped3A = tpu.sem_alloc : memref<!tpu.dma_semaphore, #tpu.memory_space<semaphore_mem>>
          %dma_start3A_118 = arith.constant 0 : i32
          %dma_start3A_119 = arith.constant 0 : i32
          %dma_start3A_120 = tpu.memref_slice %arg8[%dma_start3A_118, %dma_start3A_119] : memref<32x128xf32, #tpu.memory_space<vmem>> -> memref<32x128xf32, #tpu.memory_space<vmem>>
          %dma_start3A_121 = arith.constant 0 : i32
          %dma_start3A_122 = tpu.memref_slice %arg2[%add3A, %dma_start3A_121] : memref<10240x128xf32, #tpu.memory_space<hbm>> -> memref<32x128xf32, #tpu.memory_space<hbm>>
          %dma_start3A_123 = arith.constant 0 : i32
          %dma_start3A_124 = arith.constant 0 : i32
          %dma_start3A_125 = tpu.memref_slice %arg8[%dma_start3A_123, %dma_start3A_124] : memref<32x128xf32, #tpu.memory_space<vmem>> -> memref<32x128xf32, #tpu.memory_space<vmem>>
          %dma_start3A_126 = arith.constant 0 : i32
          %dma_start3A_127 = tpu.memref_slice %arg2[%add3A, %dma_start3A_126] : memref<10240x128xf32, #tpu.memory_space<hbm>> -> memref<32x128xf32, #tpu.memory_space<hbm>>
          tpu.enqueue_dma source(%dma_start3A_127 : memref<32x128xf32, #tpu.memory_space<hbm>>) target(%dma_start3A_125 : memref<32x128xf32, #tpu.memory_space<vmem>>) target_semaphore(%run_scoped3A : memref<!tpu.dma_semaphore, #tpu.memory_space<semaphore_mem>>)
          %dma_wait3A = arith.constant 0 : i32
          %dma_wait3A_128 = arith.constant 0 : i32
          %dma_wait3A_129 = tpu.memref_slice %arg8[%dma_wait3A, %dma_wait3A_128] : memref<32x128xf32, #tpu.memory_space<vmem>> -> memref<32x128xf32, #tpu.memory_space<vmem>>
          %dma_wait3A_130 = arith.constant 0 : i32
          %dma_wait3A_131 = tpu.memref_slice %arg2[%add3A, %dma_wait3A_130] : memref<10240x128xf32, #tpu.memory_space<hbm>> -> memref<32x128xf32, #tpu.memory_space<hbm>>
          %dma_wait3A_132 = arith.constant 0 : i32
          %dma_wait3A_133 = arith.constant 0 : i32
          %dma_wait3A_134 = tpu.memref_slice %arg8[%dma_wait3A_132, %dma_wait3A_133] : memref<32x128xf32, #tpu.memory_space<vmem>> -> memref<32x128xf32, #tpu.memory_space<vmem>>
          %dma_wait3A_135 = arith.constant 0 : i32
          %dma_wait3A_136 = tpu.memref_slice %arg2[%add3A, %dma_wait3A_135] : memref<10240x128xf32, #tpu.memory_space<hbm>> -> memref<32x128xf32, #tpu.memory_space<hbm>>
          tpu.wait_dma2 semaphore(%run_scoped3A : memref<!tpu.dma_semaphore, #tpu.memory_space<semaphore_mem>>) src(%dma_wait3A_136 : memref<32x128xf32, #tpu.memory_space<hbm>>) dst(%dma_wait3A_134 : memref<32x128xf32, #tpu.memory_space<vmem>>)
          tpu.yield
        }) : () -> ()
        %mul3A_112 = arith.constant 32 : i32
        %mul3A_113 = arith.muli %scan3A_106, %mul3A_112 : i32
        %mul3A_114 = arith.constant 640 : i32
        %mul3A_115 = arith.muli %arg1, %mul3A_114 : i32
        %add3A_116 = arith.addi %mul3A_115, %mul3A_113 : i32
        "tpu.region"() ({
          %run_scoped3A = tpu.sem_alloc : memref<!tpu.dma_semaphore, #tpu.memory_space<semaphore_mem>>
          %dma_start3A_118 = arith.constant 0 : i32
          %dma_start3A_119 = arith.constant 0 : i32
          %dma_start3A_120 = tpu.memref_slice %arg8[%dma_start3A_118, %dma_start3A_119] : memref<32x128xf32, #tpu.memory_space<vmem>> -> memref<32x128xf32, #tpu.memory_space<vmem>>
          %dma_start3A_121 = arith.constant 0 : i32
          %dma_start3A_122 = tpu.memref_slice %arg10[%add3A_116, %dma_start3A_121] : memref<10016x128xf32, #tpu.memory_space<vmem_shared>> -> memref<32x128xf32, #tpu.memory_space<vmem_shared>>
          %dma_start3A_123 = arith.constant 0 : i32
          %dma_start3A_124 = tpu.memref_slice %arg10[%add3A_116, %dma_start3A_123] : memref<10016x128xf32, #tpu.memory_space<vmem_shared>> -> memref<32x128xf32, #tpu.memory_space<vmem_shared>>
          %dma_start3A_125 = arith.constant 0 : i32
          %dma_start3A_126 = arith.constant 0 : i32
          %dma_start3A_127 = tpu.memref_slice %arg8[%dma_start3A_125, %dma_start3A_126] : memref<32x128xf32, #tpu.memory_space<vmem>> -> memref<32x128xf32, #tpu.memory_space<vmem>>
          tpu.enqueue_dma source(%dma_start3A_127 : memref<32x128xf32, #tpu.memory_space<vmem>>) target(%dma_start3A_124 : memref<32x128xf32, #tpu.memory_space<vmem_shared>>) target_semaphore(%run_scoped3A : memref<!tpu.dma_semaphore, #tpu.memory_space<semaphore_mem>>)
          %dma_wait3A = arith.constant 0 : i32
          %dma_wait3A_128 = arith.constant 0 : i32
          %dma_wait3A_129 = tpu.memref_slice %arg8[%dma_wait3A, %dma_wait3A_128] : memref<32x128xf32, #tpu.memory_space<vmem>> -> memref<32x128xf32, #tpu.memory_space<vmem>>
          %dma_wait3A_130 = arith.constant 0 : i32
          %dma_wait3A_131 = tpu.memref_slice %arg10[%add3A_116, %dma_wait3A_130] : memref<10016x128xf32, #tpu.memory_space<vmem_shared>> -> memref<32x128xf32, #tpu.memory_space<vmem_shared>>
          %dma_wait3A_132 = arith.constant 0 : i32
          %dma_wait3A_133 = tpu.memref_slice %arg10[%add3A_116, %dma_wait3A_132] : memref<10016x128xf32, #tpu.memory_space<vmem_shared>> -> memref<32x128xf32, #tpu.memory_space<vmem_shared>>
          %dma_wait3A_134 = arith.constant 0 : i32
          %dma_wait3A_135 = arith.constant 0 : i32
          %dma_wait3A_136 = tpu.memref_slice %arg8[%dma_wait3A_134, %dma_wait3A_135] : memref<32x128xf32, #tpu.memory_space<vmem>> -> memref<32x128xf32, #tpu.memory_space<vmem>>
          tpu.wait_dma2 semaphore(%run_scoped3A : memref<!tpu.dma_semaphore, #tpu.memory_space<semaphore_mem>>) src(%dma_wait3A_136 : memref<32x128xf32, #tpu.memory_space<vmem>>) dst(%dma_wait3A_133 : memref<32x128xf32, #tpu.memory_space<vmem_shared>>)
          tpu.yield
        }) : () -> ()
        %scan3A_117 = arith.constant 0 : i32
        scf.yield %scan3A_117 : i32
      }
      %scan3A_105 = arith.constant 20 : i32
    } else {
    }
    %eq3A = arith.constant 15 : i32
    %eq3A_3 = arith.cmpi eq, %arg1, %eq3A : i32
    %convert_element_type3A_4 = arith.extui %eq3A_3 : i1 to i32
    %cond3A_5 = arith.constant 0 : i32
    %cond3A_6 = arith.cmpi ne, %convert_element_type3A_4, %cond3A_5 : i32
    scf.if %cond3A_6 {
      %scan3A_99 = arith.constant 0 : i32
      %scan3A_100 = arith.constant 0 : i32
      %scan3A_101 = arith.constant 13 : i32
      %scan3A_102 = arith.addi %scan3A_100, %scan3A_101 : i32
      %scan3A_103 = arith.constant 1 : i32
      %scan3A_104 = scf.for %scan3A_106 = %scan3A_100 to %scan3A_102 step %scan3A_103 iter_args(%scan3A_107 = %scan3A_99) -> (i32)  : i32 {
        %mul3A_108 = arith.constant 32 : i32
        %mul3A_109 = arith.muli %scan3A_106, %mul3A_108 : i32
        %add3A = arith.constant 9600 : i32
        %add3A_110 = arith.addi %add3A, %mul3A_109 : i32
        "tpu.region"() ({
          %run_scoped3A = tpu.sem_alloc : memref<!tpu.dma_semaphore, #tpu.memory_space<semaphore_mem>>
          %dma_start3A_116 = arith.constant 0 : i32
          %dma_start3A_117 = arith.constant 0 : i32
          %dma_start3A_118 = tpu.memref_slice %arg8[%dma_start3A_116, %dma_start3A_117] : memref<32x128xf32, #tpu.memory_space<vmem>> -> memref<32x128xf32, #tpu.memory_space<vmem>>
          %dma_start3A_119 = arith.constant 0 : i32
          %dma_start3A_120 = tpu.memref_slice %arg2[%add3A_110, %dma_start3A_119] : memref<10240x128xf32, #tpu.memory_space<hbm>> -> memref<32x128xf32, #tpu.memory_space<hbm>>
          %dma_start3A_121 = arith.constant 0 : i32
          %dma_start3A_122 = arith.constant 0 : i32
          %dma_start3A_123 = tpu.memref_slice %arg8[%dma_start3A_121, %dma_start3A_122] : memref<32x128xf32, #tpu.memory_space<vmem>> -> memref<32x128xf32, #tpu.memory_space<vmem>>
          %dma_start3A_124 = arith.constant 0 : i32
          %dma_start3A_125 = tpu.memref_slice %arg2[%add3A_110, %dma_start3A_124] : memref<10240x128xf32, #tpu.memory_space<hbm>> -> memref<32x128xf32, #tpu.memory_space<hbm>>
          tpu.enqueue_dma source(%dma_start3A_125 : memref<32x128xf32, #tpu.memory_space<hbm>>) target(%dma_start3A_123 : memref<32x128xf32, #tpu.memory_space<vmem>>) target_semaphore(%run_scoped3A : memref<!tpu.dma_semaphore, #tpu.memory_space<semaphore_mem>>)
          %dma_wait3A = arith.constant 0 : i32
          %dma_wait3A_126 = arith.constant 0 : i32
          %dma_wait3A_127 = tpu.memref_slice %arg8[%dma_wait3A, %dma_wait3A_126] : memref<32x128xf32, #tpu.memory_space<vmem>> -> memref<32x128xf32, #tpu.memory_space<vmem>>
          %dma_wait3A_128 = arith.constant 0 : i32
          %dma_wait3A_129 = tpu.memref_slice %arg2[%add3A_110, %dma_wait3A_128] : memref<10240x128xf32, #tpu.memory_space<hbm>> -> memref<32x128xf32, #tpu.memory_space<hbm>>
          %dma_wait3A_130 = arith.constant 0 : i32
          %dma_wait3A_131 = arith.constant 0 : i32
          %dma_wait3A_132 = tpu.memref_slice %arg8[%dma_wait3A_130, %dma_wait3A_131] : memref<32x128xf32, #tpu.memory_space<vmem>> -> memref<32x128xf32, #tpu.memory_space<vmem>>
          %dma_wait3A_133 = arith.constant 0 : i32
          %dma_wait3A_134 = tpu.memref_slice %arg2[%add3A_110, %dma_wait3A_133] : memref<10240x128xf32, #tpu.memory_space<hbm>> -> memref<32x128xf32, #tpu.memory_space<hbm>>
          tpu.wait_dma2 semaphore(%run_scoped3A : memref<!tpu.dma_semaphore, #tpu.memory_space<semaphore_mem>>) src(%dma_wait3A_134 : memref<32x128xf32, #tpu.memory_space<hbm>>) dst(%dma_wait3A_132 : memref<32x128xf32, #tpu.memory_space<vmem>>)
          tpu.yield
        }) : () -> ()
        %mul3A_111 = arith.constant 32 : i32
        %mul3A_112 = arith.muli %scan3A_106, %mul3A_111 : i32
        %add3A_113 = arith.constant 9600 : i32
        %add3A_114 = arith.addi %add3A_113, %mul3A_112 : i32
        "tpu.region"() ({
          %run_scoped3A = tpu.sem_alloc : memref<!tpu.dma_semaphore, #tpu.memory_space<semaphore_mem>>
          %dma_start3A_116 = arith.constant 0 : i32
          %dma_start3A_117 = arith.constant 0 : i32
          %dma_start3A_118 = tpu.memref_slice %arg8[%dma_start3A_116, %dma_start3A_117] : memref<32x128xf32, #tpu.memory_space<vmem>> -> memref<32x128xf32, #tpu.memory_space<vmem>>
          %dma_start3A_119 = arith.constant 0 : i32
          %dma_start3A_120 = tpu.memref_slice %arg10[%add3A_114, %dma_start3A_119] : memref<10016x128xf32, #tpu.memory_space<vmem_shared>> -> memref<32x128xf32, #tpu.memory_space<vmem_shared>>
          %dma_start3A_121 = arith.constant 0 : i32
          %dma_start3A_122 = tpu.memref_slice %arg10[%add3A_114, %dma_start3A_121] : memref<10016x128xf32, #tpu.memory_space<vmem_shared>> -> memref<32x128xf32, #tpu.memory_space<vmem_shared>>
          %dma_start3A_123 = arith.constant 0 : i32
          %dma_start3A_124 = arith.constant 0 : i32
          %dma_start3A_125 = tpu.memref_slice %arg8[%dma_start3A_123, %dma_start3A_124] : memref<32x128xf32, #tpu.memory_space<vmem>> -> memref<32x128xf32, #tpu.memory_space<vmem>>
          tpu.enqueue_dma source(%dma_start3A_125 : memref<32x128xf32, #tpu.memory_space<vmem>>) target(%dma_start3A_122 : memref<32x128xf32, #tpu.memory_space<vmem_shared>>) target_semaphore(%run_scoped3A : memref<!tpu.dma_semaphore, #tpu.memory_space<semaphore_mem>>)
          %dma_wait3A = arith.constant 0 : i32
          %dma_wait3A_126 = arith.constant 0 : i32
          %dma_wait3A_127 = tpu.memref_slice %arg8[%dma_wait3A, %dma_wait3A_126] : memref<32x128xf32, #tpu.memory_space<vmem>> -> memref<32x128xf32, #tpu.memory_space<vmem>>
          %dma_wait3A_128 = arith.constant 0 : i32
          %dma_wait3A_129 = tpu.memref_slice %arg10[%add3A_114, %dma_wait3A_128] : memref<10016x128xf32, #tpu.memory_space<vmem_shared>> -> memref<32x128xf32, #tpu.memory_space<vmem_shared>>
          %dma_wait3A_130 = arith.constant 0 : i32
          %dma_wait3A_131 = tpu.memref_slice %arg10[%add3A_114, %dma_wait3A_130] : memref<10016x128xf32, #tpu.memory_space<vmem_shared>> -> memref<32x128xf32, #tpu.memory_space<vmem_shared>>
          %dma_wait3A_132 = arith.constant 0 : i32
          %dma_wait3A_133 = arith.constant 0 : i32
          %dma_wait3A_134 = tpu.memref_slice %arg8[%dma_wait3A_132, %dma_wait3A_133] : memref<32x128xf32, #tpu.memory_space<vmem>> -> memref<32x128xf32, #tpu.memory_space<vmem>>
          tpu.wait_dma2 semaphore(%run_scoped3A : memref<!tpu.dma_semaphore, #tpu.memory_space<semaphore_mem>>) src(%dma_wait3A_134 : memref<32x128xf32, #tpu.memory_space<vmem>>) dst(%dma_wait3A_131 : memref<32x128xf32, #tpu.memory_space<vmem_shared>>)
          tpu.yield
        }) : () -> ()
        %scan3A_115 = arith.constant 0 : i32
        scf.yield %scan3A_115 : i32
      }
      %scan3A_105 = arith.constant 13 : i32
    } else {
    }
    %scan3A = arith.constant 0 : i32
    %scan3A_7 = arith.constant 0 : i32
    %scan3A_8 = arith.constant 10 : i32
    %scan3A_9 = arith.addi %scan3A_7, %scan3A_8 : i32
    %scan3A_10 = arith.constant 1 : i32
    %scan3A_11 = scf.for %scan3A_99 = %scan3A_7 to %scan3A_9 step %scan3A_10 iter_args(%scan3A_100 = %scan3A) -> (i32)  : i32 {
      %mul3A_101 = arith.constant 32 : i32
      %mul3A_102 = arith.muli %scan3A_99, %mul3A_101 : i32
      %mul3A_103 = arith.constant 320 : i32
      %mul3A_104 = arith.muli %arg1, %mul3A_103 : i32
      %add3A = arith.addi %mul3A_0, %mul3A_104 : i32
      %add3A_105 = arith.addi %add3A, %mul3A_102 : i32
      "tpu.region"() ({
        %run_scoped3A = tpu.sem_alloc : memref<!tpu.dma_semaphore, #tpu.memory_space<semaphore_mem>>
        %dma_start3A_112 = arith.constant 0 : i32
        %dma_start3A_113 = arith.constant 0 : i32
        %dma_start3A_114 = tpu.memref_slice %arg8[%dma_start3A_112, %dma_start3A_113] : memref<32x128xf32, #tpu.memory_space<vmem>> -> memref<32x128xf32, #tpu.memory_space<vmem>>
        %dma_start3A_115 = arith.constant 0 : i32
        %dma_start3A_116 = tpu.memref_slice %arg2[%add3A_105, %dma_start3A_115] : memref<10240x128xf32, #tpu.memory_space<hbm>> -> memref<32x128xf32, #tpu.memory_space<hbm>>
        %dma_start3A_117 = arith.constant 0 : i32
        %dma_start3A_118 = arith.constant 0 : i32
        %dma_start3A_119 = tpu.memref_slice %arg8[%dma_start3A_117, %dma_start3A_118] : memref<32x128xf32, #tpu.memory_space<vmem>> -> memref<32x128xf32, #tpu.memory_space<vmem>>
        %dma_start3A_120 = arith.constant 0 : i32
        %dma_start3A_121 = tpu.memref_slice %arg2[%add3A_105, %dma_start3A_120] : memref<10240x128xf32, #tpu.memory_space<hbm>> -> memref<32x128xf32, #tpu.memory_space<hbm>>
        tpu.enqueue_dma source(%dma_start3A_121 : memref<32x128xf32, #tpu.memory_space<hbm>>) target(%dma_start3A_119 : memref<32x128xf32, #tpu.memory_space<vmem>>) target_semaphore(%run_scoped3A : memref<!tpu.dma_semaphore, #tpu.memory_space<semaphore_mem>>)
        %dma_wait3A = arith.constant 0 : i32
        %dma_wait3A_122 = arith.constant 0 : i32
        %dma_wait3A_123 = tpu.memref_slice %arg8[%dma_wait3A, %dma_wait3A_122] : memref<32x128xf32, #tpu.memory_space<vmem>> -> memref<32x128xf32, #tpu.memory_space<vmem>>
        %dma_wait3A_124 = arith.constant 0 : i32
        %dma_wait3A_125 = tpu.memref_slice %arg2[%add3A_105, %dma_wait3A_124] : memref<10240x128xf32, #tpu.memory_space<hbm>> -> memref<32x128xf32, #tpu.memory_space<hbm>>
        %dma_wait3A_126 = arith.constant 0 : i32
        %dma_wait3A_127 = arith.constant 0 : i32
        %dma_wait3A_128 = tpu.memref_slice %arg8[%dma_wait3A_126, %dma_wait3A_127] : memref<32x128xf32, #tpu.memory_space<vmem>> -> memref<32x128xf32, #tpu.memory_space<vmem>>
        %dma_wait3A_129 = arith.constant 0 : i32
        %dma_wait3A_130 = tpu.memref_slice %arg2[%add3A_105, %dma_wait3A_129] : memref<10240x128xf32, #tpu.memory_space<hbm>> -> memref<32x128xf32, #tpu.memory_space<hbm>>
        tpu.wait_dma2 semaphore(%run_scoped3A : memref<!tpu.dma_semaphore, #tpu.memory_space<semaphore_mem>>) src(%dma_wait3A_130 : memref<32x128xf32, #tpu.memory_space<hbm>>) dst(%dma_wait3A_128 : memref<32x128xf32, #tpu.memory_space<vmem>>)
        tpu.yield
      }) : () -> ()
      %mul3A_106 = arith.constant 32 : i32
      %mul3A_107 = arith.muli %scan3A_99, %mul3A_106 : i32
      %mul3A_108 = arith.constant 320 : i32
      %mul3A_109 = arith.muli %arg1, %mul3A_108 : i32
      %add3A_110 = arith.addi %mul3A_109, %mul3A_107 : i32
      "tpu.region"() ({
        %run_scoped3A = tpu.sem_alloc : memref<!tpu.dma_semaphore, #tpu.memory_space<semaphore_mem>>
        %dma_start3A_112 = arith.constant 0 : i32
        %dma_start3A_113 = arith.constant 0 : i32
        %dma_start3A_114 = tpu.memref_slice %arg8[%dma_start3A_112, %dma_start3A_113] : memref<32x128xf32, #tpu.memory_space<vmem>> -> memref<32x128xf32, #tpu.memory_space<vmem>>
        %dma_start3A_115 = arith.constant 0 : i32
        %dma_start3A_116 = tpu.memref_slice %arg11[%add3A_110, %dma_start3A_115] : memref<5128x128xf32, #tpu.memory_space<vmem_shared>> -> memref<32x128xf32, #tpu.memory_space<vmem_shared>>
        %dma_start3A_117 = arith.constant 0 : i32
        %dma_start3A_118 = tpu.memref_slice %arg11[%add3A_110, %dma_start3A_117] : memref<5128x128xf32, #tpu.memory_space<vmem_shared>> -> memref<32x128xf32, #tpu.memory_space<vmem_shared>>
        %dma_start3A_119 = arith.constant 0 : i32
        %dma_start3A_120 = arith.constant 0 : i32
        %dma_start3A_121 = tpu.memref_slice %arg8[%dma_start3A_119, %dma_start3A_120] : memref<32x128xf32, #tpu.memory_space<vmem>> -> memref<32x128xf32, #tpu.memory_space<vmem>>
        tpu.enqueue_dma source(%dma_start3A_121 : memref<32x128xf32, #tpu.memory_space<vmem>>) target(%dma_start3A_118 : memref<32x128xf32, #tpu.memory_space<vmem_shared>>) target_semaphore(%run_scoped3A : memref<!tpu.dma_semaphore, #tpu.memory_space<semaphore_mem>>)
        %dma_wait3A = arith.constant 0 : i32
        %dma_wait3A_122 = arith.constant 0 : i32
        %dma_wait3A_123 = tpu.memref_slice %arg8[%dma_wait3A, %dma_wait3A_122] : memref<32x128xf32, #tpu.memory_space<vmem>> -> memref<32x128xf32, #tpu.memory_space<vmem>>
        %dma_wait3A_124 = arith.constant 0 : i32
        %dma_wait3A_125 = tpu.memref_slice %arg11[%add3A_110, %dma_wait3A_124] : memref<5128x128xf32, #tpu.memory_space<vmem_shared>> -> memref<32x128xf32, #tpu.memory_space<vmem_shared>>
        %dma_wait3A_126 = arith.constant 0 : i32
        %dma_wait3A_127 = tpu.memref_slice %arg11[%add3A_110, %dma_wait3A_126] : memref<5128x128xf32, #tpu.memory_space<vmem_shared>> -> memref<32x128xf32, #tpu.memory_space<vmem_shared>>
        %dma_wait3A_128 = arith.constant 0 : i32
        %dma_wait3A_129 = arith.constant 0 : i32
        %dma_wait3A_130 = tpu.memref_slice %arg8[%dma_wait3A_128, %dma_wait3A_129] : memref<32x128xf32, #tpu.memory_space<vmem>> -> memref<32x128xf32, #tpu.memory_space<vmem>>
        tpu.wait_dma2 semaphore(%run_scoped3A : memref<!tpu.dma_semaphore, #tpu.memory_space<semaphore_mem>>) src(%dma_wait3A_130 : memref<32x128xf32, #tpu.memory_space<vmem>>) dst(%dma_wait3A_127 : memref<32x128xf32, #tpu.memory_space<vmem_shared>>)
        tpu.yield
      }) : () -> ()
      %scan3A_111 = arith.constant 0 : i32
      scf.yield %scan3A_111 : i32
    }
    %scan3A_12 = arith.constant 10 : i32
    %barrier3A = arith.constant 0 : index
    tpu.barrier barrier_id(%barrier3A)
    %dma_start3A = arith.constant 0 : i32
    %dma_start3A_13 = arith.constant 0 : i32
    %dma_start3A_14 = arith.constant 0 : i32
    %dma_start3A_15 = arith.constant 0 : i32
    %dma_start3A_16 = tpu.memref_slice %arg6[%dma_start3A_13, %dma_start3A_14, %dma_start3A_15] : memref<4x2x32xi32, #tpu.memory_space<vmem>> -> memref<1x2x32xi32, #tpu.memory_space<vmem>>
    %dma_start3A_17 = tpu.memref_squeeze %dma_start3A_16 : memref<1x2x32xi32, #tpu.memory_space<vmem>> -> memref<2x32xi32, #tpu.memory_space<vmem>>
    %dma_start3A_18 = arith.constant 0 : i32
    %dma_start3A_19 = arith.constant 0 : i32
    %dma_start3A_20 = tpu.memref_slice %arg3[%arg1, %dma_start3A, %dma_start3A_18, %dma_start3A_19] : memref<16x640x2x32xi32, #tpu.memory_space<hbm>> -> memref<1x1x2x32xi32, #tpu.memory_space<hbm>>
    %dma_start3A_21 = tpu.memref_squeeze %dma_start3A_20 : memref<1x1x2x32xi32, #tpu.memory_space<hbm>> -> memref<2x32xi32, #tpu.memory_space<hbm>>
    %dma_start3A_22 = arith.constant 0 : i32
    %dma_start3A_23 = arith.constant 0 : i32
    %dma_start3A_24 = tpu.memref_slice %arg6[%dma_start3A_13, %dma_start3A_22, %dma_start3A_23] : memref<4x2x32xi32, #tpu.memory_space<vmem>> -> memref<1x2x32xi32, #tpu.memory_space<vmem>>
    %dma_start3A_25 = tpu.memref_squeeze %dma_start3A_24 : memref<1x2x32xi32, #tpu.memory_space<vmem>> -> memref<2x32xi32, #tpu.memory_space<vmem>>
    %dma_start3A_26 = arith.constant 0 : i32
    %dma_start3A_27 = arith.constant 0 : i32
    %dma_start3A_28 = tpu.memref_slice %arg3[%arg1, %dma_start3A, %dma_start3A_26, %dma_start3A_27] : memref<16x640x2x32xi32, #tpu.memory_space<hbm>> -> memref<1x1x2x32xi32, #tpu.memory_space<hbm>>
    %dma_start3A_29 = tpu.memref_squeeze %dma_start3A_28 : memref<1x1x2x32xi32, #tpu.memory_space<hbm>> -> memref<2x32xi32, #tpu.memory_space<hbm>>
    tpu.enqueue_dma source(%dma_start3A_29 : memref<2x32xi32, #tpu.memory_space<hbm>>) target(%dma_start3A_25 : memref<2x32xi32, #tpu.memory_space<vmem>>) target_semaphore(%arg12 : memref<!tpu.dma_semaphore, #tpu.memory_space<semaphore_mem>>)
    %dma_start3A_30 = arith.constant 1 : i32
    %dma_start3A_31 = arith.constant 1 : i32
    %dma_start3A_32 = arith.constant 0 : i32
    %dma_start3A_33 = arith.constant 0 : i32
    %dma_start3A_34 = tpu.memref_slice %arg6[%dma_start3A_31, %dma_start3A_32, %dma_start3A_33] : memref<4x2x32xi32, #tpu.memory_space<vmem>> -> memref<1x2x32xi32, #tpu.memory_space<vmem>>
    %dma_start3A_35 = tpu.memref_squeeze %dma_start3A_34 : memref<1x2x32xi32, #tpu.memory_space<vmem>> -> memref<2x32xi32, #tpu.memory_space<vmem>>
    %dma_start3A_36 = arith.constant 0 : i32
    %dma_start3A_37 = arith.constant 0 : i32
    %dma_start3A_38 = tpu.memref_slice %arg3[%arg1, %dma_start3A_30, %dma_start3A_36, %dma_start3A_37] : memref<16x640x2x32xi32, #tpu.memory_space<hbm>> -> memref<1x1x2x32xi32, #tpu.memory_space<hbm>>
    %dma_start3A_39 = tpu.memref_squeeze %dma_start3A_38 : memref<1x1x2x32xi32, #tpu.memory_space<hbm>> -> memref<2x32xi32, #tpu.memory_space<hbm>>
    %dma_start3A_40 = arith.constant 0 : i32
    %dma_start3A_41 = arith.constant 0 : i32
    %dma_start3A_42 = tpu.memref_slice %arg6[%dma_start3A_31, %dma_start3A_40, %dma_start3A_41] : memref<4x2x32xi32, #tpu.memory_space<vmem>> -> memref<1x2x32xi32, #tpu.memory_space<vmem>>
    %dma_start3A_43 = tpu.memref_squeeze %dma_start3A_42 : memref<1x2x32xi32, #tpu.memory_space<vmem>> -> memref<2x32xi32, #tpu.memory_space<vmem>>
    %dma_start3A_44 = arith.constant 0 : i32
    %dma_start3A_45 = arith.constant 0 : i32
    %dma_start3A_46 = tpu.memref_slice %arg3[%arg1, %dma_start3A_30, %dma_start3A_44, %dma_start3A_45] : memref<16x640x2x32xi32, #tpu.memory_space<hbm>> -> memref<1x1x2x32xi32, #tpu.memory_space<hbm>>
    %dma_start3A_47 = tpu.memref_squeeze %dma_start3A_46 : memref<1x1x2x32xi32, #tpu.memory_space<hbm>> -> memref<2x32xi32, #tpu.memory_space<hbm>>
    tpu.enqueue_dma source(%dma_start3A_47 : memref<2x32xi32, #tpu.memory_space<hbm>>) target(%dma_start3A_43 : memref<2x32xi32, #tpu.memory_space<vmem>>) target_semaphore(%arg13 : memref<!tpu.dma_semaphore, #tpu.memory_space<semaphore_mem>>)
    %dma_start3A_48 = arith.constant 2 : i32
    %dma_start3A_49 = arith.constant 2 : i32
    %dma_start3A_50 = arith.constant 0 : i32
    %dma_start3A_51 = arith.constant 0 : i32
    %dma_start3A_52 = tpu.memref_slice %arg6[%dma_start3A_49, %dma_start3A_50, %dma_start3A_51] : memref<4x2x32xi32, #tpu.memory_space<vmem>> -> memref<1x2x32xi32, #tpu.memory_space<vmem>>
    %dma_start3A_53 = tpu.memref_squeeze %dma_start3A_52 : memref<1x2x32xi32, #tpu.memory_space<vmem>> -> memref<2x32xi32, #tpu.memory_space<vmem>>
    %dma_start3A_54 = arith.constant 0 : i32
    %dma_start3A_55 = arith.constant 0 : i32
    %dma_start3A_56 = tpu.memref_slice %arg3[%arg1, %dma_start3A_48, %dma_start3A_54, %dma_start3A_55] : memref<16x640x2x32xi32, #tpu.memory_space<hbm>> -> memref<1x1x2x32xi32, #tpu.memory_space<hbm>>
    %dma_start3A_57 = tpu.memref_squeeze %dma_start3A_56 : memref<1x1x2x32xi32, #tpu.memory_space<hbm>> -> memref<2x32xi32, #tpu.memory_space<hbm>>
    %dma_start3A_58 = arith.constant 0 : i32
    %dma_start3A_59 = arith.constant 0 : i32
    %dma_start3A_60 = tpu.memref_slice %arg6[%dma_start3A_49, %dma_start3A_58, %dma_start3A_59] : memref<4x2x32xi32, #tpu.memory_space<vmem>> -> memref<1x2x32xi32, #tpu.memory_space<vmem>>
    %dma_start3A_61 = tpu.memref_squeeze %dma_start3A_60 : memref<1x2x32xi32, #tpu.memory_space<vmem>> -> memref<2x32xi32, #tpu.memory_space<vmem>>
    %dma_start3A_62 = arith.constant 0 : i32
    %dma_start3A_63 = arith.constant 0 : i32
    %dma_start3A_64 = tpu.memref_slice %arg3[%arg1, %dma_start3A_48, %dma_start3A_62, %dma_start3A_63] : memref<16x640x2x32xi32, #tpu.memory_space<hbm>> -> memref<1x1x2x32xi32, #tpu.memory_space<hbm>>
    %dma_start3A_65 = tpu.memref_squeeze %dma_start3A_64 : memref<1x1x2x32xi32, #tpu.memory_space<hbm>> -> memref<2x32xi32, #tpu.memory_space<hbm>>
    tpu.enqueue_dma source(%dma_start3A_65 : memref<2x32xi32, #tpu.memory_space<hbm>>) target(%dma_start3A_61 : memref<2x32xi32, #tpu.memory_space<vmem>>) target_semaphore(%arg14 : memref<!tpu.dma_semaphore, #tpu.memory_space<semaphore_mem>>)
    %dma_start3A_66 = arith.constant 3 : i32
    %dma_start3A_67 = arith.constant 3 : i32
    %dma_start3A_68 = arith.constant 0 : i32
    %dma_start3A_69 = arith.constant 0 : i32
    %dma_start3A_70 = tpu.memref_slice %arg6[%dma_start3A_67, %dma_start3A_68, %dma_start3A_69] : memref<4x2x32xi32, #tpu.memory_space<vmem>> -> memref<1x2x32xi32, #tpu.memory_space<vmem>>
    %dma_start3A_71 = tpu.memref_squeeze %dma_start3A_70 : memref<1x2x32xi32, #tpu.memory_space<vmem>> -> memref<2x32xi32, #tpu.memory_space<vmem>>
    %dma_start3A_72 = arith.constant 0 : i32
    %dma_start3A_73 = arith.constant 0 : i32
    %dma_start3A_74 = tpu.memref_slice %arg3[%arg1, %dma_start3A_66, %dma_start3A_72, %dma_start3A_73] : memref<16x640x2x32xi32, #tpu.memory_space<hbm>> -> memref<1x1x2x32xi32, #tpu.memory_space<hbm>>
    %dma_start3A_75 = tpu.memref_squeeze %dma_start3A_74 : memref<1x1x2x32xi32, #tpu.memory_space<hbm>> -> memref<2x32xi32, #tpu.memory_space<hbm>>
    %dma_start3A_76 = arith.constant 0 : i32
    %dma_start3A_77 = arith.constant 0 : i32
    %dma_start3A_78 = tpu.memref_slice %arg6[%dma_start3A_67, %dma_start3A_76, %dma_start3A_77] : memref<4x2x32xi32, #tpu.memory_space<vmem>> -> memref<1x2x32xi32, #tpu.memory_space<vmem>>
    %dma_start3A_79 = tpu.memref_squeeze %dma_start3A_78 : memref<1x2x32xi32, #tpu.memory_space<vmem>> -> memref<2x32xi32, #tpu.memory_space<vmem>>
    %dma_start3A_80 = arith.constant 0 : i32
    %dma_start3A_81 = arith.constant 0 : i32
    %dma_start3A_82 = tpu.memref_slice %arg3[%arg1, %dma_start3A_66, %dma_start3A_80, %dma_start3A_81] : memref<16x640x2x32xi32, #tpu.memory_space<hbm>> -> memref<1x1x2x32xi32, #tpu.memory_space<hbm>>
    %dma_start3A_83 = tpu.memref_squeeze %dma_start3A_82 : memref<1x1x2x32xi32, #tpu.memory_space<hbm>> -> memref<2x32xi32, #tpu.memory_space<hbm>>
    tpu.enqueue_dma source(%dma_start3A_83 : memref<2x32xi32, #tpu.memory_space<hbm>>) target(%dma_start3A_79 : memref<2x32xi32, #tpu.memory_space<vmem>>) target_semaphore(%arg15 : memref<!tpu.dma_semaphore, #tpu.memory_space<semaphore_mem>>)
    %scan3A_84 = arith.constant 0 : i32
    %scan3A_85 = arith.constant 0 : i32
    %scan3A_86 = arith.constant 160 : i32
    %scan3A_87 = arith.addi %scan3A_85, %scan3A_86 : i32
    %scan3A_88 = arith.constant 1 : i32
    %scan3A_89 = scf.for %scan3A_99 = %scan3A_85 to %scan3A_87 step %scan3A_88 iter_args(%scan3A_100 = %scan3A_84) -> (i32)  : i32 {
      %mul3A_101 = arith.constant 4 : i32
      %mul3A_102 = arith.muli %scan3A_99, %mul3A_101 : i32
      %dma_wait3A = arith.constant 0 : i32
      %dma_wait3A_103 = arith.constant 0 : i32
      %dma_wait3A_104 = arith.constant 0 : i32
      %dma_wait3A_105 = arith.constant 0 : i32
      %dma_wait3A_106 = tpu.memref_slice %arg6[%dma_wait3A_103, %dma_wait3A_104, %dma_wait3A_105] : memref<4x2x32xi32, #tpu.memory_space<vmem>> -> memref<1x2x32xi32, #tpu.memory_space<vmem>>
      %dma_wait3A_107 = tpu.memref_squeeze %dma_wait3A_106 : memref<1x2x32xi32, #tpu.memory_space<vmem>> -> memref<2x32xi32, #tpu.memory_space<vmem>>
      %dma_wait3A_108 = arith.constant 0 : i32
      %dma_wait3A_109 = arith.constant 0 : i32
      %dma_wait3A_110 = tpu.memref_slice %arg3[%arg1, %dma_wait3A, %dma_wait3A_108, %dma_wait3A_109] : memref<16x640x2x32xi32, #tpu.memory_space<hbm>> -> memref<1x1x2x32xi32, #tpu.memory_space<hbm>>
      %dma_wait3A_111 = tpu.memref_squeeze %dma_wait3A_110 : memref<1x1x2x32xi32, #tpu.memory_space<hbm>> -> memref<2x32xi32, #tpu.memory_space<hbm>>
      %dma_wait3A_112 = arith.constant 0 : i32
      %dma_wait3A_113 = arith.constant 0 : i32
      %dma_wait3A_114 = tpu.memref_slice %arg6[%dma_wait3A_103, %dma_wait3A_112, %dma_wait3A_113] : memref<4x2x32xi32, #tpu.memory_space<vmem>> -> memref<1x2x32xi32, #tpu.memory_space<vmem>>
      %dma_wait3A_115 = tpu.memref_squeeze %dma_wait3A_114 : memref<1x2x32xi32, #tpu.memory_space<vmem>> -> memref<2x32xi32, #tpu.memory_space<vmem>>
      %dma_wait3A_116 = arith.constant 0 : i32
      %dma_wait3A_117 = arith.constant 0 : i32
      %dma_wait3A_118 = tpu.memref_slice %arg3[%arg1, %dma_wait3A, %dma_wait3A_116, %dma_wait3A_117] : memref<16x640x2x32xi32, #tpu.memory_space<hbm>> -> memref<1x1x2x32xi32, #tpu.memory_space<hbm>>
      %dma_wait3A_119 = tpu.memref_squeeze %dma_wait3A_118 : memref<1x1x2x32xi32, #tpu.memory_space<hbm>> -> memref<2x32xi32, #tpu.memory_space<hbm>>
      tpu.wait_dma2 semaphore(%arg12 : memref<!tpu.dma_semaphore, #tpu.memory_space<semaphore_mem>>) src(%dma_wait3A_119 : memref<2x32xi32, #tpu.memory_space<hbm>>) dst(%dma_wait3A_115 : memref<2x32xi32, #tpu.memory_space<vmem>>)
      %get3A = arith.constant 0 : i32
      %get3A_120 = arith.constant 1 : i32
      %get3A_121 = arith.index_cast %get3A : i32 to index
      %get3A_122 = arith.index_cast %get3A_120 : i32 to index
      %get3A_123 = arith.constant 0 : index
      %get3A_124 = tpu.vector_load %arg6[%get3A_121, %get3A_122, %get3A_123] {strides = array<i32>} : memref<4x2x32xi32, #tpu.memory_space<vmem>>, vector<16xi32>,
      %sub3A = vector.broadcast %mul3A_0 : i32 to vector<16xi32>
      %sub3A_125 = arith.subi %get3A_124, %sub3A : vector<16xi32>
      %ge3A = arith.constant 0 : i32
      %ge3A_126 = vector.broadcast %ge3A : i32 to vector<16xi32>
      %ge3A_127 = arith.cmpi sge, %sub3A_125, %ge3A_126 : vector<16xi32>
      %lt3A_128 = arith.constant 5120 : i32
      %lt3A_129 = vector.broadcast %lt3A_128 : i32 to vector<16xi32>
      %lt3A_130 = arith.cmpi slt, %sub3A_125, %lt3A_129 : vector<16xi32>
      %and3A = arith.andi %ge3A_127, %lt3A_130 : vector<16xi1>
      %jit3A = arith.constant 5120 : i32
      %broadcast_in_dim3A = vector.broadcast %jit3A : i32 to vector<16xi32>
      %select_n3A = arith.select %and3A, %sub3A_125, %broadcast_in_dim3A : vector<16xi1>, vector<16xi32>
      %swap3A = arith.constant 0 : i32
      %swap3A_131 = arith.index_cast %swap3A : i32 to index
      %swap3A_132 = arith.constant 0 : index
      %swap3A_133 = tpu.vector_load %arg7[%swap3A_131, %swap3A_132] {strides = array<i32>} : memref<4x32xi32, #tpu.memory_space<vmem>>, vector<16xi32>,
      tpu.vector_store %arg7[%swap3A_131, %swap3A_132], %select_n3A {strides = array<i32>} : memref<4x32xi32, #tpu.memory_space<vmem>>, vector<16xi32>,
      %get3A_134 = arith.constant 0 : i32
      %get3A_135 = arith.constant 1 : i32
      %get3A_136 = arith.index_cast %get3A_134 : i32 to index
      %get3A_137 = arith.index_cast %get3A_135 : i32 to index
      %get3A_138 = arith.constant 16 : index
      %get3A_139 = tpu.vector_load %arg6[%get3A_136, %get3A_137, %get3A_138] {strides = array<i32>} : memref<4x2x32xi32, #tpu.memory_space<vmem>>, vector<16xi32>,
      %sub3A_140 = vector.broadcast %mul3A_0 : i32 to vector<16xi32>
      %sub3A_141 = arith.subi %get3A_139, %sub3A_140 : vector<16xi32>
      %ge3A_142 = arith.constant 0 : i32
      %ge3A_143 = vector.broadcast %ge3A_142 : i32 to vector<16xi32>
      %ge3A_144 = arith.cmpi sge, %sub3A_141, %ge3A_143 : vector<16xi32>
      %lt3A_145 = arith.constant 5120 : i32
      %lt3A_146 = vector.broadcast %lt3A_145 : i32 to vector<16xi32>
      %lt3A_147 = arith.cmpi slt, %sub3A_141, %lt3A_146 : vector<16xi32>
      %and3A_148 = arith.andi %ge3A_144, %lt3A_147 : vector<16xi1>
      %jit3A_149 = arith.constant 5120 : i32
      %broadcast_in_dim3A_150 = vector.broadcast %jit3A_149 : i32 to vector<16xi32>
      %select_n3A_151 = arith.select %and3A_148, %sub3A_141, %broadcast_in_dim3A_150 : vector<16xi1>, vector<16xi32>
      %swap3A_152 = arith.constant 0 : i32
      %swap3A_153 = arith.index_cast %swap3A_152 : i32 to index
      %swap3A_154 = arith.constant 16 : index
      %swap3A_155 = tpu.vector_load %arg7[%swap3A_153, %swap3A_154] {strides = array<i32>} : memref<4x32xi32, #tpu.memory_space<vmem>>, vector<16xi32>,
      tpu.vector_store %arg7[%swap3A_153, %swap3A_154], %select_n3A_151 {strides = array<i32>} : memref<4x32xi32, #tpu.memory_space<vmem>>, vector<16xi32>,
      %dma_start3A_156 = arith.constant 0 : i32
      %dma_start3A_157 = arith.constant 0 : i32
      %dma_start3A_158 = arith.constant 0 : i32
      %dma_start3A_159 = tpu.memref_slice %arg6[%dma_start3A_156, %dma_start3A_157, %dma_start3A_158] : memref<4x2x32xi32, #tpu.memory_space<vmem>> -> memref<1x1x32xi32, #tpu.memory_space<vmem>>
      %dma_start3A_160 = tpu.memref_squeeze %dma_start3A_159 : memref<1x1x32xi32, #tpu.memory_space<vmem>> -> memref<32xi32, #tpu.memory_space<vmem>>
      %dma_start3A_161 = arith.constant 0 : i32
      %dma_start3A_162 = arith.constant 0 : i32
      %dma_start3A_163 = tpu.memref_slice %arg10[%dma_start3A_161, %dma_start3A_162] : memref<10016x128xf32, #tpu.memory_space<vmem_shared>> -> memref<10016x128xf32, #tpu.memory_space<vmem_shared>>
      tpu.enqueue_indirect_dma source(%dma_start3A_163 : memref<10016x128xf32, #tpu.memory_space<vmem_shared>>) target(%arg8 : memref<32x128xf32, #tpu.memory_space<vmem>>) offsets(%dma_start3A_160 : memref<32xi32, #tpu.memory_space<vmem>>) semaphore(%arg16 : memref<!tpu.dma_semaphore, #tpu.memory_space<semaphore_mem>>)
      %dma_wait3A_164 = arith.constant 0 : i32
      %dma_wait3A_165 = arith.constant 1 : i32
      %dma_wait3A_166 = arith.constant 0 : i32
      %dma_wait3A_167 = arith.constant 0 : i32
      %dma_wait3A_168 = tpu.memref_slice %arg6[%dma_wait3A_165, %dma_wait3A_166, %dma_wait3A_167] : memref<4x2x32xi32, #tpu.memory_space<vmem>> -> memref<1x2x32xi32, #tpu.memory_space<vmem>>
      %dma_wait3A_169 = tpu.memref_squeeze %dma_wait3A_168 : memref<1x2x32xi32, #tpu.memory_space<vmem>> -> memref<2x32xi32, #tpu.memory_space<vmem>>
      %dma_wait3A_170 = arith.constant 0 : i32
      %dma_wait3A_171 = arith.constant 0 : i32
      %dma_wait3A_172 = tpu.memref_slice %arg3[%arg1, %dma_wait3A_164, %dma_wait3A_170, %dma_wait3A_171] : memref<16x640x2x32xi32, #tpu.memory_space<hbm>> -> memref<1x1x2x32xi32, #tpu.memory_space<hbm>>
      %dma_wait3A_173 = tpu.memref_squeeze %dma_wait3A_172 : memref<1x1x2x32xi32, #tpu.memory_space<hbm>> -> memref<2x32xi32, #tpu.memory_space<hbm>>
      %dma_wait3A_174 = arith.constant 0 : i32
      %dma_wait3A_175 = arith.constant 0 : i32
      %dma_wait3A_176 = tpu.memref_slice %arg6[%dma_wait3A_165, %dma_wait3A_174, %dma_wait3A_175] : memref<4x2x32xi32, #tpu.memory_space<vmem>> -> memref<1x2x32xi32, #tpu.memory_space<vmem>>
      %dma_wait3A_177 = tpu.memref_squeeze %dma_wait3A_176 : memref<1x2x32xi32, #tpu.memory_space<vmem>> -> memref<2x32xi32, #tpu.memory_space<vmem>>
      %dma_wait3A_178 = arith.constant 0 : i32
      %dma_wait3A_179 = arith.constant 0 : i32
      %dma_wait3A_180 = tpu.memref_slice %arg3[%arg1, %dma_wait3A_164, %dma_wait3A_178, %dma_wait3A_179] : memref<16x640x2x32xi32, #tpu.memory_space<hbm>> -> memref<1x1x2x32xi32, #tpu.memory_space<hbm>>
      %dma_wait3A_181 = tpu.memref_squeeze %dma_wait3A_180 : memref<1x1x2x32xi32, #tpu.memory_space<hbm>> -> memref<2x32xi32, #tpu.memory_space<hbm>>
      tpu.wait_dma2 semaphore(%arg13 : memref<!tpu.dma_semaphore, #tpu.memory_space<semaphore_mem>>) src(%dma_wait3A_181 : memref<2x32xi32, #tpu.memory_space<hbm>>) dst(%dma_wait3A_177 : memref<2x32xi32, #tpu.memory_space<vmem>>)
      %get3A_182 = arith.constant 1 : i32
      %get3A_183 = arith.constant 1 : i32
      %get3A_184 = arith.index_cast %get3A_182 : i32 to index
      %get3A_185 = arith.index_cast %get3A_183 : i32 to index
      %get3A_186 = arith.constant 0 : index
      %get3A_187 = tpu.vector_load %arg6[%get3A_184, %get3A_185, %get3A_186] {strides = array<i32>} : memref<4x2x32xi32, #tpu.memory_space<vmem>>, vector<16xi32>,
      %sub3A_188 = vector.broadcast %mul3A_0 : i32 to vector<16xi32>
      %sub3A_189 = arith.subi %get3A_187, %sub3A_188 : vector<16xi32>
      %ge3A_190 = arith.constant 0 : i32
      %ge3A_191 = vector.broadcast %ge3A_190 : i32 to vector<16xi32>
      %ge3A_192 = arith.cmpi sge, %sub3A_189, %ge3A_191 : vector<16xi32>
      %lt3A_193 = arith.constant 5120 : i32
      %lt3A_194 = vector.broadcast %lt3A_193 : i32 to vector<16xi32>
      %lt3A_195 = arith.cmpi slt, %sub3A_189, %lt3A_194 : vector<16xi32>
      %and3A_196 = arith.andi %ge3A_192, %lt3A_195 : vector<16xi1>
      %jit3A_197 = arith.constant 5120 : i32
      %broadcast_in_dim3A_198 = vector.broadcast %jit3A_197 : i32 to vector<16xi32>
      %select_n3A_199 = arith.select %and3A_196, %sub3A_189, %broadcast_in_dim3A_198 : vector<16xi1>, vector<16xi32>
      %swap3A_200 = arith.constant 1 : i32
      %swap3A_201 = arith.index_cast %swap3A_200 : i32 to index
      %swap3A_202 = arith.constant 0 : index
      %swap3A_203 = tpu.vector_load %arg7[%swap3A_201, %swap3A_202] {strides = array<i32>} : memref<4x32xi32, #tpu.memory_space<vmem>>, vector<16xi32>,
      tpu.vector_store %arg7[%swap3A_201, %swap3A_202], %select_n3A_199 {strides = array<i32>} : memref<4x32xi32, #tpu.memory_space<vmem>>, vector<16xi32>,
      %get3A_204 = arith.constant 1 : i32
      %get3A_205 = arith.constant 1 : i32
      %get3A_206 = arith.index_cast %get3A_204 : i32 to index
      %get3A_207 = arith.index_cast %get3A_205 : i32 to index
      %get3A_208 = arith.constant 16 : index
      %get3A_209 = tpu.vector_load %arg6[%get3A_206, %get3A_207, %get3A_208] {strides = array<i32>} : memref<4x2x32xi32, #tpu.memory_space<vmem>>, vector<16xi32>,
      %sub3A_210 = vector.broadcast %mul3A_0 : i32 to vector<16xi32>
      %sub3A_211 = arith.subi %get3A_209, %sub3A_210 : vector<16xi32>
      %ge3A_212 = arith.constant 0 : i32
      %ge3A_213 = vector.broadcast %ge3A_212 : i32 to vector<16xi32>
      %ge3A_214 = arith.cmpi sge, %sub3A_211, %ge3A_213 : vector<16xi32>
      %lt3A_215 = arith.constant 5120 : i32
      %lt3A_216 = vector.broadcast %lt3A_215 : i32 to vector<16xi32>
      %lt3A_217 = arith.cmpi slt, %sub3A_211, %lt3A_216 : vector<16xi32>
      %and3A_218 = arith.andi %ge3A_214, %lt3A_217 : vector<16xi1>
      %jit3A_219 = arith.constant 5120 : i32
      %broadcast_in_dim3A_220 = vector.broadcast %jit3A_219 : i32 to vector<16xi32>
      %select_n3A_221 = arith.select %and3A_218, %sub3A_211, %broadcast_in_dim3A_220 : vector<16xi1>, vector<16xi32>
      %swap3A_222 = arith.constant 1 : i32
      %swap3A_223 = arith.index_cast %swap3A_222 : i32 to index
      %swap3A_224 = arith.constant 16 : index
      %swap3A_225 = tpu.vector_load %arg7[%swap3A_223, %swap3A_224] {strides = array<i32>} : memref<4x32xi32, #tpu.memory_space<vmem>>, vector<16xi32>,
      tpu.vector_store %arg7[%swap3A_223, %swap3A_224], %select_n3A_221 {strides = array<i32>} : memref<4x32xi32, #tpu.memory_space<vmem>>, vector<16xi32>,
      %dma_start3A_226 = arith.constant 1 : i32
      %dma_start3A_227 = arith.constant 0 : i32
      %dma_start3A_228 = arith.constant 0 : i32
      %dma_start3A_229 = tpu.memref_slice %arg6[%dma_start3A_226, %dma_start3A_227, %dma_start3A_228] : memref<4x2x32xi32, #tpu.memory_space<vmem>> -> memref<1x1x32xi32, #tpu.memory_space<vmem>>
      %dma_start3A_230 = tpu.memref_squeeze %dma_start3A_229 : memref<1x1x32xi32, #tpu.memory_space<vmem>> -> memref<32xi32, #tpu.memory_space<vmem>>
      %dma_start3A_231 = arith.constant 0 : i32
      %dma_start3A_232 = arith.constant 0 : i32
      %dma_start3A_233 = tpu.memref_slice %arg10[%dma_start3A_231, %dma_start3A_232] : memref<10016x128xf32, #tpu.memory_space<vmem_shared>> -> memref<10016x128xf32, #tpu.memory_space<vmem_shared>>
      tpu.enqueue_indirect_dma source(%dma_start3A_233 : memref<10016x128xf32, #tpu.memory_space<vmem_shared>>) target(%arg9 : memref<32x128xf32, #tpu.memory_space<vmem>>) offsets(%dma_start3A_230 : memref<32xi32, #tpu.memory_space<vmem>>) semaphore(%arg17 : memref<!tpu.dma_semaphore, #tpu.memory_space<semaphore_mem>>)
      %dma_wait3A_234 = arith.constant 0 : i32
      %dma_wait3A_235 = arith.constant 0 : i32
      %dma_wait3A_236 = arith.constant 0 : i32
      %dma_wait3A_237 = tpu.memref_slice %arg6[%dma_wait3A_234, %dma_wait3A_235, %dma_wait3A_236] : memref<4x2x32xi32, #tpu.memory_space<vmem>> -> memref<1x1x32xi32, #tpu.memory_space<vmem>>
      %dma_wait3A_238 = tpu.memref_squeeze %dma_wait3A_237 : memref<1x1x32xi32, #tpu.memory_space<vmem>> -> memref<32xi32, #tpu.memory_space<vmem>>
      %dma_wait3A_239 = arith.constant 0 : i32
      %dma_wait3A_240 = arith.constant 0 : i32
      %dma_wait3A_241 = tpu.memref_slice %arg10[%dma_wait3A_239, %dma_wait3A_240] : memref<10016x128xf32, #tpu.memory_space<vmem_shared>> -> memref<10016x128xf32, #tpu.memory_space<vmem_shared>>
      tpu.wait_indirect_dma semaphore(%arg16 : memref<!tpu.dma_semaphore, #tpu.memory_space<semaphore_mem>>) src(%dma_wait3A_241 : memref<10016x128xf32, #tpu.memory_space<vmem_shared>>) dst(%arg8 : memref<32x128xf32, #tpu.memory_space<vmem>>)
      %dma_start3A_242 = arith.constant 0 : i32
      %dma_start3A_243 = arith.constant 0 : i32
      %dma_start3A_244 = tpu.memref_slice %arg7[%dma_start3A_242, %dma_start3A_243] : memref<4x32xi32, #tpu.memory_space<vmem>> -> memref<1x32xi32, #tpu.memory_space<vmem>>
      %dma_start3A_245 = tpu.memref_squeeze %dma_start3A_244 : memref<1x32xi32, #tpu.memory_space<vmem>> -> memref<32xi32, #tpu.memory_space<vmem>>
      %dma_start3A_246 = arith.constant 0 : i32
      %dma_start3A_247 = arith.constant 0 : i32
      %dma_start3A_248 = tpu.memref_slice %arg11[%dma_start3A_246, %dma_start3A_247] : memref<5128x128xf32, #tpu.memory_space<vmem_shared>> -> memref<5128x128xf32, #tpu.memory_space<vmem_shared>>
      tpu.enqueue_indirect_dma source(%arg8 : memref<32x128xf32, #tpu.memory_space<vmem>>) target(%dma_start3A_248 : memref<5128x128xf32, #tpu.memory_space<vmem_shared>>) offsets(%dma_start3A_245 : memref<32xi32, #tpu.memory_space<vmem>>) semaphore(%arg18 : memref<!tpu.dma_semaphore, #tpu.memory_space<semaphore_mem>>) {add = true}
      %dma_wait3A_249 = arith.constant 1 : i32
      %dma_wait3A_250 = arith.constant 0 : i32
      %dma_wait3A_251 = arith.constant 0 : i32
      %dma_wait3A_252 = tpu.memref_slice %arg6[%dma_wait3A_249, %dma_wait3A_250, %dma_wait3A_251] : memref<4x2x32xi32, #tpu.memory_space<vmem>> -> memref<1x1x32xi32, #tpu.memory_space<vmem>>
      %dma_wait3A_253 = tpu.memref_squeeze %dma_wait3A_252 : memref<1x1x32xi32, #tpu.memory_space<vmem>> -> memref<32xi32, #tpu.memory_space<vmem>>
      %dma_wait3A_254 = arith.constant 0 : i32
      %dma_wait3A_255 = arith.constant 0 : i32
      %dma_wait3A_256 = tpu.memref_slice %arg10[%dma_wait3A_254, %dma_wait3A_255] : memref<10016x128xf32, #tpu.memory_space<vmem_shared>> -> memref<10016x128xf32, #tpu.memory_space<vmem_shared>>
      tpu.wait_indirect_dma semaphore(%arg17 : memref<!tpu.dma_semaphore, #tpu.memory_space<semaphore_mem>>) src(%dma_wait3A_256 : memref<10016x128xf32, #tpu.memory_space<vmem_shared>>) dst(%arg9 : memref<32x128xf32, #tpu.memory_space<vmem>>)
      %dma_start3A_257 = arith.constant 1 : i32
      %dma_start3A_258 = arith.constant 0 : i32
      %dma_start3A_259 = tpu.memref_slice %arg7[%dma_start3A_257, %dma_start3A_258] : memref<4x32xi32, #tpu.memory_space<vmem>> -> memref<1x32xi32, #tpu.memory_space<vmem>>
      %dma_start3A_260 = tpu.memref_squeeze %dma_start3A_259 : memref<1x32xi32, #tpu.memory_space<vmem>> -> memref<32xi32, #tpu.memory_space<vmem>>
      %dma_start3A_261 = arith.constant 0 : i32
      %dma_start3A_262 = arith.constant 0 : i32
      %dma_start3A_263 = tpu.memref_slice %arg11[%dma_start3A_261, %dma_start3A_262] : memref<5128x128xf32, #tpu.memory_space<vmem_shared>> -> memref<5128x128xf32, #tpu.memory_space<vmem_shared>>
      tpu.enqueue_indirect_dma source(%arg9 : memref<32x128xf32, #tpu.memory_space<vmem>>) target(%dma_start3A_263 : memref<5128x128xf32, #tpu.memory_space<vmem_shared>>) offsets(%dma_start3A_260 : memref<32xi32, #tpu.memory_space<vmem>>) semaphore(%arg19 : memref<!tpu.dma_semaphore, #tpu.memory_space<semaphore_mem>>) {add = true}
      %dma_wait3A_264 = arith.constant 0 : i32
      %dma_wait3A_265 = arith.constant 0 : i32
      %dma_wait3A_266 = tpu.memref_slice %arg7[%dma_wait3A_264, %dma_wait3A_265] : memref<4x32xi32, #tpu.memory_space<vmem>> -> memref<1x32xi32, #tpu.memory_space<vmem>>
      %dma_wait3A_267 = tpu.memref_squeeze %dma_wait3A_266 : memref<1x32xi32, #tpu.memory_space<vmem>> -> memref<32xi32, #tpu.memory_space<vmem>>
      %dma_wait3A_268 = arith.constant 0 : i32
      %dma_wait3A_269 = arith.constant 0 : i32
      %dma_wait3A_270 = tpu.memref_slice %arg11[%dma_wait3A_268, %dma_wait3A_269] : memref<5128x128xf32, #tpu.memory_space<vmem_shared>> -> memref<5128x128xf32, #tpu.memory_space<vmem_shared>>
      tpu.wait_indirect_dma semaphore(%arg18 : memref<!tpu.dma_semaphore, #tpu.memory_space<semaphore_mem>>) src(%arg8 : memref<32x128xf32, #tpu.memory_space<vmem>>) dst(%dma_wait3A_270 : memref<5128x128xf32, #tpu.memory_space<vmem_shared>>)
      %lt3A_271 = arith.constant 159 : i32
      %lt3A_272 = arith.cmpi slt, %scan3A_99, %lt3A_271 : i32
      %convert_element_type3A_273 = arith.extui %lt3A_272 : i1 to i32
      %cond3A_274 = arith.constant 0 : i32
      %cond3A_275 = arith.cmpi ne, %convert_element_type3A_273, %cond3A_274 : i32
      scf.if %cond3A_275 {
        %add3A = arith.constant 4 : i32
        %add3A_483 = arith.addi %mul3A_102, %add3A : i32
        %dma_start3A_484 = arith.constant 0 : i32
        %dma_start3A_485 = arith.constant 0 : i32
        %dma_start3A_486 = arith.constant 0 : i32
        %dma_start3A_487 = tpu.memref_slice %arg6[%dma_start3A_484, %dma_start3A_485, %dma_start3A_486] : memref<4x2x32xi32, #tpu.memory_space<vmem>> -> memref<1x2x32xi32, #tpu.memory_space<vmem>>
        %dma_start3A_488 = tpu.memref_squeeze %dma_start3A_487 : memref<1x2x32xi32, #tpu.memory_space<vmem>> -> memref<2x32xi32, #tpu.memory_space<vmem>>
        %dma_start3A_489 = arith.constant 0 : i32
        %dma_start3A_490 = arith.constant 0 : i32
        %dma_start3A_491 = tpu.memref_slice %arg3[%arg1, %add3A_483, %dma_start3A_489, %dma_start3A_490] : memref<16x640x2x32xi32, #tpu.memory_space<hbm>> -> memref<1x1x2x32xi32, #tpu.memory_space<hbm>>
        %dma_start3A_492 = tpu.memref_squeeze %dma_start3A_491 : memref<1x1x2x32xi32, #tpu.memory_space<hbm>> -> memref<2x32xi32, #tpu.memory_space<hbm>>
        %dma_start3A_493 = arith.constant 0 : i32
        %dma_start3A_494 = arith.constant 0 : i32
        %dma_start3A_495 = tpu.memref_slice %arg6[%dma_start3A_484, %dma_start3A_493, %dma_start3A_494] : memref<4x2x32xi32, #tpu.memory_space<vmem>> -> memref<1x2x32xi32, #tpu.memory_space<vmem>>
        %dma_start3A_496 = tpu.memref_squeeze %dma_start3A_495 : memref<1x2x32xi32, #tpu.memory_space<vmem>> -> memref<2x32xi32, #tpu.memory_space<vmem>>
        %dma_start3A_497 = arith.constant 0 : i32
        %dma_start3A_498 = arith.constant 0 : i32
        %dma_start3A_499 = tpu.memref_slice %arg3[%arg1, %add3A_483, %dma_start3A_497, %dma_start3A_498] : memref<16x640x2x32xi32, #tpu.memory_space<hbm>> -> memref<1x1x2x32xi32, #tpu.memory_space<hbm>>
        %dma_start3A_500 = tpu.memref_squeeze %dma_start3A_499 : memref<1x1x2x32xi32, #tpu.memory_space<hbm>> -> memref<2x32xi32, #tpu.memory_space<hbm>>
        tpu.enqueue_dma source(%dma_start3A_500 : memref<2x32xi32, #tpu.memory_space<hbm>>) target(%dma_start3A_496 : memref<2x32xi32, #tpu.memory_space<vmem>>) target_semaphore(%arg12 : memref<!tpu.dma_semaphore, #tpu.memory_space<semaphore_mem>>)
      } else {
      }
      %dma_wait3A_276 = arith.constant 0 : i32
      %dma_wait3A_277 = arith.constant 2 : i32
      %dma_wait3A_278 = arith.constant 0 : i32
      %dma_wait3A_279 = arith.constant 0 : i32
      %dma_wait3A_280 = tpu.memref_slice %arg6[%dma_wait3A_277, %dma_wait3A_278, %dma_wait3A_279] : memref<4x2x32xi32, #tpu.memory_space<vmem>> -> memref<1x2x32xi32, #tpu.memory_space<vmem>>
      %dma_wait3A_281 = tpu.memref_squeeze %dma_wait3A_280 : memref<1x2x32xi32, #tpu.memory_space<vmem>> -> memref<2x32xi32, #tpu.memory_space<vmem>>
      %dma_wait3A_282 = arith.constant 0 : i32
      %dma_wait3A_283 = arith.constant 0 : i32
      %dma_wait3A_284 = tpu.memref_slice %arg3[%arg1, %dma_wait3A_276, %dma_wait3A_282, %dma_wait3A_283] : memref<16x640x2x32xi32, #tpu.memory_space<hbm>> -> memref<1x1x2x32xi32, #tpu.memory_space<hbm>>
      %dma_wait3A_285 = tpu.memref_squeeze %dma_wait3A_284 : memref<1x1x2x32xi32, #tpu.memory_space<hbm>> -> memref<2x32xi32, #tpu.memory_space<hbm>>
      %dma_wait3A_286 = arith.constant 0 : i32
      %dma_wait3A_287 = arith.constant 0 : i32
      %dma_wait3A_288 = tpu.memref_slice %arg6[%dma_wait3A_277, %dma_wait3A_286, %dma_wait3A_287] : memref<4x2x32xi32, #tpu.memory_space<vmem>> -> memref<1x2x32xi32, #tpu.memory_space<vmem>>
      %dma_wait3A_289 = tpu.memref_squeeze %dma_wait3A_288 : memref<1x2x32xi32, #tpu.memory_space<vmem>> -> memref<2x32xi32, #tpu.memory_space<vmem>>
      %dma_wait3A_290 = arith.constant 0 : i32
      %dma_wait3A_291 = arith.constant 0 : i32
      %dma_wait3A_292 = tpu.memref_slice %arg3[%arg1, %dma_wait3A_276, %dma_wait3A_290, %dma_wait3A_291] : memref<16x640x2x32xi32, #tpu.memory_space<hbm>> -> memref<1x1x2x32xi32, #tpu.memory_space<hbm>>
      %dma_wait3A_293 = tpu.memref_squeeze %dma_wait3A_292 : memref<1x1x2x32xi32, #tpu.memory_space<hbm>> -> memref<2x32xi32, #tpu.memory_space<hbm>>
      tpu.wait_dma2 semaphore(%arg14 : memref<!tpu.dma_semaphore, #tpu.memory_space<semaphore_mem>>) src(%dma_wait3A_293 : memref<2x32xi32, #tpu.memory_space<hbm>>) dst(%dma_wait3A_289 : memref<2x32xi32, #tpu.memory_space<vmem>>)
      %get3A_294 = arith.constant 2 : i32
      %get3A_295 = arith.constant 1 : i32
      %get3A_296 = arith.index_cast %get3A_294 : i32 to index
      %get3A_297 = arith.index_cast %get3A_295 : i32 to index
      %get3A_298 = arith.constant 0 : index
      %get3A_299 = tpu.vector_load %arg6[%get3A_296, %get3A_297, %get3A_298] {strides = array<i32>} : memref<4x2x32xi32, #tpu.memory_space<vmem>>, vector<16xi32>,
      %sub3A_300 = vector.broadcast %mul3A_0 : i32 to vector<16xi32>
      %sub3A_301 = arith.subi %get3A_299, %sub3A_300 : vector<16xi32>
      %ge3A_302 = arith.constant 0 : i32
      %ge3A_303 = vector.broadcast %ge3A_302 : i32 to vector<16xi32>
      %ge3A_304 = arith.cmpi sge, %sub3A_301, %ge3A_303 : vector<16xi32>
      %lt3A_305 = arith.constant 5120 : i32
      %lt3A_306 = vector.broadcast %lt3A_305 : i32 to vector<16xi32>
      %lt3A_307 = arith.cmpi slt, %sub3A_301, %lt3A_306 : vector<16xi32>
      %and3A_308 = arith.andi %ge3A_304, %lt3A_307 : vector<16xi1>
      %jit3A_309 = arith.constant 5120 : i32
      %broadcast_in_dim3A_310 = vector.broadcast %jit3A_309 : i32 to vector<16xi32>
      %select_n3A_311 = arith.select %and3A_308, %sub3A_301, %broadcast_in_dim3A_310 : vector<16xi1>, vector<16xi32>
      %swap3A_312 = arith.constant 2 : i32
      %swap3A_313 = arith.index_cast %swap3A_312 : i32 to index
      %swap3A_314 = arith.constant 0 : index
      %swap3A_315 = tpu.vector_load %arg7[%swap3A_313, %swap3A_314] {strides = array<i32>} : memref<4x32xi32, #tpu.memory_space<vmem>>, vector<16xi32>,
      tpu.vector_store %arg7[%swap3A_313, %swap3A_314], %select_n3A_311 {strides = array<i32>} : memref<4x32xi32, #tpu.memory_space<vmem>>, vector<16xi32>,
      %get3A_316 = arith.constant 2 : i32
      %get3A_317 = arith.constant 1 : i32
      %get3A_318 = arith.index_cast %get3A_316 : i32 to index
      %get3A_319 = arith.index_cast %get3A_317 : i32 to index
      %get3A_320 = arith.constant 16 : index
      %get3A_321 = tpu.vector_load %arg6[%get3A_318, %get3A_319, %get3A_320] {strides = array<i32>} : memref<4x2x32xi32, #tpu.memory_space<vmem>>, vector<16xi32>,
      %sub3A_322 = vector.broadcast %mul3A_0 : i32 to vector<16xi32>
      %sub3A_323 = arith.subi %get3A_321, %sub3A_322 : vector<16xi32>
      %ge3A_324 = arith.constant 0 : i32
      %ge3A_325 = vector.broadcast %ge3A_324 : i32 to vector<16xi32>
      %ge3A_326 = arith.cmpi sge, %sub3A_323, %ge3A_325 : vector<16xi32>
      %lt3A_327 = arith.constant 5120 : i32
      %lt3A_328 = vector.broadcast %lt3A_327 : i32 to vector<16xi32>
      %lt3A_329 = arith.cmpi slt, %sub3A_323, %lt3A_328 : vector<16xi32>
      %and3A_330 = arith.andi %ge3A_326, %lt3A_329 : vector<16xi1>
      %jit3A_331 = arith.constant 5120 : i32
      %broadcast_in_dim3A_332 = vector.broadcast %jit3A_331 : i32 to vector<16xi32>
      %select_n3A_333 = arith.select %and3A_330, %sub3A_323, %broadcast_in_dim3A_332 : vector<16xi1>, vector<16xi32>
      %swap3A_334 = arith.constant 2 : i32
      %swap3A_335 = arith.index_cast %swap3A_334 : i32 to index
      %swap3A_336 = arith.constant 16 : index
      %swap3A_337 = tpu.vector_load %arg7[%swap3A_335, %swap3A_336] {strides = array<i32>} : memref<4x32xi32, #tpu.memory_space<vmem>>, vector<16xi32>,
      tpu.vector_store %arg7[%swap3A_335, %swap3A_336], %select_n3A_333 {strides = array<i32>} : memref<4x32xi32, #tpu.memory_space<vmem>>, vector<16xi32>,
      %dma_start3A_338 = arith.constant 2 : i32
      %dma_start3A_339 = arith.constant 0 : i32
      %dma_start3A_340 = arith.constant 0 : i32
      %dma_start3A_341 = tpu.memref_slice %arg6[%dma_start3A_338, %dma_start3A_339, %dma_start3A_340] : memref<4x2x32xi32, #tpu.memory_space<vmem>> -> memref<1x1x32xi32, #tpu.memory_space<vmem>>
      %dma_start3A_342 = tpu.memref_squeeze %dma_start3A_341 : memref<1x1x32xi32, #tpu.memory_space<vmem>> -> memref<32xi32, #tpu.memory_space<vmem>>
      %dma_start3A_343 = arith.constant 0 : i32
      %dma_start3A_344 = arith.constant 0 : i32
      %dma_start3A_345 = tpu.memref_slice %arg10[%dma_start3A_343, %dma_start3A_344] : memref<10016x128xf32, #tpu.memory_space<vmem_shared>> -> memref<10016x128xf32, #tpu.memory_space<vmem_shared>>
      tpu.enqueue_indirect_dma source(%dma_start3A_345 : memref<10016x128xf32, #tpu.memory_space<vmem_shared>>) target(%arg8 : memref<32x128xf32, #tpu.memory_space<vmem>>) offsets(%dma_start3A_342 : memref<32xi32, #tpu.memory_space<vmem>>) semaphore(%arg16 : memref<!tpu.dma_semaphore, #tpu.memory_space<semaphore_mem>>)
      %dma_wait3A_346 = arith.constant 1 : i32
      %dma_wait3A_347 = arith.constant 0 : i32
      %dma_wait3A_348 = tpu.memref_slice %arg7[%dma_wait3A_346, %dma_wait3A_347] : memref<4x32xi32, #tpu.memory_space<vmem>> -> memref<1x32xi32, #tpu.memory_space<vmem>>
      %dma_wait3A_349 = tpu.memref_squeeze %dma_wait3A_348 : memref<1x32xi32, #tpu.memory_space<vmem>> -> memref<32xi32, #tpu.memory_space<vmem>>
      %dma_wait3A_350 = arith.constant 0 : i32
      %dma_wait3A_351 = arith.constant 0 : i32
      %dma_wait3A_352 = tpu.memref_slice %arg11[%dma_wait3A_350, %dma_wait3A_351] : memref<5128x128xf32, #tpu.memory_space<vmem_shared>> -> memref<5128x128xf32, #tpu.memory_space<vmem_shared>>
      tpu.wait_indirect_dma semaphore(%arg19 : memref<!tpu.dma_semaphore, #tpu.memory_space<semaphore_mem>>) src(%arg9 : memref<32x128xf32, #tpu.memory_space<vmem>>) dst(%dma_wait3A_352 : memref<5128x128xf32, #tpu.memory_space<vmem_shared>>)
      %lt3A_353 = arith.constant 159 : i32
      %lt3A_354 = arith.cmpi slt, %scan3A_99, %lt3A_353 : i32
      %convert_element_type3A_355 = arith.extui %lt3A_354 : i1 to i32
      %cond3A_356 = arith.constant 0 : i32
      %cond3A_357 = arith.cmpi ne, %convert_element_type3A_355, %cond3A_356 : i32
      scf.if %cond3A_357 {
        %add3A = arith.constant 5 : i32
        %add3A_483 = arith.addi %mul3A_102, %add3A : i32
        %dma_start3A_484 = arith.constant 1 : i32
        %dma_start3A_485 = arith.constant 0 : i32
        %dma_start3A_486 = arith.constant 0 : i32
        %dma_start3A_487 = tpu.memref_slice %arg6[%dma_start3A_484, %dma_start3A_485, %dma_start3A_486] : memref<4x2x32xi32, #tpu.memory_space<vmem>> -> memref<1x2x32xi32, #tpu.memory_space<vmem>>
        %dma_start3A_488 = tpu.memref_squeeze %dma_start3A_487 : memref<1x2x32xi32, #tpu.memory_space<vmem>> -> memref<2x32xi32, #tpu.memory_space<vmem>>
        %dma_start3A_489 = arith.constant 0 : i32
        %dma_start3A_490 = arith.constant 0 : i32
        %dma_start3A_491 = tpu.memref_slice %arg3[%arg1, %add3A_483, %dma_start3A_489, %dma_start3A_490] : memref<16x640x2x32xi32, #tpu.memory_space<hbm>> -> memref<1x1x2x32xi32, #tpu.memory_space<hbm>>
        %dma_start3A_492 = tpu.memref_squeeze %dma_start3A_491 : memref<1x1x2x32xi32, #tpu.memory_space<hbm>> -> memref<2x32xi32, #tpu.memory_space<hbm>>
        %dma_start3A_493 = arith.constant 0 : i32
        %dma_start3A_494 = arith.constant 0 : i32
        %dma_start3A_495 = tpu.memref_slice %arg6[%dma_start3A_484, %dma_start3A_493, %dma_start3A_494] : memref<4x2x32xi32, #tpu.memory_space<vmem>> -> memref<1x2x32xi32, #tpu.memory_space<vmem>>
        %dma_start3A_496 = tpu.memref_squeeze %dma_start3A_495 : memref<1x2x32xi32, #tpu.memory_space<vmem>> -> memref<2x32xi32, #tpu.memory_space<vmem>>
        %dma_start3A_497 = arith.constant 0 : i32
        %dma_start3A_498 = arith.constant 0 : i32
        %dma_start3A_499 = tpu.memref_slice %arg3[%arg1, %add3A_483, %dma_start3A_497, %dma_start3A_498] : memref<16x640x2x32xi32, #tpu.memory_space<hbm>> -> memref<1x1x2x32xi32, #tpu.memory_space<hbm>>
        %dma_start3A_500 = tpu.memref_squeeze %dma_start3A_499 : memref<1x1x2x32xi32, #tpu.memory_space<hbm>> -> memref<2x32xi32, #tpu.memory_space<hbm>>
        tpu.enqueue_dma source(%dma_start3A_500 : memref<2x32xi32, #tpu.memory_space<hbm>>) target(%dma_start3A_496 : memref<2x32xi32, #tpu.memory_space<vmem>>) target_semaphore(%arg13 : memref<!tpu.dma_semaphore, #tpu.memory_space<semaphore_mem>>)
      } else {
      }
      %dma_wait3A_358 = arith.constant 0 : i32
      %dma_wait3A_359 = arith.constant 3 : i32
      %dma_wait3A_360 = arith.constant 0 : i32
      %dma_wait3A_361 = arith.constant 0 : i32
      %dma_wait3A_362 = tpu.memref_slice %arg6[%dma_wait3A_359, %dma_wait3A_360, %dma_wait3A_361] : memref<4x2x32xi32, #tpu.memory_space<vmem>> -> memref<1x2x32xi32, #tpu.memory_space<vmem>>
      %dma_wait3A_363 = tpu.memref_squeeze %dma_wait3A_362 : memref<1x2x32xi32, #tpu.memory_space<vmem>> -> memref<2x32xi32, #tpu.memory_space<vmem>>
      %dma_wait3A_364 = arith.constant 0 : i32
      %dma_wait3A_365 = arith.constant 0 : i32
      %dma_wait3A_366 = tpu.memref_slice %arg3[%arg1, %dma_wait3A_358, %dma_wait3A_364, %dma_wait3A_365] : memref<16x640x2x32xi32, #tpu.memory_space<hbm>> -> memref<1x1x2x32xi32, #tpu.memory_space<hbm>>
      %dma_wait3A_367 = tpu.memref_squeeze %dma_wait3A_366 : memref<1x1x2x32xi32, #tpu.memory_space<hbm>> -> memref<2x32xi32, #tpu.memory_space<hbm>>
      %dma_wait3A_368 = arith.constant 0 : i32
      %dma_wait3A_369 = arith.constant 0 : i32
      %dma_wait3A_370 = tpu.memref_slice %arg6[%dma_wait3A_359, %dma_wait3A_368, %dma_wait3A_369] : memref<4x2x32xi32, #tpu.memory_space<vmem>> -> memref<1x2x32xi32, #tpu.memory_space<vmem>>
      %dma_wait3A_371 = tpu.memref_squeeze %dma_wait3A_370 : memref<1x2x32xi32, #tpu.memory_space<vmem>> -> memref<2x32xi32, #tpu.memory_space<vmem>>
      %dma_wait3A_372 = arith.constant 0 : i32
      %dma_wait3A_373 = arith.constant 0 : i32
      %dma_wait3A_374 = tpu.memref_slice %arg3[%arg1, %dma_wait3A_358, %dma_wait3A_372, %dma_wait3A_373] : memref<16x640x2x32xi32, #tpu.memory_space<hbm>> -> memref<1x1x2x32xi32, #tpu.memory_space<hbm>>
      %dma_wait3A_375 = tpu.memref_squeeze %dma_wait3A_374 : memref<1x1x2x32xi32, #tpu.memory_space<hbm>> -> memref<2x32xi32, #tpu.memory_space<hbm>>
      tpu.wait_dma2 semaphore(%arg15 : memref<!tpu.dma_semaphore, #tpu.memory_space<semaphore_mem>>) src(%dma_wait3A_375 : memref<2x32xi32, #tpu.memory_space<hbm>>) dst(%dma_wait3A_371 : memref<2x32xi32, #tpu.memory_space<vmem>>)
      %get3A_376 = arith.constant 3 : i32
      %get3A_377 = arith.constant 1 : i32
      %get3A_378 = arith.index_cast %get3A_376 : i32 to index
      %get3A_379 = arith.index_cast %get3A_377 : i32 to index
      %get3A_380 = arith.constant 0 : index
      %get3A_381 = tpu.vector_load %arg6[%get3A_378, %get3A_379, %get3A_380] {strides = array<i32>} : memref<4x2x32xi32, #tpu.memory_space<vmem>>, vector<16xi32>,
      %sub3A_382 = vector.broadcast %mul3A_0 : i32 to vector<16xi32>
      %sub3A_383 = arith.subi %get3A_381, %sub3A_382 : vector<16xi32>
      %ge3A_384 = arith.constant 0 : i32
      %ge3A_385 = vector.broadcast %ge3A_384 : i32 to vector<16xi32>
      %ge3A_386 = arith.cmpi sge, %sub3A_383, %ge3A_385 : vector<16xi32>
      %lt3A_387 = arith.constant 5120 : i32
      %lt3A_388 = vector.broadcast %lt3A_387 : i32 to vector<16xi32>
      %lt3A_389 = arith.cmpi slt, %sub3A_383, %lt3A_388 : vector<16xi32>
      %and3A_390 = arith.andi %ge3A_386, %lt3A_389 : vector<16xi1>
      %jit3A_391 = arith.constant 5120 : i32
      %broadcast_in_dim3A_392 = vector.broadcast %jit3A_391 : i32 to vector<16xi32>
      %select_n3A_393 = arith.select %and3A_390, %sub3A_383, %broadcast_in_dim3A_392 : vector<16xi1>, vector<16xi32>
      %swap3A_394 = arith.constant 3 : i32
      %swap3A_395 = arith.index_cast %swap3A_394 : i32 to index
      %swap3A_396 = arith.constant 0 : index
      %swap3A_397 = tpu.vector_load %arg7[%swap3A_395, %swap3A_396] {strides = array<i32>} : memref<4x32xi32, #tpu.memory_space<vmem>>, vector<16xi32>,
      tpu.vector_store %arg7[%swap3A_395, %swap3A_396], %select_n3A_393 {strides = array<i32>} : memref<4x32xi32, #tpu.memory_space<vmem>>, vector<16xi32>,
      %get3A_398 = arith.constant 3 : i32
      %get3A_399 = arith.constant 1 : i32
      %get3A_400 = arith.index_cast %get3A_398 : i32 to index
      %get3A_401 = arith.index_cast %get3A_399 : i32 to index
      %get3A_402 = arith.constant 16 : index
      %get3A_403 = tpu.vector_load %arg6[%get3A_400, %get3A_401, %get3A_402] {strides = array<i32>} : memref<4x2x32xi32, #tpu.memory_space<vmem>>, vector<16xi32>,
      %sub3A_404 = vector.broadcast %mul3A_0 : i32 to vector<16xi32>
      %sub3A_405 = arith.subi %get3A_403, %sub3A_404 : vector<16xi32>
      %ge3A_406 = arith.constant 0 : i32
      %ge3A_407 = vector.broadcast %ge3A_406 : i32 to vector<16xi32>
      %ge3A_408 = arith.cmpi sge, %sub3A_405, %ge3A_407 : vector<16xi32>
      %lt3A_409 = arith.constant 5120 : i32
      %lt3A_410 = vector.broadcast %lt3A_409 : i32 to vector<16xi32>
      %lt3A_411 = arith.cmpi slt, %sub3A_405, %lt3A_410 : vector<16xi32>
      %and3A_412 = arith.andi %ge3A_408, %lt3A_411 : vector<16xi1>
      %jit3A_413 = arith.constant 5120 : i32
      %broadcast_in_dim3A_414 = vector.broadcast %jit3A_413 : i32 to vector<16xi32>
      %select_n3A_415 = arith.select %and3A_412, %sub3A_405, %broadcast_in_dim3A_414 : vector<16xi1>, vector<16xi32>
      %swap3A_416 = arith.constant 3 : i32
      %swap3A_417 = arith.index_cast %swap3A_416 : i32 to index
      %swap3A_418 = arith.constant 16 : index
      %swap3A_419 = tpu.vector_load %arg7[%swap3A_417, %swap3A_418] {strides = array<i32>} : memref<4x32xi32, #tpu.memory_space<vmem>>, vector<16xi32>,
      tpu.vector_store %arg7[%swap3A_417, %swap3A_418], %select_n3A_415 {strides = array<i32>} : memref<4x32xi32, #tpu.memory_space<vmem>>, vector<16xi32>,
      %dma_start3A_420 = arith.constant 3 : i32
      %dma_start3A_421 = arith.constant 0 : i32
      %dma_start3A_422 = arith.constant 0 : i32
      %dma_start3A_423 = tpu.memref_slice %arg6[%dma_start3A_420, %dma_start3A_421, %dma_start3A_422] : memref<4x2x32xi32, #tpu.memory_space<vmem>> -> memref<1x1x32xi32, #tpu.memory_space<vmem>>
      %dma_start3A_424 = tpu.memref_squeeze %dma_start3A_423 : memref<1x1x32xi32, #tpu.memory_space<vmem>> -> memref<32xi32, #tpu.memory_space<vmem>>
      %dma_start3A_425 = arith.constant 0 : i32
      %dma_start3A_426 = arith.constant 0 : i32
      %dma_start3A_427 = tpu.memref_slice %arg10[%dma_start3A_425, %dma_start3A_426] : memref<10016x128xf32, #tpu.memory_space<vmem_shared>> -> memref<10016x128xf32, #tpu.memory_space<vmem_shared>>
      tpu.enqueue_indirect_dma source(%dma_start3A_427 : memref<10016x128xf32, #tpu.memory_space<vmem_shared>>) target(%arg9 : memref<32x128xf32, #tpu.memory_space<vmem>>) offsets(%dma_start3A_424 : memref<32xi32, #tpu.memory_space<vmem>>) semaphore(%arg17 : memref<!tpu.dma_semaphore, #tpu.memory_space<semaphore_mem>>)
      %dma_wait3A_428 = arith.constant 2 : i32
      %dma_wait3A_429 = arith.constant 0 : i32
      %dma_wait3A_430 = arith.constant 0 : i32
      %dma_wait3A_431 = tpu.memref_slice %arg6[%dma_wait3A_428, %dma_wait3A_429, %dma_wait3A_430] : memref<4x2x32xi32, #tpu.memory_space<vmem>> -> memref<1x1x32xi32, #tpu.memory_space<vmem>>
      %dma_wait3A_432 = tpu.memref_squeeze %dma_wait3A_431 : memref<1x1x32xi32, #tpu.memory_space<vmem>> -> memref<32xi32, #tpu.memory_space<vmem>>
      %dma_wait3A_433 = arith.constant 0 : i32
      %dma_wait3A_434 = arith.constant 0 : i32
      %dma_wait3A_435 = tpu.memref_slice %arg10[%dma_wait3A_433, %dma_wait3A_434] : memref<10016x128xf32, #tpu.memory_space<vmem_shared>> -> memref<10016x128xf32, #tpu.memory_space<vmem_shared>>
      tpu.wait_indirect_dma semaphore(%arg16 : memref<!tpu.dma_semaphore, #tpu.memory_space<semaphore_mem>>) src(%dma_wait3A_435 : memref<10016x128xf32, #tpu.memory_space<vmem_shared>>) dst(%arg8 : memref<32x128xf32, #tpu.memory_space<vmem>>)
      %dma_start3A_436 = arith.constant 2 : i32
      %dma_start3A_437 = arith.constant 0 : i32
      %dma_start3A_438 = tpu.memref_slice %arg7[%dma_start3A_436, %dma_start3A_437] : memref<4x32xi32, #tpu.memory_space<vmem>> -> memref<1x32xi32, #tpu.memory_space<vmem>>
      %dma_start3A_439 = tpu.memref_squeeze %dma_start3A_438 : memref<1x32xi32, #tpu.memory_space<vmem>> -> memref<32xi32, #tpu.memory_space<vmem>>
      %dma_start3A_440 = arith.constant 0 : i32
      %dma_start3A_441 = arith.constant 0 : i32
      %dma_start3A_442 = tpu.memref_slice %arg11[%dma_start3A_440, %dma_start3A_441] : memref<5128x128xf32, #tpu.memory_space<vmem_shared>> -> memref<5128x128xf32, #tpu.memory_space<vmem_shared>>
      tpu.enqueue_indirect_dma source(%arg8 : memref<32x128xf32, #tpu.memory_space<vmem>>) target(%dma_start3A_442 : memref<5128x128xf32, #tpu.memory_space<vmem_shared>>) offsets(%dma_start3A_439 : memref<32xi32, #tpu.memory_space<vmem>>) semaphore(%arg18 : memref<!tpu.dma_semaphore, #tpu.memory_space<semaphore_mem>>) {add = true}
      %dma_wait3A_443 = arith.constant 3 : i32
      %dma_wait3A_444 = arith.constant 0 : i32
      %dma_wait3A_445 = arith.constant 0 : i32
      %dma_wait3A_446 = tpu.memref_slice %arg6[%dma_wait3A_443, %dma_wait3A_444, %dma_wait3A_445] : memref<4x2x32xi32, #tpu.memory_space<vmem>> -> memref<1x1x32xi32, #tpu.memory_space<vmem>>
      %dma_wait3A_447 = tpu.memref_squeeze %dma_wait3A_446 : memref<1x1x32xi32, #tpu.memory_space<vmem>> -> memref<32xi32, #tpu.memory_space<vmem>>
      %dma_wait3A_448 = arith.constant 0 : i32
      %dma_wait3A_449 = arith.constant 0 : i32
      %dma_wait3A_450 = tpu.memref_slice %arg10[%dma_wait3A_448, %dma_wait3A_449] : memref<10016x128xf32, #tpu.memory_space<vmem_shared>> -> memref<10016x128xf32, #tpu.memory_space<vmem_shared>>
      tpu.wait_indirect_dma semaphore(%arg17 : memref<!tpu.dma_semaphore, #tpu.memory_space<semaphore_mem>>) src(%dma_wait3A_450 : memref<10016x128xf32, #tpu.memory_space<vmem_shared>>) dst(%arg9 : memref<32x128xf32, #tpu.memory_space<vmem>>)
      %dma_start3A_451 = arith.constant 3 : i32
      %dma_start3A_452 = arith.constant 0 : i32
      %dma_start3A_453 = tpu.memref_slice %arg7[%dma_start3A_451, %dma_start3A_452] : memref<4x32xi32, #tpu.memory_space<vmem>> -> memref<1x32xi32, #tpu.memory_space<vmem>>
      %dma_start3A_454 = tpu.memref_squeeze %dma_start3A_453 : memref<1x32xi32, #tpu.memory_space<vmem>> -> memref<32xi32, #tpu.memory_space<vmem>>
      %dma_start3A_455 = arith.constant 0 : i32
      %dma_start3A_456 = arith.constant 0 : i32
      %dma_start3A_457 = tpu.memref_slice %arg11[%dma_start3A_455, %dma_start3A_456] : memref<5128x128xf32, #tpu.memory_space<vmem_shared>> -> memref<5128x128xf32, #tpu.memory_space<vmem_shared>>
      tpu.enqueue_indirect_dma source(%arg9 : memref<32x128xf32, #tpu.memory_space<vmem>>) target(%dma_start3A_457 : memref<5128x128xf32, #tpu.memory_space<vmem_shared>>) offsets(%dma_start3A_454 : memref<32xi32, #tpu.memory_space<vmem>>) semaphore(%arg19 : memref<!tpu.dma_semaphore, #tpu.memory_space<semaphore_mem>>) {add = true}
      %dma_wait3A_458 = arith.constant 2 : i32
      %dma_wait3A_459 = arith.constant 0 : i32
      %dma_wait3A_460 = tpu.memref_slice %arg7[%dma_wait3A_458, %dma_wait3A_459] : memref<4x32xi32, #tpu.memory_space<vmem>> -> memref<1x32xi32, #tpu.memory_space<vmem>>
      %dma_wait3A_461 = tpu.memref_squeeze %dma_wait3A_460 : memref<1x32xi32, #tpu.memory_space<vmem>> -> memref<32xi32, #tpu.memory_space<vmem>>
      %dma_wait3A_462 = arith.constant 0 : i32
      %dma_wait3A_463 = arith.constant 0 : i32
      %dma_wait3A_464 = tpu.memref_slice %arg11[%dma_wait3A_462, %dma_wait3A_463] : memref<5128x128xf32, #tpu.memory_space<vmem_shared>> -> memref<5128x128xf32, #tpu.memory_space<vmem_shared>>
      tpu.wait_indirect_dma semaphore(%arg18 : memref<!tpu.dma_semaphore, #tpu.memory_space<semaphore_mem>>) src(%arg8 : memref<32x128xf32, #tpu.memory_space<vmem>>) dst(%dma_wait3A_464 : memref<5128x128xf32, #tpu.memory_space<vmem_shared>>)
      %lt3A_465 = arith.constant 159 : i32
      %lt3A_466 = arith.cmpi slt, %scan3A_99, %lt3A_465 : i32
      %convert_element_type3A_467 = arith.extui %lt3A_466 : i1 to i32
      %cond3A_468 = arith.constant 0 : i32
      %cond3A_469 = arith.cmpi ne, %convert_element_type3A_467, %cond3A_468 : i32
      scf.if %cond3A_469 {
        %add3A = arith.constant 6 : i32
        %add3A_483 = arith.addi %mul3A_102, %add3A : i32
        %dma_start3A_484 = arith.constant 2 : i32
        %dma_start3A_485 = arith.constant 0 : i32
        %dma_start3A_486 = arith.constant 0 : i32
        %dma_start3A_487 = tpu.memref_slice %arg6[%dma_start3A_484, %dma_start3A_485, %dma_start3A_486] : memref<4x2x32xi32, #tpu.memory_space<vmem>> -> memref<1x2x32xi32, #tpu.memory_space<vmem>>
        %dma_start3A_488 = tpu.memref_squeeze %dma_start3A_487 : memref<1x2x32xi32, #tpu.memory_space<vmem>> -> memref<2x32xi32, #tpu.memory_space<vmem>>
        %dma_start3A_489 = arith.constant 0 : i32
        %dma_start3A_490 = arith.constant 0 : i32
        %dma_start3A_491 = tpu.memref_slice %arg3[%arg1, %add3A_483, %dma_start3A_489, %dma_start3A_490] : memref<16x640x2x32xi32, #tpu.memory_space<hbm>> -> memref<1x1x2x32xi32, #tpu.memory_space<hbm>>
        %dma_start3A_492 = tpu.memref_squeeze %dma_start3A_491 : memref<1x1x2x32xi32, #tpu.memory_space<hbm>> -> memref<2x32xi32, #tpu.memory_space<hbm>>
        %dma_start3A_493 = arith.constant 0 : i32
        %dma_start3A_494 = arith.constant 0 : i32
        %dma_start3A_495 = tpu.memref_slice %arg6[%dma_start3A_484, %dma_start3A_493, %dma_start3A_494] : memref<4x2x32xi32, #tpu.memory_space<vmem>> -> memref<1x2x32xi32, #tpu.memory_space<vmem>>
        %dma_start3A_496 = tpu.memref_squeeze %dma_start3A_495 : memref<1x2x32xi32, #tpu.memory_space<vmem>> -> memref<2x32xi32, #tpu.memory_space<vmem>>
        %dma_start3A_497 = arith.constant 0 : i32
        %dma_start3A_498 = arith.constant 0 : i32
        %dma_start3A_499 = tpu.memref_slice %arg3[%arg1, %add3A_483, %dma_start3A_497, %dma_start3A_498] : memref<16x640x2x32xi32, #tpu.memory_space<hbm>> -> memref<1x1x2x32xi32, #tpu.memory_space<hbm>>
        %dma_start3A_500 = tpu.memref_squeeze %dma_start3A_499 : memref<1x1x2x32xi32, #tpu.memory_space<hbm>> -> memref<2x32xi32, #tpu.memory_space<hbm>>
        tpu.enqueue_dma source(%dma_start3A_500 : memref<2x32xi32, #tpu.memory_space<hbm>>) target(%dma_start3A_496 : memref<2x32xi32, #tpu.memory_space<vmem>>) target_semaphore(%arg14 : memref<!tpu.dma_semaphore, #tpu.memory_space<semaphore_mem>>)
      } else {
      }
      %dma_wait3A_470 = arith.constant 3 : i32
      %dma_wait3A_471 = arith.constant 0 : i32
      %dma_wait3A_472 = tpu.memref_slice %arg7[%dma_wait3A_470, %dma_wait3A_471] : memref<4x32xi32, #tpu.memory_space<vmem>> -> memref<1x32xi32, #tpu.memory_space<vmem>>
      %dma_wait3A_473 = tpu.memref_squeeze %dma_wait3A_472 : memref<1x32xi32, #tpu.memory_space<vmem>> -> memref<32xi32, #tpu.memory_space<vmem>>
      %dma_wait3A_474 = arith.constant 0 : i32
      %dma_wait3A_475 = arith.constant 0 : i32
      %dma_wait3A_476 = tpu.memref_slice %arg11[%dma_wait3A_474, %dma_wait3A_475] : memref<5128x128xf32, #tpu.memory_space<vmem_shared>> -> memref<5128x128xf32, #tpu.memory_space<vmem_shared>>
      tpu.wait_indirect_dma semaphore(%arg19 : memref<!tpu.dma_semaphore, #tpu.memory_space<semaphore_mem>>) src(%arg9 : memref<32x128xf32, #tpu.memory_space<vmem>>) dst(%dma_wait3A_476 : memref<5128x128xf32, #tpu.memory_space<vmem_shared>>)
      %lt3A_477 = arith.constant 159 : i32
      %lt3A_478 = arith.cmpi slt, %scan3A_99, %lt3A_477 : i32
      %convert_element_type3A_479 = arith.extui %lt3A_478 : i1 to i32
      %cond3A_480 = arith.constant 0 : i32
      %cond3A_481 = arith.cmpi ne, %convert_element_type3A_479, %cond3A_480 : i32
      scf.if %cond3A_481 {
        %add3A = arith.constant 7 : i32
        %add3A_483 = arith.addi %mul3A_102, %add3A : i32
        %dma_start3A_484 = arith.constant 3 : i32
        %dma_start3A_485 = arith.constant 0 : i32
        %dma_start3A_486 = arith.constant 0 : i32
        %dma_start3A_487 = tpu.memref_slice %arg6[%dma_start3A_484, %dma_start3A_485, %dma_start3A_486] : memref<4x2x32xi32, #tpu.memory_space<vmem>> -> memref<1x2x32xi32, #tpu.memory_space<vmem>>
        %dma_start3A_488 = tpu.memref_squeeze %dma_start3A_487 : memref<1x2x32xi32, #tpu.memory_space<vmem>> -> memref<2x32xi32, #tpu.memory_space<vmem>>
        %dma_start3A_489 = arith.constant 0 : i32
        %dma_start3A_490 = arith.constant 0 : i32
        %dma_start3A_491 = tpu.memref_slice %arg3[%arg1, %add3A_483, %dma_start3A_489, %dma_start3A_490] : memref<16x640x2x32xi32, #tpu.memory_space<hbm>> -> memref<1x1x2x32xi32, #tpu.memory_space<hbm>>
        %dma_start3A_492 = tpu.memref_squeeze %dma_start3A_491 : memref<1x1x2x32xi32, #tpu.memory_space<hbm>> -> memref<2x32xi32, #tpu.memory_space<hbm>>
        %dma_start3A_493 = arith.constant 0 : i32
        %dma_start3A_494 = arith.constant 0 : i32
        %dma_start3A_495 = tpu.memref_slice %arg6[%dma_start3A_484, %dma_start3A_493, %dma_start3A_494] : memref<4x2x32xi32, #tpu.memory_space<vmem>> -> memref<1x2x32xi32, #tpu.memory_space<vmem>>
        %dma_start3A_496 = tpu.memref_squeeze %dma_start3A_495 : memref<1x2x32xi32, #tpu.memory_space<vmem>> -> memref<2x32xi32, #tpu.memory_space<vmem>>
        %dma_start3A_497 = arith.constant 0 : i32
        %dma_start3A_498 = arith.constant 0 : i32
        %dma_start3A_499 = tpu.memref_slice %arg3[%arg1, %add3A_483, %dma_start3A_497, %dma_start3A_498] : memref<16x640x2x32xi32, #tpu.memory_space<hbm>> -> memref<1x1x2x32xi32, #tpu.memory_space<hbm>>
        %dma_start3A_500 = tpu.memref_squeeze %dma_start3A_499 : memref<1x1x2x32xi32, #tpu.memory_space<hbm>> -> memref<2x32xi32, #tpu.memory_space<hbm>>
        tpu.enqueue_dma source(%dma_start3A_500 : memref<2x32xi32, #tpu.memory_space<hbm>>) target(%dma_start3A_496 : memref<2x32xi32, #tpu.memory_space<vmem>>) target_semaphore(%arg15 : memref<!tpu.dma_semaphore, #tpu.memory_space<semaphore_mem>>)
      } else {
      }
      %scan3A_482 = arith.constant 0 : i32
      scf.yield %scan3A_482 : i32
    }
    %scan3A_90 = arith.constant 160 : i32
    %barrier3A_91 = arith.constant 0 : index
    tpu.barrier barrier_id(%barrier3A_91)
    %scan3A_92 = arith.constant 0 : i32
    %scan3A_93 = arith.constant 0 : i32
    %scan3A_94 = arith.constant 10 : i32
    %scan3A_95 = arith.addi %scan3A_93, %scan3A_94 : i32
    %scan3A_96 = arith.constant 1 : i32
    %scan3A_97 = scf.for %scan3A_99 = %scan3A_93 to %scan3A_95 step %scan3A_96 iter_args(%scan3A_100 = %scan3A_92) -> (i32)  : i32 {
      %mul3A_101 = arith.constant 32 : i32
      %mul3A_102 = arith.muli %scan3A_99, %mul3A_101 : i32
      %mul3A_103 = arith.constant 320 : i32
      %mul3A_104 = arith.muli %arg1, %mul3A_103 : i32
      %add3A = arith.addi %mul3A_104, %mul3A_102 : i32
      "tpu.region"() ({
        %run_scoped3A = tpu.sem_alloc : memref<!tpu.dma_semaphore, #tpu.memory_space<semaphore_mem>>
        %dma_start3A_111 = arith.constant 0 : i32
        %dma_start3A_112 = arith.constant 0 : i32
        %dma_start3A_113 = tpu.memref_slice %arg8[%dma_start3A_111, %dma_start3A_112] : memref<32x128xf32, #tpu.memory_space<vmem>> -> memref<32x128xf32, #tpu.memory_space<vmem>>
        %dma_start3A_114 = arith.constant 0 : i32
        %dma_start3A_115 = tpu.memref_slice %arg11[%add3A, %dma_start3A_114] : memref<5128x128xf32, #tpu.memory_space<vmem_shared>> -> memref<32x128xf32, #tpu.memory_space<vmem_shared>>
        %dma_start3A_116 = arith.constant 0 : i32
        %dma_start3A_117 = arith.constant 0 : i32
        %dma_start3A_118 = tpu.memref_slice %arg8[%dma_start3A_116, %dma_start3A_117] : memref<32x128xf32, #tpu.memory_space<vmem>> -> memref<32x128xf32, #tpu.memory_space<vmem>>
        %dma_start3A_119 = arith.constant 0 : i32
        %dma_start3A_120 = tpu.memref_slice %arg11[%add3A, %dma_start3A_119] : memref<5128x128xf32, #tpu.memory_space<vmem_shared>> -> memref<32x128xf32, #tpu.memory_space<vmem_shared>>
        tpu.enqueue_dma source(%dma_start3A_120 : memref<32x128xf32, #tpu.memory_space<vmem_shared>>) target(%dma_start3A_118 : memref<32x128xf32, #tpu.memory_space<vmem>>) target_semaphore(%run_scoped3A : memref<!tpu.dma_semaphore, #tpu.memory_space<semaphore_mem>>)
        %dma_wait3A = arith.constant 0 : i32
        %dma_wait3A_121 = arith.constant 0 : i32
        %dma_wait3A_122 = tpu.memref_slice %arg8[%dma_wait3A, %dma_wait3A_121] : memref<32x128xf32, #tpu.memory_space<vmem>> -> memref<32x128xf32, #tpu.memory_space<vmem>>
        %dma_wait3A_123 = arith.constant 0 : i32
        %dma_wait3A_124 = tpu.memref_slice %arg11[%add3A, %dma_wait3A_123] : memref<5128x128xf32, #tpu.memory_space<vmem_shared>> -> memref<32x128xf32, #tpu.memory_space<vmem_shared>>
        %dma_wait3A_125 = arith.constant 0 : i32
        %dma_wait3A_126 = arith.constant 0 : i32
        %dma_wait3A_127 = tpu.memref_slice %arg8[%dma_wait3A_125, %dma_wait3A_126] : memref<32x128xf32, #tpu.memory_space<vmem>> -> memref<32x128xf32, #tpu.memory_space<vmem>>
        %dma_wait3A_128 = arith.constant 0 : i32
        %dma_wait3A_129 = tpu.memref_slice %arg11[%add3A, %dma_wait3A_128] : memref<5128x128xf32, #tpu.memory_space<vmem_shared>> -> memref<32x128xf32, #tpu.memory_space<vmem_shared>>
        tpu.wait_dma2 semaphore(%run_scoped3A : memref<!tpu.dma_semaphore, #tpu.memory_space<semaphore_mem>>) src(%dma_wait3A_129 : memref<32x128xf32, #tpu.memory_space<vmem_shared>>) dst(%dma_wait3A_127 : memref<32x128xf32, #tpu.memory_space<vmem>>)
        tpu.yield
      }) : () -> ()
      %mul3A_105 = arith.constant 32 : i32
      %mul3A_106 = arith.muli %scan3A_99, %mul3A_105 : i32
      %mul3A_107 = arith.constant 320 : i32
      %mul3A_108 = arith.muli %arg1, %mul3A_107 : i32
      %add3A_109 = arith.addi %mul3A_108, %mul3A_106 : i32
      "tpu.region"() ({
        %run_scoped3A = tpu.sem_alloc : memref<!tpu.dma_semaphore, #tpu.memory_space<semaphore_mem>>
        %dma_start3A_111 = arith.constant 0 : i32
        %dma_start3A_112 = arith.constant 0 : i32
        %dma_start3A_113 = tpu.memref_slice %arg8[%dma_start3A_111, %dma_start3A_112] : memref<32x128xf32, #tpu.memory_space<vmem>> -> memref<32x128xf32, #tpu.memory_space<vmem>>
        %dma_start3A_114 = arith.constant 0 : i32
        %dma_start3A_115 = tpu.memref_slice %arg5[%arg0, %add3A_109, %dma_start3A_114] : memref<2x5120x128xf32, #tpu.memory_space<hbm>> -> memref<1x32x128xf32, #tpu.memory_space<hbm>>
        %dma_start3A_116 = tpu.memref_squeeze %dma_start3A_115 : memref<1x32x128xf32, #tpu.memory_space<hbm>> -> memref<32x128xf32, #tpu.memory_space<hbm>>
        %dma_start3A_117 = arith.constant 0 : i32
        %dma_start3A_118 = tpu.memref_slice %arg5[%arg0, %add3A_109, %dma_start3A_117] : memref<2x5120x128xf32, #tpu.memory_space<hbm>> -> memref<1x32x128xf32, #tpu.memory_space<hbm>>
        %dma_start3A_119 = tpu.memref_squeeze %dma_start3A_118 : memref<1x32x128xf32, #tpu.memory_space<hbm>> -> memref<32x128xf32, #tpu.memory_space<hbm>>
        %dma_start3A_120 = arith.constant 0 : i32
        %dma_start3A_121 = arith.constant 0 : i32
        %dma_start3A_122 = tpu.memref_slice %arg8[%dma_start3A_120, %dma_start3A_121] : memref<32x128xf32, #tpu.memory_space<vmem>> -> memref<32x128xf32, #tpu.memory_space<vmem>>
        tpu.enqueue_dma source(%dma_start3A_122 : memref<32x128xf32, #tpu.memory_space<vmem>>) target(%dma_start3A_119 : memref<32x128xf32, #tpu.memory_space<hbm>>) target_semaphore(%run_scoped3A : memref<!tpu.dma_semaphore, #tpu.memory_space<semaphore_mem>>)
        %dma_wait3A = arith.constant 0 : i32
        %dma_wait3A_123 = arith.constant 0 : i32
        %dma_wait3A_124 = tpu.memref_slice %arg8[%dma_wait3A, %dma_wait3A_123] : memref<32x128xf32, #tpu.memory_space<vmem>> -> memref<32x128xf32, #tpu.memory_space<vmem>>
        %dma_wait3A_125 = arith.constant 0 : i32
        %dma_wait3A_126 = tpu.memref_slice %arg5[%arg0, %add3A_109, %dma_wait3A_125] : memref<2x5120x128xf32, #tpu.memory_space<hbm>> -> memref<1x32x128xf32, #tpu.memory_space<hbm>>
        %dma_wait3A_127 = tpu.memref_squeeze %dma_wait3A_126 : memref<1x32x128xf32, #tpu.memory_space<hbm>> -> memref<32x128xf32, #tpu.memory_space<hbm>>
        %dma_wait3A_128 = arith.constant 0 : i32
        %dma_wait3A_129 = tpu.memref_slice %arg5[%arg0, %add3A_109, %dma_wait3A_128] : memref<2x5120x128xf32, #tpu.memory_space<hbm>> -> memref<1x32x128xf32, #tpu.memory_space<hbm>>
        %dma_wait3A_130 = tpu.memref_squeeze %dma_wait3A_129 : memref<1x32x128xf32, #tpu.memory_space<hbm>> -> memref<32x128xf32, #tpu.memory_space<hbm>>
        %dma_wait3A_131 = arith.constant 0 : i32
        %dma_wait3A_132 = arith.constant 0 : i32
        %dma_wait3A_133 = tpu.memref_slice %arg8[%dma_wait3A_131, %dma_wait3A_132] : memref<32x128xf32, #tpu.memory_space<vmem>> -> memref<32x128xf32, #tpu.memory_space<vmem>>
        tpu.wait_dma2 semaphore(%run_scoped3A : memref<!tpu.dma_semaphore, #tpu.memory_space<semaphore_mem>>) src(%dma_wait3A_133 : memref<32x128xf32, #tpu.memory_space<vmem>>) dst(%dma_wait3A_130 : memref<32x128xf32, #tpu.memory_space<hbm>>)
        tpu.yield
      }) : () -> ()
      %scan3A_110 = arith.constant 0 : i32
      scf.yield %scan3A_110 : i32
    }
    %scan3A_98 = arith.constant 10 : i32
    return
  }
}

module attributes {stable_mosaic.version = 14 : i64} {
  func.func @_tc_norms_l1(%arg0: memref<32x10240xf32, #tpu.memory_space<vmem>>, %arg1: memref<32x10240xf32, #tpu.memory_space<vmem>>, %arg2: memref<10240x128xf32, #tpu.memory_space<vmem>>, %arg3: memref<128x128xf32, #tpu.memory_space<vmem>>, %arg4: memref<10240xf32, #tpu.memory_space<vmem>>, %arg5: memref<10240xf32, #tpu.memory_space<vmem>>, %arg6: memref<10240x128xf32, #tpu.memory_space<vmem>>) attributes {dimension_semantics = [], scalar_prefetch = 0 : i64, scratch_operands = 0 : i64, tpu.core_type = #tpu.core_type<tc>} {
    %get3A = arith.constant 0 : index
    %get3A_0 = arith.constant 0 : index
    %get3A_1 = vector.load %arg0[%get3A, %get3A_0] : memref<32x10240xf32, #tpu.memory_space<vmem>>, vector<32x10240xf32>
    %reduce_sum3A = arith.constant dense<0.000000e+00> : vector<10240xf32>
    %reduce_sum3A_2 = vector.multi_reduction <add>, %get3A_1, %reduce_sum3A [0] : vector<32x10240xf32> to vector<10240xf32>
    %add3A = arith.constant 1.000000e+00 : f32
    %add3A_3 = vector.broadcast %add3A : f32 to vector<10240xf32>
    %add3A_4 = arith.addf %reduce_sum3A_2, %add3A_3 : vector<10240xf32>
    %get3A_5 = arith.constant 0 : index
    %get3A_6 = arith.constant 0 : index
    %get3A_7 = vector.load %arg1[%get3A_5, %get3A_6] : memref<32x10240xf32, #tpu.memory_space<vmem>>, vector<32x10240xf32>
    %reduce_sum3A_8 = arith.constant dense<0.000000e+00> : vector<10240xf32>
    %reduce_sum3A_9 = vector.multi_reduction <add>, %get3A_7, %reduce_sum3A_8 [0] : vector<32x10240xf32> to vector<10240xf32>
    %add3A_10 = arith.constant 1.000000e+00 : f32
    %add3A_11 = vector.broadcast %add3A_10 : f32 to vector<10240xf32>
    %add3A_12 = arith.addf %reduce_sum3A_9, %add3A_11 : vector<10240xf32>
    %rsqrt3A = math.rsqrt %add3A_4 : vector<10240xf32>
    %rsqrt3A_13 = math.rsqrt %add3A_12 : vector<10240xf32>
    %swap3A = arith.constant 0 : index
    %swap3A_14 = vector.load %arg4[%swap3A] : memref<10240xf32, #tpu.memory_space<vmem>>, vector<10240xf32>
    tpu.vector_store %arg4[%swap3A], %rsqrt3A {strides = array<i32>} : memref<10240xf32, #tpu.memory_space<vmem>>, vector<10240xf32>,
    %swap3A_15 = arith.constant 0 : index
    %swap3A_16 = vector.load %arg5[%swap3A_15] : memref<10240xf32, #tpu.memory_space<vmem>>, vector<10240xf32>
    tpu.vector_store %arg5[%swap3A_15], %rsqrt3A_13 {strides = array<i32>} : memref<10240xf32, #tpu.memory_space<vmem>>, vector<10240xf32>,
    %get3A_17 = arith.constant 0 : index
    %get3A_18 = arith.constant 0 : index
    %get3A_19 = vector.load %arg2[%get3A_17, %get3A_18] : memref<10240x128xf32, #tpu.memory_space<vmem>>, vector<10240x128xf32>
    %get3A_20 = arith.constant 0 : index
    %get3A_21 = arith.constant 0 : index
    %get3A_22 = vector.load %arg3[%get3A_20, %get3A_21] : memref<128x128xf32, #tpu.memory_space<vmem>>, vector<128x128xf32>
    %dot_general3A = arith.constant dense<0.000000e+00> : vector<10240x128xf32>
    %dot_general3A_23 = tpu.matmul %get3A_19, %get3A_22, %dot_general3A {dimension_numbers = #tpu.dot_dimension_numbers<[1], [0], [0], [1], [0, 0, 1, 1], [], []>, transpose_lhs_hint = false} : vector<10240x128xf32>, vector<128x128xf32>, vector<10240x128xf32> -> vector<10240x128xf32>
    %broadcast_in_dim3A = vector.shape_cast %rsqrt3A : vector<10240xf32> to vector<10240x1xf32>
    %mul3A = vector.broadcast %broadcast_in_dim3A : vector<10240x1xf32> to vector<10240x128xf32>
    %mul3A_24 = arith.mulf %dot_general3A_23, %mul3A : vector<10240x128xf32>
    %swap3A_25 = arith.constant 0 : index
    %swap3A_26 = arith.constant 0 : index
    %swap3A_27 = vector.load %arg6[%swap3A_25, %swap3A_26] : memref<10240x128xf32, #tpu.memory_space<vmem>>, vector<10240x128xf32>
    tpu.vector_store %arg6[%swap3A_25, %swap3A_26], %mul3A_24 {strides = array<i32>} : memref<10240x128xf32, #tpu.memory_space<vmem>>, vector<10240x128xf32>,
    return
  }
}

module attributes {stable_mosaic.version = 14 : i64} {
  func.func @_tc_mid(%arg0: memref<2x5120x128xf32, #tpu.memory_space<vmem>>, %arg1: memref<10240xf32, #tpu.memory_space<vmem>>, %arg2: memref<128xf32, #tpu.memory_space<vmem>>, %arg3: memref<128x128xf32, #tpu.memory_space<vmem>>, %arg4: memref<10240xf32, #tpu.memory_space<vmem>>, %arg5: memref<32x10240xf32, #tpu.memory_space<vmem>>, %arg6: memref<10240xf32, #tpu.memory_space<vmem>>, %arg7: memref<10240x128xf32, #tpu.memory_space<vmem>>, %arg8: memref<10240xf32, #tpu.memory_space<vmem>>) attributes {dimension_semantics = [], scalar_prefetch = 0 : i64, scratch_operands = 0 : i64, tpu.core_type = #tpu.core_type<tc>} {
    %get3A = arith.constant 0 : index
    %get3A_0 = arith.constant 0 : index
    %get3A_1 = arith.constant 0 : index
    %get3A_2 = vector.load %arg0[%get3A, %get3A_0, %get3A_1] : memref<2x5120x128xf32, #tpu.memory_space<vmem>>, vector<1x5120x128xf32>
    %get3A_3 = vector.shape_cast %get3A_2 : vector<1x5120x128xf32> to vector<5120x128xf32>
    %get3A_4 = arith.constant 1 : index
    %get3A_5 = arith.constant 0 : index
    %get3A_6 = arith.constant 0 : index
    %get3A_7 = vector.load %arg0[%get3A_4, %get3A_5, %get3A_6] : memref<2x5120x128xf32, #tpu.memory_space<vmem>>, vector<1x5120x128xf32>
    %get3A_8 = vector.shape_cast %get3A_7 : vector<1x5120x128xf32> to vector<5120x128xf32>
    %concatenate3A = tpu.concatenate %get3A_3, %get3A_8 in 0 : vector<5120x128xf32>, vector<5120x128xf32> -> vector<10240x128xf32>
    %get3A_9 = arith.constant 0 : index
    %get3A_10 = vector.load %arg1[%get3A_9] : memref<10240xf32, #tpu.memory_space<vmem>>, vector<10240xf32>
    %broadcast_in_dim3A = vector.shape_cast %get3A_10 : vector<10240xf32> to vector<10240x1xf32>
    %mul3A = vector.broadcast %broadcast_in_dim3A : vector<10240x1xf32> to vector<10240x128xf32>
    %mul3A_11 = arith.mulf %concatenate3A, %mul3A : vector<10240x128xf32>
    %get3A_12 = arith.constant 0 : index
    %get3A_13 = vector.load %arg2[%get3A_12] : memref<128xf32, #tpu.memory_space<vmem>>, vector<128xf32>
    %broadcast_in_dim3A_14 = vector.shape_cast %get3A_13 : vector<128xf32> to vector<1x128xf32>
    %add3A = vector.broadcast %broadcast_in_dim3A_14 : vector<1x128xf32> to vector<10240x128xf32>
    %add3A_15 = arith.addf %mul3A_11, %add3A : vector<10240x128xf32>
    %max3A = arith.constant 0.000000e+00 : f32
    %max3A_16 = vector.broadcast %max3A : f32 to vector<10240x128xf32>
    %max3A_17 = arith.maximumf %add3A_15, %max3A_16 : vector<10240x128xf32>
    %get3A_18 = arith.constant 0 : index
    %get3A_19 = arith.constant 0 : index
    %get3A_20 = vector.load %arg3[%get3A_18, %get3A_19] : memref<128x128xf32, #tpu.memory_space<vmem>>, vector<128x128xf32>
    %dot_general3A = arith.constant dense<0.000000e+00> : vector<10240x128xf32>
    %dot_general3A_21 = tpu.matmul %max3A_17, %get3A_20, %dot_general3A {dimension_numbers = #tpu.dot_dimension_numbers<[1], [0], [0], [1], [0, 0, 1, 1], [], []>, transpose_lhs_hint = false} : vector<10240x128xf32>, vector<128x128xf32>, vector<10240x128xf32> -> vector<10240x128xf32>
    %get3A_22 = arith.constant 0 : index
    %get3A_23 = vector.load %arg4[%get3A_22] : memref<10240xf32, #tpu.memory_space<vmem>>, vector<10240xf32>
    %broadcast_in_dim3A_24 = vector.shape_cast %get3A_23 : vector<10240xf32> to vector<10240x1xf32>
    %mul3A_25 = vector.broadcast %broadcast_in_dim3A_24 : vector<10240x1xf32> to vector<10240x128xf32>
    %mul3A_26 = arith.mulf %dot_general3A_21, %mul3A_25 : vector<10240x128xf32>
    %swap3A = arith.constant 0 : index
    %swap3A_27 = arith.constant 0 : index
    %swap3A_28 = vector.load %arg7[%swap3A, %swap3A_27] : memref<10240x128xf32, #tpu.memory_space<vmem>>, vector<10240x128xf32>
    tpu.vector_store %arg7[%swap3A, %swap3A_27], %mul3A_26 {strides = array<i32>} : memref<10240x128xf32, #tpu.memory_space<vmem>>, vector<10240x128xf32>,
    %get3A_29 = arith.constant 0 : index
    %get3A_30 = arith.constant 0 : index
    %get3A_31 = vector.load %arg5[%get3A_29, %get3A_30] : memref<32x10240xf32, #tpu.memory_space<vmem>>, vector<32x10240xf32>
    %reduce_sum3A = arith.constant dense<0.000000e+00> : vector<10240xf32>
    %reduce_sum3A_32 = vector.multi_reduction <add>, %get3A_31, %reduce_sum3A [0] : vector<32x10240xf32> to vector<10240xf32>
    %get3A_33 = arith.constant 0 : index
    %get3A_34 = vector.load %arg1[%get3A_33] : memref<10240xf32, #tpu.memory_space<vmem>>, vector<10240xf32>
    %add3A_35 = arith.addf %reduce_sum3A_32, %get3A_34 : vector<10240xf32>
    %get3A_36 = arith.constant 0 : index
    %get3A_37 = vector.load %arg6[%get3A_36] : memref<10240xf32, #tpu.memory_space<vmem>>, vector<10240xf32>
    %get3A_38 = arith.constant 0 : index
    %get3A_39 = vector.load %arg4[%get3A_38] : memref<10240xf32, #tpu.memory_space<vmem>>, vector<10240xf32>
    %mul3A_40 = arith.mulf %get3A_37, %get3A_39 : vector<10240xf32>
    %mul3A_41 = arith.mulf %mul3A_40, %add3A_35 : vector<10240xf32>
    %mul3A_42 = arith.constant 9.99999974E-5 : f32
    %mul3A_43 = vector.broadcast %mul3A_42 : f32 to vector<10240xf32>
    %mul3A_44 = arith.mulf %mul3A_41, %mul3A_43 : vector<10240xf32>
    %swap3A_45 = arith.constant 0 : index
    %swap3A_46 = vector.load %arg8[%swap3A_45] : memref<10240xf32, #tpu.memory_space<vmem>>, vector<10240xf32>
    tpu.vector_store %arg8[%swap3A_45], %mul3A_44 {strides = array<i32>} : memref<10240xf32, #tpu.memory_space<vmem>>, vector<10240xf32>,
    return
  }
}

module attributes {stable_mosaic.version = 14 : i64} {
  func.func @_tc_final(%arg0: memref<2x5120x128xf32, #tpu.memory_space<vmem>>, %arg1: memref<10240xf32, #tpu.memory_space<vmem>>, %arg2: memref<128xf32, #tpu.memory_space<vmem>>, %arg3: memref<10240xf32, #tpu.memory_space<vmem>>, %arg4: memref<128x128xf32, #tpu.memory_space<vmem>>, %arg5: memref<128xf32, #tpu.memory_space<vmem>>, %arg6: memref<1x128xf32, #tpu.memory_space<vmem>>) attributes {dimension_semantics = [], scalar_prefetch = 0 : i64, scratch_operands = 0 : i64, tpu.core_type = #tpu.core_type<tc>} {
    %get3A = arith.constant 0 : index
    %get3A_0 = arith.constant 0 : index
    %get3A_1 = arith.constant 0 : index
    %get3A_2 = vector.load %arg0[%get3A, %get3A_0, %get3A_1] : memref<2x5120x128xf32, #tpu.memory_space<vmem>>, vector<1x5120x128xf32>
    %get3A_3 = vector.shape_cast %get3A_2 : vector<1x5120x128xf32> to vector<5120x128xf32>
    %get3A_4 = arith.constant 1 : index
    %get3A_5 = arith.constant 0 : index
    %get3A_6 = arith.constant 0 : index
    %get3A_7 = vector.load %arg0[%get3A_4, %get3A_5, %get3A_6] : memref<2x5120x128xf32, #tpu.memory_space<vmem>>, vector<1x5120x128xf32>
    %get3A_8 = vector.shape_cast %get3A_7 : vector<1x5120x128xf32> to vector<5120x128xf32>
    %concatenate3A = tpu.concatenate %get3A_3, %get3A_8 in 0 : vector<5120x128xf32>, vector<5120x128xf32> -> vector<10240x128xf32>
    %get3A_9 = arith.constant 0 : index
    %get3A_10 = vector.load %arg1[%get3A_9] : memref<10240xf32, #tpu.memory_space<vmem>>, vector<10240xf32>
    %broadcast_in_dim3A = vector.shape_cast %get3A_10 : vector<10240xf32> to vector<10240x1xf32>
    %mul3A = vector.broadcast %broadcast_in_dim3A : vector<10240x1xf32> to vector<10240x128xf32>
    %mul3A_11 = arith.mulf %concatenate3A, %mul3A : vector<10240x128xf32>
    %get3A_12 = arith.constant 0 : index
    %get3A_13 = vector.load %arg2[%get3A_12] : memref<128xf32, #tpu.memory_space<vmem>>, vector<128xf32>
    %broadcast_in_dim3A_14 = vector.shape_cast %get3A_13 : vector<128xf32> to vector<1x128xf32>
    %add3A = vector.broadcast %broadcast_in_dim3A_14 : vector<1x128xf32> to vector<10240x128xf32>
    %add3A_15 = arith.addf %mul3A_11, %add3A : vector<10240x128xf32>
    %max3A = arith.constant 0.000000e+00 : f32
    %max3A_16 = vector.broadcast %max3A : f32 to vector<10240x128xf32>
    %max3A_17 = arith.maximumf %add3A_15, %max3A_16 : vector<10240x128xf32>
    %get3A_18 = arith.constant 0 : index
    %get3A_19 = vector.load %arg3[%get3A_18] : memref<10240xf32, #tpu.memory_space<vmem>>, vector<10240xf32>
    %broadcast_in_dim3A_20 = vector.shape_cast %get3A_19 : vector<10240xf32> to vector<1x10240xf32>
    %dot_general3A = arith.constant dense<0.000000e+00> : vector<1x128xf32>
    %dot_general3A_21 = tpu.matmul %broadcast_in_dim3A_20, %max3A_17, %dot_general3A {dimension_numbers = #tpu.dot_dimension_numbers<[1], [0], [0], [1], [0, 0, 1, 1], [], []>, transpose_lhs_hint = false} : vector<1x10240xf32>, vector<10240x128xf32>, vector<1x128xf32> -> vector<1x128xf32>
    %get3A_22 = arith.constant 0 : index
    %get3A_23 = arith.constant 0 : index
    %get3A_24 = vector.load %arg4[%get3A_22, %get3A_23] : memref<128x128xf32, #tpu.memory_space<vmem>>, vector<128x128xf32>
    %dot_general3A_25 = arith.constant dense<0.000000e+00> : vector<1x128xf32>
    %dot_general3A_26 = tpu.matmul %dot_general3A_21, %get3A_24, %dot_general3A_25 {dimension_numbers = #tpu.dot_dimension_numbers<[1], [0], [0], [1], [0, 0, 1, 1], [], []>, transpose_lhs_hint = false} : vector<1x128xf32>, vector<128x128xf32>, vector<1x128xf32> -> vector<1x128xf32>
    %get3A_27 = arith.constant 0 : index
    %get3A_28 = vector.load %arg5[%get3A_27] : memref<128xf32, #tpu.memory_space<vmem>>, vector<128xf32>
    %broadcast_in_dim3A_29 = vector.shape_cast %get3A_28 : vector<128xf32> to vector<1x128xf32>
    %add3A_30 = arith.addf %dot_general3A_26, %broadcast_in_dim3A_29 : vector<1x128xf32>
    %swap3A = arith.constant 0 : index
    %swap3A_31 = arith.constant 0 : index
    %swap3A_32 = vector.load %arg6[%swap3A, %swap3A_31] : memref<1x128xf32, #tpu.memory_space<vmem>>, vector<1x128xf32>
    tpu.vector_store %arg6[%swap3A, %swap3A_31], %add3A_30 {strides = array<i32>} : memref<1x128xf32, #tpu.memory_space<vmem>>, vector<1x128xf32>,
    return
  }
}

</mosaic_0001>

<sc_bundles>
// kernel: kernel.12.cloned.1.call-start
scs
__scs_entry_jumppad:
0x0: {  	(pc) =	sbr.rel $0x88, $3  }
0x1: {  	(tag) =	ssettag $0x0;
	lr =	simm.s32 $0x1  }
0x2: {  	[smem:$0x3F99] =	sst lr;
	_ =	strace $0xD0000000  }
0x3: {  	_ = 	snop  }
0x4: {  	_ = 	snop  }
0x5: {  	_ = 	snop  }
0x6: {  	_ = 	snop  }
0x7: {  	_ = 	snop  }
__scs_overlays_trampoline_lowered:
0x8: {  	[smem:$0x3FA8] =	sst s0  }
0x9: {  	[smem:$0x3FA9] =	sst s1  }
0xa: {  	[smem:$0x3FAA] =	sst s2  }
0xb: {  	[smem:$0x3FAB] =	sst s3  }
0xc: {  	[smem:$0x3FAC] =	sst s4  }
0xd: {  	[smem:$0x3FAD] =	sst s5  }
0xe: {  	[smem:$0x3FAE] =	sst s6  }
0xf: {  	[smem:$0x3FAF] =	sst s7  }
0x10: {  	[smem:$0x3FB0] =	sst s8  }
0x11: {  	[smem:$0x3FB1] =	sst s9;
	s0 =	simm.s32 @!p0 $0x0  }
0x12: {  	s1 =	sld [smem:$0x3F97];
	s0 =	simm.s32 @p0 $0x1  }
0x13: {  	[smem:$0x3FB2] =	sst s0;
	s0 =	simm.s32 @!p1 $0x0  }
0x14: {  	s2 =	sld [smem:$0x3F96];
	s0 =	simm.s32 @p1 $0x1  }
0x15: {  	[smem:$0x3FB3] =	sst s0;
	s0 =	simm.s32 @!p2 $0x0  }
0x16: {  	s3 =	sld [smem:$0x3FDB];
	s0 =	simm.s32 @p2 $0x1  }
0x17: {  	s4 =	simm.s32 $0x1BF5;
	[smem:$0x3FB5] =	sst s0  }
0x18: {  	s0 =	sld [smem:$0x3F98];
	_ =	swait.ge [sflag:s4], $0x0  }
0x19: {  	s7 =	sld [smem:$0x3F99]  }
0x1a: {  	s8 =	sadd.s32 $0xFFFFE003, lr  }
0x1b: {  	s9 =	sadd.s32 $0xFFFFFEF7, lr;
	s5 =	simm.s32 $0xFFFFFFFF;
	p2 =	slt.u32 s8, $0xFFFFF086  }
0x1c: {  	p1 =	slt.u32 s9, $0xF7A;
	s5 =	simm.s32 @!p2 $0x0  }
0x1d: {  	s5 =	simm.s32 @p1 $0x1;
	p0 =	seq.s32 s7, s2  }
0x1e: {  	s7 =	smul.u32 @!p0 $0xF7A, s2;
	p2 =	seq.s32 @!p0 s5, $0x0  }
0x1f: {  	s9 =	smul.u32 $0xF7A, s1;
	s8 =	simm.s32 @!p0 $0x1BF5;
	p2 =	por !p2, p0  }
0x20: {  	[sflag:s8] =	ssyncset.s32 @!p0 $0xFFFFF086;
	s6 =	sadd.s32 @!p0 s3, s7;
	s7 =	simm.s32 @!p0 $0x108  }
0x21: {  	s3 =	sadd.s32 s3, s9;
	s6 =	sadd.s32 @!p0 $0x88, s6;
	s7 =	simm.s32 @p2 $0x1082  }
0x22: {  	[simem:s7], [sflag:s8] =	dma.local @!p0 [hbm:s6], $0xF7A  }
0x23: {  	s9 =	sor.u32 $0xD0000000, s2;
	s6 =	simm.s32 $0x108;
	_ =	swait.ge @!p0 [sflag:s8], $0x0  }
0x24: {  	s3 =	sadd.s32 $0x88, s3;
	s6 =	simm.s32 @!p1 $0x1082;
	[sflag:s4] =	ssyncset.s32 $0xFFFFF086  }
0x25: {  	[simem:s6], [sflag:s4] =	dma.local [hbm:s3], $0xF7A  }
0x26: {  	[smem:$0x3F99] =	sst s1;
	(tag) =	ssettag s2;
	_ =	strace s9  }
0x27: {  	s1 =	sld [smem:$0x3FA9]  }
0x28: {  	s2 =	sld [smem:$0x3FAA]  }
0x29: {  	s4 =	sld [smem:$0x3FAC]  }
0x2a: {  	p0 =	seq.s32 s5, $0x0;
	s5 =	sld [smem:$0x3FAD]  }
0x2b: {  	s6 =	sld [smem:$0x3FAE]  }
0x2c: {  	s7 =	sld [smem:$0x3FAF]  }
0x2d: {  	s3 =	simm.s32 $0x108;
	s8 =	sld [smem:$0x3FB0]  }
0x2e: {  	s3 =	simm.s32 @!p0 $0x1082;
	s9 =	sld [smem:$0x3FB1]  }
0x2f: {  	lr =	sadd.s32 s0, s3;
	s0 =	sld [smem:$0x3FA8]  }
0x30: {  	s3 =	sld [smem:$0x3FAB]  }
0x31: {  	[smem:$0x3FB4] =	sst s10  }
0x32: {  	s10 =	sld [smem:$0x3FB2];
	_ =	sdelay $0x3  }
0x33: {  	p0 =	seq.s32 s10, $0x1;
	s10 =	sld [smem:$0x3FB4];
	_ =	sdelay $0x3  }
0x34: {  	[smem:$0x3FB4] =	sst s10  }
0x35: {  	s10 =	sld [smem:$0x3FB3];
	_ =	sdelay $0x3  }
0x36: {  	p1 =	seq.s32 s10, $0x1;
	s10 =	sld [smem:$0x3FB4];
	_ =	sdelay $0x3  }
0x37: {  	[smem:$0x3FB4] =	sst s10  }
0x38: {  	s10 =	sld [smem:$0x3FB5]  }
0x39: {  	_ = 	snop;
	(pc) =	sbr.ind lr, $3  }
0x3a: {  	_ = 	snop  }
0x3b: {  	_ = 	snop  }
0x3c: {  	p2 =	seq.s32 s10, $0x1;
	s10 =	sld [smem:$0x3FB4]  }
0x3d: {  	_ =	shalt  }
0x3e: {  	_ =	shalt  }
0x3f: {  	_ =	shalt  }
0x40: {  	_ =	shalt  }
0x41: {  	_ =	shalt  }
0x42: {  	_ =	shalt  }
0x43: {  	_ =	shalt  }
0x44: {  	_ =	shalt  }
0x45: {  	_ =	shalt  }
0x46: {  	_ =	shalt  }
0x47: {  	_ =	shalt  }
0x48: {  	_ =	shalt  }
0x49: {  	_ =	shalt  }
0x4a: {  	_ =	shalt  }
0x4b: {  	_ =	shalt  }
0x4c: {  	_ =	shalt  }
0x4d: {  	_ =	shalt  }
0x4e: {  	_ =	shalt  }
0x4f: {  	_ =	shalt  }
0x50: {  	_ =	shalt  }
0x51: {  	_ =	shalt  }
0x52: {  	_ =	shalt  }
0x53: {  	_ =	shalt  }
0x54: {  	_ =	shalt  }
0x55: {  	_ =	shalt  }
0x56: {  	_ =	shalt  }
0x57: {  	_ =	shalt  }
0x58: {  	_ =	shalt  }
0x59: {  	_ =	shalt  }
0x5a: {  	_ =	shalt  }
0x5b: {  	_ =	shalt  }
0x5c: {  	_ =	shalt  }
0x5d: {  	_ =	shalt  }
0x5e: {  	_ =	shalt  }
0x5f: {  	_ =	shalt  }
0x60: {  	_ =	shalt  }
0x61: {  	_ =	shalt  }
0x62: {  	_ =	shalt  }
0x63: {  	_ =	shalt  }
0x64: {  	_ =	shalt  }
0x65: {  	_ =	shalt  }
0x66: {  	_ =	shalt  }
0x67: {  	_ =	shalt  }
0x68: {  	_ =	shalt  }
0x69: {  	_ =	shalt  }
0x6a: {  	_ =	shalt  }
0x6b: {  	_ =	shalt  }
0x6c: {  	_ =	shalt  }
0x6d: {  	_ =	shalt  }
0x6e: {  	_ =	shalt  }
0x6f: {  	_ =	shalt  }
0x70: {  	_ =	shalt  }
0x71: {  	_ =	shalt  }
0x72: {  	_ =	shalt  }
0x73: {  	_ =	shalt  }
0x74: {  	_ =	shalt  }
0x75: {  	_ =	shalt  }
0x76: {  	_ =	shalt  }
0x77: {  	_ =	shalt  }
0x78: {  	_ =	shalt  }
0x79: {  	_ =	shalt  }
0x7a: {  	_ =	shalt  }
0x7b: {  	_ =	shalt  }
0x7c: {  	_ =	shalt  }
0x7d: {  	_ =	shalt  }
0x7e: {  	_ =	shalt  }
0x7f: {  	_ =	shalt  }
0x80: {  	_ =	shalt  }
0x81: {  	_ =	shalt  }
0x82: {  	_ =	shalt  }
0x83: {  	_ =	shalt  }
0x84: {  	_ =	shalt  }
0x85: {  	_ =	shalt  }
0x86: {  	_ =	shalt  }
0x87: {  	_ =	shalt  }
.Lfunc_end0:
.L_simem_size_0:
called_computation.1_lowered:
.L_overlay_start_0:
0x88: {  	s2 =	sld [smem:$0x3FD9]  }
0x89: {  	s3 =	sld [smem:$0x3FFE];
	_ =	sdelay $0x1  }
0x8a: {  	s1 =	srdreg.scid  }
0x8b: {  	s0 =	sand.u32 $0x1, s1  }
0x8c: {  	s16 =	sshll.u32 s0, $0xA;
	s2 =	sadd.s32 s3, s2  }
0x8d: {  	s2 =	sadd.s32 s2, s16  }
0x8e: {  	[smem:$0x3FC0] =	sst s2  }
0x8f: {  	_ = 	snop  }
0x90: {  	(tm) =	ssettm $0x1  }
0x91: {  	s17 =	sld [smem:$0x3FFB];
	_ =	sdelay $0x3  }
0x92: {  	_ =	strace s17  }
0x93: {  	s2 =	sld [smem:$0x3FFC];
	_ =	sdelay $0x3  }
0x94: {  	_ =	strace s2  }
0x95: {  	s2 =	sld [smem:$0x3FFD];
	_ =	sdelay $0x3  }
0x96: {  	_ =	strace s2  }
0x97: {  	_ =	strace $0x8FFFFFFF  }
0x98: {  	s18 =	sld [smem:$0x3FDB];
	_ =	sdelay $0x1  }
0x99: {  	s19 =	simm.s32 $_scs_section_size  }
0x9a: {  	s4 =	simm.s32 $_size__tile_overlayer_lowered;
	s5 =	simm.s32 $_tile_overlayer_lowered  }
0x9b: {  	s22 =	simm.s32 $0x1BFF;
	s21 =	sshll.u32 s5, $0x1;
	s2 =	sadd.s32 s19, s18  }
0x9c: {  	s6 =	simm.s32 $0x0;
	s20 =	sshll.u32 s4, $0x1;
	s4 =	sadd.s32 s21, s2  }
0x9d: {  	[timem:s6], [sflag:s22] =	dma.local [hbm:s4], s20  }
0x9e: {  	_ =	swait.ge [sflag:s22], s20  }
0x9f: {  	s3 =	ssub.s32 $0x0, s20;
	[sflag:s22] =	ssyncset.done $0x0  }
0xa0: {  	[sflag:s22] =	ssyncadd.s32 s3;
	_ =	sdelay $0x1  }
0xa1: {  	s23 =	simm.s32 $0x1B8B  }
0xa2: {  	_ =	swait.ge [sflag:s23], $0x1  }
0xa3: {  	[sflag:s23] =	ssyncset.done $0x0  }
0xa4: {  	s25 =	simm.s32 $0x1B8E;
	s24 =	sld [smem:$0x3FFE];
	[sflag:s23] =	ssyncadd.s32 $0xFFFFFFFF  }
0xa5: {  	s26 =	simm.s32 $execute0_lowered;
	[smem:$0x3FD2] =	sst s25  }
0xa6: {  	s4 =	sshll.u32 s26, $0x1;
	_ =	strace $0x80000049;
	[dreg:$0x1] =	wrdreg $0xFFFFFFFF  }
0xa7: {  	s28 =	simm.s32 $_size_execute0_lowered;
	s2 =	sadd.s32 s2, s4;
	[dreg:$0x0] =	wrdreg $0x0  }
0xa8: {  	s4 =	sshll.u32 s28, $0x1;
	[dreg:$0x2] =	wrdreg s2  }
0xa9: {  	[dreg:$0x3] =	wrdreg s4  }
0xaa: {  	[dreg:$0x4] =	wrdreg $0xC0  }
0xab: {  	_ =	task [dreg:s6], $0x5FFFF  }
0xac: {  	[dreg:$0x1] =	wrdreg $0xFFFFFFFF  }
0xad: {  	[dreg:$0x0] =	wrdreg $0x60  }
0xae: {  	[dreg:$0x2] =	wrdreg s24  }
0xaf: {  	[dreg:$0x3] =	wrdreg $0x9  }
0xb0: {  	_ =	task.clear_ibuf [dreg:s6], $0x4FFFF;
	_ =	strace $0x90000049  }
0xb1: {  	s29 =	simm.s32 $0x9;
	_ =	strace $0x8000004B  }
0xb2: {  	_ =	swait.ge [sflag:s29], $0x1  }
0xb3: {  	[sflag:s29] =	ssyncadd.s32 $0xFFFFFFFF  }
0xb4: {  	_ =	strace $0x9000004B  }
0xb5: {  	_ =	sfence  }
0xb6: {  	s30 =	sld [smem:$0x0];
	_ =	sdelay $0x2  }
0xb7: {  	s31 =	sshll.u32 s1, $0xD;
	s1 =	sshrl.u32 s1, $0x2  }
0xb8: {  	s3 =	sand.u32 $0x4000, s31;
	s1 =	sadd.s32 s1, s30  }
0xb9: {  	s0 =	sor.u32 s3, s0;
	s1 =	sshll.u32 s1, $0x11  }
0xba: {  	s0 =	sor.u32 s1, s0  }
0xbb: {  	s0 =	sadd.s32 $0x8F2B, s0  }
0xbc: {  	[sflag:s0] =	ssyncadd.remote.s32 $0x1  }
0xbd: {  	_ =	sfence.sel $0xFFFF  }
0xbe: {  	[dreg:$0x0] =	wrdreg $0xFFFFFFFF;
	(pc) =	sbr.abs _section_cstart, $3  }
0xbf: {  	[dreg:$0x1] =	wrdreg $0xFFFFFFFF  }
0xc0: {  	_ =	task.clear_ibuf [dreg:s6], $0x2FFFF;
	_ =	strace $0x9FFFFFFF  }
0xc1: {  	(tm) =	ssettm $0x7FFFFFFF  }
tec
execute0_lowered:
.L_overlay_start_1:
0x0: {  	(tag) =	ssettag $0x1  }
0x1: {  	s1 =	srdreg.scid  }
0x2: {  	s0 =	stileid.u32;
	s5 =	rddreg [dreg:$0x0];
	s9 =	simm.s32 $0x400  }
0x3: {  	s10 =	simm.s32 $0x1;
	s11 =	simm.s32 $0x2800;
	s12 =	simm.s32 $0x5000  }
0x4: {  	s3 =	sand.u32 $0x1, s1;
	s28 =	sshrl.u32 s0, $0x2;
	s2 =	sshll.u32 s0, $0x8  }
0x5: {  	s4 =	smul.u32 $0x14000, s28;
	s29 =	sshll.u32 s3, $0x7;
	s2 =	sand.u32 $0x300, s2  }
0x6: {  	s13 =	simm.s32 $0x7800;
	s1 =	rddreg [dreg:$0x1];
	s6 =	sor.u32 s29, s2  }
0x7: {  	s30 =	ssub.s32 $0x2, s3;
	s3 =	sadd.s32 $0x17600, s5;
	s4 =	sor.u32 s4, s6  }
0x8: {  	s2 =	simm.s32 $0x0;
	s31 =	sshrl.u32 s30, $0x1;
	s4 =	sshrl.u32 s4, $0x3  }
0x9: {  	[smem:$0x7FF] =	sst s2;
	s8 =	ssub.s32 s30, s31;
	s7 =	sadd.s32 s4, s5  }
0xa: {  	_ =	strace $0x8000004A;
	s4 =	sadd.s32 $0x3600, s7;
	s5 =	sadd.s32 $0xD600, s7  }
0xb: {  	v0 =	vimm.f32 $0.0e+00;
	s6 =	sadd.s32 $0x3FC00, s7;
	s7 =	smax.u32 s8, $0x1;
	s8 =	simm.s32 $0x80  }
.LBB2_1:
0xc: {  	s14 =	simm.s32 $0x40;
	s15 =	simm.s32 $0x0  }
.LBB2_2:
0xd: {  	p0 =	sne.s32 s14, $0x9FC0;
	[tilespmem:s15+$0x7800] =	vst v0;
	s15 =	smov.u32 s14;
	s14 =	sadd.s32 $0x40, s14  }
.Ltmp0:
0xe: {  	(pc) =	sbr.rel @p0 .LBB2_2-.Ltmp0, $2  }
0xf: {  	_ =	sdelay $0x2  }
0x10: {  	s15 =	sshra.s32 s15, $0x2  }
0x11: {  	[tilespmem:s15+$0x7800] =	vst v0;
	s14 =	simm.s32 $0x0  }
0x12: {  	[tilespmem:s14], [sflag:$0x1] =	stream.strided.gather [hbm4b:s4+s8], $0x2800, s9, s8, $0x38;
	[tilespmem:$0xA000] =	vst v63  }
0x13: {  	_ =	swait.ge [sflag:s10], $0x2800  }
0x14: {  	[sflag:s10] =	ssyncset.done $0x0  }
0x15: {  	[sflag:s10] =	ssyncadd.s32 $0xFFFFD800  }
0x16: {  	[tilespmem:s11], [sflag:$0x1] =	stream.strided.gather [hbm4b:s5+s8], $0x2800, s9, s8, $0x38;
	[tilespmem:$0xA000] =	vst v63  }
0x17: {  	_ =	swait.ge [sflag:s10], $0x2800  }
0x18: {  	[sflag:s10] =	ssyncset.done $0x0  }
0x19: {  	[sflag:s10] =	ssyncadd.s32 $0xFFFFD800  }
0x1a: {  	[tilespmem:s12], [sflag:$0x1] =	stream.linear.gather [hbm4b:s3+s14], $0x2800, $0x38;
	[tilespmem:$0xA000] =	vst v63  }
0x1b: {  	_ =	swait.ge [sflag:s10], $0x2800  }
0x1c: {  	[sflag:s10] =	ssyncset.done $0x0  }
0x1d: {  	s15 =	simm.s32 $0x0;
	s14 =	simm.s32 $0x40;
	[sflag:s10] =	ssyncadd.s32 $0xFFFFD800  }
.LBB2_4:
0x1e: {  	p0 =	sne.s32 s14, $0x9FC0;
	v1 =	vld [tilespmem:s15+$0x2800];
	_ =	sdelay $0x5  }
0x1f: {  	v2 =	vld [tilespmem:s15+$0x0];
	_ =	sdelay $0x1  }
0x20: {  	v1 =	vld.idx.msk [tilespmem:v1+s12+$0x0], $0xffff;
	_ =	sdelay $0x1  }
.Ltmp1:
0x21: {  	(pc) =	sbr.rel @p0 .LBB2_4-.Ltmp1, $2  }
0x22: {  	_ =	sdelay $0x2  }
0x23: {  	s15 =	sshra.s32 s14, $0x2;
	s14 =	sadd.s32 $0x40, s14;
	[tilespmem:v2+s13+$0x0] =	vst.idx.add.f32.msk $0xffff, v1  }
0x24: {  	v1 =	vld [tilespmem:s15+$0x2800];
	_ =	sdelay $0x4  }
0x25: {  	v2 =	vld [tilespmem:s15+$0x0];
	_ =	sdelay $0x2  }
0x26: {  	v1 =	vld.idx.msk [tilespmem:v1+s12+$0x0], $0xffff;
	_ =	sdelay $0x2  }
0x27: {  	s2 =	sadd.s32 $0x1, s2  }
0x28: {  	p0 =	sne.s32 s2, s7  }
.Ltmp2:
0x29: {  	[tilespmem:v2+s13+$0x0] =	vst.idx.add.f32.msk $0xffff, v1;
	(pc) =	sbr.rel @p0 .LBB2_1-.Ltmp2, $4  }
0x2a: {  	[hbm4b:s6+s8] =	stream.strided.scatter [tilespmem:s13], [sflag:$0x1], $0x2800, s9, s8, $0x38;
	[tilespmem:$0xA000] =	vst v63  }
0x2b: {  	_ =	swait.ge [sflag:s10], $0x2800  }
0x2c: {  	[sflag:s10] =	ssyncset.done $0x0  }
0x2d: {  	[sflag:s10] =	ssyncadd.s32 $0xFFFFD800  }
0x2e: {  	_ =	sfence.sel $0x180000  }
0x2f: {  	[bflag:$0x0] =	sbarrier.arrive $0xFFFF  }
0x30: {  	p0 =	sne.s32 s0, $0x0;
	_ =	strace $0x9000004A  }
0x31: {  	s0 =	sadd.s32 @!p0 $0x100000, s1;
	[bflag:$0x2] =	sbarrier.arrive $0xFFFF  }
0x32: {  	[sflag:s0] =	ssyncadd.tile.s32 @!p0 $0x1;
	_ =	shalt  }
.Lfunc_end2:
_tile_overlayer_lowered:
.L_overlay_start_2:
0x33: {  	(tag) =	ssettag $0x2  }
0x34: {  	s0 =	rddreg [dreg:$0x0];
	s2 =	stileid.u32  }
0x35: {  	s1 =	rddreg [dreg:$0x1];
	p0 =	sne.s32 s2, $0x0  }
0x36: {  	s3 =	rddreg [dreg:$0x2];
	[bflag:$0x3] =	sbarrier.arrive $0xFFFF;
	s2 =	simm.s32 @!p0 $0x1C01  }
0x37: {  	[timem:s3], [sflag:s2] =	dma.local @!p0 [hbm:s0], s1  }
0x38: {  	s0 =	simm.s32 @!p0 $0x1  }
0x39: {  	_ =	swait.ge @!p0 [sflag:s0], s1  }
0x3a: {  	s1 =	ssub.s32 @!p0 $0x0, s1;
	[sflag:s0] =	ssyncset.done @!p0 $0x0  }
0x3b: {  	[sflag:s0] =	ssyncadd.s32 @!p0 s1  }
0x3c: {  	[bflag:$0x3] =	sbarrier.arrive $0xFFFF  }
0x3d: {  	_ =	shalt  }

// kernel: kernel.15.cloned.1.call-start
scs
__scs_entry_jumppad:
0x0: {  	(pc) =	sbr.rel $0x88, $3  }
0x1: {  	(tag) =	ssettag $0x0;
	lr =	simm.s32 $0x1  }
0x2: {  	[smem:$0x3F99] =	sst lr;
	_ =	strace $0xD0000000  }
0x3: {  	_ = 	snop  }
0x4: {  	_ = 	snop  }
0x5: {  	_ = 	snop  }
0x6: {  	_ = 	snop  }
0x7: {  	_ = 	snop  }
__scs_overlays_trampoline_lowered:
0x8: {  	[smem:$0x3FA8] =	sst s0  }
0x9: {  	[smem:$0x3FA9] =	sst s1  }
0xa: {  	[smem:$0x3FAA] =	sst s2  }
0xb: {  	[smem:$0x3FAB] =	sst s3  }
0xc: {  	[smem:$0x3FAC] =	sst s4  }
0xd: {  	[smem:$0x3FAD] =	sst s5  }
0xe: {  	[smem:$0x3FAE] =	sst s6  }
0xf: {  	[smem:$0x3FAF] =	sst s7  }
0x10: {  	[smem:$0x3FB0] =	sst s8  }
0x11: {  	[smem:$0x3FB1] =	sst s9;
	s0 =	simm.s32 @!p0 $0x0  }
0x12: {  	s1 =	sld [smem:$0x3F97];
	s0 =	simm.s32 @p0 $0x1  }
0x13: {  	[smem:$0x3FB2] =	sst s0;
	s0 =	simm.s32 @!p1 $0x0  }
0x14: {  	s2 =	sld [smem:$0x3F96];
	s0 =	simm.s32 @p1 $0x1  }
0x15: {  	[smem:$0x3FB3] =	sst s0;
	s0 =	simm.s32 @!p2 $0x0  }
0x16: {  	s3 =	sld [smem:$0x3FDB];
	s0 =	simm.s32 @p2 $0x1  }
0x17: {  	s4 =	simm.s32 $0x1BF5;
	[smem:$0x3FB5] =	sst s0  }
0x18: {  	s0 =	sld [smem:$0x3F98];
	_ =	swait.ge [sflag:s4], $0x0  }
0x19: {  	s7 =	sld [smem:$0x3F99]  }
0x1a: {  	s8 =	sadd.s32 $0xFFFFE003, lr  }
0x1b: {  	s9 =	sadd.s32 $0xFFFFFEF7, lr;
	s5 =	simm.s32 $0xFFFFFFFF;
	p2 =	slt.u32 s8, $0xFFFFF086  }
0x1c: {  	p1 =	slt.u32 s9, $0xF7A;
	s5 =	simm.s32 @!p2 $0x0  }
0x1d: {  	s5 =	simm.s32 @p1 $0x1;
	p0 =	seq.s32 s7, s2  }
0x1e: {  	s7 =	smul.u32 @!p0 $0xF7A, s2;
	p2 =	seq.s32 @!p0 s5, $0x0  }
0x1f: {  	s9 =	smul.u32 $0xF7A, s1;
	s8 =	simm.s32 @!p0 $0x1BF5;
	p2 =	por !p2, p0  }
0x20: {  	[sflag:s8] =	ssyncset.s32 @!p0 $0xFFFFF086;
	s6 =	sadd.s32 @!p0 s3, s7;
	s7 =	simm.s32 @!p0 $0x108  }
0x21: {  	s3 =	sadd.s32 s3, s9;
	s6 =	sadd.s32 @!p0 $0x88, s6;
	s7 =	simm.s32 @p2 $0x1082  }
0x22: {  	[simem:s7], [sflag:s8] =	dma.local @!p0 [hbm:s6], $0xF7A  }
0x23: {  	s9 =	sor.u32 $0xD0000000, s2;
	s6 =	simm.s32 $0x108;
	_ =	swait.ge @!p0 [sflag:s8], $0x0  }
0x24: {  	s3 =	sadd.s32 $0x88, s3;
	s6 =	simm.s32 @!p1 $0x1082;
	[sflag:s4] =	ssyncset.s32 $0xFFFFF086  }
0x25: {  	[simem:s6], [sflag:s4] =	dma.local [hbm:s3], $0xF7A  }
0x26: {  	[smem:$0x3F99] =	sst s1;
	(tag) =	ssettag s2;
	_ =	strace s9  }
0x27: {  	s1 =	sld [smem:$0x3FA9]  }
0x28: {  	s2 =	sld [smem:$0x3FAA]  }
0x29: {  	s4 =	sld [smem:$0x3FAC]  }
0x2a: {  	p0 =	seq.s32 s5, $0x0;
	s5 =	sld [smem:$0x3FAD]  }
0x2b: {  	s6 =	sld [smem:$0x3FAE]  }
0x2c: {  	s7 =	sld [smem:$0x3FAF]  }
0x2d: {  	s3 =	simm.s32 $0x108;
	s8 =	sld [smem:$0x3FB0]  }
0x2e: {  	s3 =	simm.s32 @!p0 $0x1082;
	s9 =	sld [smem:$0x3FB1]  }
0x2f: {  	lr =	sadd.s32 s0, s3;
	s0 =	sld [smem:$0x3FA8]  }
0x30: {  	s3 =	sld [smem:$0x3FAB]  }
0x31: {  	[smem:$0x3FB4] =	sst s10  }
0x32: {  	s10 =	sld [smem:$0x3FB2];
	_ =	sdelay $0x3  }
0x33: {  	p0 =	seq.s32 s10, $0x1;
	s10 =	sld [smem:$0x3FB4];
	_ =	sdelay $0x3  }
0x34: {  	[smem:$0x3FB4] =	sst s10  }
0x35: {  	s10 =	sld [smem:$0x3FB3];
	_ =	sdelay $0x3  }
0x36: {  	p1 =	seq.s32 s10, $0x1;
	s10 =	sld [smem:$0x3FB4];
	_ =	sdelay $0x3  }
0x37: {  	[smem:$0x3FB4] =	sst s10  }
0x38: {  	s10 =	sld [smem:$0x3FB5]  }
0x39: {  	_ = 	snop;
	(pc) =	sbr.ind lr, $3  }
0x3a: {  	_ = 	snop  }
0x3b: {  	_ = 	snop  }
0x3c: {  	p2 =	seq.s32 s10, $0x1;
	s10 =	sld [smem:$0x3FB4]  }
0x3d: {  	_ =	shalt  }
0x3e: {  	_ =	shalt  }
0x3f: {  	_ =	shalt  }
0x40: {  	_ =	shalt  }
0x41: {  	_ =	shalt  }
0x42: {  	_ =	shalt  }
0x43: {  	_ =	shalt  }
0x44: {  	_ =	shalt  }
0x45: {  	_ =	shalt  }
0x46: {  	_ =	shalt  }
0x47: {  	_ =	shalt  }
0x48: {  	_ =	shalt  }
0x49: {  	_ =	shalt  }
0x4a: {  	_ =	shalt  }
0x4b: {  	_ =	shalt  }
0x4c: {  	_ =	shalt  }
0x4d: {  	_ =	shalt  }
0x4e: {  	_ =	shalt  }
0x4f: {  	_ =	shalt  }
0x50: {  	_ =	shalt  }
0x51: {  	_ =	shalt  }
0x52: {  	_ =	shalt  }
0x53: {  	_ =	shalt  }
0x54: {  	_ =	shalt  }
0x55: {  	_ =	shalt  }
0x56: {  	_ =	shalt  }
0x57: {  	_ =	shalt  }
0x58: {  	_ =	shalt  }
0x59: {  	_ =	shalt  }
0x5a: {  	_ =	shalt  }
0x5b: {  	_ =	shalt  }
0x5c: {  	_ =	shalt  }
0x5d: {  	_ =	shalt  }
0x5e: {  	_ =	shalt  }
0x5f: {  	_ =	shalt  }
0x60: {  	_ =	shalt  }
0x61: {  	_ =	shalt  }
0x62: {  	_ =	shalt  }
0x63: {  	_ =	shalt  }
0x64: {  	_ =	shalt  }
0x65: {  	_ =	shalt  }
0x66: {  	_ =	shalt  }
0x67: {  	_ =	shalt  }
0x68: {  	_ =	shalt  }
0x69: {  	_ =	shalt  }
0x6a: {  	_ =	shalt  }
0x6b: {  	_ =	shalt  }
0x6c: {  	_ =	shalt  }
0x6d: {  	_ =	shalt  }
0x6e: {  	_ =	shalt  }
0x6f: {  	_ =	shalt  }
0x70: {  	_ =	shalt  }
0x71: {  	_ =	shalt  }
0x72: {  	_ =	shalt  }
0x73: {  	_ =	shalt  }
0x74: {  	_ =	shalt  }
0x75: {  	_ =	shalt  }
0x76: {  	_ =	shalt  }
0x77: {  	_ =	shalt  }
0x78: {  	_ =	shalt  }
0x79: {  	_ =	shalt  }
0x7a: {  	_ =	shalt  }
0x7b: {  	_ =	shalt  }
0x7c: {  	_ =	shalt  }
0x7d: {  	_ =	shalt  }
0x7e: {  	_ =	shalt  }
0x7f: {  	_ =	shalt  }
0x80: {  	_ =	shalt  }
0x81: {  	_ =	shalt  }
0x82: {  	_ =	shalt  }
0x83: {  	_ =	shalt  }
0x84: {  	_ =	shalt  }
0x85: {  	_ =	shalt  }
0x86: {  	_ =	shalt  }
0x87: {  	_ =	shalt  }
.Lfunc_end0:
.L_simem_size_0:
called_computation.2_lowered:
.L_overlay_start_0:
0x88: {  	s2 =	sld [smem:$0x3FD9]  }
0x89: {  	s3 =	sld [smem:$0x3FFE];
	_ =	sdelay $0x1  }
0x8a: {  	s1 =	srdreg.scid  }
0x8b: {  	s0 =	sand.u32 $0x1, s1  }
0x8c: {  	s16 =	sshll.u32 s0, $0xA;
	s2 =	sadd.s32 s3, s2  }
0x8d: {  	s2 =	sadd.s32 s2, s16  }
0x8e: {  	[smem:$0x3FC0] =	sst s2  }
0x8f: {  	_ = 	snop  }
0x90: {  	(tm) =	ssettm $0x1  }
0x91: {  	s17 =	sld [smem:$0x3FFB];
	_ =	sdelay $0x3  }
0x92: {  	_ =	strace s17  }
0x93: {  	s2 =	sld [smem:$0x3FFC];
	_ =	sdelay $0x3  }
0x94: {  	_ =	strace s2  }
0x95: {  	s2 =	sld [smem:$0x3FFD];
	_ =	sdelay $0x3  }
0x96: {  	_ =	strace s2  }
0x97: {  	_ =	strace $0x8FFFFFFF  }
0x98: {  	s18 =	sld [smem:$0x3FDB];
	_ =	sdelay $0x1  }
0x99: {  	s19 =	simm.s32 $_scs_section_size  }
0x9a: {  	s4 =	simm.s32 $_size__tile_overlayer_lowered;
	s5 =	simm.s32 $_tile_overlayer_lowered  }
0x9b: {  	s22 =	simm.s32 $0x1BFF;
	s21 =	sshll.u32 s5, $0x1;
	s2 =	sadd.s32 s19, s18  }
0x9c: {  	s6 =	simm.s32 $0x0;
	s20 =	sshll.u32 s4, $0x1;
	s4 =	sadd.s32 s21, s2  }
0x9d: {  	[timem:s6], [sflag:s22] =	dma.local [hbm:s4], s20  }
0x9e: {  	_ =	swait.ge [sflag:s22], s20  }
0x9f: {  	s3 =	ssub.s32 $0x0, s20;
	[sflag:s22] =	ssyncset.done $0x0  }
0xa0: {  	[sflag:s22] =	ssyncadd.s32 s3;
	_ =	sdelay $0x1  }
0xa1: {  	s23 =	simm.s32 $0x1B8B  }
0xa2: {  	_ =	swait.ge [sflag:s23], $0x1  }
0xa3: {  	[sflag:s23] =	ssyncset.done $0x0  }
0xa4: {  	s25 =	simm.s32 $0x1B8E;
	s24 =	sld [smem:$0x3FFE];
	[sflag:s23] =	ssyncadd.s32 $0xFFFFFFFF  }
0xa5: {  	s26 =	simm.s32 $execute0_lowered;
	[smem:$0x3FD2] =	sst s25  }
0xa6: {  	s4 =	sshll.u32 s26, $0x1;
	_ =	strace $0x8000004C;
	[dreg:$0x1] =	wrdreg $0xFFFFFFFF  }
0xa7: {  	s28 =	simm.s32 $_size_execute0_lowered;
	s2 =	sadd.s32 s2, s4;
	[dreg:$0x0] =	wrdreg $0x0  }
0xa8: {  	s4 =	sshll.u32 s28, $0x1;
	[dreg:$0x2] =	wrdreg s2  }
0xa9: {  	[dreg:$0x3] =	wrdreg s4  }
0xaa: {  	[dreg:$0x4] =	wrdreg $0xC0  }
0xab: {  	_ =	task [dreg:s6], $0x5FFFF  }
0xac: {  	[dreg:$0x1] =	wrdreg $0xFFFFFFFF  }
0xad: {  	[dreg:$0x0] =	wrdreg $0x60  }
0xae: {  	[dreg:$0x2] =	wrdreg s24  }
0xaf: {  	[dreg:$0x3] =	wrdreg $0x26000  }
0xb0: {  	[dreg:$0x4] =	wrdreg $0x15F000  }
0xb1: {  	[dreg:$0x5] =	wrdreg $0x9  }
0xb2: {  	_ =	task.clear_ibuf [dreg:s6], $0x6FFFF;
	_ =	strace $0x9000004C  }
0xb3: {  	s29 =	simm.s32 $0x9;
	_ =	strace $0x8000004E  }
0xb4: {  	_ =	swait.ge [sflag:s29], $0x1  }
0xb5: {  	[sflag:s29] =	ssyncadd.s32 $0xFFFFFFFF  }
0xb6: {  	_ =	strace $0x9000004E  }
0xb7: {  	_ =	sfence  }
0xb8: {  	s30 =	sld [smem:$0x0];
	_ =	sdelay $0x2  }
0xb9: {  	s31 =	sshll.u32 s1, $0xD;
	s1 =	sshrl.u32 s1, $0x2  }
0xba: {  	s3 =	sand.u32 $0x4000, s31;
	s1 =	sadd.s32 s1, s30  }
0xbb: {  	s0 =	sor.u32 s3, s0;
	s1 =	sshll.u32 s1, $0x11  }
0xbc: {  	s0 =	sor.u32 s1, s0  }
0xbd: {  	s0 =	sadd.s32 $0x8F2B, s0  }
0xbe: {  	[sflag:s0] =	ssyncadd.remote.s32 $0x1  }
0xbf: {  	_ =	sfence.sel $0xFFFF  }
0xc0: {  	[dreg:$0x0] =	wrdreg $0xFFFFFFFF;
	(pc) =	sbr.abs _section_cstart, $3  }
0xc1: {  	[dreg:$0x1] =	wrdreg $0xFFFFFFFF  }
0xc2: {  	_ =	task.clear_ibuf [dreg:s6], $0x2FFFF;
	_ =	strace $0x9FFFFFFF  }
0xc3: {  	(tm) =	ssettm $0x7FFFFFFF  }
tec
execute0_lowered:
.L_overlay_start_1:
0x0: {  	(tag) =	ssettag $0x1  }
0x1: {  	s20 =	stileid.u32  }
0x2: {  	s1 =	srdreg.scid;
	s5 =	smul.u32 $0x140, s20  }
0x3: {  	s2 =	sand.u32 $0x1, s1;
	s8 =	smul.u32 $0xA000, s20  }
0x4: {  	s0 =	rddreg [dreg:$0x0];
	s3 =	ssub.s32 $0x2, s2;
	s22 =	smul.u32 $0x1400, s2  }
0x5: {  	s1 =	simm.s32 $0x0;
	s2 =	smul.u32 $0xA0000, s2;
	s4 =	sshrl.u32 s3, $0x1  }
0x6: {  	s6 =	sadd.s32 $0x99C00, s0;
	[smem:$0x7FF] =	sst s1;
	s3 =	ssub.s32 s3, s4  }
0x7: {  	s17 =	sadd.s32 s5, s22;
	s5 =	sshll.u32 s5, $0x7;
	s8 =	sadd.s32 s2, s8  }
0x8: {  	s4 =	sshll.u32 s17, $0x4;
	s7 =	sor.u32 $0x1000, s5;
	s9 =	sadd.s32 $0x2000, s5  }
0x9: {  	s10 =	sadd.s32 $0x3000, s5;
	s11 =	sadd.s32 $0x4000, s5;
	s13 =	sadd.s32 $0x5000, s5  }
0xa: {  	s15 =	sadd.s32 $0x6000, s5;
	s17 =	sadd.s32 $0x7000, s5;
	s8 =	sshrl.u32 s8, $0x3  }
0xb: {  	s19 =	sadd.s32 $0x8000, s5;
	s5 =	sadd.s32 $0x9000, s5;
	s8 =	sadd.s32 s6, s8  }
0xc: {  	s18 =	sadd.s32 s2, s7;
	s12 =	sadd.s32 s2, s9;
	s14 =	sadd.s32 s2, s10  }
0xd: {  	s25 =	sadd.s32 s2, s11;
	s26 =	sadd.s32 s2, s13;
	s28 =	sadd.s32 s2, s15  }
0xe: {  	s16 =	sadd.s32 s2, s17;
	[dreg:$0x4] =	wrdreg s8;
	s8 =	sshrl.u32 s18, $0x3  }
0xf: {  	s21 =	sshrl.u32 s12, $0x3;
	s23 =	sshrl.u32 s14, $0x3;
	s29 =	sshrl.u32 s26, $0x3  }
0x10: {  	s30 =	sshrl.u32 s28, $0x3;
	s18 =	sadd.s32 s2, s19;
	s2 =	sadd.s32 s2, s5  }
0x11: {  	s12 =	rddreg [dreg:$0x1];
	s26 =	sadd.s32 $0x49C00, s0;
	s8 =	sadd.s32 s6, s8  }
0x12: {  	s24 =	sadd.s32 s6, s23;
	s14 =	sadd.s32 s6, s30;
	[dreg:$0x5] =	wrdreg s8  }
0x13: {  	s2 =	sshrl.u32 s2, $0x3;
	s23 =	smul.u32 $0x2800, s20;
	[dreg:$0x7] =	wrdreg s24  }
0x14: {  	s8 =	sadd.s32 s6, s21;
	[dreg:$0xa] =	wrdreg s14;
	s21 =	sshrl.u32 s18, $0x3  }
0x15: {  	s2 =	sadd.s32 s6, s2;
	[dreg:$0x6] =	wrdreg s8;
	s8 =	sshrl.u32 s25, $0x3  }
0x16: {  	s24 =	sadd.s32 $0x17C00, s0;
	[dreg:$0xd] =	wrdreg s2;
	s8 =	sadd.s32 s6, s8  }
0x17: {  	s25 =	smul.u32 $0x28000, s20;
	[dreg:$0x8] =	wrdreg s8;
	s8 =	sadd.s32 s6, s29  }
0x18: {  	s14 =	sadd.s32 s23, s24;
	[dreg:$0x9] =	wrdreg s8;
	s8 =	sshrl.u32 s16, $0x3  }
0x19: {  	s28 =	sshrl.u32 s25, $0x3;
	s16 =	rddreg [dreg:$0x2];
	s8 =	sadd.s32 s6, s8  }
0x1a: {  	s29 =	smul.u32 $0x5000, s20;
	[dreg:$0xb] =	wrdreg s8;
	s8 =	sadd.s32 s6, s21  }
0x1b: {  	s30 =	sshrl.u32 s25, $0x2;
	s6 =	smax.u32 s3, $0x1;
	[dreg:$0xc] =	wrdreg s8  }
0x1c: {  	s8 =	sadd.s32 s7, s16;
	_ =	strace $0x8000004D;
	[dreg:$0x11] =	wrdreg s6  }
0x1d: {  	s21 =	sadd.s32 s24, s4;
	s24 =	sadd.s32 s9, s16;
	[dreg:$0x12] =	wrdreg s8  }
0x1e: {  	s23 =	sadd.s32 s26, s28;
	s25 =	sadd.s32 s10, s16;
	[dreg:$0x13] =	wrdreg s24  }
0x1f: {  	s18 =	sadd.s32 s29, s26;
	s26 =	sadd.s32 s11, s16;
	[dreg:$0x14] =	wrdreg s25  }
0x20: {  	s28 =	smul.u32 $0x50000, s20;
	s29 =	sadd.s32 s13, s16;
	[dreg:$0x15] =	wrdreg s26  }
0x21: {  	s4 =	sadd.s32 s15, s16;
	[dreg:$0x16] =	wrdreg s29  }
0x22: {  	s2 =	sshrl.u32 s28, $0x2;
	s7 =	sadd.s32 s19, s16;
	[dreg:$0x17] =	wrdreg s4  }
0x23: {  	s2 =	sadd.s32 s2, s12;
	[dreg:$0x19] =	wrdreg s7  }
0x24: {  	s9 =	sadd.s32 $0x20, s23;
	[dreg:$0x1b] =	wrdreg s2  }
0x25: {  	s10 =	sadd.s32 $0x40, s23;
	[dreg:$0x1c] =	wrdreg s9  }
0x26: {  	s31 =	simm.s32 $0x480;
	p0 =	seq.s32 s20, $0xF;
	[dreg:$0x1d] =	wrdreg s10  }
0x27: {  	v0 =	vmov s22;
	s22 =	simm.s32 $0x500;
	s11 =	sadd.s32 $0x60, s23;
	[dreg:$0xf] =	wrdreg s23  }
0x28: {  	s30 =	sadd.s32 s30, s16;
	s13 =	sadd.s32 $0x200, s21;
	[dreg:$0x1e] =	wrdreg s11  }
0x29: {  	s15 =	sadd.s32 $0x3D400, s0;
	s19 =	sadd.s32 $0x600, s21;
	[dreg:$0x1f] =	wrdreg s13  }
0x2a: {  	s0 =	simm.s32 $0x600;
	s20 =	sadd.s32 $0x800, s21;
	[smem:$0x7F6] =	sst s19  }
0x2b: {  	s3 =	simm.s32 $0x100;
	s28 =	sadd.s32 $0x1200, s21;
	[smem:$0x7F7] =	sst s20  }
0x2c: {  	s6 =	sadd.s32 s17, s16;
	s8 =	sadd.s32 s5, s16;
	[dreg:$0xe] =	wrdreg s21  }
0x2d: {  	s17 =	sadd.s32 $0x400, s21;
	s23 =	sadd.s32 $0xA00, s21;
	[smem:$0x7FC] =	sst s28  }
0x2e: {  	s24 =	sadd.s32 $0xC00, s21;
	s25 =	sadd.s32 $0xE00, s21;
	[dreg:$0x10] =	wrdreg s30  }
0x2f: {  	s26 =	sadd.s32 $0x1000, s21;
	s29 =	sadd.s32 $0x12C000, s12;
	[dreg:$0x18] =	wrdreg s6  }
0x30: {  	s2 =	simm.s32 $0x9;
	s4 =	simm.s32 $0x200;
	[dreg:$0x1a] =	wrdreg s8  }
0x31: {  	s5 =	simm.s32 $0x300;
	s7 =	simm.s32 $0x20;
	[smem:$0x7F5] =	sst s17  }
0x32: {  	s9 =	simm.s32 $0x1600;
	s10 =	simm.s32 $0x5;
	[smem:$0x7F8] =	sst s23  }
.Ltmp0:
0x33: {  	s11 =	simm.s32 $0x400;
	[smem:$0x7F9] =	sst s24;
	(pc) =	sbr.rel .LBB2_1-.Ltmp0, $4  }
0x34: {  	s20 =	simm.s32 $0x6;
	s13 =	simm.s32 $0x3;
	[smem:$0x7FA] =	sst s25  }
0x35: {  	s19 =	simm.s32 $0x8;
	s21 =	simm.s32 $0x4;
	[smem:$0x7FB] =	sst s26  }
0x36: {  	[smem:$0x7FD] =	sst s29;
	s6 =	simm.s32 $0x1;
	s8 =	simm.s32 $0x2  }
0x37: {  	s17 =	simm.s32 $0x7;
	s23 =	simm.s32 $0x580;
	s24 =	simm.s32 $0x0  }
.LBB2_11:
0x38: {  	_ =	swait.ge [sflag:s19], $0x1000  }
0x39: {  	[sflag:s19] =	ssyncset.done $0x0  }
0x3a: {  	[sflag:s19] =	ssyncadd.s32 $0xFFFFF000  }
0x3b: {  	[bflag:$0x0] =	sbarrier.arrive $0xFFFF  }
0x3c: {  	[tilespmem:s0], [sflag:$0x9] =	stream.linear.gather [spmem:s30], $0x1000, $0x38;
	[tilespmem:$0x1FF40] =	vst v63  }
0x3d: {  	_ =	swait.ge [sflag:s2], $0x1000  }
0x3e: {  	[sflag:s2] =	ssyncset.done $0x0  }
0x3f: {  	s25 =	rddreg [dreg:$0x4];
	[sflag:s2] =	ssyncadd.s32 $0xFFFFF000  }
0x40: {  	[hbm4b:s25+s1] =	stream.linear.scatter [tilespmem:s0], [sflag:$0x9], $0x1000, $0x38;
	[tilespmem:$0x1FF40] =	vst v63  }
0x41: {  	_ =	swait.ge [sflag:s2], $0x1000  }
0x42: {  	[sflag:s2] =	ssyncset.done $0x0  }
0x43: {  	s28 =	rddreg [dreg:$0x12];
	[sflag:s2] =	ssyncadd.s32 $0xFFFFF000  }
0x44: {  	[tilespmem:s0], [sflag:$0x9] =	stream.linear.gather [spmem:s28], $0x1000, $0x38;
	[tilespmem:$0x1FF40] =	vst v63  }
0x45: {  	_ =	swait.ge [sflag:s2], $0x1000  }
0x46: {  	[sflag:s2] =	ssyncset.done $0x0  }
0x47: {  	s29 =	rddreg [dreg:$0x5];
	[sflag:s2] =	ssyncadd.s32 $0xFFFFF000  }
0x48: {  	[hbm4b:s29+s1] =	stream.linear.scatter [tilespmem:s0], [sflag:$0x9], $0x1000, $0x38;
	[tilespmem:$0x1FF40] =	vst v63  }
0x49: {  	_ =	swait.ge [sflag:s2], $0x1000  }
0x4a: {  	[sflag:s2] =	ssyncset.done $0x0  }
0x4b: {  	s30 =	rddreg [dreg:$0x13];
	[sflag:s2] =	ssyncadd.s32 $0xFFFFF000  }
0x4c: {  	[tilespmem:s0], [sflag:$0x9] =	stream.linear.gather [spmem:s30], $0x1000, $0x38;
	[tilespmem:$0x1FF40] =	vst v63  }
0x4d: {  	_ =	swait.ge [sflag:s2], $0x1000  }
0x4e: {  	[sflag:s2] =	ssyncset.done $0x0  }
0x4f: {  	s26 =	rddreg [dreg:$0x6];
	[sflag:s2] =	ssyncadd.s32 $0xFFFFF000  }
0x50: {  	[hbm4b:s26+s1] =	stream.linear.scatter [tilespmem:s0], [sflag:$0x9], $0x1000, $0x38;
	[tilespmem:$0x1FF40] =	vst v63  }
0x51: {  	_ =	swait.ge [sflag:s2], $0x1000  }
0x52: {  	[sflag:s2] =	ssyncset.done $0x0  }
0x53: {  	s28 =	rddreg [dreg:$0x14];
	[sflag:s2] =	ssyncadd.s32 $0xFFFFF000  }
0x54: {  	[tilespmem:s0], [sflag:$0x9] =	stream.linear.gather [spmem:s28], $0x1000, $0x38;
	[tilespmem:$0x1FF40] =	vst v63  }
0x55: {  	_ =	swait.ge [sflag:s2], $0x1000  }
0x56: {  	[sflag:s2] =	ssyncset.done $0x0  }
0x57: {  	s29 =	rddreg [dreg:$0x7];
	[sflag:s2] =	ssyncadd.s32 $0xFFFFF000  }
0x58: {  	[hbm4b:s29+s1] =	stream.linear.scatter [tilespmem:s0], [sflag:$0x9], $0x1000, $0x38;
	[tilespmem:$0x1FF40] =	vst v63  }
0x59: {  	_ =	swait.ge [sflag:s2], $0x1000  }
0x5a: {  	[sflag:s2] =	ssyncset.done $0x0  }
0x5b: {  	s30 =	rddreg [dreg:$0x15];
	[sflag:s2] =	ssyncadd.s32 $0xFFFFF000  }
0x5c: {  	[tilespmem:s0], [sflag:$0x9] =	stream.linear.gather [spmem:s30], $0x1000, $0x38;
	[tilespmem:$0x1FF40] =	vst v63  }
0x5d: {  	_ =	swait.ge [sflag:s2], $0x1000  }
0x5e: {  	[sflag:s2] =	ssyncset.done $0x0  }
0x5f: {  	s26 =	rddreg [dreg:$0x8];
	[sflag:s2] =	ssyncadd.s32 $0xFFFFF000  }
0x60: {  	[hbm4b:s26+s1] =	stream.linear.scatter [tilespmem:s0], [sflag:$0x9], $0x1000, $0x38;
	[tilespmem:$0x1FF40] =	vst v63  }
0x61: {  	_ =	swait.ge [sflag:s2], $0x1000  }
0x62: {  	[sflag:s2] =	ssyncset.done $0x0  }
0x63: {  	s28 =	rddreg [dreg:$0x16];
	[sflag:s2] =	ssyncadd.s32 $0xFFFFF000  }
0x64: {  	[tilespmem:s0], [sflag:$0x9] =	stream.linear.gather [spmem:s28], $0x1000, $0x38;
	[tilespmem:$0x1FF40] =	vst v63  }
0x65: {  	_ =	swait.ge [sflag:s2], $0x1000  }
0x66: {  	[sflag:s2] =	ssyncset.done $0x0  }
0x67: {  	s29 =	rddreg [dreg:$0x9];
	[sflag:s2] =	ssyncadd.s32 $0xFFFFF000  }
0x68: {  	[hbm4b:s29+s1] =	stream.linear.scatter [tilespmem:s0], [sflag:$0x9], $0x1000, $0x38;
	[tilespmem:$0x1FF40] =	vst v63  }
0x69: {  	_ =	swait.ge [sflag:s2], $0x1000  }
0x6a: {  	[sflag:s2] =	ssyncset.done $0x0  }
0x6b: {  	s30 =	rddreg [dreg:$0x17];
	[sflag:s2] =	ssyncadd.s32 $0xFFFFF000  }
0x6c: {  	[tilespmem:s0], [sflag:$0x9] =	stream.linear.gather [spmem:s30], $0x1000, $0x38;
	[tilespmem:$0x1FF40] =	vst v63  }
0x6d: {  	_ =	swait.ge [sflag:s2], $0x1000  }
0x6e: {  	[sflag:s2] =	ssyncset.done $0x0  }
0x6f: {  	s26 =	rddreg [dreg:$0xa];
	[sflag:s2] =	ssyncadd.s32 $0xFFFFF000  }
0x70: {  	[hbm4b:s26+s1] =	stream.linear.scatter [tilespmem:s0], [sflag:$0x9], $0x1000, $0x38;
	[tilespmem:$0x1FF40] =	vst v63  }
0x71: {  	_ =	swait.ge [sflag:s2], $0x1000  }
0x72: {  	[sflag:s2] =	ssyncset.done $0x0  }
0x73: {  	s28 =	rddreg [dreg:$0x18];
	[sflag:s2] =	ssyncadd.s32 $0xFFFFF000  }
0x74: {  	[tilespmem:s0], [sflag:$0x9] =	stream.linear.gather [spmem:s28], $0x1000, $0x38;
	[tilespmem:$0x1FF40] =	vst v63  }
0x75: {  	_ =	swait.ge [sflag:s2], $0x1000  }
0x76: {  	[sflag:s2] =	ssyncset.done $0x0  }
0x77: {  	s29 =	rddreg [dreg:$0xb];
	[sflag:s2] =	ssyncadd.s32 $0xFFFFF000  }
0x78: {  	[hbm4b:s29+s1] =	stream.linear.scatter [tilespmem:s0], [sflag:$0x9], $0x1000, $0x38;
	[tilespmem:$0x1FF40] =	vst v63  }
0x79: {  	_ =	swait.ge [sflag:s2], $0x1000  }
0x7a: {  	[sflag:s2] =	ssyncset.done $0x0  }
0x7b: {  	s30 =	rddreg [dreg:$0x19];
	[sflag:s2] =	ssyncadd.s32 $0xFFFFF000  }
0x7c: {  	[tilespmem:s0], [sflag:$0x9] =	stream.linear.gather [spmem:s30], $0x1000, $0x38;
	[tilespmem:$0x1FF40] =	vst v63  }
0x7d: {  	_ =	swait.ge [sflag:s2], $0x1000  }
0x7e: {  	[sflag:s2] =	ssyncset.done $0x0  }
0x7f: {  	s26 =	rddreg [dreg:$0xc];
	[sflag:s2] =	ssyncadd.s32 $0xFFFFF000  }
0x80: {  	[hbm4b:s26+s1] =	stream.linear.scatter [tilespmem:s0], [sflag:$0x9], $0x1000, $0x38;
	[tilespmem:$0x1FF40] =	vst v63  }
0x81: {  	_ =	swait.ge [sflag:s2], $0x1000  }
0x82: {  	[sflag:s2] =	ssyncset.done $0x0  }
0x83: {  	s28 =	rddreg [dreg:$0x1a];
	[sflag:s2] =	ssyncadd.s32 $0xFFFFF000  }
0x84: {  	[tilespmem:s0], [sflag:$0x9] =	stream.linear.gather [spmem:s28], $0x1000, $0x38;
	[tilespmem:$0x1FF40] =	vst v63  }
0x85: {  	_ =	swait.ge [sflag:s2], $0x1000  }
0x86: {  	[sflag:s2] =	ssyncset.done $0x0  }
0x87: {  	s29 =	rddreg [dreg:$0xd];
	[sflag:s2] =	ssyncadd.s32 $0xFFFFF000  }
0x88: {  	[hbm4b:s29+s1] =	stream.linear.scatter [tilespmem:s0], [sflag:$0x9], $0x1000, $0x38;
	[tilespmem:$0x1FF40] =	vst v63  }
0x89: {  	_ =	swait.ge [sflag:s2], $0x1000  }
0x8a: {  	s24 =	sadd.s32 $0x1, s24;
	s30 =	rddreg [dreg:$0x11]  }
0x8b: {  	p1 =	sne.s32 s24, s30  }
.Ltmp1:
0x8c: {  	_ = 	snop;
	(pc) =	sbr.rel @!p1 .LBB2_12-.Ltmp1, $3  }
0x8d: {  	_ =	sdelay $0x1  }
0x8e: {  	[sflag:s2] =	ssyncset.done $0x0  }
0x8f: {  	[sflag:s2] =	ssyncadd.s32 $0xFFFFF000  }
.LBB2_1:
.Ltmp2:
0x90: {  	(pc) =	sbr.rel @!p0 .LBB2_2-.Ltmp2, $1  }
0x91: {  	_ =	sdelay $0x3  }
0x92: {  	s25 =	sadd.s32 $0x0, s15  }
0x93: {  	[tilespmem:s0], [sflag:$0x9] =	stream.linear.gather [hbm4b:s25+s1], $0x1000, $0x38;
	[tilespmem:$0x1FF40] =	vst v63  }
0x94: {  	_ =	swait.ge [sflag:s2], $0x1000  }
0x95: {  	s30 =	sld [smem:$0x7FD]  }
0x96: {  	[sflag:s2] =	ssyncset.done $0x0  }
0x97: {  	[sflag:s2] =	ssyncadd.s32 $0xFFFFF000  }
0x98: {  	[spmem:s30] =	stream.linear.scatter [tilespmem:s0], [sflag:$0x9], $0x1000, $0x38;
	[tilespmem:$0x1FF40] =	vst v63  }
0x99: {  	s26 =	simm.s32 $0x200;
	_ =	swait.ge [sflag:s2], $0x1000  }
0x9a: {  	s28 =	simm.s32 $0x400;
	s25 =	sadd.s32 $0x1000, s30;
	[sflag:s2] =	ssyncset.done $0x0  }
.LBB2_6:
0x9b: {  	s29 =	sadd.s32 s26, s15  }
0x9c: {  	[sflag:s2] =	ssyncadd.s32 $0xFFFFF000;
	s26 =	smov.u32 s28;
	s30 =	sadd.s32 $0x200, s28  }
0x9d: {  	[tilespmem:s0], [sflag:$0x9] =	stream.linear.gather [hbm4b:s29+s1], $0x1000, $0x38;
	[tilespmem:$0x1FF40] =	vst v63  }
0x9e: {  	p1 =	sne.s32 s28, $0x1800;
	_ =	swait.ge [sflag:s2], $0x1000  }
.Ltmp3:
0x9f: {  	[sflag:s2] =	ssyncset.done $0x0;
	(pc) =	sbr.rel @p1 .LBB2_6-.Ltmp3, $4  }
0xa0: {  	[sflag:s2] =	ssyncadd.s32 $0xFFFFF000  }
0xa1: {  	[spmem:s25] =	stream.linear.scatter [tilespmem:s0], [sflag:$0x9], $0x1000, $0x38;
	[tilespmem:$0x1FF40] =	vst v63  }
0xa2: {  	_ =	swait.ge [sflag:s2], $0x1000  }
0xa3: {  	s28 =	smov.u32 s30;
	s25 =	sadd.s32 $0x1000, s25;
	[sflag:s2] =	ssyncset.done $0x0  }
0xa4: {  	s26 =	sadd.s32 s26, s15;
	[sflag:s2] =	ssyncadd.s32 $0xFFFFF000  }
0xa5: {  	[tilespmem:s0], [sflag:$0x9] =	stream.linear.gather [hbm4b:s26+s1], $0x1000, $0x38;
	[tilespmem:$0x1FF40] =	vst v63  }
0xa6: {  	_ =	swait.ge [sflag:s2], $0x1000  }
0xa7: {  	[sflag:s2] =	ssyncset.done $0x0  }
.Ltmp4:
0xa8: {  	[sflag:s2] =	ssyncadd.s32 $0xFFFFF000;
	(pc) =	sbr.rel .LBB2_8-.Ltmp4, $4  }
0xa9: {  	[spmem:s25] =	stream.linear.scatter [tilespmem:s0], [sflag:$0x9], $0x1000, $0x38;
	[tilespmem:$0x1FF40] =	vst v63  }
0xaa: {  	_ =	swait.ge [sflag:s2], $0x1000  }
0xab: {  	[sflag:s2] =	ssyncset.done $0x0  }
0xac: {  	[sflag:s2] =	ssyncadd.s32 $0xFFFFF000  }
.LBB2_2:
0xad: {  	s25 =	sadd.s32 $0x0, s14  }
0xae: {  	[tilespmem:s0], [sflag:$0x9] =	stream.linear.gather [hbm4b:s25+s1], $0x1000, $0x38;
	[tilespmem:$0x1FF40] =	vst v63  }
0xaf: {  	_ =	swait.ge [sflag:s2], $0x1000  }
0xb0: {  	[sflag:s2] =	ssyncset.done $0x0  }
0xb1: {  	s30 =	rddreg [dreg:$0x1b];
	[sflag:s2] =	ssyncadd.s32 $0xFFFFF000  }
0xb2: {  	[spmem:s30] =	stream.linear.scatter [tilespmem:s0], [sflag:$0x9], $0x1000, $0x38;
	[tilespmem:$0x1FF40] =	vst v63  }
0xb3: {  	s26 =	simm.s32 $0x200;
	_ =	swait.ge [sflag:s2], $0x1000  }
0xb4: {  	s28 =	simm.s32 $0x400;
	s25 =	sadd.s32 $0x1000, s30;
	[sflag:s2] =	ssyncset.done $0x0  }
.LBB2_3:
0xb5: {  	s29 =	sadd.s32 s26, s14  }
0xb6: {  	[sflag:s2] =	ssyncadd.s32 $0xFFFFF000;
	s26 =	smov.u32 s28;
	s30 =	sadd.s32 $0x200, s28  }
0xb7: {  	[tilespmem:s0], [sflag:$0x9] =	stream.linear.gather [hbm4b:s29+s1], $0x1000, $0x38;
	[tilespmem:$0x1FF40] =	vst v63  }
0xb8: {  	p1 =	seq.s32 s28, $0x2600;
	_ =	swait.ge [sflag:s2], $0x1000  }
.Ltmp5:
0xb9: {  	[sflag:s2] =	ssyncset.done $0x0;
	(pc) =	sbr.rel @!p1 .LBB2_3-.Ltmp5, $4  }
0xba: {  	[sflag:s2] =	ssyncadd.s32 $0xFFFFF000  }
0xbb: {  	[spmem:s25] =	stream.linear.scatter [tilespmem:s0], [sflag:$0x9], $0x1000, $0x38;
	[tilespmem:$0x1FF40] =	vst v63  }
0xbc: {  	_ =	swait.ge [sflag:s2], $0x1000  }
0xbd: {  	s28 =	smov.u32 s30;
	s25 =	sadd.s32 $0x1000, s25;
	[sflag:s2] =	ssyncset.done $0x0  }
0xbe: {  	s26 =	sadd.s32 s26, s14;
	[sflag:s2] =	ssyncadd.s32 $0xFFFFF000  }
0xbf: {  	[tilespmem:s0], [sflag:$0x9] =	stream.linear.gather [hbm4b:s26+s1], $0x1000, $0x38;
	[tilespmem:$0x1FF40] =	vst v63  }
0xc0: {  	_ =	swait.ge [sflag:s2], $0x1000  }
0xc1: {  	[sflag:s2] =	ssyncset.done $0x0  }
0xc2: {  	[sflag:s2] =	ssyncadd.s32 $0xFFFFF000  }
0xc3: {  	[spmem:s25] =	stream.linear.scatter [tilespmem:s0], [sflag:$0x9], $0x1000, $0x38;
	[tilespmem:$0x1FF40] =	vst v63  }
0xc4: {  	_ =	swait.ge [sflag:s2], $0x1000  }
0xc5: {  	[sflag:s2] =	ssyncset.done $0x0  }
0xc6: {  	[sflag:s2] =	ssyncadd.s32 $0xFFFFF000  }
.LBB2_8:
0xc7: {  	s25 =	rddreg [dreg:$0xe]  }
0xc8: {  	[tilespmem:s0], [sflag:$0x9] =	stream.linear.gather [hbm4b:s25+s1], $0x1000, $0x38;
	[tilespmem:$0x1FF40] =	vst v63  }
0xc9: {  	_ =	swait.ge [sflag:s2], $0x1000  }
0xca: {  	[sflag:s2] =	ssyncset.done $0x0  }
0xcb: {  	s30 =	rddreg [dreg:$0x10];
	[sflag:s2] =	ssyncadd.s32 $0xFFFFF000  }
0xcc: {  	[spmem:s30] =	stream.linear.scatter [tilespmem:s0], [sflag:$0x9], $0x1000, $0x38;
	[tilespmem:$0x1FF40] =	vst v63  }
0xcd: {  	_ =	swait.ge [sflag:s2], $0x1000  }
0xce: {  	[sflag:s2] =	ssyncset.done $0x0  }
0xcf: {  	s29 =	rddreg [dreg:$0x1f];
	[sflag:s2] =	ssyncadd.s32 $0xFFFFF000  }
0xd0: {  	[tilespmem:s0], [sflag:$0x9] =	stream.linear.gather [hbm4b:s29+s1], $0x1000, $0x38;
	[tilespmem:$0x1FF40] =	vst v63  }
0xd1: {  	_ =	swait.ge [sflag:s2], $0x1000  }
0xd2: {  	[sflag:s2] =	ssyncset.done $0x0  }
0xd3: {  	s26 =	rddreg [dreg:$0x12];
	[sflag:s2] =	ssyncadd.s32 $0xFFFFF000  }
0xd4: {  	[spmem:s26] =	stream.linear.scatter [tilespmem:s0], [sflag:$0x9], $0x1000, $0x38;
	[tilespmem:$0x1FF40] =	vst v63  }
0xd5: {  	_ =	swait.ge [sflag:s2], $0x1000  }
0xd6: {  	s28 =	sld [smem:$0x7F5]  }
0xd7: {  	[sflag:s2] =	ssyncset.done $0x0  }
0xd8: {  	[sflag:s2] =	ssyncadd.s32 $0xFFFFF000  }
0xd9: {  	[tilespmem:s0], [sflag:$0x9] =	stream.linear.gather [hbm4b:s28+s1], $0x1000, $0x38;
	[tilespmem:$0x1FF40] =	vst v63  }
0xda: {  	_ =	swait.ge [sflag:s2], $0x1000  }
0xdb: {  	[sflag:s2] =	ssyncset.done $0x0  }
0xdc: {  	s29 =	rddreg [dreg:$0x13];
	[sflag:s2] =	ssyncadd.s32 $0xFFFFF000  }
0xdd: {  	[spmem:s29] =	stream.linear.scatter [tilespmem:s0], [sflag:$0x9], $0x1000, $0x38;
	[tilespmem:$0x1FF40] =	vst v63  }
0xde: {  	_ =	swait.ge [sflag:s2], $0x1000  }
0xdf: {  	s26 =	sld [smem:$0x7F6]  }
0xe0: {  	[sflag:s2] =	ssyncset.done $0x0  }
0xe1: {  	[sflag:s2] =	ssyncadd.s32 $0xFFFFF000  }
0xe2: {  	[tilespmem:s0], [sflag:$0x9] =	stream.linear.gather [hbm4b:s26+s1], $0x1000, $0x38;
	[tilespmem:$0x1FF40] =	vst v63  }
0xe3: {  	_ =	swait.ge [sflag:s2], $0x1000  }
0xe4: {  	[sflag:s2] =	ssyncset.done $0x0  }
0xe5: {  	s28 =	rddreg [dreg:$0x14];
	[sflag:s2] =	ssyncadd.s32 $0xFFFFF000  }
0xe6: {  	[spmem:s28] =	stream.linear.scatter [tilespmem:s0], [sflag:$0x9], $0x1000, $0x38;
	[tilespmem:$0x1FF40] =	vst v63  }
0xe7: {  	_ =	swait.ge [sflag:s2], $0x1000  }
0xe8: {  	s29 =	sld [smem:$0x7F7]  }
0xe9: {  	[sflag:s2] =	ssyncset.done $0x0  }
0xea: {  	[sflag:s2] =	ssyncadd.s32 $0xFFFFF000  }
0xeb: {  	[tilespmem:s0], [sflag:$0x9] =	stream.linear.gather [hbm4b:s29+s1], $0x1000, $0x38;
	[tilespmem:$0x1FF40] =	vst v63  }
0xec: {  	_ =	swait.ge [sflag:s2], $0x1000  }
0xed: {  	[sflag:s2] =	ssyncset.done $0x0  }
0xee: {  	s26 =	rddreg [dreg:$0x15];
	[sflag:s2] =	ssyncadd.s32 $0xFFFFF000  }
0xef: {  	[spmem:s26] =	stream.linear.scatter [tilespmem:s0], [sflag:$0x9], $0x1000, $0x38;
	[tilespmem:$0x1FF40] =	vst v63  }
0xf0: {  	_ =	swait.ge [sflag:s2], $0x1000  }
0xf1: {  	s28 =	sld [smem:$0x7F8]  }
0xf2: {  	[sflag:s2] =	ssyncset.done $0x0  }
0xf3: {  	[sflag:s2] =	ssyncadd.s32 $0xFFFFF000  }
0xf4: {  	[tilespmem:s0], [sflag:$0x9] =	stream.linear.gather [hbm4b:s28+s1], $0x1000, $0x38;
	[tilespmem:$0x1FF40] =	vst v63  }
0xf5: {  	_ =	swait.ge [sflag:s2], $0x1000  }
0xf6: {  	[sflag:s2] =	ssyncset.done $0x0  }
0xf7: {  	s29 =	rddreg [dreg:$0x16];
	[sflag:s2] =	ssyncadd.s32 $0xFFFFF000  }
0xf8: {  	[spmem:s29] =	stream.linear.scatter [tilespmem:s0], [sflag:$0x9], $0x1000, $0x38;
	[tilespmem:$0x1FF40] =	vst v63  }
0xf9: {  	_ =	swait.ge [sflag:s2], $0x1000  }
0xfa: {  	s26 =	sld [smem:$0x7F9]  }
0xfb: {  	[sflag:s2] =	ssyncset.done $0x0  }
0xfc: {  	[sflag:s2] =	ssyncadd.s32 $0xFFFFF000  }
0xfd: {  	[tilespmem:s0], [sflag:$0x9] =	stream.linear.gather [hbm4b:s26+s1], $0x1000, $0x38;
	[tilespmem:$0x1FF40] =	vst v63  }
0xfe: {  	_ =	swait.ge [sflag:s2], $0x1000  }
0xff: {  	[sflag:s2] =	ssyncset.done $0x0  }
0x100: {  	s28 =	rddreg [dreg:$0x17];
	[sflag:s2] =	ssyncadd.s32 $0xFFFFF000  }
0x101: {  	[spmem:s28] =	stream.linear.scatter [tilespmem:s0], [sflag:$0x9], $0x1000, $0x38;
	[tilespmem:$0x1FF40] =	vst v63  }
0x102: {  	_ =	swait.ge [sflag:s2], $0x1000  }
0x103: {  	s29 =	sld [smem:$0x7FA]  }
0x104: {  	[sflag:s2] =	ssyncset.done $0x0  }
0x105: {  	[sflag:s2] =	ssyncadd.s32 $0xFFFFF000  }
0x106: {  	[tilespmem:s0], [sflag:$0x9] =	stream.linear.gather [hbm4b:s29+s1], $0x1000, $0x38;
	[tilespmem:$0x1FF40] =	vst v63  }
0x107: {  	_ =	swait.ge [sflag:s2], $0x1000  }
0x108: {  	[sflag:s2] =	ssyncset.done $0x0  }
0x109: {  	s26 =	rddreg [dreg:$0x18];
	[sflag:s2] =	ssyncadd.s32 $0xFFFFF000  }
0x10a: {  	[spmem:s26] =	stream.linear.scatter [tilespmem:s0], [sflag:$0x9], $0x1000, $0x38;
	[tilespmem:$0x1FF40] =	vst v63  }
0x10b: {  	_ =	swait.ge [sflag:s2], $0x1000  }
0x10c: {  	s28 =	sld [smem:$0x7FB]  }
0x10d: {  	[sflag:s2] =	ssyncset.done $0x0  }
0x10e: {  	[sflag:s2] =	ssyncadd.s32 $0xFFFFF000  }
0x10f: {  	[tilespmem:s0], [sflag:$0x9] =	stream.linear.gather [hbm4b:s28+s1], $0x1000, $0x38;
	[tilespmem:$0x1FF40] =	vst v63  }
0x110: {  	_ =	swait.ge [sflag:s2], $0x1000  }
0x111: {  	[sflag:s2] =	ssyncset.done $0x0  }
0x112: {  	s29 =	rddreg [dreg:$0x19];
	[sflag:s2] =	ssyncadd.s32 $0xFFFFF000  }
0x113: {  	[spmem:s29] =	stream.linear.scatter [tilespmem:s0], [sflag:$0x9], $0x1000, $0x38;
	[tilespmem:$0x1FF40] =	vst v63  }
0x114: {  	_ =	swait.ge [sflag:s2], $0x1000  }
0x115: {  	s26 =	sld [smem:$0x7FC]  }
0x116: {  	[sflag:s2] =	ssyncset.done $0x0  }
0x117: {  	[sflag:s2] =	ssyncadd.s32 $0xFFFFF000  }
0x118: {  	[tilespmem:s0], [sflag:$0x9] =	stream.linear.gather [hbm4b:s26+s1], $0x1000, $0x38;
	[tilespmem:$0x1FF40] =	vst v63  }
0x119: {  	_ =	swait.ge [sflag:s2], $0x1000  }
0x11a: {  	[sflag:s2] =	ssyncset.done $0x0  }
0x11b: {  	s28 =	rddreg [dreg:$0x1a];
	[sflag:s2] =	ssyncadd.s32 $0xFFFFF000  }
0x11c: {  	[spmem:s28] =	stream.linear.scatter [tilespmem:s0], [sflag:$0x9], $0x1000, $0x38;
	[tilespmem:$0x1FF40] =	vst v63  }
0x11d: {  	_ =	swait.ge [sflag:s2], $0x1000  }
0x11e: {  	[sflag:s2] =	ssyncset.done $0x0  }
0x11f: {  	[sflag:s2] =	ssyncadd.s32 $0xFFFFF000  }
0x120: {  	[bflag:$0x0] =	sbarrier.arrive $0xFFFF  }
0x121: {  	s29 =	rddreg [dreg:$0xf]  }
0x122: {  	[tilespmem:s1], [sflag:$0x1] =	stream.linear.gather [hbm4b:s29+s1], $0x100, $0x38;
	[tilespmem:$0x1FF40] =	vst v63  }
0x123: {  	s26 =	rddreg [dreg:$0x1c]  }
0x124: {  	[tilespmem:s3], [sflag:$0x2] =	stream.linear.gather [hbm4b:s26+s1], $0x100, $0x38;
	[tilespmem:$0x1FF40] =	vst v63  }
0x125: {  	s28 =	rddreg [dreg:$0x1d]  }
0x126: {  	[tilespmem:s4], [sflag:$0x3] =	stream.linear.gather [hbm4b:s28+s1], $0x100, $0x38;
	[tilespmem:$0x1FF40] =	vst v63  }
0x127: {  	s25 =	simm.s32 $0xFFFFB080;
	s29 =	rddreg [dreg:$0x1e]  }
0x128: {  	[tilespmem:s5], [sflag:$0x4] =	stream.linear.gather [hbm4b:s29+s1], $0x100, $0x38;
	[tilespmem:$0x1FF40] =	vst v63  }
.LBB2_9:
0x129: {  	_ =	swait.ge [sflag:s6], $0x100  }
0x12a: {  	[sflag:s6] =	ssyncset.done $0x0  }
0x12b: {  	[sflag:s6] =	ssyncadd.s32 $0xFFFFFF00  }
0x12c: {  	v1 =	vld [tilespmem:$0x80]  }
0x12d: {  	v2 =	vld [tilespmem:$0x90];
	_ =	sdelay $0x3  }
0x12e: {  	v1 =	vsub.s32 v1, v0  }
0x12f: {  	v2 =	vsub.s32 v2, v0;
	v1 =	vmin.u32 v1, $0x1400  }
0x130: {  	[tilespmem:$0x400] =	vst v1;
	v1 =	vmin.u32 v2, $0x1400  }
0x131: {  	[tilespmem:$0x410] =	vst v1  }
0x132: {  	[tilespmem:s0], [sflag:$0x5] =	stream.indirect.gather [spmem:s12], $0x80, s1, s7, $0xb8;
	[tilespmem:$0x1FF40] =	vst v63  }
0x133: {  	_ =	swait.ge [sflag:s8], $0x100  }
0x134: {  	[sflag:s8] =	ssyncset.done $0x0  }
0x135: {  	[sflag:s8] =	ssyncadd.s32 $0xFFFFFF00  }
0x136: {  	v1 =	vld [tilespmem:$0x180]  }
0x137: {  	v2 =	vld [tilespmem:$0x190];
	_ =	sdelay $0x3  }
0x138: {  	v1 =	vsub.s32 v1, v0  }
0x139: {  	v2 =	vsub.s32 v2, v0;
	v1 =	vmin.u32 v1, $0x1400  }
0x13a: {  	[tilespmem:$0x480] =	vst v1;
	v1 =	vmin.u32 v2, $0x1400  }
0x13b: {  	[tilespmem:$0x490] =	vst v1  }
0x13c: {  	[tilespmem:s9], [sflag:$0x6] =	stream.indirect.gather [spmem:s12], $0x80, s3, s7, $0xb8;
	[tilespmem:$0x1FF40] =	vst v63  }
0x13d: {  	_ =	swait.ge [sflag:s10], $0x1000  }
0x13e: {  	[sflag:s10] =	ssyncset.done $0x0  }
0x13f: {  	[sflag:s10] =	ssyncadd.s32 $0xFFFFF000  }
0x140: {  	[spmem:s16] =	stream.indirect.scatter.add.f32 [tilespmem:s0], [sflag:$0x7], $0x80, s11, s7, $0xb8;
	[tilespmem:$0x1FF40] =	vst v63  }
0x141: {  	_ =	swait.ge [sflag:s20], $0x1000  }
0x142: {  	[sflag:s20] =	ssyncset.done $0x0  }
0x143: {  	[sflag:s20] =	ssyncadd.s32 $0xFFFFF000  }
0x144: {  	[spmem:s16] =	stream.indirect.scatter.add.f32 [tilespmem:s9], [sflag:$0x8], $0x80, s31, s7, $0xb8;
	[tilespmem:$0x1FF40] =	vst v63  }
0x145: {  	p1 =	seq.s32 s25, $0x0;
	_ =	swait.ge [sflag:s17], $0x1000  }
0x146: {  	s26 =	sadd.s32 @!p1 s25, s18;
	[sflag:s17] =	ssyncset.done $0x0  }
0x147: {  	s29 =	simm.s32 @!p1 $0x0;
	s28 =	sadd.s32 @!p1 $0x5000, s26;
	[sflag:s17] =	ssyncadd.s32 $0xFFFFF000  }
0x148: {  	[tilespmem:s29], [sflag:$0x1] =	stream.linear.gather @!p1 [hbm4b:s28+s29], $0x100, $0x38;
	[tilespmem:$0x1FF40] =	vst v63  }
0x149: {  	_ =	swait.ge [sflag:s13], $0x100  }
0x14a: {  	[sflag:s13] =	ssyncset.done $0x0  }
0x14b: {  	[sflag:s13] =	ssyncadd.s32 $0xFFFFFF00  }
0x14c: {  	v1 =	vld [tilespmem:$0x280]  }
0x14d: {  	v2 =	vld [tilespmem:$0x290];
	_ =	sdelay $0x3  }
0x14e: {  	v1 =	vsub.s32 v1, v0  }
0x14f: {  	v2 =	vsub.s32 v2, v0;
	v1 =	vmin.u32 v1, $0x1400  }
0x150: {  	[tilespmem:$0x500] =	vst v1;
	v1 =	vmin.u32 v2, $0x1400  }
0x151: {  	[tilespmem:$0x510] =	vst v1  }
0x152: {  	[tilespmem:s0], [sflag:$0x5] =	stream.indirect.gather [spmem:s12], $0x80, s4, s7, $0xb8;
	[tilespmem:$0x1FF40] =	vst v63  }
0x153: {  	_ =	swait.ge [sflag:s19], $0x1000  }
0x154: {  	[sflag:s19] =	ssyncset.done $0x0  }
0x155: {  	s26 =	sadd.s32 @!p1 $0x5020, s26;
	s28 =	simm.s32 @!p1 $0x100;
	[sflag:s19] =	ssyncadd.s32 $0xFFFFF000  }
0x156: {  	[tilespmem:s28], [sflag:$0x2] =	stream.linear.gather @!p1 [hbm4b:s26+s29], $0x100, $0x38;
	[tilespmem:$0x1FF40] =	vst v63  }
0x157: {  	_ =	swait.ge [sflag:s21], $0x100  }
0x158: {  	[sflag:s21] =	ssyncset.done $0x0  }
0x159: {  	[sflag:s21] =	ssyncadd.s32 $0xFFFFFF00  }
0x15a: {  	v1 =	vld [tilespmem:$0x380]  }
0x15b: {  	v2 =	vld [tilespmem:$0x390];
	_ =	sdelay $0x3  }
0x15c: {  	v1 =	vsub.s32 v1, v0  }
0x15d: {  	v2 =	vsub.s32 v2, v0;
	v1 =	vmin.u32 v1, $0x1400  }
0x15e: {  	[tilespmem:$0x580] =	vst v1;
	v1 =	vmin.u32 v2, $0x1400  }
0x15f: {  	[tilespmem:$0x590] =	vst v1  }
0x160: {  	[tilespmem:s9], [sflag:$0x6] =	stream.indirect.gather [spmem:s12], $0x80, s5, s7, $0xb8;
	[tilespmem:$0x1FF40] =	vst v63  }
0x161: {  	_ =	swait.ge [sflag:s10], $0x1000  }
0x162: {  	[sflag:s10] =	ssyncset.done $0x0  }
0x163: {  	[sflag:s10] =	ssyncadd.s32 $0xFFFFF000  }
0x164: {  	[spmem:s16] =	stream.indirect.scatter.add.f32 [tilespmem:s0], [sflag:$0x7], $0x80, s22, s7, $0xb8;
	[tilespmem:$0x1FF40] =	vst v63  }
0x165: {  	_ =	swait.ge [sflag:s20], $0x1000  }
0x166: {  	[sflag:s20] =	ssyncset.done $0x0  }
.Ltmp6:
0x167: {  	[sflag:s20] =	ssyncadd.s32 $0xFFFFF000;
	(pc) =	sbr.rel @p1 .LBB2_11-.Ltmp6, $4  }
0x168: {  	[spmem:s16] =	stream.indirect.scatter.add.f32 [tilespmem:s9], [sflag:$0x8], $0x80, s23, s7, $0xb8;
	[tilespmem:$0x1FF40] =	vst v63  }
0x169: {  	_ =	swait.ge [sflag:s17], $0x1000  }
0x16a: {  	[sflag:s17] =	ssyncset.done $0x0  }
0x16b: {  	[sflag:s17] =	ssyncadd.s32 $0xFFFFF000  }
0x16c: {  	s26 =	sadd.s32 s25, s18  }
0x16d: {  	s28 =	sadd.s32 $0x5040, s26  }
0x16e: {  	[tilespmem:s4], [sflag:$0x3] =	stream.linear.gather [hbm4b:s28+s1], $0x100, $0x38;
	[tilespmem:$0x1FF40] =	vst v63  }
.Ltmp7:
0x16f: {  	_ = 	snop;
	(pc) =	sbr.rel .LBB2_9-.Ltmp7, $4  }
0x170: {  	_ =	swait.ge [sflag:s19], $0x1000  }
0x171: {  	[sflag:s19] =	ssyncset.done $0x0  }
0x172: {  	s25 =	sadd.s32 $0x80, s25;
	s26 =	sadd.s32 $0x5060, s26;
	[sflag:s19] =	ssyncadd.s32 $0xFFFFF000  }
0x173: {  	[tilespmem:s5], [sflag:$0x4] =	stream.linear.gather [hbm4b:s26+s1], $0x100, $0x38;
	[tilespmem:$0x1FF40] =	vst v63  }
.LBB2_12:
0x174: {  	_ =	sfence.sel $0x180000  }
0x175: {  	[bflag:$0x0] =	sbarrier.arrive $0xFFFF  }
0x176: {  	_ =	strace $0x9000004D  }
0x177: {  	s0 =	stileid.u32;
	[bflag:$0x2] =	sbarrier.arrive $0xFFFF  }
0x178: {  	p0 =	sne.s32 s0, $0x0;
	s0 =	rddreg [dreg:$0x3]  }
0x179: {  	s0 =	sadd.s32 @!p0 $0x100000, s0  }
0x17a: {  	[sflag:s0] =	ssyncadd.tile.s32 @!p0 $0x1;
	_ =	shalt  }
.Lfunc_end2:
_tile_overlayer_lowered:
.L_overlay_start_2:
0x17b: {  	(tag) =	ssettag $0x2  }
0x17c: {  	s0 =	rddreg [dreg:$0x0];
	s2 =	stileid.u32  }
0x17d: {  	s1 =	rddreg [dreg:$0x1];
	p0 =	sne.s32 s2, $0x0  }
0x17e: {  	s3 =	rddreg [dreg:$0x2];
	[bflag:$0x3] =	sbarrier.arrive $0xFFFF;
	s2 =	simm.s32 @!p0 $0x1C09  }
0x17f: {  	[timem:s3], [sflag:s2] =	dma.local @!p0 [hbm:s0], s1  }
0x180: {  	s0 =	simm.s32 @!p0 $0x9  }
0x181: {  	_ =	swait.ge @!p0 [sflag:s0], s1  }
0x182: {  	s1 =	ssub.s32 @!p0 $0x0, s1;
	[sflag:s0] =	ssyncset.done @!p0 $0x0  }
0x183: {  	[sflag:s0] =	ssyncadd.s32 @!p0 s1  }
0x184: {  	[bflag:$0x3] =	sbarrier.arrive $0xFFFF  }
0x185: {  	_ =	shalt  }

// kernel: kernel.18.cloned.1.call-start
scs
__scs_entry_jumppad:
0x0: {  	(pc) =	sbr.rel $0x88, $3  }
0x1: {  	(tag) =	ssettag $0x0;
	lr =	simm.s32 $0x1  }
0x2: {  	[smem:$0x3F99] =	sst lr;
	_ =	strace $0xD0000000  }
0x3: {  	_ = 	snop  }
0x4: {  	_ = 	snop  }
0x5: {  	_ = 	snop  }
0x6: {  	_ = 	snop  }
0x7: {  	_ = 	snop  }
__scs_overlays_trampoline_lowered:
0x8: {  	[smem:$0x3FA8] =	sst s0  }
0x9: {  	[smem:$0x3FA9] =	sst s1  }
0xa: {  	[smem:$0x3FAA] =	sst s2  }
0xb: {  	[smem:$0x3FAB] =	sst s3  }
0xc: {  	[smem:$0x3FAC] =	sst s4  }
0xd: {  	[smem:$0x3FAD] =	sst s5  }
0xe: {  	[smem:$0x3FAE] =	sst s6  }
0xf: {  	[smem:$0x3FAF] =	sst s7  }
0x10: {  	[smem:$0x3FB0] =	sst s8  }
0x11: {  	[smem:$0x3FB1] =	sst s9;
	s0 =	simm.s32 @!p0 $0x0  }
0x12: {  	s1 =	sld [smem:$0x3F97];
	s0 =	simm.s32 @p0 $0x1  }
0x13: {  	[smem:$0x3FB2] =	sst s0;
	s0 =	simm.s32 @!p1 $0x0  }
0x14: {  	s2 =	sld [smem:$0x3F96];
	s0 =	simm.s32 @p1 $0x1  }
0x15: {  	[smem:$0x3FB3] =	sst s0;
	s0 =	simm.s32 @!p2 $0x0  }
0x16: {  	s3 =	sld [smem:$0x3FDB];
	s0 =	simm.s32 @p2 $0x1  }
0x17: {  	s4 =	simm.s32 $0x1BF5;
	[smem:$0x3FB5] =	sst s0  }
0x18: {  	s0 =	sld [smem:$0x3F98];
	_ =	swait.ge [sflag:s4], $0x0  }
0x19: {  	s7 =	sld [smem:$0x3F99]  }
0x1a: {  	s8 =	sadd.s32 $0xFFFFE003, lr  }
0x1b: {  	s9 =	sadd.s32 $0xFFFFFEF7, lr;
	s5 =	simm.s32 $0xFFFFFFFF;
	p2 =	slt.u32 s8, $0xFFFFF086  }
0x1c: {  	p1 =	slt.u32 s9, $0xF7A;
	s5 =	simm.s32 @!p2 $0x0  }
0x1d: {  	s5 =	simm.s32 @p1 $0x1;
	p0 =	seq.s32 s7, s2  }
0x1e: {  	s7 =	smul.u32 @!p0 $0xF7A, s2;
	p2 =	seq.s32 @!p0 s5, $0x0  }
0x1f: {  	s9 =	smul.u32 $0xF7A, s1;
	s8 =	simm.s32 @!p0 $0x1BF5;
	p2 =	por !p2, p0  }
0x20: {  	[sflag:s8] =	ssyncset.s32 @!p0 $0xFFFFF086;
	s6 =	sadd.s32 @!p0 s3, s7;
	s7 =	simm.s32 @!p0 $0x108  }
0x21: {  	s3 =	sadd.s32 s3, s9;
	s6 =	sadd.s32 @!p0 $0x88, s6;
	s7 =	simm.s32 @p2 $0x1082  }
0x22: {  	[simem:s7], [sflag:s8] =	dma.local @!p0 [hbm:s6], $0xF7A  }
0x23: {  	s9 =	sor.u32 $0xD0000000, s2;
	s6 =	simm.s32 $0x108;
	_ =	swait.ge @!p0 [sflag:s8], $0x0  }
0x24: {  	s3 =	sadd.s32 $0x88, s3;
	s6 =	simm.s32 @!p1 $0x1082;
	[sflag:s4] =	ssyncset.s32 $0xFFFFF086  }
0x25: {  	[simem:s6], [sflag:s4] =	dma.local [hbm:s3], $0xF7A  }
0x26: {  	[smem:$0x3F99] =	sst s1;
	(tag) =	ssettag s2;
	_ =	strace s9  }
0x27: {  	s1 =	sld [smem:$0x3FA9]  }
0x28: {  	s2 =	sld [smem:$0x3FAA]  }
0x29: {  	s4 =	sld [smem:$0x3FAC]  }
0x2a: {  	p0 =	seq.s32 s5, $0x0;
	s5 =	sld [smem:$0x3FAD]  }
0x2b: {  	s6 =	sld [smem:$0x3FAE]  }
0x2c: {  	s7 =	sld [smem:$0x3FAF]  }
0x2d: {  	s3 =	simm.s32 $0x108;
	s8 =	sld [smem:$0x3FB0]  }
0x2e: {  	s3 =	simm.s32 @!p0 $0x1082;
	s9 =	sld [smem:$0x3FB1]  }
0x2f: {  	lr =	sadd.s32 s0, s3;
	s0 =	sld [smem:$0x3FA8]  }
0x30: {  	s3 =	sld [smem:$0x3FAB]  }
0x31: {  	[smem:$0x3FB4] =	sst s10  }
0x32: {  	s10 =	sld [smem:$0x3FB2];
	_ =	sdelay $0x3  }
0x33: {  	p0 =	seq.s32 s10, $0x1;
	s10 =	sld [smem:$0x3FB4];
	_ =	sdelay $0x3  }
0x34: {  	[smem:$0x3FB4] =	sst s10  }
0x35: {  	s10 =	sld [smem:$0x3FB3];
	_ =	sdelay $0x3  }
0x36: {  	p1 =	seq.s32 s10, $0x1;
	s10 =	sld [smem:$0x3FB4];
	_ =	sdelay $0x3  }
0x37: {  	[smem:$0x3FB4] =	sst s10  }
0x38: {  	s10 =	sld [smem:$0x3FB5]  }
0x39: {  	_ = 	snop;
	(pc) =	sbr.ind lr, $3  }
0x3a: {  	_ = 	snop  }
0x3b: {  	_ = 	snop  }
0x3c: {  	p2 =	seq.s32 s10, $0x1;
	s10 =	sld [smem:$0x3FB4]  }
0x3d: {  	_ =	shalt  }
0x3e: {  	_ =	shalt  }
0x3f: {  	_ =	shalt  }
0x40: {  	_ =	shalt  }
0x41: {  	_ =	shalt  }
0x42: {  	_ =	shalt  }
0x43: {  	_ =	shalt  }
0x44: {  	_ =	shalt  }
0x45: {  	_ =	shalt  }
0x46: {  	_ =	shalt  }
0x47: {  	_ =	shalt  }
0x48: {  	_ =	shalt  }
0x49: {  	_ =	shalt  }
0x4a: {  	_ =	shalt  }
0x4b: {  	_ =	shalt  }
0x4c: {  	_ =	shalt  }
0x4d: {  	_ =	shalt  }
0x4e: {  	_ =	shalt  }
0x4f: {  	_ =	shalt  }
0x50: {  	_ =	shalt  }
0x51: {  	_ =	shalt  }
0x52: {  	_ =	shalt  }
0x53: {  	_ =	shalt  }
0x54: {  	_ =	shalt  }
0x55: {  	_ =	shalt  }
0x56: {  	_ =	shalt  }
0x57: {  	_ =	shalt  }
0x58: {  	_ =	shalt  }
0x59: {  	_ =	shalt  }
0x5a: {  	_ =	shalt  }
0x5b: {  	_ =	shalt  }
0x5c: {  	_ =	shalt  }
0x5d: {  	_ =	shalt  }
0x5e: {  	_ =	shalt  }
0x5f: {  	_ =	shalt  }
0x60: {  	_ =	shalt  }
0x61: {  	_ =	shalt  }
0x62: {  	_ =	shalt  }
0x63: {  	_ =	shalt  }
0x64: {  	_ =	shalt  }
0x65: {  	_ =	shalt  }
0x66: {  	_ =	shalt  }
0x67: {  	_ =	shalt  }
0x68: {  	_ =	shalt  }
0x69: {  	_ =	shalt  }
0x6a: {  	_ =	shalt  }
0x6b: {  	_ =	shalt  }
0x6c: {  	_ =	shalt  }
0x6d: {  	_ =	shalt  }
0x6e: {  	_ =	shalt  }
0x6f: {  	_ =	shalt  }
0x70: {  	_ =	shalt  }
0x71: {  	_ =	shalt  }
0x72: {  	_ =	shalt  }
0x73: {  	_ =	shalt  }
0x74: {  	_ =	shalt  }
0x75: {  	_ =	shalt  }
0x76: {  	_ =	shalt  }
0x77: {  	_ =	shalt  }
0x78: {  	_ =	shalt  }
0x79: {  	_ =	shalt  }
0x7a: {  	_ =	shalt  }
0x7b: {  	_ =	shalt  }
0x7c: {  	_ =	shalt  }
0x7d: {  	_ =	shalt  }
0x7e: {  	_ =	shalt  }
0x7f: {  	_ =	shalt  }
0x80: {  	_ =	shalt  }
0x81: {  	_ =	shalt  }
0x82: {  	_ =	shalt  }
0x83: {  	_ =	shalt  }
0x84: {  	_ =	shalt  }
0x85: {  	_ =	shalt  }
0x86: {  	_ =	shalt  }
0x87: {  	_ =	shalt  }
.Lfunc_end0:
.L_simem_size_0:
called_computation.3_lowered:
.L_overlay_start_0:
0x88: {  	s2 =	sld [smem:$0x3FD9]  }
0x89: {  	s3 =	sld [smem:$0x3FFE];
	_ =	sdelay $0x1  }
0x8a: {  	s1 =	srdreg.scid  }
0x8b: {  	s0 =	sand.u32 $0x1, s1  }
0x8c: {  	s16 =	sshll.u32 s0, $0xA;
	s2 =	sadd.s32 s3, s2  }
0x8d: {  	s2 =	sadd.s32 s2, s16  }
0x8e: {  	[smem:$0x3FC0] =	sst s2  }
0x8f: {  	_ = 	snop  }
0x90: {  	(tm) =	ssettm $0x1  }
0x91: {  	s17 =	sld [smem:$0x3FFB];
	_ =	sdelay $0x3  }
0x92: {  	_ =	strace s17  }
0x93: {  	s2 =	sld [smem:$0x3FFC];
	_ =	sdelay $0x3  }
0x94: {  	_ =	strace s2  }
0x95: {  	s2 =	sld [smem:$0x3FFD];
	_ =	sdelay $0x3  }
0x96: {  	_ =	strace s2  }
0x97: {  	_ =	strace $0x8FFFFFFF  }
0x98: {  	s18 =	sld [smem:$0x3FDB];
	_ =	sdelay $0x1  }
0x99: {  	s19 =	simm.s32 $_scs_section_size  }
0x9a: {  	s4 =	simm.s32 $_size__tile_overlayer_lowered;
	s5 =	simm.s32 $_tile_overlayer_lowered  }
0x9b: {  	s22 =	simm.s32 $0x1BFF;
	s21 =	sshll.u32 s5, $0x1;
	s2 =	sadd.s32 s19, s18  }
0x9c: {  	s6 =	simm.s32 $0x0;
	s20 =	sshll.u32 s4, $0x1;
	s4 =	sadd.s32 s21, s2  }
0x9d: {  	[timem:s6], [sflag:s22] =	dma.local [hbm:s4], s20  }
0x9e: {  	_ =	swait.ge [sflag:s22], s20  }
0x9f: {  	s3 =	ssub.s32 $0x0, s20;
	[sflag:s22] =	ssyncset.done $0x0  }
0xa0: {  	[sflag:s22] =	ssyncadd.s32 s3;
	_ =	sdelay $0x1  }
0xa1: {  	s23 =	simm.s32 $0x1B8B  }
0xa2: {  	_ =	swait.ge [sflag:s23], $0x1  }
0xa3: {  	[sflag:s23] =	ssyncset.done $0x0  }
0xa4: {  	s25 =	simm.s32 $0x1B8E;
	s24 =	sld [smem:$0x3FFE];
	[sflag:s23] =	ssyncadd.s32 $0xFFFFFFFF  }
0xa5: {  	s26 =	simm.s32 $execute0_lowered;
	[smem:$0x3FD2] =	sst s25  }
0xa6: {  	s4 =	sshll.u32 s26, $0x1;
	_ =	strace $0x8000004F;
	[dreg:$0x1] =	wrdreg $0xFFFFFFFF  }
0xa7: {  	s28 =	simm.s32 $_size_execute0_lowered;
	s2 =	sadd.s32 s2, s4;
	[dreg:$0x0] =	wrdreg $0x0  }
0xa8: {  	s4 =	sshll.u32 s28, $0x1;
	[dreg:$0x2] =	wrdreg s2  }
0xa9: {  	[dreg:$0x3] =	wrdreg s4  }
0xaa: {  	[dreg:$0x4] =	wrdreg $0xC0  }
0xab: {  	_ =	task [dreg:s6], $0x5FFFF  }
0xac: {  	[dreg:$0x1] =	wrdreg $0xFFFFFFFF  }
0xad: {  	[dreg:$0x0] =	wrdreg $0x60  }
0xae: {  	[dreg:$0x2] =	wrdreg s24  }
0xaf: {  	[dreg:$0x3] =	wrdreg $0x26000  }
0xb0: {  	[dreg:$0x4] =	wrdreg $0x15F000  }
0xb1: {  	[dreg:$0x5] =	wrdreg $0x9  }
0xb2: {  	_ =	task.clear_ibuf [dreg:s6], $0x6FFFF;
	_ =	strace $0x9000004F  }
0xb3: {  	s29 =	simm.s32 $0x9;
	_ =	strace $0x80000051  }
0xb4: {  	_ =	swait.ge [sflag:s29], $0x1  }
0xb5: {  	[sflag:s29] =	ssyncadd.s32 $0xFFFFFFFF  }
0xb6: {  	_ =	strace $0x90000051  }
0xb7: {  	_ =	sfence  }
0xb8: {  	s30 =	sld [smem:$0x0];
	_ =	sdelay $0x2  }
0xb9: {  	s31 =	sshll.u32 s1, $0xD;
	s1 =	sshrl.u32 s1, $0x2  }
0xba: {  	s3 =	sand.u32 $0x4000, s31;
	s1 =	sadd.s32 s1, s30  }
0xbb: {  	s0 =	sor.u32 s3, s0;
	s1 =	sshll.u32 s1, $0x11  }
0xbc: {  	s0 =	sor.u32 s1, s0  }
0xbd: {  	s0 =	sadd.s32 $0x8F2B, s0  }
0xbe: {  	[sflag:s0] =	ssyncadd.remote.s32 $0x1  }
0xbf: {  	_ =	sfence.sel $0xFFFF  }
0xc0: {  	[dreg:$0x0] =	wrdreg $0xFFFFFFFF;
	(pc) =	sbr.abs _section_cstart, $3  }
0xc1: {  	[dreg:$0x1] =	wrdreg $0xFFFFFFFF  }
0xc2: {  	_ =	task.clear_ibuf [dreg:s6], $0x2FFFF;
	_ =	strace $0x9FFFFFFF  }
0xc3: {  	(tm) =	ssettm $0x7FFFFFFF  }
tec
execute0_lowered:
.L_overlay_start_1:
0x0: {  	(tag) =	ssettag $0x1  }
0x1: {  	s20 =	stileid.u32  }
0x2: {  	s1 =	srdreg.scid;
	s5 =	smul.u32 $0x140, s20  }
0x3: {  	s2 =	sand.u32 $0x1, s1;
	s8 =	smul.u32 $0xA000, s20  }
0x4: {  	s0 =	rddreg [dreg:$0x0];
	s3 =	ssub.s32 $0x2, s2;
	s22 =	smul.u32 $0x1400, s2  }
0x5: {  	s1 =	simm.s32 $0x0;
	s2 =	smul.u32 $0xA0000, s2;
	s4 =	sshrl.u32 s3, $0x1  }
0x6: {  	s6 =	sadd.s32 $0x99C00, s0;
	[smem:$0x7FF] =	sst s1;
	s3 =	ssub.s32 s3, s4  }
0x7: {  	s17 =	sadd.s32 s5, s22;
	s5 =	sshll.u32 s5, $0x7;
	s8 =	sadd.s32 s2, s8  }
0x8: {  	s4 =	sshll.u32 s17, $0x4;
	s7 =	sor.u32 $0x1000, s5;
	s9 =	sadd.s32 $0x2000, s5  }
0x9: {  	s10 =	sadd.s32 $0x3000, s5;
	s11 =	sadd.s32 $0x4000, s5;
	s13 =	sadd.s32 $0x5000, s5  }
0xa: {  	s15 =	sadd.s32 $0x6000, s5;
	s17 =	sadd.s32 $0x7000, s5;
	s8 =	sshrl.u32 s8, $0x3  }
0xb: {  	s19 =	sadd.s32 $0x8000, s5;
	s5 =	sadd.s32 $0x9000, s5;
	s8 =	sadd.s32 s6, s8  }
0xc: {  	s18 =	sadd.s32 s2, s7;
	s12 =	sadd.s32 s2, s9;
	s14 =	sadd.s32 s2, s10  }
0xd: {  	s25 =	sadd.s32 s2, s11;
	s26 =	sadd.s32 s2, s13;
	s28 =	sadd.s32 s2, s15  }
0xe: {  	s16 =	sadd.s32 s2, s17;
	[dreg:$0x4] =	wrdreg s8;
	s8 =	sshrl.u32 s18, $0x3  }
0xf: {  	s21 =	sshrl.u32 s12, $0x3;
	s23 =	sshrl.u32 s14, $0x3;
	s29 =	sshrl.u32 s26, $0x3  }
0x10: {  	s30 =	sshrl.u32 s28, $0x3;
	s18 =	sadd.s32 s2, s19;
	s2 =	sadd.s32 s2, s5  }
0x11: {  	s12 =	rddreg [dreg:$0x1];
	s26 =	sadd.s32 $0x49C00, s0;
	s8 =	sadd.s32 s6, s8  }
0x12: {  	s24 =	sadd.s32 s6, s23;
	s14 =	sadd.s32 s6, s30;
	[dreg:$0x5] =	wrdreg s8  }
0x13: {  	s2 =	sshrl.u32 s2, $0x3;
	s23 =	smul.u32 $0x2800, s20;
	[dreg:$0x7] =	wrdreg s24  }
0x14: {  	s8 =	sadd.s32 s6, s21;
	[dreg:$0xa] =	wrdreg s14;
	s21 =	sshrl.u32 s18, $0x3  }
0x15: {  	s2 =	sadd.s32 s6, s2;
	[dreg:$0x6] =	wrdreg s8;
	s8 =	sshrl.u32 s25, $0x3  }
0x16: {  	s24 =	sadd.s32 $0x3600, s0;
	[dreg:$0xd] =	wrdreg s2;
	s8 =	sadd.s32 s6, s8  }
0x17: {  	s25 =	smul.u32 $0x28000, s20;
	[dreg:$0x8] =	wrdreg s8;
	s8 =	sadd.s32 s6, s29  }
0x18: {  	s14 =	sadd.s32 s23, s24;
	[dreg:$0x9] =	wrdreg s8;
	s8 =	sshrl.u32 s16, $0x3  }
0x19: {  	s28 =	sshrl.u32 s25, $0x3;
	s16 =	rddreg [dreg:$0x2];
	s8 =	sadd.s32 s6, s8  }
0x1a: {  	s29 =	smul.u32 $0x5000, s20;
	[dreg:$0xb] =	wrdreg s8;
	s8 =	sadd.s32 s6, s21  }
0x1b: {  	s30 =	sshrl.u32 s25, $0x2;
	s6 =	smax.u32 s3, $0x1;
	[dreg:$0xc] =	wrdreg s8  }
0x1c: {  	s8 =	sadd.s32 s7, s16;
	_ =	strace $0x80000050;
	[dreg:$0x11] =	wrdreg s6  }
0x1d: {  	s21 =	sadd.s32 s24, s4;
	s24 =	sadd.s32 s9, s16;
	[dreg:$0x12] =	wrdreg s8  }
0x1e: {  	s23 =	sadd.s32 s26, s28;
	s25 =	sadd.s32 s10, s16;
	[dreg:$0x13] =	wrdreg s24  }
0x1f: {  	s18 =	sadd.s32 s29, s26;
	s26 =	sadd.s32 s11, s16;
	[dreg:$0x14] =	wrdreg s25  }
0x20: {  	s28 =	smul.u32 $0x50000, s20;
	s29 =	sadd.s32 s13, s16;
	[dreg:$0x15] =	wrdreg s26  }
0x21: {  	s4 =	sadd.s32 s15, s16;
	[dreg:$0x16] =	wrdreg s29  }
0x22: {  	s2 =	sshrl.u32 s28, $0x2;
	s7 =	sadd.s32 s19, s16;
	[dreg:$0x17] =	wrdreg s4  }
0x23: {  	s2 =	sadd.s32 s2, s12;
	[dreg:$0x19] =	wrdreg s7  }
0x24: {  	s9 =	sadd.s32 $0x20, s23;
	[dreg:$0x1b] =	wrdreg s2  }
0x25: {  	s10 =	sadd.s32 $0x40, s23;
	[dreg:$0x1c] =	wrdreg s9  }
0x26: {  	s31 =	simm.s32 $0x480;
	p0 =	seq.s32 s20, $0xF;
	[dreg:$0x1d] =	wrdreg s10  }
0x27: {  	v0 =	vmov s22;
	s22 =	simm.s32 $0x500;
	s11 =	sadd.s32 $0x60, s23;
	[dreg:$0xf] =	wrdreg s23  }
0x28: {  	s30 =	sadd.s32 s30, s16;
	s13 =	sadd.s32 $0x200, s21;
	[dreg:$0x1e] =	wrdreg s11  }
0x29: {  	s15 =	sadd.s32 $0x28E00, s0;
	s19 =	sadd.s32 $0x600, s21;
	[dreg:$0x1f] =	wrdreg s13  }
0x2a: {  	s0 =	simm.s32 $0x600;
	s20 =	sadd.s32 $0x800, s21;
	[smem:$0x7F6] =	sst s19  }
0x2b: {  	s3 =	simm.s32 $0x100;
	s28 =	sadd.s32 $0x1200, s21;
	[smem:$0x7F7] =	sst s20  }
0x2c: {  	s6 =	sadd.s32 s17, s16;
	s8 =	sadd.s32 s5, s16;
	[dreg:$0xe] =	wrdreg s21  }
0x2d: {  	s17 =	sadd.s32 $0x400, s21;
	s23 =	sadd.s32 $0xA00, s21;
	[smem:$0x7FC] =	sst s28  }
0x2e: {  	s24 =	sadd.s32 $0xC00, s21;
	s25 =	sadd.s32 $0xE00, s21;
	[dreg:$0x10] =	wrdreg s30  }
0x2f: {  	s26 =	sadd.s32 $0x1000, s21;
	s29 =	sadd.s32 $0x12C000, s12;
	[dreg:$0x18] =	wrdreg s6  }
0x30: {  	s2 =	simm.s32 $0x9;
	s4 =	simm.s32 $0x200;
	[dreg:$0x1a] =	wrdreg s8  }
0x31: {  	s5 =	simm.s32 $0x300;
	s7 =	simm.s32 $0x20;
	[smem:$0x7F5] =	sst s17  }
0x32: {  	s9 =	simm.s32 $0x1600;
	s10 =	simm.s32 $0x5;
	[smem:$0x7F8] =	sst s23  }
.Ltmp0:
0x33: {  	s11 =	simm.s32 $0x400;
	[smem:$0x7F9] =	sst s24;
	(pc) =	sbr.rel .LBB2_1-.Ltmp0, $4  }
0x34: {  	s20 =	simm.s32 $0x6;
	s13 =	simm.s32 $0x3;
	[smem:$0x7FA] =	sst s25  }
0x35: {  	s19 =	simm.s32 $0x8;
	s21 =	simm.s32 $0x4;
	[smem:$0x7FB] =	sst s26  }
0x36: {  	[smem:$0x7FD] =	sst s29;
	s6 =	simm.s32 $0x1;
	s8 =	simm.s32 $0x2  }
0x37: {  	s17 =	simm.s32 $0x7;
	s23 =	simm.s32 $0x580;
	s24 =	simm.s32 $0x0  }
.LBB2_11:
0x38: {  	_ =	swait.ge [sflag:s19], $0x1000  }
0x39: {  	[sflag:s19] =	ssyncset.done $0x0  }
0x3a: {  	[sflag:s19] =	ssyncadd.s32 $0xFFFFF000  }
0x3b: {  	[bflag:$0x0] =	sbarrier.arrive $0xFFFF  }
0x3c: {  	[tilespmem:s0], [sflag:$0x9] =	stream.linear.gather [spmem:s30], $0x1000, $0x38;
	[tilespmem:$0x1FF40] =	vst v63  }
0x3d: {  	_ =	swait.ge [sflag:s2], $0x1000  }
0x3e: {  	[sflag:s2] =	ssyncset.done $0x0  }
0x3f: {  	s25 =	rddreg [dreg:$0x4];
	[sflag:s2] =	ssyncadd.s32 $0xFFFFF000  }
0x40: {  	[hbm4b:s25+s1] =	stream.linear.scatter [tilespmem:s0], [sflag:$0x9], $0x1000, $0x38;
	[tilespmem:$0x1FF40] =	vst v63  }
0x41: {  	_ =	swait.ge [sflag:s2], $0x1000  }
0x42: {  	[sflag:s2] =	ssyncset.done $0x0  }
0x43: {  	s28 =	rddreg [dreg:$0x12];
	[sflag:s2] =	ssyncadd.s32 $0xFFFFF000  }
0x44: {  	[tilespmem:s0], [sflag:$0x9] =	stream.linear.gather [spmem:s28], $0x1000, $0x38;
	[tilespmem:$0x1FF40] =	vst v63  }
0x45: {  	_ =	swait.ge [sflag:s2], $0x1000  }
0x46: {  	[sflag:s2] =	ssyncset.done $0x0  }
0x47: {  	s29 =	rddreg [dreg:$0x5];
	[sflag:s2] =	ssyncadd.s32 $0xFFFFF000  }
0x48: {  	[hbm4b:s29+s1] =	stream.linear.scatter [tilespmem:s0], [sflag:$0x9], $0x1000, $0x38;
	[tilespmem:$0x1FF40] =	vst v63  }
0x49: {  	_ =	swait.ge [sflag:s2], $0x1000  }
0x4a: {  	[sflag:s2] =	ssyncset.done $0x0  }
0x4b: {  	s30 =	rddreg [dreg:$0x13];
	[sflag:s2] =	ssyncadd.s32 $0xFFFFF000  }
0x4c: {  	[tilespmem:s0], [sflag:$0x9] =	stream.linear.gather [spmem:s30], $0x1000, $0x38;
	[tilespmem:$0x1FF40] =	vst v63  }
0x4d: {  	_ =	swait.ge [sflag:s2], $0x1000  }
0x4e: {  	[sflag:s2] =	ssyncset.done $0x0  }
0x4f: {  	s26 =	rddreg [dreg:$0x6];
	[sflag:s2] =	ssyncadd.s32 $0xFFFFF000  }
0x50: {  	[hbm4b:s26+s1] =	stream.linear.scatter [tilespmem:s0], [sflag:$0x9], $0x1000, $0x38;
	[tilespmem:$0x1FF40] =	vst v63  }
0x51: {  	_ =	swait.ge [sflag:s2], $0x1000  }
0x52: {  	[sflag:s2] =	ssyncset.done $0x0  }
0x53: {  	s28 =	rddreg [dreg:$0x14];
	[sflag:s2] =	ssyncadd.s32 $0xFFFFF000  }
0x54: {  	[tilespmem:s0], [sflag:$0x9] =	stream.linear.gather [spmem:s28], $0x1000, $0x38;
	[tilespmem:$0x1FF40] =	vst v63  }
0x55: {  	_ =	swait.ge [sflag:s2], $0x1000  }
0x56: {  	[sflag:s2] =	ssyncset.done $0x0  }
0x57: {  	s29 =	rddreg [dreg:$0x7];
	[sflag:s2] =	ssyncadd.s32 $0xFFFFF000  }
0x58: {  	[hbm4b:s29+s1] =	stream.linear.scatter [tilespmem:s0], [sflag:$0x9], $0x1000, $0x38;
	[tilespmem:$0x1FF40] =	vst v63  }
0x59: {  	_ =	swait.ge [sflag:s2], $0x1000  }
0x5a: {  	[sflag:s2] =	ssyncset.done $0x0  }
0x5b: {  	s30 =	rddreg [dreg:$0x15];
	[sflag:s2] =	ssyncadd.s32 $0xFFFFF000  }
0x5c: {  	[tilespmem:s0], [sflag:$0x9] =	stream.linear.gather [spmem:s30], $0x1000, $0x38;
	[tilespmem:$0x1FF40] =	vst v63  }
0x5d: {  	_ =	swait.ge [sflag:s2], $0x1000  }
0x5e: {  	[sflag:s2] =	ssyncset.done $0x0  }
0x5f: {  	s26 =	rddreg [dreg:$0x8];
	[sflag:s2] =	ssyncadd.s32 $0xFFFFF000  }
0x60: {  	[hbm4b:s26+s1] =	stream.linear.scatter [tilespmem:s0], [sflag:$0x9], $0x1000, $0x38;
	[tilespmem:$0x1FF40] =	vst v63  }
0x61: {  	_ =	swait.ge [sflag:s2], $0x1000  }
0x62: {  	[sflag:s2] =	ssyncset.done $0x0  }
0x63: {  	s28 =	rddreg [dreg:$0x16];
	[sflag:s2] =	ssyncadd.s32 $0xFFFFF000  }
0x64: {  	[tilespmem:s0], [sflag:$0x9] =	stream.linear.gather [spmem:s28], $0x1000, $0x38;
	[tilespmem:$0x1FF40] =	vst v63  }
0x65: {  	_ =	swait.ge [sflag:s2], $0x1000  }
0x66: {  	[sflag:s2] =	ssyncset.done $0x0  }
0x67: {  	s29 =	rddreg [dreg:$0x9];
	[sflag:s2] =	ssyncadd.s32 $0xFFFFF000  }
0x68: {  	[hbm4b:s29+s1] =	stream.linear.scatter [tilespmem:s0], [sflag:$0x9], $0x1000, $0x38;
	[tilespmem:$0x1FF40] =	vst v63  }
0x69: {  	_ =	swait.ge [sflag:s2], $0x1000  }
0x6a: {  	[sflag:s2] =	ssyncset.done $0x0  }
0x6b: {  	s30 =	rddreg [dreg:$0x17];
	[sflag:s2] =	ssyncadd.s32 $0xFFFFF000  }
0x6c: {  	[tilespmem:s0], [sflag:$0x9] =	stream.linear.gather [spmem:s30], $0x1000, $0x38;
	[tilespmem:$0x1FF40] =	vst v63  }
0x6d: {  	_ =	swait.ge [sflag:s2], $0x1000  }
0x6e: {  	[sflag:s2] =	ssyncset.done $0x0  }
0x6f: {  	s26 =	rddreg [dreg:$0xa];
	[sflag:s2] =	ssyncadd.s32 $0xFFFFF000  }
0x70: {  	[hbm4b:s26+s1] =	stream.linear.scatter [tilespmem:s0], [sflag:$0x9], $0x1000, $0x38;
	[tilespmem:$0x1FF40] =	vst v63  }
0x71: {  	_ =	swait.ge [sflag:s2], $0x1000  }
0x72: {  	[sflag:s2] =	ssyncset.done $0x0  }
0x73: {  	s28 =	rddreg [dreg:$0x18];
	[sflag:s2] =	ssyncadd.s32 $0xFFFFF000  }
0x74: {  	[tilespmem:s0], [sflag:$0x9] =	stream.linear.gather [spmem:s28], $0x1000, $0x38;
	[tilespmem:$0x1FF40] =	vst v63  }
0x75: {  	_ =	swait.ge [sflag:s2], $0x1000  }
0x76: {  	[sflag:s2] =	ssyncset.done $0x0  }
0x77: {  	s29 =	rddreg [dreg:$0xb];
	[sflag:s2] =	ssyncadd.s32 $0xFFFFF000  }
0x78: {  	[hbm4b:s29+s1] =	stream.linear.scatter [tilespmem:s0], [sflag:$0x9], $0x1000, $0x38;
	[tilespmem:$0x1FF40] =	vst v63  }
0x79: {  	_ =	swait.ge [sflag:s2], $0x1000  }
0x7a: {  	[sflag:s2] =	ssyncset.done $0x0  }
0x7b: {  	s30 =	rddreg [dreg:$0x19];
	[sflag:s2] =	ssyncadd.s32 $0xFFFFF000  }
0x7c: {  	[tilespmem:s0], [sflag:$0x9] =	stream.linear.gather [spmem:s30], $0x1000, $0x38;
	[tilespmem:$0x1FF40] =	vst v63  }
0x7d: {  	_ =	swait.ge [sflag:s2], $0x1000  }
0x7e: {  	[sflag:s2] =	ssyncset.done $0x0  }
0x7f: {  	s26 =	rddreg [dreg:$0xc];
	[sflag:s2] =	ssyncadd.s32 $0xFFFFF000  }
0x80: {  	[hbm4b:s26+s1] =	stream.linear.scatter [tilespmem:s0], [sflag:$0x9], $0x1000, $0x38;
	[tilespmem:$0x1FF40] =	vst v63  }
0x81: {  	_ =	swait.ge [sflag:s2], $0x1000  }
0x82: {  	[sflag:s2] =	ssyncset.done $0x0  }
0x83: {  	s28 =	rddreg [dreg:$0x1a];
	[sflag:s2] =	ssyncadd.s32 $0xFFFFF000  }
0x84: {  	[tilespmem:s0], [sflag:$0x9] =	stream.linear.gather [spmem:s28], $0x1000, $0x38;
	[tilespmem:$0x1FF40] =	vst v63  }
0x85: {  	_ =	swait.ge [sflag:s2], $0x1000  }
0x86: {  	[sflag:s2] =	ssyncset.done $0x0  }
0x87: {  	s29 =	rddreg [dreg:$0xd];
	[sflag:s2] =	ssyncadd.s32 $0xFFFFF000  }
0x88: {  	[hbm4b:s29+s1] =	stream.linear.scatter [tilespmem:s0], [sflag:$0x9], $0x1000, $0x38;
	[tilespmem:$0x1FF40] =	vst v63  }
0x89: {  	_ =	swait.ge [sflag:s2], $0x1000  }
0x8a: {  	s24 =	sadd.s32 $0x1, s24;
	s30 =	rddreg [dreg:$0x11]  }
0x8b: {  	p1 =	sne.s32 s24, s30  }
.Ltmp1:
0x8c: {  	_ = 	snop;
	(pc) =	sbr.rel @!p1 .LBB2_12-.Ltmp1, $3  }
0x8d: {  	_ =	sdelay $0x1  }
0x8e: {  	[sflag:s2] =	ssyncset.done $0x0  }
0x8f: {  	[sflag:s2] =	ssyncadd.s32 $0xFFFFF000  }
.LBB2_1:
.Ltmp2:
0x90: {  	(pc) =	sbr.rel @!p0 .LBB2_2-.Ltmp2, $1  }
0x91: {  	_ =	sdelay $0x3  }
0x92: {  	s25 =	sadd.s32 $0x0, s15  }
0x93: {  	[tilespmem:s0], [sflag:$0x9] =	stream.linear.gather [hbm4b:s25+s1], $0x1000, $0x38;
	[tilespmem:$0x1FF40] =	vst v63  }
0x94: {  	_ =	swait.ge [sflag:s2], $0x1000  }
0x95: {  	s30 =	sld [smem:$0x7FD]  }
0x96: {  	[sflag:s2] =	ssyncset.done $0x0  }
0x97: {  	[sflag:s2] =	ssyncadd.s32 $0xFFFFF000  }
0x98: {  	[spmem:s30] =	stream.linear.scatter [tilespmem:s0], [sflag:$0x9], $0x1000, $0x38;
	[tilespmem:$0x1FF40] =	vst v63  }
0x99: {  	s26 =	simm.s32 $0x200;
	_ =	swait.ge [sflag:s2], $0x1000  }
0x9a: {  	s28 =	simm.s32 $0x400;
	s25 =	sadd.s32 $0x1000, s30;
	[sflag:s2] =	ssyncset.done $0x0  }
.LBB2_6:
0x9b: {  	s29 =	sadd.s32 s26, s15  }
0x9c: {  	[sflag:s2] =	ssyncadd.s32 $0xFFFFF000;
	s26 =	smov.u32 s28;
	s30 =	sadd.s32 $0x200, s28  }
0x9d: {  	[tilespmem:s0], [sflag:$0x9] =	stream.linear.gather [hbm4b:s29+s1], $0x1000, $0x38;
	[tilespmem:$0x1FF40] =	vst v63  }
0x9e: {  	p1 =	sne.s32 s28, $0x1800;
	_ =	swait.ge [sflag:s2], $0x1000  }
.Ltmp3:
0x9f: {  	[sflag:s2] =	ssyncset.done $0x0;
	(pc) =	sbr.rel @p1 .LBB2_6-.Ltmp3, $4  }
0xa0: {  	[sflag:s2] =	ssyncadd.s32 $0xFFFFF000  }
0xa1: {  	[spmem:s25] =	stream.linear.scatter [tilespmem:s0], [sflag:$0x9], $0x1000, $0x38;
	[tilespmem:$0x1FF40] =	vst v63  }
0xa2: {  	_ =	swait.ge [sflag:s2], $0x1000  }
0xa3: {  	s28 =	smov.u32 s30;
	s25 =	sadd.s32 $0x1000, s25;
	[sflag:s2] =	ssyncset.done $0x0  }
0xa4: {  	s26 =	sadd.s32 s26, s15;
	[sflag:s2] =	ssyncadd.s32 $0xFFFFF000  }
0xa5: {  	[tilespmem:s0], [sflag:$0x9] =	stream.linear.gather [hbm4b:s26+s1], $0x1000, $0x38;
	[tilespmem:$0x1FF40] =	vst v63  }
0xa6: {  	_ =	swait.ge [sflag:s2], $0x1000  }
0xa7: {  	[sflag:s2] =	ssyncset.done $0x0  }
.Ltmp4:
0xa8: {  	[sflag:s2] =	ssyncadd.s32 $0xFFFFF000;
	(pc) =	sbr.rel .LBB2_8-.Ltmp4, $4  }
0xa9: {  	[spmem:s25] =	stream.linear.scatter [tilespmem:s0], [sflag:$0x9], $0x1000, $0x38;
	[tilespmem:$0x1FF40] =	vst v63  }
0xaa: {  	_ =	swait.ge [sflag:s2], $0x1000  }
0xab: {  	[sflag:s2] =	ssyncset.done $0x0  }
0xac: {  	[sflag:s2] =	ssyncadd.s32 $0xFFFFF000  }
.LBB2_2:
0xad: {  	s25 =	sadd.s32 $0x0, s14  }
0xae: {  	[tilespmem:s0], [sflag:$0x9] =	stream.linear.gather [hbm4b:s25+s1], $0x1000, $0x38;
	[tilespmem:$0x1FF40] =	vst v63  }
0xaf: {  	_ =	swait.ge [sflag:s2], $0x1000  }
0xb0: {  	[sflag:s2] =	ssyncset.done $0x0  }
0xb1: {  	s30 =	rddreg [dreg:$0x1b];
	[sflag:s2] =	ssyncadd.s32 $0xFFFFF000  }
0xb2: {  	[spmem:s30] =	stream.linear.scatter [tilespmem:s0], [sflag:$0x9], $0x1000, $0x38;
	[tilespmem:$0x1FF40] =	vst v63  }
0xb3: {  	s26 =	simm.s32 $0x200;
	_ =	swait.ge [sflag:s2], $0x1000  }
0xb4: {  	s28 =	simm.s32 $0x400;
	s25 =	sadd.s32 $0x1000, s30;
	[sflag:s2] =	ssyncset.done $0x0  }
.LBB2_3:
0xb5: {  	s29 =	sadd.s32 s26, s14  }
0xb6: {  	[sflag:s2] =	ssyncadd.s32 $0xFFFFF000;
	s26 =	smov.u32 s28;
	s30 =	sadd.s32 $0x200, s28  }
0xb7: {  	[tilespmem:s0], [sflag:$0x9] =	stream.linear.gather [hbm4b:s29+s1], $0x1000, $0x38;
	[tilespmem:$0x1FF40] =	vst v63  }
0xb8: {  	p1 =	seq.s32 s28, $0x2600;
	_ =	swait.ge [sflag:s2], $0x1000  }
.Ltmp5:
0xb9: {  	[sflag:s2] =	ssyncset.done $0x0;
	(pc) =	sbr.rel @!p1 .LBB2_3-.Ltmp5, $4  }
0xba: {  	[sflag:s2] =	ssyncadd.s32 $0xFFFFF000  }
0xbb: {  	[spmem:s25] =	stream.linear.scatter [tilespmem:s0], [sflag:$0x9], $0x1000, $0x38;
	[tilespmem:$0x1FF40] =	vst v63  }
0xbc: {  	_ =	swait.ge [sflag:s2], $0x1000  }
0xbd: {  	s28 =	smov.u32 s30;
	s25 =	sadd.s32 $0x1000, s25;
	[sflag:s2] =	ssyncset.done $0x0  }
0xbe: {  	s26 =	sadd.s32 s26, s14;
	[sflag:s2] =	ssyncadd.s32 $0xFFFFF000  }
0xbf: {  	[tilespmem:s0], [sflag:$0x9] =	stream.linear.gather [hbm4b:s26+s1], $0x1000, $0x38;
	[tilespmem:$0x1FF40] =	vst v63  }
0xc0: {  	_ =	swait.ge [sflag:s2], $0x1000  }
0xc1: {  	[sflag:s2] =	ssyncset.done $0x0  }
0xc2: {  	[sflag:s2] =	ssyncadd.s32 $0xFFFFF000  }
0xc3: {  	[spmem:s25] =	stream.linear.scatter [tilespmem:s0], [sflag:$0x9], $0x1000, $0x38;
	[tilespmem:$0x1FF40] =	vst v63  }
0xc4: {  	_ =	swait.ge [sflag:s2], $0x1000  }
0xc5: {  	[sflag:s2] =	ssyncset.done $0x0  }
0xc6: {  	[sflag:s2] =	ssyncadd.s32 $0xFFFFF000  }
.LBB2_8:
0xc7: {  	s25 =	rddreg [dreg:$0xe]  }
0xc8: {  	[tilespmem:s0], [sflag:$0x9] =	stream.linear.gather [hbm4b:s25+s1], $0x1000, $0x38;
	[tilespmem:$0x1FF40] =	vst v63  }
0xc9: {  	_ =	swait.ge [sflag:s2], $0x1000  }
0xca: {  	[sflag:s2] =	ssyncset.done $0x0  }
0xcb: {  	s30 =	rddreg [dreg:$0x10];
	[sflag:s2] =	ssyncadd.s32 $0xFFFFF000  }
0xcc: {  	[spmem:s30] =	stream.linear.scatter [tilespmem:s0], [sflag:$0x9], $0x1000, $0x38;
	[tilespmem:$0x1FF40] =	vst v63  }
0xcd: {  	_ =	swait.ge [sflag:s2], $0x1000  }
0xce: {  	[sflag:s2] =	ssyncset.done $0x0  }
0xcf: {  	s29 =	rddreg [dreg:$0x1f];
	[sflag:s2] =	ssyncadd.s32 $0xFFFFF000  }
0xd0: {  	[tilespmem:s0], [sflag:$0x9] =	stream.linear.gather [hbm4b:s29+s1], $0x1000, $0x38;
	[tilespmem:$0x1FF40] =	vst v63  }
0xd1: {  	_ =	swait.ge [sflag:s2], $0x1000  }
0xd2: {  	[sflag:s2] =	ssyncset.done $0x0  }
0xd3: {  	s26 =	rddreg [dreg:$0x12];
	[sflag:s2] =	ssyncadd.s32 $0xFFFFF000  }
0xd4: {  	[spmem:s26] =	stream.linear.scatter [tilespmem:s0], [sflag:$0x9], $0x1000, $0x38;
	[tilespmem:$0x1FF40] =	vst v63  }
0xd5: {  	_ =	swait.ge [sflag:s2], $0x1000  }
0xd6: {  	s28 =	sld [smem:$0x7F5]  }
0xd7: {  	[sflag:s2] =	ssyncset.done $0x0  }
0xd8: {  	[sflag:s2] =	ssyncadd.s32 $0xFFFFF000  }
0xd9: {  	[tilespmem:s0], [sflag:$0x9] =	stream.linear.gather [hbm4b:s28+s1], $0x1000, $0x38;
	[tilespmem:$0x1FF40] =	vst v63  }
0xda: {  	_ =	swait.ge [sflag:s2], $0x1000  }
0xdb: {  	[sflag:s2] =	ssyncset.done $0x0  }
0xdc: {  	s29 =	rddreg [dreg:$0x13];
	[sflag:s2] =	ssyncadd.s32 $0xFFFFF000  }
0xdd: {  	[spmem:s29] =	stream.linear.scatter [tilespmem:s0], [sflag:$0x9], $0x1000, $0x38;
	[tilespmem:$0x1FF40] =	vst v63  }
0xde: {  	_ =	swait.ge [sflag:s2], $0x1000  }
0xdf: {  	s26 =	sld [smem:$0x7F6]  }
0xe0: {  	[sflag:s2] =	ssyncset.done $0x0  }
0xe1: {  	[sflag:s2] =	ssyncadd.s32 $0xFFFFF000  }
0xe2: {  	[tilespmem:s0], [sflag:$0x9] =	stream.linear.gather [hbm4b:s26+s1], $0x1000, $0x38;
	[tilespmem:$0x1FF40] =	vst v63  }
0xe3: {  	_ =	swait.ge [sflag:s2], $0x1000  }
0xe4: {  	[sflag:s2] =	ssyncset.done $0x0  }
0xe5: {  	s28 =	rddreg [dreg:$0x14];
	[sflag:s2] =	ssyncadd.s32 $0xFFFFF000  }
0xe6: {  	[spmem:s28] =	stream.linear.scatter [tilespmem:s0], [sflag:$0x9], $0x1000, $0x38;
	[tilespmem:$0x1FF40] =	vst v63  }
0xe7: {  	_ =	swait.ge [sflag:s2], $0x1000  }
0xe8: {  	s29 =	sld [smem:$0x7F7]  }
0xe9: {  	[sflag:s2] =	ssyncset.done $0x0  }
0xea: {  	[sflag:s2] =	ssyncadd.s32 $0xFFFFF000  }
0xeb: {  	[tilespmem:s0], [sflag:$0x9] =	stream.linear.gather [hbm4b:s29+s1], $0x1000, $0x38;
	[tilespmem:$0x1FF40] =	vst v63  }
0xec: {  	_ =	swait.ge [sflag:s2], $0x1000  }
0xed: {  	[sflag:s2] =	ssyncset.done $0x0  }
0xee: {  	s26 =	rddreg [dreg:$0x15];
	[sflag:s2] =	ssyncadd.s32 $0xFFFFF000  }
0xef: {  	[spmem:s26] =	stream.linear.scatter [tilespmem:s0], [sflag:$0x9], $0x1000, $0x38;
	[tilespmem:$0x1FF40] =	vst v63  }
0xf0: {  	_ =	swait.ge [sflag:s2], $0x1000  }
0xf1: {  	s28 =	sld [smem:$0x7F8]  }
0xf2: {  	[sflag:s2] =	ssyncset.done $0x0  }
0xf3: {  	[sflag:s2] =	ssyncadd.s32 $0xFFFFF000  }
0xf4: {  	[tilespmem:s0], [sflag:$0x9] =	stream.linear.gather [hbm4b:s28+s1], $0x1000, $0x38;
	[tilespmem:$0x1FF40] =	vst v63  }
0xf5: {  	_ =	swait.ge [sflag:s2], $0x1000  }
0xf6: {  	[sflag:s2] =	ssyncset.done $0x0  }
0xf7: {  	s29 =	rddreg [dreg:$0x16];
	[sflag:s2] =	ssyncadd.s32 $0xFFFFF000  }
0xf8: {  	[spmem:s29] =	stream.linear.scatter [tilespmem:s0], [sflag:$0x9], $0x1000, $0x38;
	[tilespmem:$0x1FF40] =	vst v63  }
0xf9: {  	_ =	swait.ge [sflag:s2], $0x1000  }
0xfa: {  	s26 =	sld [smem:$0x7F9]  }
0xfb: {  	[sflag:s2] =	ssyncset.done $0x0  }
0xfc: {  	[sflag:s2] =	ssyncadd.s32 $0xFFFFF000  }
0xfd: {  	[tilespmem:s0], [sflag:$0x9] =	stream.linear.gather [hbm4b:s26+s1], $0x1000, $0x38;
	[tilespmem:$0x1FF40] =	vst v63  }
0xfe: {  	_ =	swait.ge [sflag:s2], $0x1000  }
0xff: {  	[sflag:s2] =	ssyncset.done $0x0  }
0x100: {  	s28 =	rddreg [dreg:$0x17];
	[sflag:s2] =	ssyncadd.s32 $0xFFFFF000  }
0x101: {  	[spmem:s28] =	stream.linear.scatter [tilespmem:s0], [sflag:$0x9], $0x1000, $0x38;
	[tilespmem:$0x1FF40] =	vst v63  }
0x102: {  	_ =	swait.ge [sflag:s2], $0x1000  }
0x103: {  	s29 =	sld [smem:$0x7FA]  }
0x104: {  	[sflag:s2] =	ssyncset.done $0x0  }
0x105: {  	[sflag:s2] =	ssyncadd.s32 $0xFFFFF000  }
0x106: {  	[tilespmem:s0], [sflag:$0x9] =	stream.linear.gather [hbm4b:s29+s1], $0x1000, $0x38;
	[tilespmem:$0x1FF40] =	vst v63  }
0x107: {  	_ =	swait.ge [sflag:s2], $0x1000  }
0x108: {  	[sflag:s2] =	ssyncset.done $0x0  }
0x109: {  	s26 =	rddreg [dreg:$0x18];
	[sflag:s2] =	ssyncadd.s32 $0xFFFFF000  }
0x10a: {  	[spmem:s26] =	stream.linear.scatter [tilespmem:s0], [sflag:$0x9], $0x1000, $0x38;
	[tilespmem:$0x1FF40] =	vst v63  }
0x10b: {  	_ =	swait.ge [sflag:s2], $0x1000  }
0x10c: {  	s28 =	sld [smem:$0x7FB]  }
0x10d: {  	[sflag:s2] =	ssyncset.done $0x0  }
0x10e: {  	[sflag:s2] =	ssyncadd.s32 $0xFFFFF000  }
0x10f: {  	[tilespmem:s0], [sflag:$0x9] =	stream.linear.gather [hbm4b:s28+s1], $0x1000, $0x38;
	[tilespmem:$0x1FF40] =	vst v63  }
0x110: {  	_ =	swait.ge [sflag:s2], $0x1000  }
0x111: {  	[sflag:s2] =	ssyncset.done $0x0  }
0x112: {  	s29 =	rddreg [dreg:$0x19];
	[sflag:s2] =	ssyncadd.s32 $0xFFFFF000  }
0x113: {  	[spmem:s29] =	stream.linear.scatter [tilespmem:s0], [sflag:$0x9], $0x1000, $0x38;
	[tilespmem:$0x1FF40] =	vst v63  }
0x114: {  	_ =	swait.ge [sflag:s2], $0x1000  }
0x115: {  	s26 =	sld [smem:$0x7FC]  }
0x116: {  	[sflag:s2] =	ssyncset.done $0x0  }
0x117: {  	[sflag:s2] =	ssyncadd.s32 $0xFFFFF000  }
0x118: {  	[tilespmem:s0], [sflag:$0x9] =	stream.linear.gather [hbm4b:s26+s1], $0x1000, $0x38;
	[tilespmem:$0x1FF40] =	vst v63  }
0x119: {  	_ =	swait.ge [sflag:s2], $0x1000  }
0x11a: {  	[sflag:s2] =	ssyncset.done $0x0  }
0x11b: {  	s28 =	rddreg [dreg:$0x1a];
	[sflag:s2] =	ssyncadd.s32 $0xFFFFF000  }
0x11c: {  	[spmem:s28] =	stream.linear.scatter [tilespmem:s0], [sflag:$0x9], $0x1000, $0x38;
	[tilespmem:$0x1FF40] =	vst v63  }
0x11d: {  	_ =	swait.ge [sflag:s2], $0x1000  }
0x11e: {  	[sflag:s2] =	ssyncset.done $0x0  }
0x11f: {  	[sflag:s2] =	ssyncadd.s32 $0xFFFFF000  }
0x120: {  	[bflag:$0x0] =	sbarrier.arrive $0xFFFF  }
0x121: {  	s29 =	rddreg [dreg:$0xf]  }
0x122: {  	[tilespmem:s1], [sflag:$0x1] =	stream.linear.gather [hbm4b:s29+s1], $0x100, $0x38;
	[tilespmem:$0x1FF40] =	vst v63  }
0x123: {  	s26 =	rddreg [dreg:$0x1c]  }
0x124: {  	[tilespmem:s3], [sflag:$0x2] =	stream.linear.gather [hbm4b:s26+s1], $0x100, $0x38;
	[tilespmem:$0x1FF40] =	vst v63  }
0x125: {  	s28 =	rddreg [dreg:$0x1d]  }
0x126: {  	[tilespmem:s4], [sflag:$0x3] =	stream.linear.gather [hbm4b:s28+s1], $0x100, $0x38;
	[tilespmem:$0x1FF40] =	vst v63  }
0x127: {  	s25 =	simm.s32 $0xFFFFB080;
	s29 =	rddreg [dreg:$0x1e]  }
0x128: {  	[tilespmem:s5], [sflag:$0x4] =	stream.linear.gather [hbm4b:s29+s1], $0x100, $0x38;
	[tilespmem:$0x1FF40] =	vst v63  }
.LBB2_9:
0x129: {  	_ =	swait.ge [sflag:s6], $0x100  }
0x12a: {  	[sflag:s6] =	ssyncset.done $0x0  }
0x12b: {  	[sflag:s6] =	ssyncadd.s32 $0xFFFFFF00  }
0x12c: {  	v1 =	vld [tilespmem:$0x80]  }
0x12d: {  	v2 =	vld [tilespmem:$0x90];
	_ =	sdelay $0x3  }
0x12e: {  	v1 =	vsub.s32 v1, v0  }
0x12f: {  	v2 =	vsub.s32 v2, v0;
	v1 =	vmin.u32 v1, $0x1400  }
0x130: {  	[tilespmem:$0x400] =	vst v1;
	v1 =	vmin.u32 v2, $0x1400  }
0x131: {  	[tilespmem:$0x410] =	vst v1  }
0x132: {  	[tilespmem:s0], [sflag:$0x5] =	stream.indirect.gather [spmem:s12], $0x80, s1, s7, $0xb8;
	[tilespmem:$0x1FF40] =	vst v63  }
0x133: {  	_ =	swait.ge [sflag:s8], $0x100  }
0x134: {  	[sflag:s8] =	ssyncset.done $0x0  }
0x135: {  	[sflag:s8] =	ssyncadd.s32 $0xFFFFFF00  }
0x136: {  	v1 =	vld [tilespmem:$0x180]  }
0x137: {  	v2 =	vld [tilespmem:$0x190];
	_ =	sdelay $0x3  }
0x138: {  	v1 =	vsub.s32 v1, v0  }
0x139: {  	v2 =	vsub.s32 v2, v0;
	v1 =	vmin.u32 v1, $0x1400  }
0x13a: {  	[tilespmem:$0x480] =	vst v1;
	v1 =	vmin.u32 v2, $0x1400  }
0x13b: {  	[tilespmem:$0x490] =	vst v1  }
0x13c: {  	[tilespmem:s9], [sflag:$0x6] =	stream.indirect.gather [spmem:s12], $0x80, s3, s7, $0xb8;
	[tilespmem:$0x1FF40] =	vst v63  }
0x13d: {  	_ =	swait.ge [sflag:s10], $0x1000  }
0x13e: {  	[sflag:s10] =	ssyncset.done $0x0  }
0x13f: {  	[sflag:s10] =	ssyncadd.s32 $0xFFFFF000  }
0x140: {  	[spmem:s16] =	stream.indirect.scatter.add.f32 [tilespmem:s0], [sflag:$0x7], $0x80, s11, s7, $0xb8;
	[tilespmem:$0x1FF40] =	vst v63  }
0x141: {  	_ =	swait.ge [sflag:s20], $0x1000  }
0x142: {  	[sflag:s20] =	ssyncset.done $0x0  }
0x143: {  	[sflag:s20] =	ssyncadd.s32 $0xFFFFF000  }
0x144: {  	[spmem:s16] =	stream.indirect.scatter.add.f32 [tilespmem:s9], [sflag:$0x8], $0x80, s31, s7, $0xb8;
	[tilespmem:$0x1FF40] =	vst v63  }
0x145: {  	p1 =	seq.s32 s25, $0x0;
	_ =	swait.ge [sflag:s17], $0x1000  }
0x146: {  	s26 =	sadd.s32 @!p1 s25, s18;
	[sflag:s17] =	ssyncset.done $0x0  }
0x147: {  	s29 =	simm.s32 @!p1 $0x0;
	s28 =	sadd.s32 @!p1 $0x5000, s26;
	[sflag:s17] =	ssyncadd.s32 $0xFFFFF000  }
0x148: {  	[tilespmem:s29], [sflag:$0x1] =	stream.linear.gather @!p1 [hbm4b:s28+s29], $0x100, $0x38;
	[tilespmem:$0x1FF40] =	vst v63  }
0x149: {  	_ =	swait.ge [sflag:s13], $0x100  }
0x14a: {  	[sflag:s13] =	ssyncset.done $0x0  }
0x14b: {  	[sflag:s13] =	ssyncadd.s32 $0xFFFFFF00  }
0x14c: {  	v1 =	vld [tilespmem:$0x280]  }
0x14d: {  	v2 =	vld [tilespmem:$0x290];
	_ =	sdelay $0x3  }
0x14e: {  	v1 =	vsub.s32 v1, v0  }
0x14f: {  	v2 =	vsub.s32 v2, v0;
	v1 =	vmin.u32 v1, $0x1400  }
0x150: {  	[tilespmem:$0x500] =	vst v1;
	v1 =	vmin.u32 v2, $0x1400  }
0x151: {  	[tilespmem:$0x510] =	vst v1  }
0x152: {  	[tilespmem:s0], [sflag:$0x5] =	stream.indirect.gather [spmem:s12], $0x80, s4, s7, $0xb8;
	[tilespmem:$0x1FF40] =	vst v63  }
0x153: {  	_ =	swait.ge [sflag:s19], $0x1000  }
0x154: {  	[sflag:s19] =	ssyncset.done $0x0  }
0x155: {  	s26 =	sadd.s32 @!p1 $0x5020, s26;
	s28 =	simm.s32 @!p1 $0x100;
	[sflag:s19] =	ssyncadd.s32 $0xFFFFF000  }
0x156: {  	[tilespmem:s28], [sflag:$0x2] =	stream.linear.gather @!p1 [hbm4b:s26+s29], $0x100, $0x38;
	[tilespmem:$0x1FF40] =	vst v63  }
0x157: {  	_ =	swait.ge [sflag:s21], $0x100  }
0x158: {  	[sflag:s21] =	ssyncset.done $0x0  }
0x159: {  	[sflag:s21] =	ssyncadd.s32 $0xFFFFFF00  }
0x15a: {  	v1 =	vld [tilespmem:$0x380]  }
0x15b: {  	v2 =	vld [tilespmem:$0x390];
	_ =	sdelay $0x3  }
0x15c: {  	v1 =	vsub.s32 v1, v0  }
0x15d: {  	v2 =	vsub.s32 v2, v0;
	v1 =	vmin.u32 v1, $0x1400  }
0x15e: {  	[tilespmem:$0x580] =	vst v1;
	v1 =	vmin.u32 v2, $0x1400  }
0x15f: {  	[tilespmem:$0x590] =	vst v1  }
0x160: {  	[tilespmem:s9], [sflag:$0x6] =	stream.indirect.gather [spmem:s12], $0x80, s5, s7, $0xb8;
	[tilespmem:$0x1FF40] =	vst v63  }
0x161: {  	_ =	swait.ge [sflag:s10], $0x1000  }
0x162: {  	[sflag:s10] =	ssyncset.done $0x0  }
0x163: {  	[sflag:s10] =	ssyncadd.s32 $0xFFFFF000  }
0x164: {  	[spmem:s16] =	stream.indirect.scatter.add.f32 [tilespmem:s0], [sflag:$0x7], $0x80, s22, s7, $0xb8;
	[tilespmem:$0x1FF40] =	vst v63  }
0x165: {  	_ =	swait.ge [sflag:s20], $0x1000  }
0x166: {  	[sflag:s20] =	ssyncset.done $0x0  }
.Ltmp6:
0x167: {  	[sflag:s20] =	ssyncadd.s32 $0xFFFFF000;
	(pc) =	sbr.rel @p1 .LBB2_11-.Ltmp6, $4  }
0x168: {  	[spmem:s16] =	stream.indirect.scatter.add.f32 [tilespmem:s9], [sflag:$0x8], $0x80, s23, s7, $0xb8;
	[tilespmem:$0x1FF40] =	vst v63  }
0x169: {  	_ =	swait.ge [sflag:s17], $0x1000  }
0x16a: {  	[sflag:s17] =	ssyncset.done $0x0  }
0x16b: {  	[sflag:s17] =	ssyncadd.s32 $0xFFFFF000  }
0x16c: {  	s26 =	sadd.s32 s25, s18  }
0x16d: {  	s28 =	sadd.s32 $0x5040, s26  }
0x16e: {  	[tilespmem:s4], [sflag:$0x3] =	stream.linear.gather [hbm4b:s28+s1], $0x100, $0x38;
	[tilespmem:$0x1FF40] =	vst v63  }
.Ltmp7:
0x16f: {  	_ = 	snop;
	(pc) =	sbr.rel .LBB2_9-.Ltmp7, $4  }
0x170: {  	_ =	swait.ge [sflag:s19], $0x1000  }
0x171: {  	[sflag:s19] =	ssyncset.done $0x0  }
0x172: {  	s25 =	sadd.s32 $0x80, s25;
	s26 =	sadd.s32 $0x5060, s26;
	[sflag:s19] =	ssyncadd.s32 $0xFFFFF000  }
0x173: {  	[tilespmem:s5], [sflag:$0x4] =	stream.linear.gather [hbm4b:s26+s1], $0x100, $0x38;
	[tilespmem:$0x1FF40] =	vst v63  }
.LBB2_12:
0x174: {  	_ =	sfence.sel $0x180000  }
0x175: {  	[bflag:$0x0] =	sbarrier.arrive $0xFFFF  }
0x176: {  	_ =	strace $0x90000050  }
0x177: {  	s0 =	stileid.u32;
	[bflag:$0x2] =	sbarrier.arrive $0xFFFF  }
0x178: {  	p0 =	sne.s32 s0, $0x0;
	s0 =	rddreg [dreg:$0x3]  }
0x179: {  	s0 =	sadd.s32 @!p0 $0x100000, s0  }
0x17a: {  	[sflag:s0] =	ssyncadd.tile.s32 @!p0 $0x1;
	_ =	shalt  }
.Lfunc_end2:
_tile_overlayer_lowered:
.L_overlay_start_2:
0x17b: {  	(tag) =	ssettag $0x2  }
0x17c: {  	s0 =	rddreg [dreg:$0x0];
	s2 =	stileid.u32  }
0x17d: {  	s1 =	rddreg [dreg:$0x1];
	p0 =	sne.s32 s2, $0x0  }
0x17e: {  	s3 =	rddreg [dreg:$0x2];
	[bflag:$0x3] =	sbarrier.arrive $0xFFFF;
	s2 =	simm.s32 @!p0 $0x1C09  }
0x17f: {  	[timem:s3], [sflag:s2] =	dma.local @!p0 [hbm:s0], s1  }
0x180: {  	s0 =	simm.s32 @!p0 $0x9  }
0x181: {  	_ =	swait.ge @!p0 [sflag:s0], s1  }
0x182: {  	s1 =	ssub.s32 @!p0 $0x0, s1;
	[sflag:s0] =	ssyncset.done @!p0 $0x0  }
0x183: {  	[sflag:s0] =	ssyncadd.s32 @!p0 s1  }
0x184: {  	[bflag:$0x3] =	sbarrier.arrive $0xFFFF  }
0x185: {  	_ =	shalt  }

// kernel: kernel.9.cloned.1.call-start
scs
__scs_entry_jumppad:
0x0: {  	(pc) =	sbr.rel $0x88, $3  }
0x1: {  	(tag) =	ssettag $0x0;
	lr =	simm.s32 $0x1  }
0x2: {  	[smem:$0x3F99] =	sst lr;
	_ =	strace $0xD0000000  }
0x3: {  	_ = 	snop  }
0x4: {  	_ = 	snop  }
0x5: {  	_ = 	snop  }
0x6: {  	_ = 	snop  }
0x7: {  	_ = 	snop  }
__scs_overlays_trampoline_lowered:
0x8: {  	[smem:$0x3FA8] =	sst s0  }
0x9: {  	[smem:$0x3FA9] =	sst s1  }
0xa: {  	[smem:$0x3FAA] =	sst s2  }
0xb: {  	[smem:$0x3FAB] =	sst s3  }
0xc: {  	[smem:$0x3FAC] =	sst s4  }
0xd: {  	[smem:$0x3FAD] =	sst s5  }
0xe: {  	[smem:$0x3FAE] =	sst s6  }
0xf: {  	[smem:$0x3FAF] =	sst s7  }
0x10: {  	[smem:$0x3FB0] =	sst s8  }
0x11: {  	[smem:$0x3FB1] =	sst s9;
	s0 =	simm.s32 @!p0 $0x0  }
0x12: {  	s1 =	sld [smem:$0x3F97];
	s0 =	simm.s32 @p0 $0x1  }
0x13: {  	[smem:$0x3FB2] =	sst s0;
	s0 =	simm.s32 @!p1 $0x0  }
0x14: {  	s2 =	sld [smem:$0x3F96];
	s0 =	simm.s32 @p1 $0x1  }
0x15: {  	[smem:$0x3FB3] =	sst s0;
	s0 =	simm.s32 @!p2 $0x0  }
0x16: {  	s3 =	sld [smem:$0x3FDB];
	s0 =	simm.s32 @p2 $0x1  }
0x17: {  	s4 =	simm.s32 $0x1BF5;
	[smem:$0x3FB5] =	sst s0  }
0x18: {  	s0 =	sld [smem:$0x3F98];
	_ =	swait.ge [sflag:s4], $0x0  }
0x19: {  	s7 =	sld [smem:$0x3F99]  }
0x1a: {  	s8 =	sadd.s32 $0xFFFFE003, lr  }
0x1b: {  	s9 =	sadd.s32 $0xFFFFFEF7, lr;
	s5 =	simm.s32 $0xFFFFFFFF;
	p2 =	slt.u32 s8, $0xFFFFF086  }
0x1c: {  	p1 =	slt.u32 s9, $0xF7A;
	s5 =	simm.s32 @!p2 $0x0  }
0x1d: {  	s5 =	simm.s32 @p1 $0x1;
	p0 =	seq.s32 s7, s2  }
0x1e: {  	s7 =	smul.u32 @!p0 $0xF7A, s2;
	p2 =	seq.s32 @!p0 s5, $0x0  }
0x1f: {  	s9 =	smul.u32 $0xF7A, s1;
	s8 =	simm.s32 @!p0 $0x1BF5;
	p2 =	por !p2, p0  }
0x20: {  	[sflag:s8] =	ssyncset.s32 @!p0 $0xFFFFF086;
	s6 =	sadd.s32 @!p0 s3, s7;
	s7 =	simm.s32 @!p0 $0x108  }
0x21: {  	s3 =	sadd.s32 s3, s9;
	s6 =	sadd.s32 @!p0 $0x88, s6;
	s7 =	simm.s32 @p2 $0x1082  }
0x22: {  	[simem:s7], [sflag:s8] =	dma.local @!p0 [hbm:s6], $0xF7A  }
0x23: {  	s9 =	sor.u32 $0xD0000000, s2;
	s6 =	simm.s32 $0x108;
	_ =	swait.ge @!p0 [sflag:s8], $0x0  }
0x24: {  	s3 =	sadd.s32 $0x88, s3;
	s6 =	simm.s32 @!p1 $0x1082;
	[sflag:s4] =	ssyncset.s32 $0xFFFFF086  }
0x25: {  	[simem:s6], [sflag:s4] =	dma.local [hbm:s3], $0xF7A  }
0x26: {  	[smem:$0x3F99] =	sst s1;
	(tag) =	ssettag s2;
	_ =	strace s9  }
0x27: {  	s1 =	sld [smem:$0x3FA9]  }
0x28: {  	s2 =	sld [smem:$0x3FAA]  }
0x29: {  	s4 =	sld [smem:$0x3FAC]  }
0x2a: {  	p0 =	seq.s32 s5, $0x0;
	s5 =	sld [smem:$0x3FAD]  }
0x2b: {  	s6 =	sld [smem:$0x3FAE]  }
0x2c: {  	s7 =	sld [smem:$0x3FAF]  }
0x2d: {  	s3 =	simm.s32 $0x108;
	s8 =	sld [smem:$0x3FB0]  }
0x2e: {  	s3 =	simm.s32 @!p0 $0x1082;
	s9 =	sld [smem:$0x3FB1]  }
0x2f: {  	lr =	sadd.s32 s0, s3;
	s0 =	sld [smem:$0x3FA8]  }
0x30: {  	s3 =	sld [smem:$0x3FAB]  }
0x31: {  	[smem:$0x3FB4] =	sst s10  }
0x32: {  	s10 =	sld [smem:$0x3FB2];
	_ =	sdelay $0x3  }
0x33: {  	p0 =	seq.s32 s10, $0x1;
	s10 =	sld [smem:$0x3FB4];
	_ =	sdelay $0x3  }
0x34: {  	[smem:$0x3FB4] =	sst s10  }
0x35: {  	s10 =	sld [smem:$0x3FB3];
	_ =	sdelay $0x3  }
0x36: {  	p1 =	seq.s32 s10, $0x1;
	s10 =	sld [smem:$0x3FB4];
	_ =	sdelay $0x3  }
0x37: {  	[smem:$0x3FB4] =	sst s10  }
0x38: {  	s10 =	sld [smem:$0x3FB5]  }
0x39: {  	_ = 	snop;
	(pc) =	sbr.ind lr, $3  }
0x3a: {  	_ = 	snop  }
0x3b: {  	_ = 	snop  }
0x3c: {  	p2 =	seq.s32 s10, $0x1;
	s10 =	sld [smem:$0x3FB4]  }
0x3d: {  	_ =	shalt  }
0x3e: {  	_ =	shalt  }
0x3f: {  	_ =	shalt  }
0x40: {  	_ =	shalt  }
0x41: {  	_ =	shalt  }
0x42: {  	_ =	shalt  }
0x43: {  	_ =	shalt  }
0x44: {  	_ =	shalt  }
0x45: {  	_ =	shalt  }
0x46: {  	_ =	shalt  }
0x47: {  	_ =	shalt  }
0x48: {  	_ =	shalt  }
0x49: {  	_ =	shalt  }
0x4a: {  	_ =	shalt  }
0x4b: {  	_ =	shalt  }
0x4c: {  	_ =	shalt  }
0x4d: {  	_ =	shalt  }
0x4e: {  	_ =	shalt  }
0x4f: {  	_ =	shalt  }
0x50: {  	_ =	shalt  }
0x51: {  	_ =	shalt  }
0x52: {  	_ =	shalt  }
0x53: {  	_ =	shalt  }
0x54: {  	_ =	shalt  }
0x55: {  	_ =	shalt  }
0x56: {  	_ =	shalt  }
0x57: {  	_ =	shalt  }
0x58: {  	_ =	shalt  }
0x59: {  	_ =	shalt  }
0x5a: {  	_ =	shalt  }
0x5b: {  	_ =	shalt  }
0x5c: {  	_ =	shalt  }
0x5d: {  	_ =	shalt  }
0x5e: {  	_ =	shalt  }
0x5f: {  	_ =	shalt  }
0x60: {  	_ =	shalt  }
0x61: {  	_ =	shalt  }
0x62: {  	_ =	shalt  }
0x63: {  	_ =	shalt  }
0x64: {  	_ =	shalt  }
0x65: {  	_ =	shalt  }
0x66: {  	_ =	shalt  }
0x67: {  	_ =	shalt  }
0x68: {  	_ =	shalt  }
0x69: {  	_ =	shalt  }
0x6a: {  	_ =	shalt  }
0x6b: {  	_ =	shalt  }
0x6c: {  	_ =	shalt  }
0x6d: {  	_ =	shalt  }
0x6e: {  	_ =	shalt  }
0x6f: {  	_ =	shalt  }
0x70: {  	_ =	shalt  }
0x71: {  	_ =	shalt  }
0x72: {  	_ =	shalt  }
0x73: {  	_ =	shalt  }
0x74: {  	_ =	shalt  }
0x75: {  	_ =	shalt  }
0x76: {  	_ =	shalt  }
0x77: {  	_ =	shalt  }
0x78: {  	_ =	shalt  }
0x79: {  	_ =	shalt  }
0x7a: {  	_ =	shalt  }
0x7b: {  	_ =	shalt  }
0x7c: {  	_ =	shalt  }
0x7d: {  	_ =	shalt  }
0x7e: {  	_ =	shalt  }
0x7f: {  	_ =	shalt  }
0x80: {  	_ =	shalt  }
0x81: {  	_ =	shalt  }
0x82: {  	_ =	shalt  }
0x83: {  	_ =	shalt  }
0x84: {  	_ =	shalt  }
0x85: {  	_ =	shalt  }
0x86: {  	_ =	shalt  }
0x87: {  	_ =	shalt  }
.Lfunc_end0:
.L_simem_size_0:
called_computation_lowered:
.L_overlay_start_0:
0x88: {  	s2 =	sld [smem:$0x3FD9]  }
0x89: {  	s3 =	sld [smem:$0x3FFE];
	_ =	sdelay $0x1  }
0x8a: {  	s1 =	srdreg.scid  }
0x8b: {  	s0 =	sand.u32 $0x1, s1  }
0x8c: {  	s16 =	sshll.u32 s0, $0xA;
	s2 =	sadd.s32 s3, s2  }
0x8d: {  	s2 =	sadd.s32 s2, s16  }
0x8e: {  	[smem:$0x3FC0] =	sst s2  }
0x8f: {  	_ = 	snop  }
0x90: {  	(tm) =	ssettm $0x1  }
0x91: {  	s17 =	sld [smem:$0x3FFB];
	_ =	sdelay $0x3  }
0x92: {  	_ =	strace s17  }
0x93: {  	s2 =	sld [smem:$0x3FFC];
	_ =	sdelay $0x3  }
0x94: {  	_ =	strace s2  }
0x95: {  	s2 =	sld [smem:$0x3FFD];
	_ =	sdelay $0x3  }
0x96: {  	_ =	strace s2  }
0x97: {  	_ =	strace $0x8FFFFFFF  }
0x98: {  	s18 =	sld [smem:$0x3FDB];
	_ =	sdelay $0x1  }
0x99: {  	s19 =	simm.s32 $_scs_section_size  }
0x9a: {  	s4 =	simm.s32 $_size__tile_overlayer_lowered;
	s5 =	simm.s32 $_tile_overlayer_lowered  }
0x9b: {  	s22 =	simm.s32 $0x1BFF;
	s21 =	sshll.u32 s5, $0x1;
	s2 =	sadd.s32 s19, s18  }
0x9c: {  	s6 =	simm.s32 $0x0;
	s20 =	sshll.u32 s4, $0x1;
	s4 =	sadd.s32 s21, s2  }
0x9d: {  	[timem:s6], [sflag:s22] =	dma.local [hbm:s4], s20  }
0x9e: {  	_ =	swait.ge [sflag:s22], s20  }
0x9f: {  	s3 =	ssub.s32 $0x0, s20;
	[sflag:s22] =	ssyncset.done $0x0  }
0xa0: {  	[sflag:s22] =	ssyncadd.s32 s3;
	_ =	sdelay $0x1  }
0xa1: {  	s23 =	simm.s32 $0x1B8B  }
0xa2: {  	_ =	swait.ge [sflag:s23], $0x1  }
0xa3: {  	[sflag:s23] =	ssyncset.done $0x0  }
0xa4: {  	s25 =	simm.s32 $0x1B8E;
	s24 =	sld [smem:$0x3FFE];
	[sflag:s23] =	ssyncadd.s32 $0xFFFFFFFF  }
0xa5: {  	s26 =	simm.s32 $execute0_lowered;
	[smem:$0x3FD2] =	sst s25  }
0xa6: {  	s4 =	sshll.u32 s26, $0x1;
	_ =	strace $0x80000046;
	[dreg:$0x1] =	wrdreg $0xFFFFFFFF  }
0xa7: {  	s28 =	simm.s32 $_size_execute0_lowered;
	s2 =	sadd.s32 s2, s4;
	[dreg:$0x0] =	wrdreg $0x0  }
0xa8: {  	s4 =	sshll.u32 s28, $0x1;
	[dreg:$0x2] =	wrdreg s2  }
0xa9: {  	[dreg:$0x3] =	wrdreg s4  }
0xaa: {  	[dreg:$0x4] =	wrdreg $0xC0  }
0xab: {  	_ =	task [dreg:s6], $0x5FFFF  }
0xac: {  	[dreg:$0x1] =	wrdreg $0xFFFFFFFF  }
0xad: {  	[dreg:$0x0] =	wrdreg $0x60  }
0xae: {  	[dreg:$0x2] =	wrdreg s24  }
0xaf: {  	[dreg:$0x3] =	wrdreg $0x9  }
0xb0: {  	_ =	task.clear_ibuf [dreg:s6], $0x4FFFF;
	_ =	strace $0x90000046  }
0xb1: {  	s29 =	simm.s32 $0x9;
	_ =	strace $0x80000048  }
0xb2: {  	_ =	swait.ge [sflag:s29], $0x1  }
0xb3: {  	[sflag:s29] =	ssyncadd.s32 $0xFFFFFFFF  }
0xb4: {  	_ =	strace $0x90000048  }
0xb5: {  	_ =	sfence  }
0xb6: {  	s30 =	sld [smem:$0x0];
	_ =	sdelay $0x2  }
0xb7: {  	s31 =	sshll.u32 s1, $0xD;
	s1 =	sshrl.u32 s1, $0x2  }
0xb8: {  	s3 =	sand.u32 $0x4000, s31;
	s1 =	sadd.s32 s1, s30  }
0xb9: {  	s0 =	sor.u32 s3, s0;
	s1 =	sshll.u32 s1, $0x11  }
0xba: {  	s0 =	sor.u32 s1, s0  }
0xbb: {  	s0 =	sadd.s32 $0x8F2B, s0  }
0xbc: {  	[sflag:s0] =	ssyncadd.remote.s32 $0x1  }
0xbd: {  	_ =	sfence.sel $0xFFFF  }
0xbe: {  	[dreg:$0x0] =	wrdreg $0xFFFFFFFF;
	(pc) =	sbr.abs _section_cstart, $3  }
0xbf: {  	[dreg:$0x1] =	wrdreg $0xFFFFFFFF  }
0xc0: {  	_ =	task.clear_ibuf [dreg:s6], $0x2FFFF;
	_ =	strace $0x9FFFFFFF  }
0xc1: {  	(tm) =	ssettm $0x7FFFFFFF  }
tec
execute0_lowered:
.L_overlay_start_1:
0x0: {  	(tag) =	ssettag $0x1  }
0x1: {  	s1 =	srdreg.scid  }
0x2: {  	s0 =	stileid.u32;
	s5 =	rddreg [dreg:$0x0]  }
0x3: {  	s8 =	simm.s32 $0x80;
	s9 =	simm.s32 $0x400;
	s10 =	simm.s32 $0x1  }
0x4: {  	s3 =	sand.u32 $0x1, s1;
	s29 =	sshrl.u32 s0, $0x2;
	s2 =	sshll.u32 s0, $0x8  }
0x5: {  	s4 =	smul.u32 $0x14000, s29;
	s30 =	sshll.u32 s3, $0x7;
	s2 =	sand.u32 $0x300, s2  }
0x6: {  	s11 =	simm.s32 $0x2800;
	s12 =	simm.s32 $0x5000;
	s2 =	sor.u32 s30, s2  }
0x7: {  	s1 =	rddreg [dreg:$0x1];
	s3 =	ssub.s32 $0x2, s3;
	s4 =	sor.u32 s4, s2  }
0x8: {  	s31 =	sshrl.u32 s3, $0x1;
	s2 =	simm.s32 $0x0;
	s4 =	sshrl.u32 s4, $0x3  }
0x9: {  	s7 =	ssub.s32 s3, s31;
	[smem:$0x7FF] =	sst s2;
	s6 =	sadd.s32 s4, s5  }
0xa: {  	s7 =	smax.u32 s7, $0x1;
	_ =	strace $0x80000047;
	s3 =	sadd.s32 $0x3600, s6  }
0xb: {  	v0 =	vimm.f32 $0.0e+00;
	v1 =	vimm.f32 $1.000000000e+00;
	s4 =	sadd.s32 $0xD600, s6;
	s5 =	sadd.s32 $0x17600, s6;
	s6 =	sadd.s32 $0x21600, s6  }
.LBB2_1:
0xc: {  	s13 =	simm.s32 $0x40;
	s14 =	simm.s32 $0x0  }
.LBB2_2:
0xd: {  	p0 =	sne.s32 s13, $0x9FC0;
	[tilespmem:s14+$0x2800] =	vst v0;
	s15 =	smov.u32 s13;
	s13 =	sadd.s32 $0x40, s13  }
.Ltmp0:
0xe: {  	[tilespmem:s14+$0x5000] =	vst v0;
	(pc) =	sbr.rel @p0 .LBB2_2-.Ltmp0, $2  }
0xf: {  	_ =	sdelay $0x2  }
0x10: {  	s14 =	sshra.s32 s15, $0x2  }
0x11: {  	[tilespmem:s14+$0x2800] =	vst v0  }
0x12: {  	[tilespmem:s14+$0x5000] =	vst v0;
	s13 =	simm.s32 $0x0  }
0x13: {  	[tilespmem:s13], [sflag:$0x1] =	stream.strided.gather [hbm4b:s3+s8], $0x2800, s9, s8, $0x38;
	[tilespmem:$0x7800] =	vst v63  }
0x14: {  	_ =	swait.ge [sflag:s10], $0x2800  }
0x15: {  	[sflag:s10] =	ssyncset.done $0x0  }
0x16: {  	s14 =	simm.s32 $0x0;
	s13 =	simm.s32 $0x40;
	[sflag:s10] =	ssyncadd.s32 $0xFFFFD800  }
.LBB2_4:
0x17: {  	p0 =	sne.s32 s13, $0x9FC0;
	v2 =	vld [tilespmem:s14+$0x0];
	_ =	sdelay $0x3  }
.Ltmp1:
0x18: {  	(pc) =	sbr.rel @p0 .LBB2_4-.Ltmp1, $2  }
0x19: {  	_ =	sdelay $0x2  }
0x1a: {  	s14 =	sshra.s32 s13, $0x2;
	s13 =	sadd.s32 $0x40, s13;
	[tilespmem:v2+s11+$0x0] =	vst.idx.add.f32.msk $0xffff, v1  }
0x1b: {  	v2 =	vld [tilespmem:s14+$0x0];
	_ =	sdelay $0x7  }
0x1c: {  	s13 =	simm.s32 $0x0;
	[tilespmem:v2+s11+$0x0] =	vst.idx.add.f32.msk $0xffff, v1  }
0x1d: {  	[tilespmem:s13], [sflag:$0x1] =	stream.strided.gather [hbm4b:s4+s8], $0x2800, s9, s8, $0x38;
	[tilespmem:$0x7800] =	vst v63  }
0x1e: {  	_ =	swait.ge [sflag:s10], $0x2800  }
0x1f: {  	[sflag:s10] =	ssyncset.done $0x0  }
0x20: {  	s14 =	simm.s32 $0x0;
	s13 =	simm.s32 $0x40;
	[sflag:s10] =	ssyncadd.s32 $0xFFFFD800  }
.LBB2_6:
0x21: {  	p0 =	sne.s32 s13, $0x9FC0;
	v2 =	vld [tilespmem:s14+$0x0];
	_ =	sdelay $0x3  }
.Ltmp2:
0x22: {  	(pc) =	sbr.rel @p0 .LBB2_6-.Ltmp2, $2  }
0x23: {  	_ =	sdelay $0x2  }
0x24: {  	s14 =	sshra.s32 s13, $0x2;
	s13 =	sadd.s32 $0x40, s13;
	[tilespmem:v2+s12+$0x0] =	vst.idx.add.f32.msk $0xffff, v1  }
0x25: {  	v2 =	vld [tilespmem:s14+$0x0];
	_ =	sdelay $0x7  }
0x26: {  	[tilespmem:v2+s12+$0x0] =	vst.idx.add.f32.msk $0xffff, v1  }
0x27: {  	[hbm4b:s5+s8] =	stream.strided.scatter [tilespmem:s11], [sflag:$0x1], $0x2800, s9, s8, $0x38;
	[tilespmem:$0x7800] =	vst v63  }
0x28: {  	s2 =	sadd.s32 $0x1, s2;
	_ =	swait.ge [sflag:s10], $0x2800  }
0x29: {  	p0 =	sne.s32 s2, s7;
	[sflag:s10] =	ssyncset.done $0x0  }
.Ltmp3:
0x2a: {  	[sflag:s10] =	ssyncadd.s32 $0xFFFFD800;
	(pc) =	sbr.rel @p0 .LBB2_1-.Ltmp3, $4  }
0x2b: {  	[hbm4b:s6+s8] =	stream.strided.scatter [tilespmem:s12], [sflag:$0x1], $0x2800, s9, s8, $0x38;
	[tilespmem:$0x7800] =	vst v63  }
0x2c: {  	_ =	swait.ge [sflag:s10], $0x2800  }
0x2d: {  	[sflag:s10] =	ssyncset.done $0x0  }
0x2e: {  	[sflag:s10] =	ssyncadd.s32 $0xFFFFD800  }
0x2f: {  	_ =	sfence.sel $0x180000  }
0x30: {  	[bflag:$0x0] =	sbarrier.arrive $0xFFFF  }
0x31: {  	p0 =	sne.s32 s0, $0x0;
	_ =	strace $0x90000047  }
0x32: {  	s0 =	sadd.s32 @!p0 $0x100000, s1;
	[bflag:$0x2] =	sbarrier.arrive $0xFFFF  }
0x33: {  	[sflag:s0] =	ssyncadd.tile.s32 @!p0 $0x1;
	_ =	shalt  }
.Lfunc_end2:
_tile_overlayer_lowered:
.L_overlay_start_2:
0x34: {  	(tag) =	ssettag $0x2  }
0x35: {  	s0 =	rddreg [dreg:$0x0];
	s2 =	stileid.u32  }
0x36: {  	s1 =	rddreg [dreg:$0x1];
	p0 =	sne.s32 s2, $0x0  }
0x37: {  	s3 =	rddreg [dreg:$0x2];
	[bflag:$0x3] =	sbarrier.arrive $0xFFFF;
	s2 =	simm.s32 @!p0 $0x1C01  }
0x38: {  	[timem:s3], [sflag:s2] =	dma.local @!p0 [hbm:s0], s1  }
0x39: {  	s0 =	simm.s32 @!p0 $0x1  }
0x3a: {  	_ =	swait.ge @!p0 [sflag:s0], s1  }
0x3b: {  	s1 =	ssub.s32 @!p0 $0x0, s1;
	[sflag:s0] =	ssyncset.done @!p0 $0x0  }
0x3c: {  	[sflag:s0] =	ssyncadd.s32 @!p0 s1  }
0x3d: {  	[bflag:$0x3] =	sbarrier.arrive $0xFFFF  }
0x3e: {  	_ =	shalt  }

</sc_bundles>
